<compile_context>
chip_gen: v7x
topology: tpu7x:2x2x1
jax: 0.10.2.dev20260603
libtpu: 0.0.44.dev20260713+nightly
codegen_flags: <defaults>
</compile_context>

<pallas_src>
import functools

import jax
import jax.numpy as jnp
from jax import lax
from jax.experimental import pallas as pl
from jax.experimental.pallas import tpu as pltpu
from jax.experimental.pallas import tpu_sc as plsc

D = 768
B, S = 4, 8192
NTOK = B * S
NC, NS, L = 2, 16, 16
NW = NC * NS
TOK_PER = NTOK // NW
CHUNK = 8
NCHUNK = TOK_PER // CHUNK
NGRP = D // (2 * L)
DW = D // 2
NROWS_HD = 56
NROWS_SRC = 24
NROWS = NROWS_HD + 7 * 12
OFF_D, OFF_WM = 24, NROWS_HD
MASK_HI = -65536


def _make_sc_kernel():
    mesh = plsc.VectorSubcoreMesh(core_axis_name="c", subcore_axis_name="s")

    @functools.partial(
        pl.kernel,
        mesh=mesh,
        out_type=jax.ShapeDtypeStruct((NTOK, D), jnp.float32),
        scratch_types=[
            pltpu.VMEM((4, TOK_PER), jnp.int32),
            pltpu.VMEM((NROWS, DW), jnp.int32),
            pltpu.VMEM((NROWS_SRC, DW), jnp.int32),
            pltpu.VMEM((2, CHUNK, D), jnp.float32),
            pltpu.SemaphoreType.DMA,
            pltpu.SemaphoreType.DMA,
        ],
    )
    def body(
        xt_hbm, hd_hbm, src_hbm, out_hbm, idx_v, tab_v, src_v, stage, sem0, sem1
    ):
        wid = lax.axis_index("s") * NC + lax.axis_index("c")
        base = wid * TOK_PER
        pltpu.sync_copy(hd_hbm, tab_v.at[pl.ds(0, NROWS_HD)])
        pltpu.sync_copy(src_hbm, src_v)
        for c in range(4):
            pltpu.sync_copy(xt_hbm.at[c, pl.ds(base, TOK_PER)], idx_v.at[c])

        sems = (sem0, sem1)

        def bc_f32(v):
            return lax.bitcast_convert_type(v, jnp.float32)

        def bc_i32(v):
            return lax.bitcast_convert_type(v, jnp.int32)

        def build_w(w_i, carry):
            def build_m(m_i, carry2):
                row = OFF_WM + w_i * 12 + m_i

                @plsc.parallel_loop(0, NGRP, unroll=4)
                def build_grp(g):
                    col = pl.ds(g * L, L)
                    a = src_v[w_i, col]
                    bm = src_v[7 + m_i, col]
                    lo = bc_f32(a << 16) + bc_f32(bm << 16)
                    hi = bc_f32(a & MASK_HI) + bc_f32(bm & MASK_HI)
                    tab_v[row, col] = (
                        lax.shift_right_logical(bc_i32(lo), 16)
                        | (bc_i32(hi) & MASK_HI)
                    )

                return carry2

            lax.fori_loop(0, 12, build_m, 0)
            return carry

        lax.fori_loop(0, 7, build_w, 0)

        def compute_chunk(pi, b):
            tok = pl.ds(pi * 2 * CHUNK, L)
            rwm = idx_v[2, tok] * 12 + idx_v[0, tok] + (OFF_WM - 1)
            rd = idx_v[1, tok] + (OFF_D - 1)
            rh = idx_v[3, tok]

            for tl0 in range(CHUNK):
                tl = b * CHUNK + tl0

                @plsc.parallel_loop(0, NGRP, unroll=4)
                def dim_body(g, tl=tl, tl0=tl0):
                    col = pl.ds(g * L, L)

                    def row(r):
                        w = tab_v[r, col]
                        return bc_f32(w << 16), bc_f32(w)

                    h_lo, h_hi = row(rh[tl])
                    d_lo, d_hi = row(rd[tl])
                    wm_lo, wm_hi = row(rwm[tl])
                    stage[b, tl0, pl.ds(g * 2 * L, L)] = (h_lo + d_lo) + wm_lo
                    stage[b, tl0, pl.ds(g * 2 * L + L, L)] = (
                        h_hi + d_hi
                    ) + wm_hi

        def pair_body(pi, carry):
            for b in range(2):
                ci = pi * 2 + b

                @pl.when(pi > 0)
                def _(b=b):
                    pltpu.make_async_copy(
                        stage.at[b], out_hbm.at[pl.ds(base, CHUNK)], sems[b]
                    ).wait()

                compute_chunk(pi, b)
                pltpu.make_async_copy(
                    stage.at[b],
                    out_hbm.at[pl.ds(base + ci * CHUNK, CHUNK)],
                    sems[b],
                ).start()
            return carry

        lax.fori_loop(0, NCHUNK // 2, pair_body, 0)
        for b in range(2):
            pltpu.make_async_copy(
                stage.at[b], out_hbm.at[pl.ds(base, CHUNK)], sems[b]
            ).wait()

    return body


_sc_lookup = _make_sc_kernel()


def _interleave_cols(t):
    r = t.shape[0]
    return t.reshape(r, NGRP, 2, L).transpose(0, 1, 3, 2).reshape(r, D)


def _pack(t, nrows):
    pad = nrows - t.shape[0]
    t = jnp.concatenate([t, jnp.zeros((pad, D), t.dtype)], axis=0)
    t = _interleave_cols(t).astype(jnp.bfloat16)
    return jax.lax.bitcast_convert_type(t.reshape(nrows, DW, 2), jnp.int32)


def kernel(x, hour_w, weekday_w, day_w, month_w):
    xt = x.astype(jnp.int32).reshape(NTOK, 4).T
    hd = _pack(jnp.concatenate([hour_w, day_w], axis=0), NROWS_HD)
    src = _pack(jnp.concatenate([weekday_w, month_w], axis=0), NROWS_SRC)
    out = _sc_lookup(xt, hd, src)
    return out.reshape(B, S, D)

# --- scband reference (transcript-rebuilt; emitter-appended) ---
"""Pipeline reference for scband-optimized-temporal-embedding-62603443306596 (READ-ONLY COPY).

The authoritative reference and input builder live on the scoring server;
editing this copy changes nothing except your own understanding.
"""

import jax, jax.numpy as jnp
import numpy as np

D_MODEL = 768
B, S = 4, 8192

def setup_inputs(seed: int = 0) -> dict:
    key = jax.random.key(seed)
    k1, k2, k3, k4 = jax.random.split(key, 4)
    # fill=ones per input_specs: value 1 is valid for all four calendar channels
    # (month=1 -> idx 0, day=1 -> idx 0, weekday=1, hour=1)
    x = jnp.ones((B, S, 4), dtype=jnp.int64)
    hour_w = jax.random.normal(k1, (24, D_MODEL), dtype=jnp.float32)
    weekday_w = jax.random.normal(k2, (7, D_MODEL), dtype=jnp.float32)
    day_w = jax.random.normal(k3, (31, D_MODEL), dtype=jnp.float32)
    month_w = jax.random.normal(k4, (12, D_MODEL), dtype=jnp.float32)
    return {"x": x, "hour_w": hour_w, "weekday_w": weekday_w, "day_w": day_w, "month_w": month_w}

def reference(x, hour_w, weekday_w, day_w, month_w):
    x = x.astype(jnp.int32)
    hour_x = jnp.take(hour_w, x[:, :, 3], axis=0)
    weekday_x = jnp.take(weekday_w, x[:, :, 2], axis=0)
    day_x = jnp.take(day_w, x[:, :, 1] - 1, axis=0)
    month_x = jnp.take(month_w, x[:, :, 0] - 1, axis=0)
    return hour_x + weekday_x + day_x + month_x

if __name__ == "__main__":
    import jax
    _d = setup_inputs()
    print(jax.jit(kernel)(*tuple(_d.values())))

</pallas_src>

<mosaic_0001>
#map = affine_map<(d0, d1) -> (0, 0)>
module attributes {stable_mosaic.version = 14 : i64} {
  func.func @body(%arg0: i32, %arg1: i32, %arg2: memref<4x32768xi32, #tpu.memory_space<hbm>>, %arg3: memref<56x384xi32, #tpu.memory_space<hbm>>, %arg4: memref<24x384xi32, #tpu.memory_space<hbm>>, %arg5: memref<32768x768xf32, #tpu.memory_space<hbm>>, %arg6: memref<4x1024xi32, #tpu.memory_space<vmem>>, %arg7: memref<140x384xi32, #tpu.memory_space<vmem>>, %arg8: memref<24x384xi32, #tpu.memory_space<vmem>>, %arg9: memref<2x8x768xf32, #tpu.memory_space<vmem>>, %arg10: memref<!tpu.dma_semaphore, #tpu.memory_space<semaphore_mem>>, %arg11: memref<!tpu.dma_semaphore, #tpu.memory_space<semaphore_mem>>) attributes {dimension_semantics = [#tpu.dimension_semantics<core_parallel>, #tpu.dimension_semantics<subcore_parallel>], iteration_bounds = array<i64: 2, 16>, scalar_prefetch = 0 : i64, scratch_operands = 6 : i64, tpu.core_type = #tpu.core_type<sc_vector_subcore>, window_params = [{transform_indices = #map}, {transform_indices = #map}, {transform_indices = #map}, {transform_indices = #map}]} {
    %mul3A = arith.constant 2 : i32
    %mul3A_0 = arith.muli %arg1, %mul3A : i32
    %add3A = arith.addi %mul3A_0, %arg0 : i32
    %mul3A_1 = arith.constant 1024 : i32
    %mul3A_2 = arith.muli %add3A, %mul3A_1 : i32
    "tpu.region"() ({
      %run_scoped3A_46 = tpu.sem_alloc : memref<!tpu.dma_semaphore, #tpu.memory_space<semaphore_mem>>
      %dma_start3A = arith.constant 0 : i32
      %dma_start3A_47 = arith.constant 0 : i32
      %dma_start3A_48 = tpu.memref_slice %arg7[%dma_start3A, %dma_start3A_47] : memref<140x384xi32, #tpu.memory_space<vmem>> -> memref<56x384xi32, #tpu.memory_space<vmem>>
      %dma_start3A_49 = arith.constant 0 : i32
      %dma_start3A_50 = arith.constant 0 : i32
      %dma_start3A_51 = tpu.memref_slice %arg7[%dma_start3A_49, %dma_start3A_50] : memref<140x384xi32, #tpu.memory_space<vmem>> -> memref<56x384xi32, #tpu.memory_space<vmem>>
      tpu.enqueue_dma source(%arg3 : memref<56x384xi32, #tpu.memory_space<hbm>>) target(%dma_start3A_51 : memref<56x384xi32, #tpu.memory_space<vmem>>) target_semaphore(%run_scoped3A_46 : memref<!tpu.dma_semaphore, #tpu.memory_space<semaphore_mem>>)
      %dma_wait3A_52 = arith.constant 0 : i32
      %dma_wait3A_53 = arith.constant 0 : i32
      %dma_wait3A_54 = tpu.memref_slice %arg7[%dma_wait3A_52, %dma_wait3A_53] : memref<140x384xi32, #tpu.memory_space<vmem>> -> memref<56x384xi32, #tpu.memory_space<vmem>>
      %dma_wait3A_55 = arith.constant 0 : i32
      %dma_wait3A_56 = arith.constant 0 : i32
      %dma_wait3A_57 = tpu.memref_slice %arg7[%dma_wait3A_55, %dma_wait3A_56] : memref<140x384xi32, #tpu.memory_space<vmem>> -> memref<56x384xi32, #tpu.memory_space<vmem>>
      tpu.wait_dma2 semaphore(%run_scoped3A_46 : memref<!tpu.dma_semaphore, #tpu.memory_space<semaphore_mem>>) src(%arg3 : memref<56x384xi32, #tpu.memory_space<hbm>>) dst(%dma_wait3A_57 : memref<56x384xi32, #tpu.memory_space<vmem>>)
      tpu.yield
    }) : () -> ()
    "tpu.region"() ({
      %run_scoped3A_46 = tpu.sem_alloc : memref<!tpu.dma_semaphore, #tpu.memory_space<semaphore_mem>>
      tpu.enqueue_dma source(%arg4 : memref<24x384xi32, #tpu.memory_space<hbm>>) target(%arg8 : memref<24x384xi32, #tpu.memory_space<vmem>>) target_semaphore(%run_scoped3A_46 : memref<!tpu.dma_semaphore, #tpu.memory_space<semaphore_mem>>)
      tpu.wait_dma2 semaphore(%run_scoped3A_46 : memref<!tpu.dma_semaphore, #tpu.memory_space<semaphore_mem>>) src(%arg4 : memref<24x384xi32, #tpu.memory_space<hbm>>) dst(%arg8 : memref<24x384xi32, #tpu.memory_space<vmem>>)
      tpu.yield
    }) : () -> ()
    %run_scoped3A = arith.constant 0 : i32
    %run_scoped3A_3 = arith.constant 0 : i32
    "tpu.region"() ({
      %run_scoped3A_46 = tpu.sem_alloc : memref<!tpu.dma_semaphore, #tpu.memory_space<semaphore_mem>>
      %dma_start3A = arith.constant 0 : i32
      %dma_start3A_47 = tpu.memref_slice %arg6[%run_scoped3A_3, %dma_start3A] : memref<4x1024xi32, #tpu.memory_space<vmem>> -> memref<1x1024xi32, #tpu.memory_space<vmem>>
      %dma_start3A_48 = tpu.memref_squeeze %dma_start3A_47 : memref<1x1024xi32, #tpu.memory_space<vmem>> -> memref<1024xi32, #tpu.memory_space<vmem>>
      %dma_start3A_49 = tpu.memref_slice %arg2[%run_scoped3A, %mul3A_2] : memref<4x32768xi32, #tpu.memory_space<hbm>> -> memref<1x1024xi32, #tpu.memory_space<hbm>>
      %dma_start3A_50 = tpu.memref_squeeze %dma_start3A_49 : memref<1x1024xi32, #tpu.memory_space<hbm>> -> memref<1024xi32, #tpu.memory_space<hbm>>
      %dma_start3A_51 = arith.constant 0 : i32
      %dma_start3A_52 = tpu.memref_slice %arg6[%run_scoped3A_3, %dma_start3A_51] : memref<4x1024xi32, #tpu.memory_space<vmem>> -> memref<1x1024xi32, #tpu.memory_space<vmem>>
      %dma_start3A_53 = tpu.memref_squeeze %dma_start3A_52 : memref<1x1024xi32, #tpu.memory_space<vmem>> -> memref<1024xi32, #tpu.memory_space<vmem>>
      %dma_start3A_54 = tpu.memref_slice %arg2[%run_scoped3A, %mul3A_2] : memref<4x32768xi32, #tpu.memory_space<hbm>> -> memref<1x1024xi32, #tpu.memory_space<hbm>>
      %dma_start3A_55 = tpu.memref_squeeze %dma_start3A_54 : memref<1x1024xi32, #tpu.memory_space<hbm>> -> memref<1024xi32, #tpu.memory_space<hbm>>
      tpu.enqueue_dma source(%dma_start3A_55 : memref<1024xi32, #tpu.memory_space<hbm>>) target(%dma_start3A_53 : memref<1024xi32, #tpu.memory_space<vmem>>) target_semaphore(%run_scoped3A_46 : memref<!tpu.dma_semaphore, #tpu.memory_space<semaphore_mem>>)
      %dma_wait3A_56 = arith.constant 0 : i32
      %dma_wait3A_57 = tpu.memref_slice %arg6[%run_scoped3A_3, %dma_wait3A_56] : memref<4x1024xi32, #tpu.memory_space<vmem>> -> memref<1x1024xi32, #tpu.memory_space<vmem>>
      %dma_wait3A_58 = tpu.memref_squeeze %dma_wait3A_57 : memref<1x1024xi32, #tpu.memory_space<vmem>> -> memref<1024xi32, #tpu.memory_space<vmem>>
      %dma_wait3A_59 = tpu.memref_slice %arg2[%run_scoped3A, %mul3A_2] : memref<4x32768xi32, #tpu.memory_space<hbm>> -> memref<1x1024xi32, #tpu.memory_space<hbm>>
      %dma_wait3A_60 = tpu.memref_squeeze %dma_wait3A_59 : memref<1x1024xi32, #tpu.memory_space<hbm>> -> memref<1024xi32, #tpu.memory_space<hbm>>
      %dma_wait3A_61 = arith.constant 0 : i32
      %dma_wait3A_62 = tpu.memref_slice %arg6[%run_scoped3A_3, %dma_wait3A_61] : memref<4x1024xi32, #tpu.memory_space<vmem>> -> memref<1x1024xi32, #tpu.memory_space<vmem>>
      %dma_wait3A_63 = tpu.memref_squeeze %dma_wait3A_62 : memref<1x1024xi32, #tpu.memory_space<vmem>> -> memref<1024xi32, #tpu.memory_space<vmem>>
      %dma_wait3A_64 = tpu.memref_slice %arg2[%run_scoped3A, %mul3A_2] : memref<4x32768xi32, #tpu.memory_space<hbm>> -> memref<1x1024xi32, #tpu.memory_space<hbm>>
      %dma_wait3A_65 = tpu.memref_squeeze %dma_wait3A_64 : memref<1x1024xi32, #tpu.memory_space<hbm>> -> memref<1024xi32, #tpu.memory_space<hbm>>
      tpu.wait_dma2 semaphore(%run_scoped3A_46 : memref<!tpu.dma_semaphore, #tpu.memory_space<semaphore_mem>>) src(%dma_wait3A_65 : memref<1024xi32, #tpu.memory_space<hbm>>) dst(%dma_wait3A_63 : memref<1024xi32, #tpu.memory_space<vmem>>)
      tpu.yield
    }) : () -> ()
    %run_scoped3A_4 = arith.constant 1 : i32
    %run_scoped3A_5 = arith.constant 1 : i32
    "tpu.region"() ({
      %run_scoped3A_46 = tpu.sem_alloc : memref<!tpu.dma_semaphore, #tpu.memory_space<semaphore_mem>>
      %dma_start3A = arith.constant 0 : i32
      %dma_start3A_47 = tpu.memref_slice %arg6[%run_scoped3A_5, %dma_start3A] : memref<4x1024xi32, #tpu.memory_space<vmem>> -> memref<1x1024xi32, #tpu.memory_space<vmem>>
      %dma_start3A_48 = tpu.memref_squeeze %dma_start3A_47 : memref<1x1024xi32, #tpu.memory_space<vmem>> -> memref<1024xi32, #tpu.memory_space<vmem>>
      %dma_start3A_49 = tpu.memref_slice %arg2[%run_scoped3A_4, %mul3A_2] : memref<4x32768xi32, #tpu.memory_space<hbm>> -> memref<1x1024xi32, #tpu.memory_space<hbm>>
      %dma_start3A_50 = tpu.memref_squeeze %dma_start3A_49 : memref<1x1024xi32, #tpu.memory_space<hbm>> -> memref<1024xi32, #tpu.memory_space<hbm>>
      %dma_start3A_51 = arith.constant 0 : i32
      %dma_start3A_52 = tpu.memref_slice %arg6[%run_scoped3A_5, %dma_start3A_51] : memref<4x1024xi32, #tpu.memory_space<vmem>> -> memref<1x1024xi32, #tpu.memory_space<vmem>>
      %dma_start3A_53 = tpu.memref_squeeze %dma_start3A_52 : memref<1x1024xi32, #tpu.memory_space<vmem>> -> memref<1024xi32, #tpu.memory_space<vmem>>
      %dma_start3A_54 = tpu.memref_slice %arg2[%run_scoped3A_4, %mul3A_2] : memref<4x32768xi32, #tpu.memory_space<hbm>> -> memref<1x1024xi32, #tpu.memory_space<hbm>>
      %dma_start3A_55 = tpu.memref_squeeze %dma_start3A_54 : memref<1x1024xi32, #tpu.memory_space<hbm>> -> memref<1024xi32, #tpu.memory_space<hbm>>
      tpu.enqueue_dma source(%dma_start3A_55 : memref<1024xi32, #tpu.memory_space<hbm>>) target(%dma_start3A_53 : memref<1024xi32, #tpu.memory_space<vmem>>) target_semaphore(%run_scoped3A_46 : memref<!tpu.dma_semaphore, #tpu.memory_space<semaphore_mem>>)
      %dma_wait3A_56 = arith.constant 0 : i32
      %dma_wait3A_57 = tpu.memref_slice %arg6[%run_scoped3A_5, %dma_wait3A_56] : memref<4x1024xi32, #tpu.memory_space<vmem>> -> memref<1x1024xi32, #tpu.memory_space<vmem>>
      %dma_wait3A_58 = tpu.memref_squeeze %dma_wait3A_57 : memref<1x1024xi32, #tpu.memory_space<vmem>> -> memref<1024xi32, #tpu.memory_space<vmem>>
      %dma_wait3A_59 = tpu.memref_slice %arg2[%run_scoped3A_4, %mul3A_2] : memref<4x32768xi32, #tpu.memory_space<hbm>> -> memref<1x1024xi32, #tpu.memory_space<hbm>>
      %dma_wait3A_60 = tpu.memref_squeeze %dma_wait3A_59 : memref<1x1024xi32, #tpu.memory_space<hbm>> -> memref<1024xi32, #tpu.memory_space<hbm>>
      %dma_wait3A_61 = arith.constant 0 : i32
      %dma_wait3A_62 = tpu.memref_slice %arg6[%run_scoped3A_5, %dma_wait3A_61] : memref<4x1024xi32, #tpu.memory_space<vmem>> -> memref<1x1024xi32, #tpu.memory_space<vmem>>
      %dma_wait3A_63 = tpu.memref_squeeze %dma_wait3A_62 : memref<1x1024xi32, #tpu.memory_space<vmem>> -> memref<1024xi32, #tpu.memory_space<vmem>>
      %dma_wait3A_64 = tpu.memref_slice %arg2[%run_scoped3A_4, %mul3A_2] : memref<4x32768xi32, #tpu.memory_space<hbm>> -> memref<1x1024xi32, #tpu.memory_space<hbm>>
      %dma_wait3A_65 = tpu.memref_squeeze %dma_wait3A_64 : memref<1x1024xi32, #tpu.memory_space<hbm>> -> memref<1024xi32, #tpu.memory_space<hbm>>
      tpu.wait_dma2 semaphore(%run_scoped3A_46 : memref<!tpu.dma_semaphore, #tpu.memory_space<semaphore_mem>>) src(%dma_wait3A_65 : memref<1024xi32, #tpu.memory_space<hbm>>) dst(%dma_wait3A_63 : memref<1024xi32, #tpu.memory_space<vmem>>)
      tpu.yield
    }) : () -> ()
    %run_scoped3A_6 = arith.constant 2 : i32
    %run_scoped3A_7 = arith.constant 2 : i32
    "tpu.region"() ({
      %run_scoped3A_46 = tpu.sem_alloc : memref<!tpu.dma_semaphore, #tpu.memory_space<semaphore_mem>>
      %dma_start3A = arith.constant 0 : i32
      %dma_start3A_47 = tpu.memref_slice %arg6[%run_scoped3A_7, %dma_start3A] : memref<4x1024xi32, #tpu.memory_space<vmem>> -> memref<1x1024xi32, #tpu.memory_space<vmem>>
      %dma_start3A_48 = tpu.memref_squeeze %dma_start3A_47 : memref<1x1024xi32, #tpu.memory_space<vmem>> -> memref<1024xi32, #tpu.memory_space<vmem>>
      %dma_start3A_49 = tpu.memref_slice %arg2[%run_scoped3A_6, %mul3A_2] : memref<4x32768xi32, #tpu.memory_space<hbm>> -> memref<1x1024xi32, #tpu.memory_space<hbm>>
      %dma_start3A_50 = tpu.memref_squeeze %dma_start3A_49 : memref<1x1024xi32, #tpu.memory_space<hbm>> -> memref<1024xi32, #tpu.memory_space<hbm>>
      %dma_start3A_51 = arith.constant 0 : i32
      %dma_start3A_52 = tpu.memref_slice %arg6[%run_scoped3A_7, %dma_start3A_51] : memref<4x1024xi32, #tpu.memory_space<vmem>> -> memref<1x1024xi32, #tpu.memory_space<vmem>>
      %dma_start3A_53 = tpu.memref_squeeze %dma_start3A_52 : memref<1x1024xi32, #tpu.memory_space<vmem>> -> memref<1024xi32, #tpu.memory_space<vmem>>
      %dma_start3A_54 = tpu.memref_slice %arg2[%run_scoped3A_6, %mul3A_2] : memref<4x32768xi32, #tpu.memory_space<hbm>> -> memref<1x1024xi32, #tpu.memory_space<hbm>>
      %dma_start3A_55 = tpu.memref_squeeze %dma_start3A_54 : memref<1x1024xi32, #tpu.memory_space<hbm>> -> memref<1024xi32, #tpu.memory_space<hbm>>
      tpu.enqueue_dma source(%dma_start3A_55 : memref<1024xi32, #tpu.memory_space<hbm>>) target(%dma_start3A_53 : memref<1024xi32, #tpu.memory_space<vmem>>) target_semaphore(%run_scoped3A_46 : memref<!tpu.dma_semaphore, #tpu.memory_space<semaphore_mem>>)
      %dma_wait3A_56 = arith.constant 0 : i32
      %dma_wait3A_57 = tpu.memref_slice %arg6[%run_scoped3A_7, %dma_wait3A_56] : memref<4x1024xi32, #tpu.memory_space<vmem>> -> memref<1x1024xi32, #tpu.memory_space<vmem>>
      %dma_wait3A_58 = tpu.memref_squeeze %dma_wait3A_57 : memref<1x1024xi32, #tpu.memory_space<vmem>> -> memref<1024xi32, #tpu.memory_space<vmem>>
      %dma_wait3A_59 = tpu.memref_slice %arg2[%run_scoped3A_6, %mul3A_2] : memref<4x32768xi32, #tpu.memory_space<hbm>> -> memref<1x1024xi32, #tpu.memory_space<hbm>>
      %dma_wait3A_60 = tpu.memref_squeeze %dma_wait3A_59 : memref<1x1024xi32, #tpu.memory_space<hbm>> -> memref<1024xi32, #tpu.memory_space<hbm>>
      %dma_wait3A_61 = arith.constant 0 : i32
      %dma_wait3A_62 = tpu.memref_slice %arg6[%run_scoped3A_7, %dma_wait3A_61] : memref<4x1024xi32, #tpu.memory_space<vmem>> -> memref<1x1024xi32, #tpu.memory_space<vmem>>
      %dma_wait3A_63 = tpu.memref_squeeze %dma_wait3A_62 : memref<1x1024xi32, #tpu.memory_space<vmem>> -> memref<1024xi32, #tpu.memory_space<vmem>>
      %dma_wait3A_64 = tpu.memref_slice %arg2[%run_scoped3A_6, %mul3A_2] : memref<4x32768xi32, #tpu.memory_space<hbm>> -> memref<1x1024xi32, #tpu.memory_space<hbm>>
      %dma_wait3A_65 = tpu.memref_squeeze %dma_wait3A_64 : memref<1x1024xi32, #tpu.memory_space<hbm>> -> memref<1024xi32, #tpu.memory_space<hbm>>
      tpu.wait_dma2 semaphore(%run_scoped3A_46 : memref<!tpu.dma_semaphore, #tpu.memory_space<semaphore_mem>>) src(%dma_wait3A_65 : memref<1024xi32, #tpu.memory_space<hbm>>) dst(%dma_wait3A_63 : memref<1024xi32, #tpu.memory_space<vmem>>)
      tpu.yield
    }) : () -> ()
    %run_scoped3A_8 = arith.constant 3 : i32
    %run_scoped3A_9 = arith.constant 3 : i32
    "tpu.region"() ({
      %run_scoped3A_46 = tpu.sem_alloc : memref<!tpu.dma_semaphore, #tpu.memory_space<semaphore_mem>>
      %dma_start3A = arith.constant 0 : i32
      %dma_start3A_47 = tpu.memref_slice %arg6[%run_scoped3A_9, %dma_start3A] : memref<4x1024xi32, #tpu.memory_space<vmem>> -> memref<1x1024xi32, #tpu.memory_space<vmem>>
      %dma_start3A_48 = tpu.memref_squeeze %dma_start3A_47 : memref<1x1024xi32, #tpu.memory_space<vmem>> -> memref<1024xi32, #tpu.memory_space<vmem>>
      %dma_start3A_49 = tpu.memref_slice %arg2[%run_scoped3A_8, %mul3A_2] : memref<4x32768xi32, #tpu.memory_space<hbm>> -> memref<1x1024xi32, #tpu.memory_space<hbm>>
      %dma_start3A_50 = tpu.memref_squeeze %dma_start3A_49 : memref<1x1024xi32, #tpu.memory_space<hbm>> -> memref<1024xi32, #tpu.memory_space<hbm>>
      %dma_start3A_51 = arith.constant 0 : i32
      %dma_start3A_52 = tpu.memref_slice %arg6[%run_scoped3A_9, %dma_start3A_51] : memref<4x1024xi32, #tpu.memory_space<vmem>> -> memref<1x1024xi32, #tpu.memory_space<vmem>>
      %dma_start3A_53 = tpu.memref_squeeze %dma_start3A_52 : memref<1x1024xi32, #tpu.memory_space<vmem>> -> memref<1024xi32, #tpu.memory_space<vmem>>
      %dma_start3A_54 = tpu.memref_slice %arg2[%run_scoped3A_8, %mul3A_2] : memref<4x32768xi32, #tpu.memory_space<hbm>> -> memref<1x1024xi32, #tpu.memory_space<hbm>>
      %dma_start3A_55 = tpu.memref_squeeze %dma_start3A_54 : memref<1x1024xi32, #tpu.memory_space<hbm>> -> memref<1024xi32, #tpu.memory_space<hbm>>
      tpu.enqueue_dma source(%dma_start3A_55 : memref<1024xi32, #tpu.memory_space<hbm>>) target(%dma_start3A_53 : memref<1024xi32, #tpu.memory_space<vmem>>) target_semaphore(%run_scoped3A_46 : memref<!tpu.dma_semaphore, #tpu.memory_space<semaphore_mem>>)
      %dma_wait3A_56 = arith.constant 0 : i32
      %dma_wait3A_57 = tpu.memref_slice %arg6[%run_scoped3A_9, %dma_wait3A_56] : memref<4x1024xi32, #tpu.memory_space<vmem>> -> memref<1x1024xi32, #tpu.memory_space<vmem>>
      %dma_wait3A_58 = tpu.memref_squeeze %dma_wait3A_57 : memref<1x1024xi32, #tpu.memory_space<vmem>> -> memref<1024xi32, #tpu.memory_space<vmem>>
      %dma_wait3A_59 = tpu.memref_slice %arg2[%run_scoped3A_8, %mul3A_2] : memref<4x32768xi32, #tpu.memory_space<hbm>> -> memref<1x1024xi32, #tpu.memory_space<hbm>>
      %dma_wait3A_60 = tpu.memref_squeeze %dma_wait3A_59 : memref<1x1024xi32, #tpu.memory_space<hbm>> -> memref<1024xi32, #tpu.memory_space<hbm>>
      %dma_wait3A_61 = arith.constant 0 : i32
      %dma_wait3A_62 = tpu.memref_slice %arg6[%run_scoped3A_9, %dma_wait3A_61] : memref<4x1024xi32, #tpu.memory_space<vmem>> -> memref<1x1024xi32, #tpu.memory_space<vmem>>
      %dma_wait3A_63 = tpu.memref_squeeze %dma_wait3A_62 : memref<1x1024xi32, #tpu.memory_space<vmem>> -> memref<1024xi32, #tpu.memory_space<vmem>>
      %dma_wait3A_64 = tpu.memref_slice %arg2[%run_scoped3A_8, %mul3A_2] : memref<4x32768xi32, #tpu.memory_space<hbm>> -> memref<1x1024xi32, #tpu.memory_space<hbm>>
      %dma_wait3A_65 = tpu.memref_squeeze %dma_wait3A_64 : memref<1x1024xi32, #tpu.memory_space<hbm>> -> memref<1024xi32, #tpu.memory_space<hbm>>
      tpu.wait_dma2 semaphore(%run_scoped3A_46 : memref<!tpu.dma_semaphore, #tpu.memory_space<semaphore_mem>>) src(%dma_wait3A_65 : memref<1024xi32, #tpu.memory_space<hbm>>) dst(%dma_wait3A_63 : memref<1024xi32, #tpu.memory_space<vmem>>)
      tpu.yield
    }) : () -> ()
    %scan3A = arith.constant 0 : i32
    %scan3A_10 = arith.constant 0 : i32
    %scan3A_11 = arith.constant 7 : i32
    %scan3A_12 = arith.addi %scan3A_10, %scan3A_11 : i32
    %scan3A_13 = arith.constant 1 : i32
    scf.for %scan3A_46 = %scan3A_10 to %scan3A_12 step %scan3A_13  : i32 {
      %scan3A_47 = arith.constant 0 : i32
      %scan3A_48 = arith.constant 0 : i32
      %scan3A_49 = arith.constant 12 : i32
      %scan3A_50 = arith.addi %scan3A_48, %scan3A_49 : i32
      %scan3A_51 = arith.constant 1 : i32
      scf.for %scan3A_53 = %scan3A_48 to %scan3A_50 step %scan3A_51  : i32 {
        %mul3A_54 = arith.constant 12 : i32
        %mul3A_55 = arith.muli %scan3A_46, %mul3A_54 : i32
        %add3A_56 = arith.constant 56 : i32
        %add3A_57 = arith.addi %add3A_56, %mul3A_55 : i32
        %add3A_58 = arith.addi %add3A_57, %scan3A_53 : i32
        %parallel_loop3A = arith.constant 0 : i32
        %parallel_loop3A_59 = arith.constant 24 : i32
        %parallel_loop3A_60 = arith.constant 1 : i32
        scf.for %parallel_loop3A_61 = %parallel_loop3A to %parallel_loop3A_59 step %parallel_loop3A_60  : i32 {
          %parallel_loop3A_62 = arith.constant 16 : i32
          %parallel_loop3A_63 = arith.muli %parallel_loop3A_61, %parallel_loop3A_62 : i32
          %parallel_loop3A_64 = arith.index_cast %scan3A_46 : i32 to index
          %parallel_loop3A_65 = arith.index_cast %parallel_loop3A_63 : i32 to index
          %parallel_loop3A_66 = tpu.vector_load %arg8[%parallel_loop3A_64, %parallel_loop3A_65] {strides = array<i32>} : memref<24x384xi32, #tpu.memory_space<vmem>>, vector<1x16xi32>,
          %parallel_loop3A_67 = vector.shape_cast %parallel_loop3A_66 : vector<1x16xi32> to vector<16xi32>
          %parallel_loop3A_68 = arith.constant 7 : i32
          %parallel_loop3A_69 = arith.addi %parallel_loop3A_68, %scan3A_53 : i32
          %parallel_loop3A_70 = arith.index_cast %parallel_loop3A_69 : i32 to index
          %parallel_loop3A_71 = arith.index_cast %parallel_loop3A_63 : i32 to index
          %parallel_loop3A_72 = tpu.vector_load %arg8[%parallel_loop3A_70, %parallel_loop3A_71] {strides = array<i32>} : memref<24x384xi32, #tpu.memory_space<vmem>>, vector<1x16xi32>,
          %parallel_loop3A_73 = vector.shape_cast %parallel_loop3A_72 : vector<1x16xi32> to vector<16xi32>
          %parallel_loop3A_74 = arith.constant 16 : i32
          %parallel_loop3A_75 = vector.broadcast %parallel_loop3A_74 : i32 to vector<16xi32>
          %parallel_loop3A_76 = arith.shli %parallel_loop3A_67, %parallel_loop3A_75 : vector<16xi32>
          %parallel_loop3A_77 = tpu.bitcast %parallel_loop3A_76 : vector<16xi32> -> vector<16xf32>
          %parallel_loop3A_78 = arith.constant 16 : i32
          %parallel_loop3A_79 = vector.broadcast %parallel_loop3A_78 : i32 to vector<16xi32>
          %parallel_loop3A_80 = arith.shli %parallel_loop3A_73, %parallel_loop3A_79 : vector<16xi32>
          %parallel_loop3A_81 = tpu.bitcast %parallel_loop3A_80 : vector<16xi32> -> vector<16xf32>
          %parallel_loop3A_82 = arith.addf %parallel_loop3A_77, %parallel_loop3A_81 : vector<16xf32>
          %parallel_loop3A_83 = arith.constant -65536 : i32
          %parallel_loop3A_84 = vector.broadcast %parallel_loop3A_83 : i32 to vector<16xi32>
          %parallel_loop3A_85 = arith.andi %parallel_loop3A_67, %parallel_loop3A_84 : vector<16xi32>
          %parallel_loop3A_86 = tpu.bitcast %parallel_loop3A_85 : vector<16xi32> -> vector<16xf32>
          %parallel_loop3A_87 = arith.constant -65536 : i32
          %parallel_loop3A_88 = vector.broadcast %parallel_loop3A_87 : i32 to vector<16xi32>
          %parallel_loop3A_89 = arith.andi %parallel_loop3A_73, %parallel_loop3A_88 : vector<16xi32>
          %parallel_loop3A_90 = tpu.bitcast %parallel_loop3A_89 : vector<16xi32> -> vector<16xf32>
          %parallel_loop3A_91 = arith.addf %parallel_loop3A_86, %parallel_loop3A_90 : vector<16xf32>
          %parallel_loop3A_92 = tpu.bitcast %parallel_loop3A_82 : vector<16xf32> -> vector<16xi32>
          %parallel_loop3A_93 = arith.constant 16 : i32
          %parallel_loop3A_94 = vector.broadcast %parallel_loop3A_93 : i32 to vector<16xi32>
          %parallel_loop3A_95 = arith.shrui %parallel_loop3A_92, %parallel_loop3A_94 : vector<16xi32>
          %parallel_loop3A_96 = tpu.bitcast %parallel_loop3A_91 : vector<16xf32> -> vector<16xi32>
          %parallel_loop3A_97 = arith.constant -65536 : i32
          %parallel_loop3A_98 = vector.broadcast %parallel_loop3A_97 : i32 to vector<16xi32>
          %parallel_loop3A_99 = arith.andi %parallel_loop3A_96, %parallel_loop3A_98 : vector<16xi32>
          %parallel_loop3A_100 = arith.ori %parallel_loop3A_95, %parallel_loop3A_99 : vector<16xi32>
          %parallel_loop3A_101 = arith.index_cast %add3A_58 : i32 to index
          %parallel_loop3A_102 = arith.index_cast %parallel_loop3A_63 : i32 to index
          %parallel_loop3A_103 = tpu.vector_load %arg7[%parallel_loop3A_101, %parallel_loop3A_102] {strides = array<i32>} : memref<140x384xi32, #tpu.memory_space<vmem>>, vector<1x16xi32>,
          %parallel_loop3A_104 = vector.shape_cast %parallel_loop3A_103 : vector<1x16xi32> to vector<16xi32>
          %parallel_loop3A_105 = vector.shape_cast %parallel_loop3A_100 : vector<16xi32> to vector<1x16xi32>
          tpu.vector_store %arg7[%parallel_loop3A_101, %parallel_loop3A_102], %parallel_loop3A_105 {strides = array<i32>} : memref<140x384xi32, #tpu.memory_space<vmem>>, vector<1x16xi32>,
        } {sc.loop_unroll_factor = 4 : i64, sc.parallel_access}
      }
      %scan3A_52 = arith.constant 12 : i32
    }
    %scan3A_14 = arith.constant 7 : i32
    %scan3A_15 = arith.constant 0 : i32
    %scan3A_16 = arith.constant 0 : i32
    %scan3A_17 = arith.constant 64 : i32
    %scan3A_18 = arith.addi %scan3A_16, %scan3A_17 : i32
    %scan3A_19 = arith.constant 1 : i32
    scf.for %scan3A_46 = %scan3A_16 to %scan3A_18 step %scan3A_19  : i32 {
      %mul3A_47 = arith.constant 2 : i32
      %mul3A_48 = arith.muli %scan3A_46, %mul3A_47 : i32
      %add3A_49 = arith.constant 0 : i32
      %add3A_50 = arith.addi %mul3A_48, %add3A_49 : i32
      %gt3A = arith.constant 0 : i32
      %gt3A_51 = arith.cmpi sgt, %scan3A_46, %gt3A : i32
      %convert_element_type3A = arith.extui %gt3A_51 : i1 to i32
      %cond3A = arith.constant 0 : i32
      %cond3A_52 = arith.cmpi ne, %convert_element_type3A, %cond3A : i32
      scf.if %cond3A_52 {
        %dma_wait3A_207 = arith.constant 0 : i32
        %dma_wait3A_208 = arith.constant 0 : i32
        %dma_wait3A_209 = arith.constant 0 : i32
        %dma_wait3A_210 = tpu.memref_slice %arg9[%dma_wait3A_207, %dma_wait3A_208, %dma_wait3A_209] : memref<2x8x768xf32, #tpu.memory_space<vmem>> -> memref<1x8x768xf32, #tpu.memory_space<vmem>>
        %dma_wait3A_211 = tpu.memref_squeeze %dma_wait3A_210 : memref<1x8x768xf32, #tpu.memory_space<vmem>> -> memref<8x768xf32, #tpu.memory_space<vmem>>
        %dma_wait3A_212 = arith.constant 0 : i32
        %dma_wait3A_213 = tpu.memref_slice %arg5[%mul3A_2, %dma_wait3A_212] : memref<32768x768xf32, #tpu.memory_space<hbm>> -> memref<8x768xf32, #tpu.memory_space<hbm>>
        %dma_wait3A_214 = arith.constant 0 : i32
        %dma_wait3A_215 = tpu.memref_slice %arg5[%mul3A_2, %dma_wait3A_214] : memref<32768x768xf32, #tpu.memory_space<hbm>> -> memref<8x768xf32, #tpu.memory_space<hbm>>
        %dma_wait3A_216 = arith.constant 0 : i32
        %dma_wait3A_217 = arith.constant 0 : i32
        %dma_wait3A_218 = tpu.memref_slice %arg9[%dma_wait3A_207, %dma_wait3A_216, %dma_wait3A_217] : memref<2x8x768xf32, #tpu.memory_space<vmem>> -> memref<1x8x768xf32, #tpu.memory_space<vmem>>
        %dma_wait3A_219 = tpu.memref_squeeze %dma_wait3A_218 : memref<1x8x768xf32, #tpu.memory_space<vmem>> -> memref<8x768xf32, #tpu.memory_space<vmem>>
        tpu.wait_dma2 semaphore(%arg10 : memref<!tpu.dma_semaphore, #tpu.memory_space<semaphore_mem>>) src(%dma_wait3A_219 : memref<8x768xf32, #tpu.memory_space<vmem>>) dst(%dma_wait3A_215 : memref<8x768xf32, #tpu.memory_space<hbm>>)
      } else {
      }
      %mul3A_53 = arith.constant 2 : i32
      %mul3A_54 = arith.muli %scan3A_46, %mul3A_53 : i32
      %mul3A_55 = arith.constant 8 : i32
      %mul3A_56 = arith.muli %mul3A_54, %mul3A_55 : i32
      %get3A = arith.constant 2 : i32
      %get3A_57 = arith.index_cast %get3A : i32 to index
      %get3A_58 = arith.index_cast %mul3A_56 : i32 to index
      %get3A_59 = tpu.vector_load %arg6[%get3A_57, %get3A_58] {strides = array<i32>} : memref<4x1024xi32, #tpu.memory_space<vmem>>, vector<1x16xi32>,
      %get3A_60 = vector.shape_cast %get3A_59 : vector<1x16xi32> to vector<16xi32>
      %mul3A_61 = arith.constant 12 : i32
      %mul3A_62 = vector.broadcast %mul3A_61 : i32 to vector<16xi32>
      %mul3A_63 = arith.muli %get3A_60, %mul3A_62 : vector<16xi32>
      %get3A_64 = arith.constant 0 : i32
      %get3A_65 = arith.index_cast %get3A_64 : i32 to index
      %get3A_66 = arith.index_cast %mul3A_56 : i32 to index
      %get3A_67 = tpu.vector_load %arg6[%get3A_65, %get3A_66] {strides = array<i32>} : memref<4x1024xi32, #tpu.memory_space<vmem>>, vector<1x16xi32>,
      %get3A_68 = vector.shape_cast %get3A_67 : vector<1x16xi32> to vector<16xi32>
      %add3A_69 = arith.addi %mul3A_63, %get3A_68 : vector<16xi32>
      %add3A_70 = arith.constant 55 : i32
      %add3A_71 = vector.broadcast %add3A_70 : i32 to vector<16xi32>
      %add3A_72 = arith.addi %add3A_69, %add3A_71 : vector<16xi32>
      %get3A_73 = arith.constant 1 : i32
      %get3A_74 = arith.index_cast %get3A_73 : i32 to index
      %get3A_75 = arith.index_cast %mul3A_56 : i32 to index
      %get3A_76 = tpu.vector_load %arg6[%get3A_74, %get3A_75] {strides = array<i32>} : memref<4x1024xi32, #tpu.memory_space<vmem>>, vector<1x16xi32>,
      %get3A_77 = vector.shape_cast %get3A_76 : vector<1x16xi32> to vector<16xi32>
      %add3A_78 = arith.constant 23 : i32
      %add3A_79 = vector.broadcast %add3A_78 : i32 to vector<16xi32>
      %add3A_80 = arith.addi %get3A_77, %add3A_79 : vector<16xi32>
      %get3A_81 = arith.constant 3 : i32
      %get3A_82 = arith.index_cast %get3A_81 : i32 to index
      %get3A_83 = arith.index_cast %mul3A_56 : i32 to index
      %get3A_84 = tpu.vector_load %arg6[%get3A_82, %get3A_83] {strides = array<i32>} : memref<4x1024xi32, #tpu.memory_space<vmem>>, vector<1x16xi32>,
      %get3A_85 = vector.shape_cast %get3A_84 : vector<1x16xi32> to vector<16xi32>
      %parallel_loop3A = arith.constant 0 : i32
      %parallel_loop3A_86 = arith.constant 24 : i32
      %parallel_loop3A_87 = arith.constant 1 : i32
      scf.for %parallel_loop3A_207 = %parallel_loop3A to %parallel_loop3A_86 step %parallel_loop3A_87  : i32 {
        %parallel_loop3A_208 = arith.constant 16 : i32
        %parallel_loop3A_209 = arith.muli %parallel_loop3A_207, %parallel_loop3A_208 : i32
        %parallel_loop3A_210 = vector.extract_strided_slice %get3A_85 {offsets = [0], sizes = [1], strides = [1]} : vector<16xi32> to vector<1xi32>
        %parallel_loop3A_211 = vector.extract %parallel_loop3A_210[0] : i32 from vector<1xi32>
        %parallel_loop3A_212 = arith.index_cast %parallel_loop3A_211 : i32 to index
        %parallel_loop3A_213 = arith.index_cast %parallel_loop3A_209 : i32 to index
        %parallel_loop3A_214 = tpu.vector_load %arg7[%parallel_loop3A_212, %parallel_loop3A_213] {strides = array<i32>} : memref<140x384xi32, #tpu.memory_space<vmem>>, vector<1x16xi32>,
        %parallel_loop3A_215 = vector.shape_cast %parallel_loop3A_214 : vector<1x16xi32> to vector<16xi32>
        %parallel_loop3A_216 = arith.constant 16 : i32
        %parallel_loop3A_217 = vector.broadcast %parallel_loop3A_216 : i32 to vector<16xi32>
        %parallel_loop3A_218 = arith.shli %parallel_loop3A_215, %parallel_loop3A_217 : vector<16xi32>
        %parallel_loop3A_219 = tpu.bitcast %parallel_loop3A_218 : vector<16xi32> -> vector<16xf32>
        %parallel_loop3A_220 = tpu.bitcast %parallel_loop3A_215 : vector<16xi32> -> vector<16xf32>
        %parallel_loop3A_221 = vector.extract_strided_slice %add3A_80 {offsets = [0], sizes = [1], strides = [1]} : vector<16xi32> to vector<1xi32>
        %parallel_loop3A_222 = vector.extract %parallel_loop3A_221[0] : i32 from vector<1xi32>
        %parallel_loop3A_223 = arith.index_cast %parallel_loop3A_222 : i32 to index
        %parallel_loop3A_224 = arith.index_cast %parallel_loop3A_209 : i32 to index
        %parallel_loop3A_225 = tpu.vector_load %arg7[%parallel_loop3A_223, %parallel_loop3A_224] {strides = array<i32>} : memref<140x384xi32, #tpu.memory_space<vmem>>, vector<1x16xi32>,
        %parallel_loop3A_226 = vector.shape_cast %parallel_loop3A_225 : vector<1x16xi32> to vector<16xi32>
        %parallel_loop3A_227 = arith.constant 16 : i32
        %parallel_loop3A_228 = vector.broadcast %parallel_loop3A_227 : i32 to vector<16xi32>
        %parallel_loop3A_229 = arith.shli %parallel_loop3A_226, %parallel_loop3A_228 : vector<16xi32>
        %parallel_loop3A_230 = tpu.bitcast %parallel_loop3A_229 : vector<16xi32> -> vector<16xf32>
        %parallel_loop3A_231 = tpu.bitcast %parallel_loop3A_226 : vector<16xi32> -> vector<16xf32>
        %parallel_loop3A_232 = vector.extract_strided_slice %add3A_72 {offsets = [0], sizes = [1], strides = [1]} : vector<16xi32> to vector<1xi32>
        %parallel_loop3A_233 = vector.extract %parallel_loop3A_232[0] : i32 from vector<1xi32>
        %parallel_loop3A_234 = arith.index_cast %parallel_loop3A_233 : i32 to index
        %parallel_loop3A_235 = arith.index_cast %parallel_loop3A_209 : i32 to index
        %parallel_loop3A_236 = tpu.vector_load %arg7[%parallel_loop3A_234, %parallel_loop3A_235] {strides = array<i32>} : memref<140x384xi32, #tpu.memory_space<vmem>>, vector<1x16xi32>,
        %parallel_loop3A_237 = vector.shape_cast %parallel_loop3A_236 : vector<1x16xi32> to vector<16xi32>
        %parallel_loop3A_238 = arith.constant 16 : i32
        %parallel_loop3A_239 = vector.broadcast %parallel_loop3A_238 : i32 to vector<16xi32>
        %parallel_loop3A_240 = arith.shli %parallel_loop3A_237, %parallel_loop3A_239 : vector<16xi32>
        %parallel_loop3A_241 = tpu.bitcast %parallel_loop3A_240 : vector<16xi32> -> vector<16xf32>
        %parallel_loop3A_242 = tpu.bitcast %parallel_loop3A_237 : vector<16xi32> -> vector<16xf32>
        %parallel_loop3A_243 = arith.addf %parallel_loop3A_219, %parallel_loop3A_230 : vector<16xf32>
        %parallel_loop3A_244 = arith.addf %parallel_loop3A_243, %parallel_loop3A_241 : vector<16xf32>
        %parallel_loop3A_245 = arith.constant 2 : i32
        %parallel_loop3A_246 = arith.muli %parallel_loop3A_207, %parallel_loop3A_245 : i32
        %parallel_loop3A_247 = arith.constant 16 : i32
        %parallel_loop3A_248 = arith.muli %parallel_loop3A_246, %parallel_loop3A_247 : i32
        %parallel_loop3A_249 = arith.constant 0 : i32
        %parallel_loop3A_250 = arith.constant 0 : i32
        %parallel_loop3A_251 = arith.index_cast %parallel_loop3A_249 : i32 to index
        %parallel_loop3A_252 = arith.index_cast %parallel_loop3A_250 : i32 to index
        %parallel_loop3A_253 = arith.index_cast %parallel_loop3A_248 : i32 to index
        %parallel_loop3A_254 = tpu.vector_load %arg9[%parallel_loop3A_251, %parallel_loop3A_252, %parallel_loop3A_253] {strides = array<i32>} : memref<2x8x768xf32, #tpu.memory_space<vmem>>, vector<1x1x16xf32>,
        %parallel_loop3A_255 = vector.shape_cast %parallel_loop3A_254 : vector<1x1x16xf32> to vector<16xf32>
        %parallel_loop3A_256 = vector.shape_cast %parallel_loop3A_244 : vector<16xf32> to vector<1x1x16xf32>
        tpu.vector_store %arg9[%parallel_loop3A_251, %parallel_loop3A_252, %parallel_loop3A_253], %parallel_loop3A_256 {strides = array<i32>} : memref<2x8x768xf32, #tpu.memory_space<vmem>>, vector<1x1x16xf32>,
        %parallel_loop3A_257 = arith.addf %parallel_loop3A_220, %parallel_loop3A_231 : vector<16xf32>
        %parallel_loop3A_258 = arith.addf %parallel_loop3A_257, %parallel_loop3A_242 : vector<16xf32>
        %parallel_loop3A_259 = arith.constant 2 : i32
        %parallel_loop3A_260 = arith.muli %parallel_loop3A_207, %parallel_loop3A_259 : i32
        %parallel_loop3A_261 = arith.constant 16 : i32
        %parallel_loop3A_262 = arith.muli %parallel_loop3A_260, %parallel_loop3A_261 : i32
        %parallel_loop3A_263 = arith.constant 16 : i32
        %parallel_loop3A_264 = arith.addi %parallel_loop3A_262, %parallel_loop3A_263 : i32
        %parallel_loop3A_265 = arith.constant 0 : i32
        %parallel_loop3A_266 = arith.constant 0 : i32
        %parallel_loop3A_267 = arith.index_cast %parallel_loop3A_265 : i32 to index
        %parallel_loop3A_268 = arith.index_cast %parallel_loop3A_266 : i32 to index
        %parallel_loop3A_269 = arith.index_cast %parallel_loop3A_264 : i32 to index
        %parallel_loop3A_270 = tpu.vector_load %arg9[%parallel_loop3A_267, %parallel_loop3A_268, %parallel_loop3A_269] {strides = array<i32>} : memref<2x8x768xf32, #tpu.memory_space<vmem>>, vector<1x1x16xf32>,
        %parallel_loop3A_271 = vector.shape_cast %parallel_loop3A_270 : vector<1x1x16xf32> to vector<16xf32>
        %parallel_loop3A_272 = vector.shape_cast %parallel_loop3A_258 : vector<16xf32> to vector<1x1x16xf32>
        tpu.vector_store %arg9[%parallel_loop3A_267, %parallel_loop3A_268, %parallel_loop3A_269], %parallel_loop3A_272 {strides = array<i32>} : memref<2x8x768xf32, #tpu.memory_space<vmem>>, vector<1x1x16xf32>,
      } {sc.loop_unroll_factor = 4 : i64, sc.parallel_access}
      %parallel_loop3A_88 = arith.constant 0 : i32
      %parallel_loop3A_89 = arith.constant 24 : i32
      %parallel_loop3A_90 = arith.constant 1 : i32
      scf.for %parallel_loop3A_207 = %parallel_loop3A_88 to %parallel_loop3A_89 step %parallel_loop3A_90  : i32 {
        %parallel_loop3A_208 = arith.constant 16 : i32
        %parallel_loop3A_209 = arith.muli %parallel_loop3A_207, %parallel_loop3A_208 : i32
        %parallel_loop3A_210 = vector.extract_strided_slice %get3A_85 {offsets = [1], sizes = [1], strides = [1]} : vector<16xi32> to vector<1xi32>
        %parallel_loop3A_211 = vector.extract %parallel_loop3A_210[0] : i32 from vector<1xi32>
        %parallel_loop3A_212 = arith.index_cast %parallel_loop3A_211 : i32 to index
        %parallel_loop3A_213 = arith.index_cast %parallel_loop3A_209 : i32 to index
        %parallel_loop3A_214 = tpu.vector_load %arg7[%parallel_loop3A_212, %parallel_loop3A_213] {strides = array<i32>} : memref<140x384xi32, #tpu.memory_space<vmem>>, vector<1x16xi32>,
        %parallel_loop3A_215 = vector.shape_cast %parallel_loop3A_214 : vector<1x16xi32> to vector<16xi32>
        %parallel_loop3A_216 = arith.constant 16 : i32
        %parallel_loop3A_217 = vector.broadcast %parallel_loop3A_216 : i32 to vector<16xi32>
        %parallel_loop3A_218 = arith.shli %parallel_loop3A_215, %parallel_loop3A_217 : vector<16xi32>
        %parallel_loop3A_219 = tpu.bitcast %parallel_loop3A_218 : vector<16xi32> -> vector<16xf32>
        %parallel_loop3A_220 = tpu.bitcast %parallel_loop3A_215 : vector<16xi32> -> vector<16xf32>
        %parallel_loop3A_221 = vector.extract_strided_slice %add3A_80 {offsets = [1], sizes = [1], strides = [1]} : vector<16xi32> to vector<1xi32>
        %parallel_loop3A_222 = vector.extract %parallel_loop3A_221[0] : i32 from vector<1xi32>
        %parallel_loop3A_223 = arith.index_cast %parallel_loop3A_222 : i32 to index
        %parallel_loop3A_224 = arith.index_cast %parallel_loop3A_209 : i32 to index
        %parallel_loop3A_225 = tpu.vector_load %arg7[%parallel_loop3A_223, %parallel_loop3A_224] {strides = array<i32>} : memref<140x384xi32, #tpu.memory_space<vmem>>, vector<1x16xi32>,
        %parallel_loop3A_226 = vector.shape_cast %parallel_loop3A_225 : vector<1x16xi32> to vector<16xi32>
        %parallel_loop3A_227 = arith.constant 16 : i32
        %parallel_loop3A_228 = vector.broadcast %parallel_loop3A_227 : i32 to vector<16xi32>
        %parallel_loop3A_229 = arith.shli %parallel_loop3A_226, %parallel_loop3A_228 : vector<16xi32>
        %parallel_loop3A_230 = tpu.bitcast %parallel_loop3A_229 : vector<16xi32> -> vector<16xf32>
        %parallel_loop3A_231 = tpu.bitcast %parallel_loop3A_226 : vector<16xi32> -> vector<16xf32>
        %parallel_loop3A_232 = vector.extract_strided_slice %add3A_72 {offsets = [1], sizes = [1], strides = [1]} : vector<16xi32> to vector<1xi32>
        %parallel_loop3A_233 = vector.extract %parallel_loop3A_232[0] : i32 from vector<1xi32>
        %parallel_loop3A_234 = arith.index_cast %parallel_loop3A_233 : i32 to index
        %parallel_loop3A_235 = arith.index_cast %parallel_loop3A_209 : i32 to index
        %parallel_loop3A_236 = tpu.vector_load %arg7[%parallel_loop3A_234, %parallel_loop3A_235] {strides = array<i32>} : memref<140x384xi32, #tpu.memory_space<vmem>>, vector<1x16xi32>,
        %parallel_loop3A_237 = vector.shape_cast %parallel_loop3A_236 : vector<1x16xi32> to vector<16xi32>
        %parallel_loop3A_238 = arith.constant 16 : i32
        %parallel_loop3A_239 = vector.broadcast %parallel_loop3A_238 : i32 to vector<16xi32>
        %parallel_loop3A_240 = arith.shli %parallel_loop3A_237, %parallel_loop3A_239 : vector<16xi32>
        %parallel_loop3A_241 = tpu.bitcast %parallel_loop3A_240 : vector<16xi32> -> vector<16xf32>
        %parallel_loop3A_242 = tpu.bitcast %parallel_loop3A_237 : vector<16xi32> -> vector<16xf32>
        %parallel_loop3A_243 = arith.addf %parallel_loop3A_219, %parallel_loop3A_230 : vector<16xf32>
        %parallel_loop3A_244 = arith.addf %parallel_loop3A_243, %parallel_loop3A_241 : vector<16xf32>
        %parallel_loop3A_245 = arith.constant 2 : i32
        %parallel_loop3A_246 = arith.muli %parallel_loop3A_207, %parallel_loop3A_245 : i32
        %parallel_loop3A_247 = arith.constant 16 : i32
        %parallel_loop3A_248 = arith.muli %parallel_loop3A_246, %parallel_loop3A_247 : i32
        %parallel_loop3A_249 = arith.constant 0 : i32
        %parallel_loop3A_250 = arith.constant 1 : i32
        %parallel_loop3A_251 = arith.index_cast %parallel_loop3A_249 : i32 to index
        %parallel_loop3A_252 = arith.index_cast %parallel_loop3A_250 : i32 to index
        %parallel_loop3A_253 = arith.index_cast %parallel_loop3A_248 : i32 to index
        %parallel_loop3A_254 = tpu.vector_load %arg9[%parallel_loop3A_251, %parallel_loop3A_252, %parallel_loop3A_253] {strides = array<i32>} : memref<2x8x768xf32, #tpu.memory_space<vmem>>, vector<1x1x16xf32>,
        %parallel_loop3A_255 = vector.shape_cast %parallel_loop3A_254 : vector<1x1x16xf32> to vector<16xf32>
        %parallel_loop3A_256 = vector.shape_cast %parallel_loop3A_244 : vector<16xf32> to vector<1x1x16xf32>
        tpu.vector_store %arg9[%parallel_loop3A_251, %parallel_loop3A_252, %parallel_loop3A_253], %parallel_loop3A_256 {strides = array<i32>} : memref<2x8x768xf32, #tpu.memory_space<vmem>>, vector<1x1x16xf32>,
        %parallel_loop3A_257 = arith.addf %parallel_loop3A_220, %parallel_loop3A_231 : vector<16xf32>
        %parallel_loop3A_258 = arith.addf %parallel_loop3A_257, %parallel_loop3A_242 : vector<16xf32>
        %parallel_loop3A_259 = arith.constant 2 : i32
        %parallel_loop3A_260 = arith.muli %parallel_loop3A_207, %parallel_loop3A_259 : i32
        %parallel_loop3A_261 = arith.constant 16 : i32
        %parallel_loop3A_262 = arith.muli %parallel_loop3A_260, %parallel_loop3A_261 : i32
        %parallel_loop3A_263 = arith.constant 16 : i32
        %parallel_loop3A_264 = arith.addi %parallel_loop3A_262, %parallel_loop3A_263 : i32
        %parallel_loop3A_265 = arith.constant 0 : i32
        %parallel_loop3A_266 = arith.constant 1 : i32
        %parallel_loop3A_267 = arith.index_cast %parallel_loop3A_265 : i32 to index
        %parallel_loop3A_268 = arith.index_cast %parallel_loop3A_266 : i32 to index
        %parallel_loop3A_269 = arith.index_cast %parallel_loop3A_264 : i32 to index
        %parallel_loop3A_270 = tpu.vector_load %arg9[%parallel_loop3A_267, %parallel_loop3A_268, %parallel_loop3A_269] {strides = array<i32>} : memref<2x8x768xf32, #tpu.memory_space<vmem>>, vector<1x1x16xf32>,
        %parallel_loop3A_271 = vector.shape_cast %parallel_loop3A_270 : vector<1x1x16xf32> to vector<16xf32>
        %parallel_loop3A_272 = vector.shape_cast %parallel_loop3A_258 : vector<16xf32> to vector<1x1x16xf32>
        tpu.vector_store %arg9[%parallel_loop3A_267, %parallel_loop3A_268, %parallel_loop3A_269], %parallel_loop3A_272 {strides = array<i32>} : memref<2x8x768xf32, #tpu.memory_space<vmem>>, vector<1x1x16xf32>,
      } {sc.loop_unroll_factor = 4 : i64, sc.parallel_access}
      %parallel_loop3A_91 = arith.constant 0 : i32
      %parallel_loop3A_92 = arith.constant 24 : i32
      %parallel_loop3A_93 = arith.constant 1 : i32
      scf.for %parallel_loop3A_207 = %parallel_loop3A_91 to %parallel_loop3A_92 step %parallel_loop3A_93  : i32 {
        %parallel_loop3A_208 = arith.constant 16 : i32
        %parallel_loop3A_209 = arith.muli %parallel_loop3A_207, %parallel_loop3A_208 : i32
        %parallel_loop3A_210 = vector.extract_strided_slice %get3A_85 {offsets = [2], sizes = [1], strides = [1]} : vector<16xi32> to vector<1xi32>
        %parallel_loop3A_211 = vector.extract %parallel_loop3A_210[0] : i32 from vector<1xi32>
        %parallel_loop3A_212 = arith.index_cast %parallel_loop3A_211 : i32 to index
        %parallel_loop3A_213 = arith.index_cast %parallel_loop3A_209 : i32 to index
        %parallel_loop3A_214 = tpu.vector_load %arg7[%parallel_loop3A_212, %parallel_loop3A_213] {strides = array<i32>} : memref<140x384xi32, #tpu.memory_space<vmem>>, vector<1x16xi32>,
        %parallel_loop3A_215 = vector.shape_cast %parallel_loop3A_214 : vector<1x16xi32> to vector<16xi32>
        %parallel_loop3A_216 = arith.constant 16 : i32
        %parallel_loop3A_217 = vector.broadcast %parallel_loop3A_216 : i32 to vector<16xi32>
        %parallel_loop3A_218 = arith.shli %parallel_loop3A_215, %parallel_loop3A_217 : vector<16xi32>
        %parallel_loop3A_219 = tpu.bitcast %parallel_loop3A_218 : vector<16xi32> -> vector<16xf32>
        %parallel_loop3A_220 = tpu.bitcast %parallel_loop3A_215 : vector<16xi32> -> vector<16xf32>
        %parallel_loop3A_221 = vector.extract_strided_slice %add3A_80 {offsets = [2], sizes = [1], strides = [1]} : vector<16xi32> to vector<1xi32>
        %parallel_loop3A_222 = vector.extract %parallel_loop3A_221[0] : i32 from vector<1xi32>
        %parallel_loop3A_223 = arith.index_cast %parallel_loop3A_222 : i32 to index
        %parallel_loop3A_224 = arith.index_cast %parallel_loop3A_209 : i32 to index
        %parallel_loop3A_225 = tpu.vector_load %arg7[%parallel_loop3A_223, %parallel_loop3A_224] {strides = array<i32>} : memref<140x384xi32, #tpu.memory_space<vmem>>, vector<1x16xi32>,
        %parallel_loop3A_226 = vector.shape_cast %parallel_loop3A_225 : vector<1x16xi32> to vector<16xi32>
        %parallel_loop3A_227 = arith.constant 16 : i32
        %parallel_loop3A_228 = vector.broadcast %parallel_loop3A_227 : i32 to vector<16xi32>
        %parallel_loop3A_229 = arith.shli %parallel_loop3A_226, %parallel_loop3A_228 : vector<16xi32>
        %parallel_loop3A_230 = tpu.bitcast %parallel_loop3A_229 : vector<16xi32> -> vector<16xf32>
        %parallel_loop3A_231 = tpu.bitcast %parallel_loop3A_226 : vector<16xi32> -> vector<16xf32>
        %parallel_loop3A_232 = vector.extract_strided_slice %add3A_72 {offsets = [2], sizes = [1], strides = [1]} : vector<16xi32> to vector<1xi32>
        %parallel_loop3A_233 = vector.extract %parallel_loop3A_232[0] : i32 from vector<1xi32>
        %parallel_loop3A_234 = arith.index_cast %parallel_loop3A_233 : i32 to index
        %parallel_loop3A_235 = arith.index_cast %parallel_loop3A_209 : i32 to index
        %parallel_loop3A_236 = tpu.vector_load %arg7[%parallel_loop3A_234, %parallel_loop3A_235] {strides = array<i32>} : memref<140x384xi32, #tpu.memory_space<vmem>>, vector<1x16xi32>,
        %parallel_loop3A_237 = vector.shape_cast %parallel_loop3A_236 : vector<1x16xi32> to vector<16xi32>
        %parallel_loop3A_238 = arith.constant 16 : i32
        %parallel_loop3A_239 = vector.broadcast %parallel_loop3A_238 : i32 to vector<16xi32>
        %parallel_loop3A_240 = arith.shli %parallel_loop3A_237, %parallel_loop3A_239 : vector<16xi32>
        %parallel_loop3A_241 = tpu.bitcast %parallel_loop3A_240 : vector<16xi32> -> vector<16xf32>
        %parallel_loop3A_242 = tpu.bitcast %parallel_loop3A_237 : vector<16xi32> -> vector<16xf32>
        %parallel_loop3A_243 = arith.addf %parallel_loop3A_219, %parallel_loop3A_230 : vector<16xf32>
        %parallel_loop3A_244 = arith.addf %parallel_loop3A_243, %parallel_loop3A_241 : vector<16xf32>
        %parallel_loop3A_245 = arith.constant 2 : i32
        %parallel_loop3A_246 = arith.muli %parallel_loop3A_207, %parallel_loop3A_245 : i32
        %parallel_loop3A_247 = arith.constant 16 : i32
        %parallel_loop3A_248 = arith.muli %parallel_loop3A_246, %parallel_loop3A_247 : i32
        %parallel_loop3A_249 = arith.constant 0 : i32
        %parallel_loop3A_250 = arith.constant 2 : i32
        %parallel_loop3A_251 = arith.index_cast %parallel_loop3A_249 : i32 to index
        %parallel_loop3A_252 = arith.index_cast %parallel_loop3A_250 : i32 to index
        %parallel_loop3A_253 = arith.index_cast %parallel_loop3A_248 : i32 to index
        %parallel_loop3A_254 = tpu.vector_load %arg9[%parallel_loop3A_251, %parallel_loop3A_252, %parallel_loop3A_253] {strides = array<i32>} : memref<2x8x768xf32, #tpu.memory_space<vmem>>, vector<1x1x16xf32>,
        %parallel_loop3A_255 = vector.shape_cast %parallel_loop3A_254 : vector<1x1x16xf32> to vector<16xf32>
        %parallel_loop3A_256 = vector.shape_cast %parallel_loop3A_244 : vector<16xf32> to vector<1x1x16xf32>
        tpu.vector_store %arg9[%parallel_loop3A_251, %parallel_loop3A_252, %parallel_loop3A_253], %parallel_loop3A_256 {strides = array<i32>} : memref<2x8x768xf32, #tpu.memory_space<vmem>>, vector<1x1x16xf32>,
        %parallel_loop3A_257 = arith.addf %parallel_loop3A_220, %parallel_loop3A_231 : vector<16xf32>
        %parallel_loop3A_258 = arith.addf %parallel_loop3A_257, %parallel_loop3A_242 : vector<16xf32>
        %parallel_loop3A_259 = arith.constant 2 : i32
        %parallel_loop3A_260 = arith.muli %parallel_loop3A_207, %parallel_loop3A_259 : i32
        %parallel_loop3A_261 = arith.constant 16 : i32
        %parallel_loop3A_262 = arith.muli %parallel_loop3A_260, %parallel_loop3A_261 : i32
        %parallel_loop3A_263 = arith.constant 16 : i32
        %parallel_loop3A_264 = arith.addi %parallel_loop3A_262, %parallel_loop3A_263 : i32
        %parallel_loop3A_265 = arith.constant 0 : i32
        %parallel_loop3A_266 = arith.constant 2 : i32
        %parallel_loop3A_267 = arith.index_cast %parallel_loop3A_265 : i32 to index
        %parallel_loop3A_268 = arith.index_cast %parallel_loop3A_266 : i32 to index
        %parallel_loop3A_269 = arith.index_cast %parallel_loop3A_264 : i32 to index
        %parallel_loop3A_270 = tpu.vector_load %arg9[%parallel_loop3A_267, %parallel_loop3A_268, %parallel_loop3A_269] {strides = array<i32>} : memref<2x8x768xf32, #tpu.memory_space<vmem>>, vector<1x1x16xf32>,
        %parallel_loop3A_271 = vector.shape_cast %parallel_loop3A_270 : vector<1x1x16xf32> to vector<16xf32>
        %parallel_loop3A_272 = vector.shape_cast %parallel_loop3A_258 : vector<16xf32> to vector<1x1x16xf32>
        tpu.vector_store %arg9[%parallel_loop3A_267, %parallel_loop3A_268, %parallel_loop3A_269], %parallel_loop3A_272 {strides = array<i32>} : memref<2x8x768xf32, #tpu.memory_space<vmem>>, vector<1x1x16xf32>,
      } {sc.loop_unroll_factor = 4 : i64, sc.parallel_access}
      %parallel_loop3A_94 = arith.constant 0 : i32
      %parallel_loop3A_95 = arith.constant 24 : i32
      %parallel_loop3A_96 = arith.constant 1 : i32
      scf.for %parallel_loop3A_207 = %parallel_loop3A_94 to %parallel_loop3A_95 step %parallel_loop3A_96  : i32 {
        %parallel_loop3A_208 = arith.constant 16 : i32
        %parallel_loop3A_209 = arith.muli %parallel_loop3A_207, %parallel_loop3A_208 : i32
        %parallel_loop3A_210 = vector.extract_strided_slice %get3A_85 {offsets = [3], sizes = [1], strides = [1]} : vector<16xi32> to vector<1xi32>
        %parallel_loop3A_211 = vector.extract %parallel_loop3A_210[0] : i32 from vector<1xi32>
        %parallel_loop3A_212 = arith.index_cast %parallel_loop3A_211 : i32 to index
        %parallel_loop3A_213 = arith.index_cast %parallel_loop3A_209 : i32 to index
        %parallel_loop3A_214 = tpu.vector_load %arg7[%parallel_loop3A_212, %parallel_loop3A_213] {strides = array<i32>} : memref<140x384xi32, #tpu.memory_space<vmem>>, vector<1x16xi32>,
        %parallel_loop3A_215 = vector.shape_cast %parallel_loop3A_214 : vector<1x16xi32> to vector<16xi32>
        %parallel_loop3A_216 = arith.constant 16 : i32
        %parallel_loop3A_217 = vector.broadcast %parallel_loop3A_216 : i32 to vector<16xi32>
        %parallel_loop3A_218 = arith.shli %parallel_loop3A_215, %parallel_loop3A_217 : vector<16xi32>
        %parallel_loop3A_219 = tpu.bitcast %parallel_loop3A_218 : vector<16xi32> -> vector<16xf32>
        %parallel_loop3A_220 = tpu.bitcast %parallel_loop3A_215 : vector<16xi32> -> vector<16xf32>
        %parallel_loop3A_221 = vector.extract_strided_slice %add3A_80 {offsets = [3], sizes = [1], strides = [1]} : vector<16xi32> to vector<1xi32>
        %parallel_loop3A_222 = vector.extract %parallel_loop3A_221[0] : i32 from vector<1xi32>
        %parallel_loop3A_223 = arith.index_cast %parallel_loop3A_222 : i32 to index
        %parallel_loop3A_224 = arith.index_cast %parallel_loop3A_209 : i32 to index
        %parallel_loop3A_225 = tpu.vector_load %arg7[%parallel_loop3A_223, %parallel_loop3A_224] {strides = array<i32>} : memref<140x384xi32, #tpu.memory_space<vmem>>, vector<1x16xi32>,
        %parallel_loop3A_226 = vector.shape_cast %parallel_loop3A_225 : vector<1x16xi32> to vector<16xi32>
        %parallel_loop3A_227 = arith.constant 16 : i32
        %parallel_loop3A_228 = vector.broadcast %parallel_loop3A_227 : i32 to vector<16xi32>
        %parallel_loop3A_229 = arith.shli %parallel_loop3A_226, %parallel_loop3A_228 : vector<16xi32>
        %parallel_loop3A_230 = tpu.bitcast %parallel_loop3A_229 : vector<16xi32> -> vector<16xf32>
        %parallel_loop3A_231 = tpu.bitcast %parallel_loop3A_226 : vector<16xi32> -> vector<16xf32>
        %parallel_loop3A_232 = vector.extract_strided_slice %add3A_72 {offsets = [3], sizes = [1], strides = [1]} : vector<16xi32> to vector<1xi32>
        %parallel_loop3A_233 = vector.extract %parallel_loop3A_232[0] : i32 from vector<1xi32>
        %parallel_loop3A_234 = arith.index_cast %parallel_loop3A_233 : i32 to index
        %parallel_loop3A_235 = arith.index_cast %parallel_loop3A_209 : i32 to index
        %parallel_loop3A_236 = tpu.vector_load %arg7[%parallel_loop3A_234, %parallel_loop3A_235] {strides = array<i32>} : memref<140x384xi32, #tpu.memory_space<vmem>>, vector<1x16xi32>,
        %parallel_loop3A_237 = vector.shape_cast %parallel_loop3A_236 : vector<1x16xi32> to vector<16xi32>
        %parallel_loop3A_238 = arith.constant 16 : i32
        %parallel_loop3A_239 = vector.broadcast %parallel_loop3A_238 : i32 to vector<16xi32>
        %parallel_loop3A_240 = arith.shli %parallel_loop3A_237, %parallel_loop3A_239 : vector<16xi32>
        %parallel_loop3A_241 = tpu.bitcast %parallel_loop3A_240 : vector<16xi32> -> vector<16xf32>
        %parallel_loop3A_242 = tpu.bitcast %parallel_loop3A_237 : vector<16xi32> -> vector<16xf32>
        %parallel_loop3A_243 = arith.addf %parallel_loop3A_219, %parallel_loop3A_230 : vector<16xf32>
        %parallel_loop3A_244 = arith.addf %parallel_loop3A_243, %parallel_loop3A_241 : vector<16xf32>
        %parallel_loop3A_245 = arith.constant 2 : i32
        %parallel_loop3A_246 = arith.muli %parallel_loop3A_207, %parallel_loop3A_245 : i32
        %parallel_loop3A_247 = arith.constant 16 : i32
        %parallel_loop3A_248 = arith.muli %parallel_loop3A_246, %parallel_loop3A_247 : i32
        %parallel_loop3A_249 = arith.constant 0 : i32
        %parallel_loop3A_250 = arith.constant 3 : i32
        %parallel_loop3A_251 = arith.index_cast %parallel_loop3A_249 : i32 to index
        %parallel_loop3A_252 = arith.index_cast %parallel_loop3A_250 : i32 to index
        %parallel_loop3A_253 = arith.index_cast %parallel_loop3A_248 : i32 to index
        %parallel_loop3A_254 = tpu.vector_load %arg9[%parallel_loop3A_251, %parallel_loop3A_252, %parallel_loop3A_253] {strides = array<i32>} : memref<2x8x768xf32, #tpu.memory_space<vmem>>, vector<1x1x16xf32>,
        %parallel_loop3A_255 = vector.shape_cast %parallel_loop3A_254 : vector<1x1x16xf32> to vector<16xf32>
        %parallel_loop3A_256 = vector.shape_cast %parallel_loop3A_244 : vector<16xf32> to vector<1x1x16xf32>
        tpu.vector_store %arg9[%parallel_loop3A_251, %parallel_loop3A_252, %parallel_loop3A_253], %parallel_loop3A_256 {strides = array<i32>} : memref<2x8x768xf32, #tpu.memory_space<vmem>>, vector<1x1x16xf32>,
        %parallel_loop3A_257 = arith.addf %parallel_loop3A_220, %parallel_loop3A_231 : vector<16xf32>
        %parallel_loop3A_258 = arith.addf %parallel_loop3A_257, %parallel_loop3A_242 : vector<16xf32>
        %parallel_loop3A_259 = arith.constant 2 : i32
        %parallel_loop3A_260 = arith.muli %parallel_loop3A_207, %parallel_loop3A_259 : i32
        %parallel_loop3A_261 = arith.constant 16 : i32
        %parallel_loop3A_262 = arith.muli %parallel_loop3A_260, %parallel_loop3A_261 : i32
        %parallel_loop3A_263 = arith.constant 16 : i32
        %parallel_loop3A_264 = arith.addi %parallel_loop3A_262, %parallel_loop3A_263 : i32
        %parallel_loop3A_265 = arith.constant 0 : i32
        %parallel_loop3A_266 = arith.constant 3 : i32
        %parallel_loop3A_267 = arith.index_cast %parallel_loop3A_265 : i32 to index
        %parallel_loop3A_268 = arith.index_cast %parallel_loop3A_266 : i32 to index
        %parallel_loop3A_269 = arith.index_cast %parallel_loop3A_264 : i32 to index
        %parallel_loop3A_270 = tpu.vector_load %arg9[%parallel_loop3A_267, %parallel_loop3A_268, %parallel_loop3A_269] {strides = array<i32>} : memref<2x8x768xf32, #tpu.memory_space<vmem>>, vector<1x1x16xf32>,
        %parallel_loop3A_271 = vector.shape_cast %parallel_loop3A_270 : vector<1x1x16xf32> to vector<16xf32>
        %parallel_loop3A_272 = vector.shape_cast %parallel_loop3A_258 : vector<16xf32> to vector<1x1x16xf32>
        tpu.vector_store %arg9[%parallel_loop3A_267, %parallel_loop3A_268, %parallel_loop3A_269], %parallel_loop3A_272 {strides = array<i32>} : memref<2x8x768xf32, #tpu.memory_space<vmem>>, vector<1x1x16xf32>,
      } {sc.loop_unroll_factor = 4 : i64, sc.parallel_access}
      %parallel_loop3A_97 = arith.constant 0 : i32
      %parallel_loop3A_98 = arith.constant 24 : i32
      %parallel_loop3A_99 = arith.constant 1 : i32
      scf.for %parallel_loop3A_207 = %parallel_loop3A_97 to %parallel_loop3A_98 step %parallel_loop3A_99  : i32 {
        %parallel_loop3A_208 = arith.constant 16 : i32
        %parallel_loop3A_209 = arith.muli %parallel_loop3A_207, %parallel_loop3A_208 : i32
        %parallel_loop3A_210 = vector.extract_strided_slice %get3A_85 {offsets = [4], sizes = [1], strides = [1]} : vector<16xi32> to vector<1xi32>
        %parallel_loop3A_211 = vector.extract %parallel_loop3A_210[0] : i32 from vector<1xi32>
        %parallel_loop3A_212 = arith.index_cast %parallel_loop3A_211 : i32 to index
        %parallel_loop3A_213 = arith.index_cast %parallel_loop3A_209 : i32 to index
        %parallel_loop3A_214 = tpu.vector_load %arg7[%parallel_loop3A_212, %parallel_loop3A_213] {strides = array<i32>} : memref<140x384xi32, #tpu.memory_space<vmem>>, vector<1x16xi32>,
        %parallel_loop3A_215 = vector.shape_cast %parallel_loop3A_214 : vector<1x16xi32> to vector<16xi32>
        %parallel_loop3A_216 = arith.constant 16 : i32
        %parallel_loop3A_217 = vector.broadcast %parallel_loop3A_216 : i32 to vector<16xi32>
        %parallel_loop3A_218 = arith.shli %parallel_loop3A_215, %parallel_loop3A_217 : vector<16xi32>
        %parallel_loop3A_219 = tpu.bitcast %parallel_loop3A_218 : vector<16xi32> -> vector<16xf32>
        %parallel_loop3A_220 = tpu.bitcast %parallel_loop3A_215 : vector<16xi32> -> vector<16xf32>
        %parallel_loop3A_221 = vector.extract_strided_slice %add3A_80 {offsets = [4], sizes = [1], strides = [1]} : vector<16xi32> to vector<1xi32>
        %parallel_loop3A_222 = vector.extract %parallel_loop3A_221[0] : i32 from vector<1xi32>
        %parallel_loop3A_223 = arith.index_cast %parallel_loop3A_222 : i32 to index
        %parallel_loop3A_224 = arith.index_cast %parallel_loop3A_209 : i32 to index
        %parallel_loop3A_225 = tpu.vector_load %arg7[%parallel_loop3A_223, %parallel_loop3A_224] {strides = array<i32>} : memref<140x384xi32, #tpu.memory_space<vmem>>, vector<1x16xi32>,
        %parallel_loop3A_226 = vector.shape_cast %parallel_loop3A_225 : vector<1x16xi32> to vector<16xi32>
        %parallel_loop3A_227 = arith.constant 16 : i32
        %parallel_loop3A_228 = vector.broadcast %parallel_loop3A_227 : i32 to vector<16xi32>
        %parallel_loop3A_229 = arith.shli %parallel_loop3A_226, %parallel_loop3A_228 : vector<16xi32>
        %parallel_loop3A_230 = tpu.bitcast %parallel_loop3A_229 : vector<16xi32> -> vector<16xf32>
        %parallel_loop3A_231 = tpu.bitcast %parallel_loop3A_226 : vector<16xi32> -> vector<16xf32>
        %parallel_loop3A_232 = vector.extract_strided_slice %add3A_72 {offsets = [4], sizes = [1], strides = [1]} : vector<16xi32> to vector<1xi32>
        %parallel_loop3A_233 = vector.extract %parallel_loop3A_232[0] : i32 from vector<1xi32>
        %parallel_loop3A_234 = arith.index_cast %parallel_loop3A_233 : i32 to index
        %parallel_loop3A_235 = arith.index_cast %parallel_loop3A_209 : i32 to index
        %parallel_loop3A_236 = tpu.vector_load %arg7[%parallel_loop3A_234, %parallel_loop3A_235] {strides = array<i32>} : memref<140x384xi32, #tpu.memory_space<vmem>>, vector<1x16xi32>,
        %parallel_loop3A_237 = vector.shape_cast %parallel_loop3A_236 : vector<1x16xi32> to vector<16xi32>
        %parallel_loop3A_238 = arith.constant 16 : i32
        %parallel_loop3A_239 = vector.broadcast %parallel_loop3A_238 : i32 to vector<16xi32>
        %parallel_loop3A_240 = arith.shli %parallel_loop3A_237, %parallel_loop3A_239 : vector<16xi32>
        %parallel_loop3A_241 = tpu.bitcast %parallel_loop3A_240 : vector<16xi32> -> vector<16xf32>
        %parallel_loop3A_242 = tpu.bitcast %parallel_loop3A_237 : vector<16xi32> -> vector<16xf32>
        %parallel_loop3A_243 = arith.addf %parallel_loop3A_219, %parallel_loop3A_230 : vector<16xf32>
        %parallel_loop3A_244 = arith.addf %parallel_loop3A_243, %parallel_loop3A_241 : vector<16xf32>
        %parallel_loop3A_245 = arith.constant 2 : i32
        %parallel_loop3A_246 = arith.muli %parallel_loop3A_207, %parallel_loop3A_245 : i32
        %parallel_loop3A_247 = arith.constant 16 : i32
        %parallel_loop3A_248 = arith.muli %parallel_loop3A_246, %parallel_loop3A_247 : i32
        %parallel_loop3A_249 = arith.constant 0 : i32
        %parallel_loop3A_250 = arith.constant 4 : i32
        %parallel_loop3A_251 = arith.index_cast %parallel_loop3A_249 : i32 to index
        %parallel_loop3A_252 = arith.index_cast %parallel_loop3A_250 : i32 to index
        %parallel_loop3A_253 = arith.index_cast %parallel_loop3A_248 : i32 to index
        %parallel_loop3A_254 = tpu.vector_load %arg9[%parallel_loop3A_251, %parallel_loop3A_252, %parallel_loop3A_253] {strides = array<i32>} : memref<2x8x768xf32, #tpu.memory_space<vmem>>, vector<1x1x16xf32>,
        %parallel_loop3A_255 = vector.shape_cast %parallel_loop3A_254 : vector<1x1x16xf32> to vector<16xf32>
        %parallel_loop3A_256 = vector.shape_cast %parallel_loop3A_244 : vector<16xf32> to vector<1x1x16xf32>
        tpu.vector_store %arg9[%parallel_loop3A_251, %parallel_loop3A_252, %parallel_loop3A_253], %parallel_loop3A_256 {strides = array<i32>} : memref<2x8x768xf32, #tpu.memory_space<vmem>>, vector<1x1x16xf32>,
        %parallel_loop3A_257 = arith.addf %parallel_loop3A_220, %parallel_loop3A_231 : vector<16xf32>
        %parallel_loop3A_258 = arith.addf %parallel_loop3A_257, %parallel_loop3A_242 : vector<16xf32>
        %parallel_loop3A_259 = arith.constant 2 : i32
        %parallel_loop3A_260 = arith.muli %parallel_loop3A_207, %parallel_loop3A_259 : i32
        %parallel_loop3A_261 = arith.constant 16 : i32
        %parallel_loop3A_262 = arith.muli %parallel_loop3A_260, %parallel_loop3A_261 : i32
        %parallel_loop3A_263 = arith.constant 16 : i32
        %parallel_loop3A_264 = arith.addi %parallel_loop3A_262, %parallel_loop3A_263 : i32
        %parallel_loop3A_265 = arith.constant 0 : i32
        %parallel_loop3A_266 = arith.constant 4 : i32
        %parallel_loop3A_267 = arith.index_cast %parallel_loop3A_265 : i32 to index
        %parallel_loop3A_268 = arith.index_cast %parallel_loop3A_266 : i32 to index
        %parallel_loop3A_269 = arith.index_cast %parallel_loop3A_264 : i32 to index
        %parallel_loop3A_270 = tpu.vector_load %arg9[%parallel_loop3A_267, %parallel_loop3A_268, %parallel_loop3A_269] {strides = array<i32>} : memref<2x8x768xf32, #tpu.memory_space<vmem>>, vector<1x1x16xf32>,
        %parallel_loop3A_271 = vector.shape_cast %parallel_loop3A_270 : vector<1x1x16xf32> to vector<16xf32>
        %parallel_loop3A_272 = vector.shape_cast %parallel_loop3A_258 : vector<16xf32> to vector<1x1x16xf32>
        tpu.vector_store %arg9[%parallel_loop3A_267, %parallel_loop3A_268, %parallel_loop3A_269], %parallel_loop3A_272 {strides = array<i32>} : memref<2x8x768xf32, #tpu.memory_space<vmem>>, vector<1x1x16xf32>,
      } {sc.loop_unroll_factor = 4 : i64, sc.parallel_access}
      %parallel_loop3A_100 = arith.constant 0 : i32
      %parallel_loop3A_101 = arith.constant 24 : i32
      %parallel_loop3A_102 = arith.constant 1 : i32
      scf.for %parallel_loop3A_207 = %parallel_loop3A_100 to %parallel_loop3A_101 step %parallel_loop3A_102  : i32 {
        %parallel_loop3A_208 = arith.constant 16 : i32
        %parallel_loop3A_209 = arith.muli %parallel_loop3A_207, %parallel_loop3A_208 : i32
        %parallel_loop3A_210 = vector.extract_strided_slice %get3A_85 {offsets = [5], sizes = [1], strides = [1]} : vector<16xi32> to vector<1xi32>
        %parallel_loop3A_211 = vector.extract %parallel_loop3A_210[0] : i32 from vector<1xi32>
        %parallel_loop3A_212 = arith.index_cast %parallel_loop3A_211 : i32 to index
        %parallel_loop3A_213 = arith.index_cast %parallel_loop3A_209 : i32 to index
        %parallel_loop3A_214 = tpu.vector_load %arg7[%parallel_loop3A_212, %parallel_loop3A_213] {strides = array<i32>} : memref<140x384xi32, #tpu.memory_space<vmem>>, vector<1x16xi32>,
        %parallel_loop3A_215 = vector.shape_cast %parallel_loop3A_214 : vector<1x16xi32> to vector<16xi32>
        %parallel_loop3A_216 = arith.constant 16 : i32
        %parallel_loop3A_217 = vector.broadcast %parallel_loop3A_216 : i32 to vector<16xi32>
        %parallel_loop3A_218 = arith.shli %parallel_loop3A_215, %parallel_loop3A_217 : vector<16xi32>
        %parallel_loop3A_219 = tpu.bitcast %parallel_loop3A_218 : vector<16xi32> -> vector<16xf32>
        %parallel_loop3A_220 = tpu.bitcast %parallel_loop3A_215 : vector<16xi32> -> vector<16xf32>
        %parallel_loop3A_221 = vector.extract_strided_slice %add3A_80 {offsets = [5], sizes = [1], strides = [1]} : vector<16xi32> to vector<1xi32>
        %parallel_loop3A_222 = vector.extract %parallel_loop3A_221[0] : i32 from vector<1xi32>
        %parallel_loop3A_223 = arith.index_cast %parallel_loop3A_222 : i32 to index
        %parallel_loop3A_224 = arith.index_cast %parallel_loop3A_209 : i32 to index
        %parallel_loop3A_225 = tpu.vector_load %arg7[%parallel_loop3A_223, %parallel_loop3A_224] {strides = array<i32>} : memref<140x384xi32, #tpu.memory_space<vmem>>, vector<1x16xi32>,
        %parallel_loop3A_226 = vector.shape_cast %parallel_loop3A_225 : vector<1x16xi32> to vector<16xi32>
        %parallel_loop3A_227 = arith.constant 16 : i32
        %parallel_loop3A_228 = vector.broadcast %parallel_loop3A_227 : i32 to vector<16xi32>
        %parallel_loop3A_229 = arith.shli %parallel_loop3A_226, %parallel_loop3A_228 : vector<16xi32>
        %parallel_loop3A_230 = tpu.bitcast %parallel_loop3A_229 : vector<16xi32> -> vector<16xf32>
        %parallel_loop3A_231 = tpu.bitcast %parallel_loop3A_226 : vector<16xi32> -> vector<16xf32>
        %parallel_loop3A_232 = vector.extract_strided_slice %add3A_72 {offsets = [5], sizes = [1], strides = [1]} : vector<16xi32> to vector<1xi32>
        %parallel_loop3A_233 = vector.extract %parallel_loop3A_232[0] : i32 from vector<1xi32>
        %parallel_loop3A_234 = arith.index_cast %parallel_loop3A_233 : i32 to index
        %parallel_loop3A_235 = arith.index_cast %parallel_loop3A_209 : i32 to index
        %parallel_loop3A_236 = tpu.vector_load %arg7[%parallel_loop3A_234, %parallel_loop3A_235] {strides = array<i32>} : memref<140x384xi32, #tpu.memory_space<vmem>>, vector<1x16xi32>,
        %parallel_loop3A_237 = vector.shape_cast %parallel_loop3A_236 : vector<1x16xi32> to vector<16xi32>
        %parallel_loop3A_238 = arith.constant 16 : i32
        %parallel_loop3A_239 = vector.broadcast %parallel_loop3A_238 : i32 to vector<16xi32>
        %parallel_loop3A_240 = arith.shli %parallel_loop3A_237, %parallel_loop3A_239 : vector<16xi32>
        %parallel_loop3A_241 = tpu.bitcast %parallel_loop3A_240 : vector<16xi32> -> vector<16xf32>
        %parallel_loop3A_242 = tpu.bitcast %parallel_loop3A_237 : vector<16xi32> -> vector<16xf32>
        %parallel_loop3A_243 = arith.addf %parallel_loop3A_219, %parallel_loop3A_230 : vector<16xf32>
        %parallel_loop3A_244 = arith.addf %parallel_loop3A_243, %parallel_loop3A_241 : vector<16xf32>
        %parallel_loop3A_245 = arith.constant 2 : i32
        %parallel_loop3A_246 = arith.muli %parallel_loop3A_207, %parallel_loop3A_245 : i32
        %parallel_loop3A_247 = arith.constant 16 : i32
        %parallel_loop3A_248 = arith.muli %parallel_loop3A_246, %parallel_loop3A_247 : i32
        %parallel_loop3A_249 = arith.constant 0 : i32
        %parallel_loop3A_250 = arith.constant 5 : i32
        %parallel_loop3A_251 = arith.index_cast %parallel_loop3A_249 : i32 to index
        %parallel_loop3A_252 = arith.index_cast %parallel_loop3A_250 : i32 to index
        %parallel_loop3A_253 = arith.index_cast %parallel_loop3A_248 : i32 to index
        %parallel_loop3A_254 = tpu.vector_load %arg9[%parallel_loop3A_251, %parallel_loop3A_252, %parallel_loop3A_253] {strides = array<i32>} : memref<2x8x768xf32, #tpu.memory_space<vmem>>, vector<1x1x16xf32>,
        %parallel_loop3A_255 = vector.shape_cast %parallel_loop3A_254 : vector<1x1x16xf32> to vector<16xf32>
        %parallel_loop3A_256 = vector.shape_cast %parallel_loop3A_244 : vector<16xf32> to vector<1x1x16xf32>
        tpu.vector_store %arg9[%parallel_loop3A_251, %parallel_loop3A_252, %parallel_loop3A_253], %parallel_loop3A_256 {strides = array<i32>} : memref<2x8x768xf32, #tpu.memory_space<vmem>>, vector<1x1x16xf32>,
        %parallel_loop3A_257 = arith.addf %parallel_loop3A_220, %parallel_loop3A_231 : vector<16xf32>
        %parallel_loop3A_258 = arith.addf %parallel_loop3A_257, %parallel_loop3A_242 : vector<16xf32>
        %parallel_loop3A_259 = arith.constant 2 : i32
        %parallel_loop3A_260 = arith.muli %parallel_loop3A_207, %parallel_loop3A_259 : i32
        %parallel_loop3A_261 = arith.constant 16 : i32
        %parallel_loop3A_262 = arith.muli %parallel_loop3A_260, %parallel_loop3A_261 : i32
        %parallel_loop3A_263 = arith.constant 16 : i32
        %parallel_loop3A_264 = arith.addi %parallel_loop3A_262, %parallel_loop3A_263 : i32
        %parallel_loop3A_265 = arith.constant 0 : i32
        %parallel_loop3A_266 = arith.constant 5 : i32
        %parallel_loop3A_267 = arith.index_cast %parallel_loop3A_265 : i32 to index
        %parallel_loop3A_268 = arith.index_cast %parallel_loop3A_266 : i32 to index
        %parallel_loop3A_269 = arith.index_cast %parallel_loop3A_264 : i32 to index
        %parallel_loop3A_270 = tpu.vector_load %arg9[%parallel_loop3A_267, %parallel_loop3A_268, %parallel_loop3A_269] {strides = array<i32>} : memref<2x8x768xf32, #tpu.memory_space<vmem>>, vector<1x1x16xf32>,
        %parallel_loop3A_271 = vector.shape_cast %parallel_loop3A_270 : vector<1x1x16xf32> to vector<16xf32>
        %parallel_loop3A_272 = vector.shape_cast %parallel_loop3A_258 : vector<16xf32> to vector<1x1x16xf32>
        tpu.vector_store %arg9[%parallel_loop3A_267, %parallel_loop3A_268, %parallel_loop3A_269], %parallel_loop3A_272 {strides = array<i32>} : memref<2x8x768xf32, #tpu.memory_space<vmem>>, vector<1x1x16xf32>,
      } {sc.loop_unroll_factor = 4 : i64, sc.parallel_access}
      %parallel_loop3A_103 = arith.constant 0 : i32
      %parallel_loop3A_104 = arith.constant 24 : i32
      %parallel_loop3A_105 = arith.constant 1 : i32
      scf.for %parallel_loop3A_207 = %parallel_loop3A_103 to %parallel_loop3A_104 step %parallel_loop3A_105  : i32 {
        %parallel_loop3A_208 = arith.constant 16 : i32
        %parallel_loop3A_209 = arith.muli %parallel_loop3A_207, %parallel_loop3A_208 : i32
        %parallel_loop3A_210 = vector.extract_strided_slice %get3A_85 {offsets = [6], sizes = [1], strides = [1]} : vector<16xi32> to vector<1xi32>
        %parallel_loop3A_211 = vector.extract %parallel_loop3A_210[0] : i32 from vector<1xi32>
        %parallel_loop3A_212 = arith.index_cast %parallel_loop3A_211 : i32 to index
        %parallel_loop3A_213 = arith.index_cast %parallel_loop3A_209 : i32 to index
        %parallel_loop3A_214 = tpu.vector_load %arg7[%parallel_loop3A_212, %parallel_loop3A_213] {strides = array<i32>} : memref<140x384xi32, #tpu.memory_space<vmem>>, vector<1x16xi32>,
        %parallel_loop3A_215 = vector.shape_cast %parallel_loop3A_214 : vector<1x16xi32> to vector<16xi32>
        %parallel_loop3A_216 = arith.constant 16 : i32
        %parallel_loop3A_217 = vector.broadcast %parallel_loop3A_216 : i32 to vector<16xi32>
        %parallel_loop3A_218 = arith.shli %parallel_loop3A_215, %parallel_loop3A_217 : vector<16xi32>
        %parallel_loop3A_219 = tpu.bitcast %parallel_loop3A_218 : vector<16xi32> -> vector<16xf32>
        %parallel_loop3A_220 = tpu.bitcast %parallel_loop3A_215 : vector<16xi32> -> vector<16xf32>
        %parallel_loop3A_221 = vector.extract_strided_slice %add3A_80 {offsets = [6], sizes = [1], strides = [1]} : vector<16xi32> to vector<1xi32>
        %parallel_loop3A_222 = vector.extract %parallel_loop3A_221[0] : i32 from vector<1xi32>
        %parallel_loop3A_223 = arith.index_cast %parallel_loop3A_222 : i32 to index
        %parallel_loop3A_224 = arith.index_cast %parallel_loop3A_209 : i32 to index
        %parallel_loop3A_225 = tpu.vector_load %arg7[%parallel_loop3A_223, %parallel_loop3A_224] {strides = array<i32>} : memref<140x384xi32, #tpu.memory_space<vmem>>, vector<1x16xi32>,
        %parallel_loop3A_226 = vector.shape_cast %parallel_loop3A_225 : vector<1x16xi32> to vector<16xi32>
        %parallel_loop3A_227 = arith.constant 16 : i32
        %parallel_loop3A_228 = vector.broadcast %parallel_loop3A_227 : i32 to vector<16xi32>
        %parallel_loop3A_229 = arith.shli %parallel_loop3A_226, %parallel_loop3A_228 : vector<16xi32>
        %parallel_loop3A_230 = tpu.bitcast %parallel_loop3A_229 : vector<16xi32> -> vector<16xf32>
        %parallel_loop3A_231 = tpu.bitcast %parallel_loop3A_226 : vector<16xi32> -> vector<16xf32>
        %parallel_loop3A_232 = vector.extract_strided_slice %add3A_72 {offsets = [6], sizes = [1], strides = [1]} : vector<16xi32> to vector<1xi32>
        %parallel_loop3A_233 = vector.extract %parallel_loop3A_232[0] : i32 from vector<1xi32>
        %parallel_loop3A_234 = arith.index_cast %parallel_loop3A_233 : i32 to index
        %parallel_loop3A_235 = arith.index_cast %parallel_loop3A_209 : i32 to index
        %parallel_loop3A_236 = tpu.vector_load %arg7[%parallel_loop3A_234, %parallel_loop3A_235] {strides = array<i32>} : memref<140x384xi32, #tpu.memory_space<vmem>>, vector<1x16xi32>,
        %parallel_loop3A_237 = vector.shape_cast %parallel_loop3A_236 : vector<1x16xi32> to vector<16xi32>
        %parallel_loop3A_238 = arith.constant 16 : i32
        %parallel_loop3A_239 = vector.broadcast %parallel_loop3A_238 : i32 to vector<16xi32>
        %parallel_loop3A_240 = arith.shli %parallel_loop3A_237, %parallel_loop3A_239 : vector<16xi32>
        %parallel_loop3A_241 = tpu.bitcast %parallel_loop3A_240 : vector<16xi32> -> vector<16xf32>
        %parallel_loop3A_242 = tpu.bitcast %parallel_loop3A_237 : vector<16xi32> -> vector<16xf32>
        %parallel_loop3A_243 = arith.addf %parallel_loop3A_219, %parallel_loop3A_230 : vector<16xf32>
        %parallel_loop3A_244 = arith.addf %parallel_loop3A_243, %parallel_loop3A_241 : vector<16xf32>
        %parallel_loop3A_245 = arith.constant 2 : i32
        %parallel_loop3A_246 = arith.muli %parallel_loop3A_207, %parallel_loop3A_245 : i32
        %parallel_loop3A_247 = arith.constant 16 : i32
        %parallel_loop3A_248 = arith.muli %parallel_loop3A_246, %parallel_loop3A_247 : i32
        %parallel_loop3A_249 = arith.constant 0 : i32
        %parallel_loop3A_250 = arith.constant 6 : i32
        %parallel_loop3A_251 = arith.index_cast %parallel_loop3A_249 : i32 to index
        %parallel_loop3A_252 = arith.index_cast %parallel_loop3A_250 : i32 to index
        %parallel_loop3A_253 = arith.index_cast %parallel_loop3A_248 : i32 to index
        %parallel_loop3A_254 = tpu.vector_load %arg9[%parallel_loop3A_251, %parallel_loop3A_252, %parallel_loop3A_253] {strides = array<i32>} : memref<2x8x768xf32, #tpu.memory_space<vmem>>, vector<1x1x16xf32>,
        %parallel_loop3A_255 = vector.shape_cast %parallel_loop3A_254 : vector<1x1x16xf32> to vector<16xf32>
        %parallel_loop3A_256 = vector.shape_cast %parallel_loop3A_244 : vector<16xf32> to vector<1x1x16xf32>
        tpu.vector_store %arg9[%parallel_loop3A_251, %parallel_loop3A_252, %parallel_loop3A_253], %parallel_loop3A_256 {strides = array<i32>} : memref<2x8x768xf32, #tpu.memory_space<vmem>>, vector<1x1x16xf32>,
        %parallel_loop3A_257 = arith.addf %parallel_loop3A_220, %parallel_loop3A_231 : vector<16xf32>
        %parallel_loop3A_258 = arith.addf %parallel_loop3A_257, %parallel_loop3A_242 : vector<16xf32>
        %parallel_loop3A_259 = arith.constant 2 : i32
        %parallel_loop3A_260 = arith.muli %parallel_loop3A_207, %parallel_loop3A_259 : i32
        %parallel_loop3A_261 = arith.constant 16 : i32
        %parallel_loop3A_262 = arith.muli %parallel_loop3A_260, %parallel_loop3A_261 : i32
        %parallel_loop3A_263 = arith.constant 16 : i32
        %parallel_loop3A_264 = arith.addi %parallel_loop3A_262, %parallel_loop3A_263 : i32
        %parallel_loop3A_265 = arith.constant 0 : i32
        %parallel_loop3A_266 = arith.constant 6 : i32
        %parallel_loop3A_267 = arith.index_cast %parallel_loop3A_265 : i32 to index
        %parallel_loop3A_268 = arith.index_cast %parallel_loop3A_266 : i32 to index
        %parallel_loop3A_269 = arith.index_cast %parallel_loop3A_264 : i32 to index
        %parallel_loop3A_270 = tpu.vector_load %arg9[%parallel_loop3A_267, %parallel_loop3A_268, %parallel_loop3A_269] {strides = array<i32>} : memref<2x8x768xf32, #tpu.memory_space<vmem>>, vector<1x1x16xf32>,
        %parallel_loop3A_271 = vector.shape_cast %parallel_loop3A_270 : vector<1x1x16xf32> to vector<16xf32>
        %parallel_loop3A_272 = vector.shape_cast %parallel_loop3A_258 : vector<16xf32> to vector<1x1x16xf32>
        tpu.vector_store %arg9[%parallel_loop3A_267, %parallel_loop3A_268, %parallel_loop3A_269], %parallel_loop3A_272 {strides = array<i32>} : memref<2x8x768xf32, #tpu.memory_space<vmem>>, vector<1x1x16xf32>,
      } {sc.loop_unroll_factor = 4 : i64, sc.parallel_access}
      %parallel_loop3A_106 = arith.constant 0 : i32
      %parallel_loop3A_107 = arith.constant 24 : i32
      %parallel_loop3A_108 = arith.constant 1 : i32
      scf.for %parallel_loop3A_207 = %parallel_loop3A_106 to %parallel_loop3A_107 step %parallel_loop3A_108  : i32 {
        %parallel_loop3A_208 = arith.constant 16 : i32
        %parallel_loop3A_209 = arith.muli %parallel_loop3A_207, %parallel_loop3A_208 : i32
        %parallel_loop3A_210 = vector.extract_strided_slice %get3A_85 {offsets = [7], sizes = [1], strides = [1]} : vector<16xi32> to vector<1xi32>
        %parallel_loop3A_211 = vector.extract %parallel_loop3A_210[0] : i32 from vector<1xi32>
        %parallel_loop3A_212 = arith.index_cast %parallel_loop3A_211 : i32 to index
        %parallel_loop3A_213 = arith.index_cast %parallel_loop3A_209 : i32 to index
        %parallel_loop3A_214 = tpu.vector_load %arg7[%parallel_loop3A_212, %parallel_loop3A_213] {strides = array<i32>} : memref<140x384xi32, #tpu.memory_space<vmem>>, vector<1x16xi32>,
        %parallel_loop3A_215 = vector.shape_cast %parallel_loop3A_214 : vector<1x16xi32> to vector<16xi32>
        %parallel_loop3A_216 = arith.constant 16 : i32
        %parallel_loop3A_217 = vector.broadcast %parallel_loop3A_216 : i32 to vector<16xi32>
        %parallel_loop3A_218 = arith.shli %parallel_loop3A_215, %parallel_loop3A_217 : vector<16xi32>
        %parallel_loop3A_219 = tpu.bitcast %parallel_loop3A_218 : vector<16xi32> -> vector<16xf32>
        %parallel_loop3A_220 = tpu.bitcast %parallel_loop3A_215 : vector<16xi32> -> vector<16xf32>
        %parallel_loop3A_221 = vector.extract_strided_slice %add3A_80 {offsets = [7], sizes = [1], strides = [1]} : vector<16xi32> to vector<1xi32>
        %parallel_loop3A_222 = vector.extract %parallel_loop3A_221[0] : i32 from vector<1xi32>
        %parallel_loop3A_223 = arith.index_cast %parallel_loop3A_222 : i32 to index
        %parallel_loop3A_224 = arith.index_cast %parallel_loop3A_209 : i32 to index
        %parallel_loop3A_225 = tpu.vector_load %arg7[%parallel_loop3A_223, %parallel_loop3A_224] {strides = array<i32>} : memref<140x384xi32, #tpu.memory_space<vmem>>, vector<1x16xi32>,
        %parallel_loop3A_226 = vector.shape_cast %parallel_loop3A_225 : vector<1x16xi32> to vector<16xi32>
        %parallel_loop3A_227 = arith.constant 16 : i32
        %parallel_loop3A_228 = vector.broadcast %parallel_loop3A_227 : i32 to vector<16xi32>
        %parallel_loop3A_229 = arith.shli %parallel_loop3A_226, %parallel_loop3A_228 : vector<16xi32>
        %parallel_loop3A_230 = tpu.bitcast %parallel_loop3A_229 : vector<16xi32> -> vector<16xf32>
        %parallel_loop3A_231 = tpu.bitcast %parallel_loop3A_226 : vector<16xi32> -> vector<16xf32>
        %parallel_loop3A_232 = vector.extract_strided_slice %add3A_72 {offsets = [7], sizes = [1], strides = [1]} : vector<16xi32> to vector<1xi32>
        %parallel_loop3A_233 = vector.extract %parallel_loop3A_232[0] : i32 from vector<1xi32>
        %parallel_loop3A_234 = arith.index_cast %parallel_loop3A_233 : i32 to index
        %parallel_loop3A_235 = arith.index_cast %parallel_loop3A_209 : i32 to index
        %parallel_loop3A_236 = tpu.vector_load %arg7[%parallel_loop3A_234, %parallel_loop3A_235] {strides = array<i32>} : memref<140x384xi32, #tpu.memory_space<vmem>>, vector<1x16xi32>,
        %parallel_loop3A_237 = vector.shape_cast %parallel_loop3A_236 : vector<1x16xi32> to vector<16xi32>
        %parallel_loop3A_238 = arith.constant 16 : i32
        %parallel_loop3A_239 = vector.broadcast %parallel_loop3A_238 : i32 to vector<16xi32>
        %parallel_loop3A_240 = arith.shli %parallel_loop3A_237, %parallel_loop3A_239 : vector<16xi32>
        %parallel_loop3A_241 = tpu.bitcast %parallel_loop3A_240 : vector<16xi32> -> vector<16xf32>
        %parallel_loop3A_242 = tpu.bitcast %parallel_loop3A_237 : vector<16xi32> -> vector<16xf32>
        %parallel_loop3A_243 = arith.addf %parallel_loop3A_219, %parallel_loop3A_230 : vector<16xf32>
        %parallel_loop3A_244 = arith.addf %parallel_loop3A_243, %parallel_loop3A_241 : vector<16xf32>
        %parallel_loop3A_245 = arith.constant 2 : i32
        %parallel_loop3A_246 = arith.muli %parallel_loop3A_207, %parallel_loop3A_245 : i32
        %parallel_loop3A_247 = arith.constant 16 : i32
        %parallel_loop3A_248 = arith.muli %parallel_loop3A_246, %parallel_loop3A_247 : i32
        %parallel_loop3A_249 = arith.constant 0 : i32
        %parallel_loop3A_250 = arith.constant 7 : i32
        %parallel_loop3A_251 = arith.index_cast %parallel_loop3A_249 : i32 to index
        %parallel_loop3A_252 = arith.index_cast %parallel_loop3A_250 : i32 to index
        %parallel_loop3A_253 = arith.index_cast %parallel_loop3A_248 : i32 to index
        %parallel_loop3A_254 = tpu.vector_load %arg9[%parallel_loop3A_251, %parallel_loop3A_252, %parallel_loop3A_253] {strides = array<i32>} : memref<2x8x768xf32, #tpu.memory_space<vmem>>, vector<1x1x16xf32>,
        %parallel_loop3A_255 = vector.shape_cast %parallel_loop3A_254 : vector<1x1x16xf32> to vector<16xf32>
        %parallel_loop3A_256 = vector.shape_cast %parallel_loop3A_244 : vector<16xf32> to vector<1x1x16xf32>
        tpu.vector_store %arg9[%parallel_loop3A_251, %parallel_loop3A_252, %parallel_loop3A_253], %parallel_loop3A_256 {strides = array<i32>} : memref<2x8x768xf32, #tpu.memory_space<vmem>>, vector<1x1x16xf32>,
        %parallel_loop3A_257 = arith.addf %parallel_loop3A_220, %parallel_loop3A_231 : vector<16xf32>
        %parallel_loop3A_258 = arith.addf %parallel_loop3A_257, %parallel_loop3A_242 : vector<16xf32>
        %parallel_loop3A_259 = arith.constant 2 : i32
        %parallel_loop3A_260 = arith.muli %parallel_loop3A_207, %parallel_loop3A_259 : i32
        %parallel_loop3A_261 = arith.constant 16 : i32
        %parallel_loop3A_262 = arith.muli %parallel_loop3A_260, %parallel_loop3A_261 : i32
        %parallel_loop3A_263 = arith.constant 16 : i32
        %parallel_loop3A_264 = arith.addi %parallel_loop3A_262, %parallel_loop3A_263 : i32
        %parallel_loop3A_265 = arith.constant 0 : i32
        %parallel_loop3A_266 = arith.constant 7 : i32
        %parallel_loop3A_267 = arith.index_cast %parallel_loop3A_265 : i32 to index
        %parallel_loop3A_268 = arith.index_cast %parallel_loop3A_266 : i32 to index
        %parallel_loop3A_269 = arith.index_cast %parallel_loop3A_264 : i32 to index
        %parallel_loop3A_270 = tpu.vector_load %arg9[%parallel_loop3A_267, %parallel_loop3A_268, %parallel_loop3A_269] {strides = array<i32>} : memref<2x8x768xf32, #tpu.memory_space<vmem>>, vector<1x1x16xf32>,
        %parallel_loop3A_271 = vector.shape_cast %parallel_loop3A_270 : vector<1x1x16xf32> to vector<16xf32>
        %parallel_loop3A_272 = vector.shape_cast %parallel_loop3A_258 : vector<16xf32> to vector<1x1x16xf32>
        tpu.vector_store %arg9[%parallel_loop3A_267, %parallel_loop3A_268, %parallel_loop3A_269], %parallel_loop3A_272 {strides = array<i32>} : memref<2x8x768xf32, #tpu.memory_space<vmem>>, vector<1x1x16xf32>,
      } {sc.loop_unroll_factor = 4 : i64, sc.parallel_access}
      %mul3A_109 = arith.constant 8 : i32
      %mul3A_110 = arith.muli %add3A_50, %mul3A_109 : i32
      %add3A_111 = arith.addi %mul3A_2, %mul3A_110 : i32
      %dma_start3A = arith.constant 0 : i32
      %dma_start3A_112 = arith.constant 0 : i32
      %dma_start3A_113 = arith.constant 0 : i32
      %dma_start3A_114 = tpu.memref_slice %arg9[%dma_start3A, %dma_start3A_112, %dma_start3A_113] : memref<2x8x768xf32, #tpu.memory_space<vmem>> -> memref<1x8x768xf32, #tpu.memory_space<vmem>>
      %dma_start3A_115 = tpu.memref_squeeze %dma_start3A_114 : memref<1x8x768xf32, #tpu.memory_space<vmem>> -> memref<8x768xf32, #tpu.memory_space<vmem>>
      %dma_start3A_116 = arith.constant 0 : i32
      %dma_start3A_117 = tpu.memref_slice %arg5[%add3A_111, %dma_start3A_116] : memref<32768x768xf32, #tpu.memory_space<hbm>> -> memref<8x768xf32, #tpu.memory_space<hbm>>
      %dma_start3A_118 = arith.constant 0 : i32
      %dma_start3A_119 = tpu.memref_slice %arg5[%add3A_111, %dma_start3A_118] : memref<32768x768xf32, #tpu.memory_space<hbm>> -> memref<8x768xf32, #tpu.memory_space<hbm>>
      %dma_start3A_120 = arith.constant 0 : i32
      %dma_start3A_121 = arith.constant 0 : i32
      %dma_start3A_122 = tpu.memref_slice %arg9[%dma_start3A, %dma_start3A_120, %dma_start3A_121] : memref<2x8x768xf32, #tpu.memory_space<vmem>> -> memref<1x8x768xf32, #tpu.memory_space<vmem>>
      %dma_start3A_123 = tpu.memref_squeeze %dma_start3A_122 : memref<1x8x768xf32, #tpu.memory_space<vmem>> -> memref<8x768xf32, #tpu.memory_space<vmem>>
      tpu.enqueue_dma source(%dma_start3A_123 : memref<8x768xf32, #tpu.memory_space<vmem>>) target(%dma_start3A_119 : memref<8x768xf32, #tpu.memory_space<hbm>>) target_semaphore(%arg10 : memref<!tpu.dma_semaphore, #tpu.memory_space<semaphore_mem>>)
      %mul3A_124 = arith.constant 2 : i32
      %mul3A_125 = arith.muli %scan3A_46, %mul3A_124 : i32
      %add3A_126 = arith.constant 1 : i32
      %add3A_127 = arith.addi %mul3A_125, %add3A_126 : i32
      %gt3A_128 = arith.constant 0 : i32
      %gt3A_129 = arith.cmpi sgt, %scan3A_46, %gt3A_128 : i32
      %convert_element_type3A_130 = arith.extui %gt3A_129 : i1 to i32
      %cond3A_131 = arith.constant 0 : i32
      %cond3A_132 = arith.cmpi ne, %convert_element_type3A_130, %cond3A_131 : i32
      scf.if %cond3A_132 {
        %dma_wait3A_207 = arith.constant 1 : i32
        %dma_wait3A_208 = arith.constant 0 : i32
        %dma_wait3A_209 = arith.constant 0 : i32
        %dma_wait3A_210 = tpu.memref_slice %arg9[%dma_wait3A_207, %dma_wait3A_208, %dma_wait3A_209] : memref<2x8x768xf32, #tpu.memory_space<vmem>> -> memref<1x8x768xf32, #tpu.memory_space<vmem>>
        %dma_wait3A_211 = tpu.memref_squeeze %dma_wait3A_210 : memref<1x8x768xf32, #tpu.memory_space<vmem>> -> memref<8x768xf32, #tpu.memory_space<vmem>>
        %dma_wait3A_212 = arith.constant 0 : i32
        %dma_wait3A_213 = tpu.memref_slice %arg5[%mul3A_2, %dma_wait3A_212] : memref<32768x768xf32, #tpu.memory_space<hbm>> -> memref<8x768xf32, #tpu.memory_space<hbm>>
        %dma_wait3A_214 = arith.constant 0 : i32
        %dma_wait3A_215 = tpu.memref_slice %arg5[%mul3A_2, %dma_wait3A_214] : memref<32768x768xf32, #tpu.memory_space<hbm>> -> memref<8x768xf32, #tpu.memory_space<hbm>>
        %dma_wait3A_216 = arith.constant 0 : i32
        %dma_wait3A_217 = arith.constant 0 : i32
        %dma_wait3A_218 = tpu.memref_slice %arg9[%dma_wait3A_207, %dma_wait3A_216, %dma_wait3A_217] : memref<2x8x768xf32, #tpu.memory_space<vmem>> -> memref<1x8x768xf32, #tpu.memory_space<vmem>>
        %dma_wait3A_219 = tpu.memref_squeeze %dma_wait3A_218 : memref<1x8x768xf32, #tpu.memory_space<vmem>> -> memref<8x768xf32, #tpu.memory_space<vmem>>
        tpu.wait_dma2 semaphore(%arg11 : memref<!tpu.dma_semaphore, #tpu.memory_space<semaphore_mem>>) src(%dma_wait3A_219 : memref<8x768xf32, #tpu.memory_space<vmem>>) dst(%dma_wait3A_215 : memref<8x768xf32, #tpu.memory_space<hbm>>)
      } else {
      }
      %mul3A_133 = arith.constant 2 : i32
      %mul3A_134 = arith.muli %scan3A_46, %mul3A_133 : i32
      %mul3A_135 = arith.constant 8 : i32
      %mul3A_136 = arith.muli %mul3A_134, %mul3A_135 : i32
      %get3A_137 = arith.constant 2 : i32
      %get3A_138 = arith.index_cast %get3A_137 : i32 to index
      %get3A_139 = arith.index_cast %mul3A_136 : i32 to index
      %get3A_140 = tpu.vector_load %arg6[%get3A_138, %get3A_139] {strides = array<i32>} : memref<4x1024xi32, #tpu.memory_space<vmem>>, vector<1x16xi32>,
      %get3A_141 = vector.shape_cast %get3A_140 : vector<1x16xi32> to vector<16xi32>
      %mul3A_142 = arith.constant 12 : i32
      %mul3A_143 = vector.broadcast %mul3A_142 : i32 to vector<16xi32>
      %mul3A_144 = arith.muli %get3A_141, %mul3A_143 : vector<16xi32>
      %get3A_145 = arith.constant 0 : i32
      %get3A_146 = arith.index_cast %get3A_145 : i32 to index
      %get3A_147 = arith.index_cast %mul3A_136 : i32 to index
      %get3A_148 = tpu.vector_load %arg6[%get3A_146, %get3A_147] {strides = array<i32>} : memref<4x1024xi32, #tpu.memory_space<vmem>>, vector<1x16xi32>,
      %get3A_149 = vector.shape_cast %get3A_148 : vector<1x16xi32> to vector<16xi32>
      %add3A_150 = arith.addi %mul3A_144, %get3A_149 : vector<16xi32>
      %add3A_151 = arith.constant 55 : i32
      %add3A_152 = vector.broadcast %add3A_151 : i32 to vector<16xi32>
      %add3A_153 = arith.addi %add3A_150, %add3A_152 : vector<16xi32>
      %get3A_154 = arith.constant 1 : i32
      %get3A_155 = arith.index_cast %get3A_154 : i32 to index
      %get3A_156 = arith.index_cast %mul3A_136 : i32 to index
      %get3A_157 = tpu.vector_load %arg6[%get3A_155, %get3A_156] {strides = array<i32>} : memref<4x1024xi32, #tpu.memory_space<vmem>>, vector<1x16xi32>,
      %get3A_158 = vector.shape_cast %get3A_157 : vector<1x16xi32> to vector<16xi32>
      %add3A_159 = arith.constant 23 : i32
      %add3A_160 = vector.broadcast %add3A_159 : i32 to vector<16xi32>
      %add3A_161 = arith.addi %get3A_158, %add3A_160 : vector<16xi32>
      %get3A_162 = arith.constant 3 : i32
      %get3A_163 = arith.index_cast %get3A_162 : i32 to index
      %get3A_164 = arith.index_cast %mul3A_136 : i32 to index
      %get3A_165 = tpu.vector_load %arg6[%get3A_163, %get3A_164] {strides = array<i32>} : memref<4x1024xi32, #tpu.memory_space<vmem>>, vector<1x16xi32>,
      %get3A_166 = vector.shape_cast %get3A_165 : vector<1x16xi32> to vector<16xi32>
      %parallel_loop3A_167 = arith.constant 0 : i32
      %parallel_loop3A_168 = arith.constant 24 : i32
      %parallel_loop3A_169 = arith.constant 1 : i32
      scf.for %parallel_loop3A_207 = %parallel_loop3A_167 to %parallel_loop3A_168 step %parallel_loop3A_169  : i32 {
        %parallel_loop3A_208 = arith.constant 16 : i32
        %parallel_loop3A_209 = arith.muli %parallel_loop3A_207, %parallel_loop3A_208 : i32
        %parallel_loop3A_210 = vector.extract_strided_slice %get3A_166 {offsets = [8], sizes = [1], strides = [1]} : vector<16xi32> to vector<1xi32>
        %parallel_loop3A_211 = vector.extract %parallel_loop3A_210[0] : i32 from vector<1xi32>
        %parallel_loop3A_212 = arith.index_cast %parallel_loop3A_211 : i32 to index
        %parallel_loop3A_213 = arith.index_cast %parallel_loop3A_209 : i32 to index
        %parallel_loop3A_214 = tpu.vector_load %arg7[%parallel_loop3A_212, %parallel_loop3A_213] {strides = array<i32>} : memref<140x384xi32, #tpu.memory_space<vmem>>, vector<1x16xi32>,
        %parallel_loop3A_215 = vector.shape_cast %parallel_loop3A_214 : vector<1x16xi32> to vector<16xi32>
        %parallel_loop3A_216 = arith.constant 16 : i32
        %parallel_loop3A_217 = vector.broadcast %parallel_loop3A_216 : i32 to vector<16xi32>
        %parallel_loop3A_218 = arith.shli %parallel_loop3A_215, %parallel_loop3A_217 : vector<16xi32>
        %parallel_loop3A_219 = tpu.bitcast %parallel_loop3A_218 : vector<16xi32> -> vector<16xf32>
        %parallel_loop3A_220 = tpu.bitcast %parallel_loop3A_215 : vector<16xi32> -> vector<16xf32>
        %parallel_loop3A_221 = vector.extract_strided_slice %add3A_161 {offsets = [8], sizes = [1], strides = [1]} : vector<16xi32> to vector<1xi32>
        %parallel_loop3A_222 = vector.extract %parallel_loop3A_221[0] : i32 from vector<1xi32>
        %parallel_loop3A_223 = arith.index_cast %parallel_loop3A_222 : i32 to index
        %parallel_loop3A_224 = arith.index_cast %parallel_loop3A_209 : i32 to index
        %parallel_loop3A_225 = tpu.vector_load %arg7[%parallel_loop3A_223, %parallel_loop3A_224] {strides = array<i32>} : memref<140x384xi32, #tpu.memory_space<vmem>>, vector<1x16xi32>,
        %parallel_loop3A_226 = vector.shape_cast %parallel_loop3A_225 : vector<1x16xi32> to vector<16xi32>
        %parallel_loop3A_227 = arith.constant 16 : i32
        %parallel_loop3A_228 = vector.broadcast %parallel_loop3A_227 : i32 to vector<16xi32>
        %parallel_loop3A_229 = arith.shli %parallel_loop3A_226, %parallel_loop3A_228 : vector<16xi32>
        %parallel_loop3A_230 = tpu.bitcast %parallel_loop3A_229 : vector<16xi32> -> vector<16xf32>
        %parallel_loop3A_231 = tpu.bitcast %parallel_loop3A_226 : vector<16xi32> -> vector<16xf32>
        %parallel_loop3A_232 = vector.extract_strided_slice %add3A_153 {offsets = [8], sizes = [1], strides = [1]} : vector<16xi32> to vector<1xi32>
        %parallel_loop3A_233 = vector.extract %parallel_loop3A_232[0] : i32 from vector<1xi32>
        %parallel_loop3A_234 = arith.index_cast %parallel_loop3A_233 : i32 to index
        %parallel_loop3A_235 = arith.index_cast %parallel_loop3A_209 : i32 to index
        %parallel_loop3A_236 = tpu.vector_load %arg7[%parallel_loop3A_234, %parallel_loop3A_235] {strides = array<i32>} : memref<140x384xi32, #tpu.memory_space<vmem>>, vector<1x16xi32>,
        %parallel_loop3A_237 = vector.shape_cast %parallel_loop3A_236 : vector<1x16xi32> to vector<16xi32>
        %parallel_loop3A_238 = arith.constant 16 : i32
        %parallel_loop3A_239 = vector.broadcast %parallel_loop3A_238 : i32 to vector<16xi32>
        %parallel_loop3A_240 = arith.shli %parallel_loop3A_237, %parallel_loop3A_239 : vector<16xi32>
        %parallel_loop3A_241 = tpu.bitcast %parallel_loop3A_240 : vector<16xi32> -> vector<16xf32>
        %parallel_loop3A_242 = tpu.bitcast %parallel_loop3A_237 : vector<16xi32> -> vector<16xf32>
        %parallel_loop3A_243 = arith.addf %parallel_loop3A_219, %parallel_loop3A_230 : vector<16xf32>
        %parallel_loop3A_244 = arith.addf %parallel_loop3A_243, %parallel_loop3A_241 : vector<16xf32>
        %parallel_loop3A_245 = arith.constant 2 : i32
        %parallel_loop3A_246 = arith.muli %parallel_loop3A_207, %parallel_loop3A_245 : i32
        %parallel_loop3A_247 = arith.constant 16 : i32
        %parallel_loop3A_248 = arith.muli %parallel_loop3A_246, %parallel_loop3A_247 : i32
        %parallel_loop3A_249 = arith.constant 1 : i32
        %parallel_loop3A_250 = arith.constant 0 : i32
        %parallel_loop3A_251 = arith.index_cast %parallel_loop3A_249 : i32 to index
        %parallel_loop3A_252 = arith.index_cast %parallel_loop3A_250 : i32 to index
        %parallel_loop3A_253 = arith.index_cast %parallel_loop3A_248 : i32 to index
        %parallel_loop3A_254 = tpu.vector_load %arg9[%parallel_loop3A_251, %parallel_loop3A_252, %parallel_loop3A_253] {strides = array<i32>} : memref<2x8x768xf32, #tpu.memory_space<vmem>>, vector<1x1x16xf32>,
        %parallel_loop3A_255 = vector.shape_cast %parallel_loop3A_254 : vector<1x1x16xf32> to vector<16xf32>
        %parallel_loop3A_256 = vector.shape_cast %parallel_loop3A_244 : vector<16xf32> to vector<1x1x16xf32>
        tpu.vector_store %arg9[%parallel_loop3A_251, %parallel_loop3A_252, %parallel_loop3A_253], %parallel_loop3A_256 {strides = array<i32>} : memref<2x8x768xf32, #tpu.memory_space<vmem>>, vector<1x1x16xf32>,
        %parallel_loop3A_257 = arith.addf %parallel_loop3A_220, %parallel_loop3A_231 : vector<16xf32>
        %parallel_loop3A_258 = arith.addf %parallel_loop3A_257, %parallel_loop3A_242 : vector<16xf32>
        %parallel_loop3A_259 = arith.constant 2 : i32
        %parallel_loop3A_260 = arith.muli %parallel_loop3A_207, %parallel_loop3A_259 : i32
        %parallel_loop3A_261 = arith.constant 16 : i32
        %parallel_loop3A_262 = arith.muli %parallel_loop3A_260, %parallel_loop3A_261 : i32
        %parallel_loop3A_263 = arith.constant 16 : i32
        %parallel_loop3A_264 = arith.addi %parallel_loop3A_262, %parallel_loop3A_263 : i32
        %parallel_loop3A_265 = arith.constant 1 : i32
        %parallel_loop3A_266 = arith.constant 0 : i32
        %parallel_loop3A_267 = arith.index_cast %parallel_loop3A_265 : i32 to index
        %parallel_loop3A_268 = arith.index_cast %parallel_loop3A_266 : i32 to index
        %parallel_loop3A_269 = arith.index_cast %parallel_loop3A_264 : i32 to index
        %parallel_loop3A_270 = tpu.vector_load %arg9[%parallel_loop3A_267, %parallel_loop3A_268, %parallel_loop3A_269] {strides = array<i32>} : memref<2x8x768xf32, #tpu.memory_space<vmem>>, vector<1x1x16xf32>,
        %parallel_loop3A_271 = vector.shape_cast %parallel_loop3A_270 : vector<1x1x16xf32> to vector<16xf32>
        %parallel_loop3A_272 = vector.shape_cast %parallel_loop3A_258 : vector<16xf32> to vector<1x1x16xf32>
        tpu.vector_store %arg9[%parallel_loop3A_267, %parallel_loop3A_268, %parallel_loop3A_269], %parallel_loop3A_272 {strides = array<i32>} : memref<2x8x768xf32, #tpu.memory_space<vmem>>, vector<1x1x16xf32>,
      } {sc.loop_unroll_factor = 4 : i64, sc.parallel_access}
      %parallel_loop3A_170 = arith.constant 0 : i32
      %parallel_loop3A_171 = arith.constant 24 : i32
      %parallel_loop3A_172 = arith.constant 1 : i32
      scf.for %parallel_loop3A_207 = %parallel_loop3A_170 to %parallel_loop3A_171 step %parallel_loop3A_172  : i32 {
        %parallel_loop3A_208 = arith.constant 16 : i32
        %parallel_loop3A_209 = arith.muli %parallel_loop3A_207, %parallel_loop3A_208 : i32
        %parallel_loop3A_210 = vector.extract_strided_slice %get3A_166 {offsets = [9], sizes = [1], strides = [1]} : vector<16xi32> to vector<1xi32>
        %parallel_loop3A_211 = vector.extract %parallel_loop3A_210[0] : i32 from vector<1xi32>
        %parallel_loop3A_212 = arith.index_cast %parallel_loop3A_211 : i32 to index
        %parallel_loop3A_213 = arith.index_cast %parallel_loop3A_209 : i32 to index
        %parallel_loop3A_214 = tpu.vector_load %arg7[%parallel_loop3A_212, %parallel_loop3A_213] {strides = array<i32>} : memref<140x384xi32, #tpu.memory_space<vmem>>, vector<1x16xi32>,
        %parallel_loop3A_215 = vector.shape_cast %parallel_loop3A_214 : vector<1x16xi32> to vector<16xi32>
        %parallel_loop3A_216 = arith.constant 16 : i32
        %parallel_loop3A_217 = vector.broadcast %parallel_loop3A_216 : i32 to vector<16xi32>
        %parallel_loop3A_218 = arith.shli %parallel_loop3A_215, %parallel_loop3A_217 : vector<16xi32>
        %parallel_loop3A_219 = tpu.bitcast %parallel_loop3A_218 : vector<16xi32> -> vector<16xf32>
        %parallel_loop3A_220 = tpu.bitcast %parallel_loop3A_215 : vector<16xi32> -> vector<16xf32>
        %parallel_loop3A_221 = vector.extract_strided_slice %add3A_161 {offsets = [9], sizes = [1], strides = [1]} : vector<16xi32> to vector<1xi32>
        %parallel_loop3A_222 = vector.extract %parallel_loop3A_221[0] : i32 from vector<1xi32>
        %parallel_loop3A_223 = arith.index_cast %parallel_loop3A_222 : i32 to index
        %parallel_loop3A_224 = arith.index_cast %parallel_loop3A_209 : i32 to index
        %parallel_loop3A_225 = tpu.vector_load %arg7[%parallel_loop3A_223, %parallel_loop3A_224] {strides = array<i32>} : memref<140x384xi32, #tpu.memory_space<vmem>>, vector<1x16xi32>,
        %parallel_loop3A_226 = vector.shape_cast %parallel_loop3A_225 : vector<1x16xi32> to vector<16xi32>
        %parallel_loop3A_227 = arith.constant 16 : i32
        %parallel_loop3A_228 = vector.broadcast %parallel_loop3A_227 : i32 to vector<16xi32>
        %parallel_loop3A_229 = arith.shli %parallel_loop3A_226, %parallel_loop3A_228 : vector<16xi32>
        %parallel_loop3A_230 = tpu.bitcast %parallel_loop3A_229 : vector<16xi32> -> vector<16xf32>
        %parallel_loop3A_231 = tpu.bitcast %parallel_loop3A_226 : vector<16xi32> -> vector<16xf32>
        %parallel_loop3A_232 = vector.extract_strided_slice %add3A_153 {offsets = [9], sizes = [1], strides = [1]} : vector<16xi32> to vector<1xi32>
        %parallel_loop3A_233 = vector.extract %parallel_loop3A_232[0] : i32 from vector<1xi32>
        %parallel_loop3A_234 = arith.index_cast %parallel_loop3A_233 : i32 to index
        %parallel_loop3A_235 = arith.index_cast %parallel_loop3A_209 : i32 to index
        %parallel_loop3A_236 = tpu.vector_load %arg7[%parallel_loop3A_234, %parallel_loop3A_235] {strides = array<i32>} : memref<140x384xi32, #tpu.memory_space<vmem>>, vector<1x16xi32>,
        %parallel_loop3A_237 = vector.shape_cast %parallel_loop3A_236 : vector<1x16xi32> to vector<16xi32>
        %parallel_loop3A_238 = arith.constant 16 : i32
        %parallel_loop3A_239 = vector.broadcast %parallel_loop3A_238 : i32 to vector<16xi32>
        %parallel_loop3A_240 = arith.shli %parallel_loop3A_237, %parallel_loop3A_239 : vector<16xi32>
        %parallel_loop3A_241 = tpu.bitcast %parallel_loop3A_240 : vector<16xi32> -> vector<16xf32>
        %parallel_loop3A_242 = tpu.bitcast %parallel_loop3A_237 : vector<16xi32> -> vector<16xf32>
        %parallel_loop3A_243 = arith.addf %parallel_loop3A_219, %parallel_loop3A_230 : vector<16xf32>
        %parallel_loop3A_244 = arith.addf %parallel_loop3A_243, %parallel_loop3A_241 : vector<16xf32>
        %parallel_loop3A_245 = arith.constant 2 : i32
        %parallel_loop3A_246 = arith.muli %parallel_loop3A_207, %parallel_loop3A_245 : i32
        %parallel_loop3A_247 = arith.constant 16 : i32
        %parallel_loop3A_248 = arith.muli %parallel_loop3A_246, %parallel_loop3A_247 : i32
        %parallel_loop3A_249 = arith.constant 1 : i32
        %parallel_loop3A_250 = arith.constant 1 : i32
        %parallel_loop3A_251 = arith.index_cast %parallel_loop3A_249 : i32 to index
        %parallel_loop3A_252 = arith.index_cast %parallel_loop3A_250 : i32 to index
        %parallel_loop3A_253 = arith.index_cast %parallel_loop3A_248 : i32 to index
        %parallel_loop3A_254 = tpu.vector_load %arg9[%parallel_loop3A_251, %parallel_loop3A_252, %parallel_loop3A_253] {strides = array<i32>} : memref<2x8x768xf32, #tpu.memory_space<vmem>>, vector<1x1x16xf32>,
        %parallel_loop3A_255 = vector.shape_cast %parallel_loop3A_254 : vector<1x1x16xf32> to vector<16xf32>
        %parallel_loop3A_256 = vector.shape_cast %parallel_loop3A_244 : vector<16xf32> to vector<1x1x16xf32>
        tpu.vector_store %arg9[%parallel_loop3A_251, %parallel_loop3A_252, %parallel_loop3A_253], %parallel_loop3A_256 {strides = array<i32>} : memref<2x8x768xf32, #tpu.memory_space<vmem>>, vector<1x1x16xf32>,
        %parallel_loop3A_257 = arith.addf %parallel_loop3A_220, %parallel_loop3A_231 : vector<16xf32>
        %parallel_loop3A_258 = arith.addf %parallel_loop3A_257, %parallel_loop3A_242 : vector<16xf32>
        %parallel_loop3A_259 = arith.constant 2 : i32
        %parallel_loop3A_260 = arith.muli %parallel_loop3A_207, %parallel_loop3A_259 : i32
        %parallel_loop3A_261 = arith.constant 16 : i32
        %parallel_loop3A_262 = arith.muli %parallel_loop3A_260, %parallel_loop3A_261 : i32
        %parallel_loop3A_263 = arith.constant 16 : i32
        %parallel_loop3A_264 = arith.addi %parallel_loop3A_262, %parallel_loop3A_263 : i32
        %parallel_loop3A_265 = arith.constant 1 : i32
        %parallel_loop3A_266 = arith.constant 1 : i32
        %parallel_loop3A_267 = arith.index_cast %parallel_loop3A_265 : i32 to index
        %parallel_loop3A_268 = arith.index_cast %parallel_loop3A_266 : i32 to index
        %parallel_loop3A_269 = arith.index_cast %parallel_loop3A_264 : i32 to index
        %parallel_loop3A_270 = tpu.vector_load %arg9[%parallel_loop3A_267, %parallel_loop3A_268, %parallel_loop3A_269] {strides = array<i32>} : memref<2x8x768xf32, #tpu.memory_space<vmem>>, vector<1x1x16xf32>,
        %parallel_loop3A_271 = vector.shape_cast %parallel_loop3A_270 : vector<1x1x16xf32> to vector<16xf32>
        %parallel_loop3A_272 = vector.shape_cast %parallel_loop3A_258 : vector<16xf32> to vector<1x1x16xf32>
        tpu.vector_store %arg9[%parallel_loop3A_267, %parallel_loop3A_268, %parallel_loop3A_269], %parallel_loop3A_272 {strides = array<i32>} : memref<2x8x768xf32, #tpu.memory_space<vmem>>, vector<1x1x16xf32>,
      } {sc.loop_unroll_factor = 4 : i64, sc.parallel_access}
      %parallel_loop3A_173 = arith.constant 0 : i32
      %parallel_loop3A_174 = arith.constant 24 : i32
      %parallel_loop3A_175 = arith.constant 1 : i32
      scf.for %parallel_loop3A_207 = %parallel_loop3A_173 to %parallel_loop3A_174 step %parallel_loop3A_175  : i32 {
        %parallel_loop3A_208 = arith.constant 16 : i32
        %parallel_loop3A_209 = arith.muli %parallel_loop3A_207, %parallel_loop3A_208 : i32
        %parallel_loop3A_210 = vector.extract_strided_slice %get3A_166 {offsets = [10], sizes = [1], strides = [1]} : vector<16xi32> to vector<1xi32>
        %parallel_loop3A_211 = vector.extract %parallel_loop3A_210[0] : i32 from vector<1xi32>
        %parallel_loop3A_212 = arith.index_cast %parallel_loop3A_211 : i32 to index
        %parallel_loop3A_213 = arith.index_cast %parallel_loop3A_209 : i32 to index
        %parallel_loop3A_214 = tpu.vector_load %arg7[%parallel_loop3A_212, %parallel_loop3A_213] {strides = array<i32>} : memref<140x384xi32, #tpu.memory_space<vmem>>, vector<1x16xi32>,
        %parallel_loop3A_215 = vector.shape_cast %parallel_loop3A_214 : vector<1x16xi32> to vector<16xi32>
        %parallel_loop3A_216 = arith.constant 16 : i32
        %parallel_loop3A_217 = vector.broadcast %parallel_loop3A_216 : i32 to vector<16xi32>
        %parallel_loop3A_218 = arith.shli %parallel_loop3A_215, %parallel_loop3A_217 : vector<16xi32>
        %parallel_loop3A_219 = tpu.bitcast %parallel_loop3A_218 : vector<16xi32> -> vector<16xf32>
        %parallel_loop3A_220 = tpu.bitcast %parallel_loop3A_215 : vector<16xi32> -> vector<16xf32>
        %parallel_loop3A_221 = vector.extract_strided_slice %add3A_161 {offsets = [10], sizes = [1], strides = [1]} : vector<16xi32> to vector<1xi32>
        %parallel_loop3A_222 = vector.extract %parallel_loop3A_221[0] : i32 from vector<1xi32>
        %parallel_loop3A_223 = arith.index_cast %parallel_loop3A_222 : i32 to index
        %parallel_loop3A_224 = arith.index_cast %parallel_loop3A_209 : i32 to index
        %parallel_loop3A_225 = tpu.vector_load %arg7[%parallel_loop3A_223, %parallel_loop3A_224] {strides = array<i32>} : memref<140x384xi32, #tpu.memory_space<vmem>>, vector<1x16xi32>,
        %parallel_loop3A_226 = vector.shape_cast %parallel_loop3A_225 : vector<1x16xi32> to vector<16xi32>
        %parallel_loop3A_227 = arith.constant 16 : i32
        %parallel_loop3A_228 = vector.broadcast %parallel_loop3A_227 : i32 to vector<16xi32>
        %parallel_loop3A_229 = arith.shli %parallel_loop3A_226, %parallel_loop3A_228 : vector<16xi32>
        %parallel_loop3A_230 = tpu.bitcast %parallel_loop3A_229 : vector<16xi32> -> vector<16xf32>
        %parallel_loop3A_231 = tpu.bitcast %parallel_loop3A_226 : vector<16xi32> -> vector<16xf32>
        %parallel_loop3A_232 = vector.extract_strided_slice %add3A_153 {offsets = [10], sizes = [1], strides = [1]} : vector<16xi32> to vector<1xi32>
        %parallel_loop3A_233 = vector.extract %parallel_loop3A_232[0] : i32 from vector<1xi32>
        %parallel_loop3A_234 = arith.index_cast %parallel_loop3A_233 : i32 to index
        %parallel_loop3A_235 = arith.index_cast %parallel_loop3A_209 : i32 to index
        %parallel_loop3A_236 = tpu.vector_load %arg7[%parallel_loop3A_234, %parallel_loop3A_235] {strides = array<i32>} : memref<140x384xi32, #tpu.memory_space<vmem>>, vector<1x16xi32>,
        %parallel_loop3A_237 = vector.shape_cast %parallel_loop3A_236 : vector<1x16xi32> to vector<16xi32>
        %parallel_loop3A_238 = arith.constant 16 : i32
        %parallel_loop3A_239 = vector.broadcast %parallel_loop3A_238 : i32 to vector<16xi32>
        %parallel_loop3A_240 = arith.shli %parallel_loop3A_237, %parallel_loop3A_239 : vector<16xi32>
        %parallel_loop3A_241 = tpu.bitcast %parallel_loop3A_240 : vector<16xi32> -> vector<16xf32>
        %parallel_loop3A_242 = tpu.bitcast %parallel_loop3A_237 : vector<16xi32> -> vector<16xf32>
        %parallel_loop3A_243 = arith.addf %parallel_loop3A_219, %parallel_loop3A_230 : vector<16xf32>
        %parallel_loop3A_244 = arith.addf %parallel_loop3A_243, %parallel_loop3A_241 : vector<16xf32>
        %parallel_loop3A_245 = arith.constant 2 : i32
        %parallel_loop3A_246 = arith.muli %parallel_loop3A_207, %parallel_loop3A_245 : i32
        %parallel_loop3A_247 = arith.constant 16 : i32
        %parallel_loop3A_248 = arith.muli %parallel_loop3A_246, %parallel_loop3A_247 : i32
        %parallel_loop3A_249 = arith.constant 1 : i32
        %parallel_loop3A_250 = arith.constant 2 : i32
        %parallel_loop3A_251 = arith.index_cast %parallel_loop3A_249 : i32 to index
        %parallel_loop3A_252 = arith.index_cast %parallel_loop3A_250 : i32 to index
        %parallel_loop3A_253 = arith.index_cast %parallel_loop3A_248 : i32 to index
        %parallel_loop3A_254 = tpu.vector_load %arg9[%parallel_loop3A_251, %parallel_loop3A_252, %parallel_loop3A_253] {strides = array<i32>} : memref<2x8x768xf32, #tpu.memory_space<vmem>>, vector<1x1x16xf32>,
        %parallel_loop3A_255 = vector.shape_cast %parallel_loop3A_254 : vector<1x1x16xf32> to vector<16xf32>
        %parallel_loop3A_256 = vector.shape_cast %parallel_loop3A_244 : vector<16xf32> to vector<1x1x16xf32>
        tpu.vector_store %arg9[%parallel_loop3A_251, %parallel_loop3A_252, %parallel_loop3A_253], %parallel_loop3A_256 {strides = array<i32>} : memref<2x8x768xf32, #tpu.memory_space<vmem>>, vector<1x1x16xf32>,
        %parallel_loop3A_257 = arith.addf %parallel_loop3A_220, %parallel_loop3A_231 : vector<16xf32>
        %parallel_loop3A_258 = arith.addf %parallel_loop3A_257, %parallel_loop3A_242 : vector<16xf32>
        %parallel_loop3A_259 = arith.constant 2 : i32
        %parallel_loop3A_260 = arith.muli %parallel_loop3A_207, %parallel_loop3A_259 : i32
        %parallel_loop3A_261 = arith.constant 16 : i32
        %parallel_loop3A_262 = arith.muli %parallel_loop3A_260, %parallel_loop3A_261 : i32
        %parallel_loop3A_263 = arith.constant 16 : i32
        %parallel_loop3A_264 = arith.addi %parallel_loop3A_262, %parallel_loop3A_263 : i32
        %parallel_loop3A_265 = arith.constant 1 : i32
        %parallel_loop3A_266 = arith.constant 2 : i32
        %parallel_loop3A_267 = arith.index_cast %parallel_loop3A_265 : i32 to index
        %parallel_loop3A_268 = arith.index_cast %parallel_loop3A_266 : i32 to index
        %parallel_loop3A_269 = arith.index_cast %parallel_loop3A_264 : i32 to index
        %parallel_loop3A_270 = tpu.vector_load %arg9[%parallel_loop3A_267, %parallel_loop3A_268, %parallel_loop3A_269] {strides = array<i32>} : memref<2x8x768xf32, #tpu.memory_space<vmem>>, vector<1x1x16xf32>,
        %parallel_loop3A_271 = vector.shape_cast %parallel_loop3A_270 : vector<1x1x16xf32> to vector<16xf32>
        %parallel_loop3A_272 = vector.shape_cast %parallel_loop3A_258 : vector<16xf32> to vector<1x1x16xf32>
        tpu.vector_store %arg9[%parallel_loop3A_267, %parallel_loop3A_268, %parallel_loop3A_269], %parallel_loop3A_272 {strides = array<i32>} : memref<2x8x768xf32, #tpu.memory_space<vmem>>, vector<1x1x16xf32>,
      } {sc.loop_unroll_factor = 4 : i64, sc.parallel_access}
      %parallel_loop3A_176 = arith.constant 0 : i32
      %parallel_loop3A_177 = arith.constant 24 : i32
      %parallel_loop3A_178 = arith.constant 1 : i32
      scf.for %parallel_loop3A_207 = %parallel_loop3A_176 to %parallel_loop3A_177 step %parallel_loop3A_178  : i32 {
        %parallel_loop3A_208 = arith.constant 16 : i32
        %parallel_loop3A_209 = arith.muli %parallel_loop3A_207, %parallel_loop3A_208 : i32
        %parallel_loop3A_210 = vector.extract_strided_slice %get3A_166 {offsets = [11], sizes = [1], strides = [1]} : vector<16xi32> to vector<1xi32>
        %parallel_loop3A_211 = vector.extract %parallel_loop3A_210[0] : i32 from vector<1xi32>
        %parallel_loop3A_212 = arith.index_cast %parallel_loop3A_211 : i32 to index
        %parallel_loop3A_213 = arith.index_cast %parallel_loop3A_209 : i32 to index
        %parallel_loop3A_214 = tpu.vector_load %arg7[%parallel_loop3A_212, %parallel_loop3A_213] {strides = array<i32>} : memref<140x384xi32, #tpu.memory_space<vmem>>, vector<1x16xi32>,
        %parallel_loop3A_215 = vector.shape_cast %parallel_loop3A_214 : vector<1x16xi32> to vector<16xi32>
        %parallel_loop3A_216 = arith.constant 16 : i32
        %parallel_loop3A_217 = vector.broadcast %parallel_loop3A_216 : i32 to vector<16xi32>
        %parallel_loop3A_218 = arith.shli %parallel_loop3A_215, %parallel_loop3A_217 : vector<16xi32>
        %parallel_loop3A_219 = tpu.bitcast %parallel_loop3A_218 : vector<16xi32> -> vector<16xf32>
        %parallel_loop3A_220 = tpu.bitcast %parallel_loop3A_215 : vector<16xi32> -> vector<16xf32>
        %parallel_loop3A_221 = vector.extract_strided_slice %add3A_161 {offsets = [11], sizes = [1], strides = [1]} : vector<16xi32> to vector<1xi32>
        %parallel_loop3A_222 = vector.extract %parallel_loop3A_221[0] : i32 from vector<1xi32>
        %parallel_loop3A_223 = arith.index_cast %parallel_loop3A_222 : i32 to index
        %parallel_loop3A_224 = arith.index_cast %parallel_loop3A_209 : i32 to index
        %parallel_loop3A_225 = tpu.vector_load %arg7[%parallel_loop3A_223, %parallel_loop3A_224] {strides = array<i32>} : memref<140x384xi32, #tpu.memory_space<vmem>>, vector<1x16xi32>,
        %parallel_loop3A_226 = vector.shape_cast %parallel_loop3A_225 : vector<1x16xi32> to vector<16xi32>
        %parallel_loop3A_227 = arith.constant 16 : i32
        %parallel_loop3A_228 = vector.broadcast %parallel_loop3A_227 : i32 to vector<16xi32>
        %parallel_loop3A_229 = arith.shli %parallel_loop3A_226, %parallel_loop3A_228 : vector<16xi32>
        %parallel_loop3A_230 = tpu.bitcast %parallel_loop3A_229 : vector<16xi32> -> vector<16xf32>
        %parallel_loop3A_231 = tpu.bitcast %parallel_loop3A_226 : vector<16xi32> -> vector<16xf32>
        %parallel_loop3A_232 = vector.extract_strided_slice %add3A_153 {offsets = [11], sizes = [1], strides = [1]} : vector<16xi32> to vector<1xi32>
        %parallel_loop3A_233 = vector.extract %parallel_loop3A_232[0] : i32 from vector<1xi32>
        %parallel_loop3A_234 = arith.index_cast %parallel_loop3A_233 : i32 to index
        %parallel_loop3A_235 = arith.index_cast %parallel_loop3A_209 : i32 to index
        %parallel_loop3A_236 = tpu.vector_load %arg7[%parallel_loop3A_234, %parallel_loop3A_235] {strides = array<i32>} : memref<140x384xi32, #tpu.memory_space<vmem>>, vector<1x16xi32>,
        %parallel_loop3A_237 = vector.shape_cast %parallel_loop3A_236 : vector<1x16xi32> to vector<16xi32>
        %parallel_loop3A_238 = arith.constant 16 : i32
        %parallel_loop3A_239 = vector.broadcast %parallel_loop3A_238 : i32 to vector<16xi32>
        %parallel_loop3A_240 = arith.shli %parallel_loop3A_237, %parallel_loop3A_239 : vector<16xi32>
        %parallel_loop3A_241 = tpu.bitcast %parallel_loop3A_240 : vector<16xi32> -> vector<16xf32>
        %parallel_loop3A_242 = tpu.bitcast %parallel_loop3A_237 : vector<16xi32> -> vector<16xf32>
        %parallel_loop3A_243 = arith.addf %parallel_loop3A_219, %parallel_loop3A_230 : vector<16xf32>
        %parallel_loop3A_244 = arith.addf %parallel_loop3A_243, %parallel_loop3A_241 : vector<16xf32>
        %parallel_loop3A_245 = arith.constant 2 : i32
        %parallel_loop3A_246 = arith.muli %parallel_loop3A_207, %parallel_loop3A_245 : i32
        %parallel_loop3A_247 = arith.constant 16 : i32
        %parallel_loop3A_248 = arith.muli %parallel_loop3A_246, %parallel_loop3A_247 : i32
        %parallel_loop3A_249 = arith.constant 1 : i32
        %parallel_loop3A_250 = arith.constant 3 : i32
        %parallel_loop3A_251 = arith.index_cast %parallel_loop3A_249 : i32 to index
        %parallel_loop3A_252 = arith.index_cast %parallel_loop3A_250 : i32 to index
        %parallel_loop3A_253 = arith.index_cast %parallel_loop3A_248 : i32 to index
        %parallel_loop3A_254 = tpu.vector_load %arg9[%parallel_loop3A_251, %parallel_loop3A_252, %parallel_loop3A_253] {strides = array<i32>} : memref<2x8x768xf32, #tpu.memory_space<vmem>>, vector<1x1x16xf32>,
        %parallel_loop3A_255 = vector.shape_cast %parallel_loop3A_254 : vector<1x1x16xf32> to vector<16xf32>
        %parallel_loop3A_256 = vector.shape_cast %parallel_loop3A_244 : vector<16xf32> to vector<1x1x16xf32>
        tpu.vector_store %arg9[%parallel_loop3A_251, %parallel_loop3A_252, %parallel_loop3A_253], %parallel_loop3A_256 {strides = array<i32>} : memref<2x8x768xf32, #tpu.memory_space<vmem>>, vector<1x1x16xf32>,
        %parallel_loop3A_257 = arith.addf %parallel_loop3A_220, %parallel_loop3A_231 : vector<16xf32>
        %parallel_loop3A_258 = arith.addf %parallel_loop3A_257, %parallel_loop3A_242 : vector<16xf32>
        %parallel_loop3A_259 = arith.constant 2 : i32
        %parallel_loop3A_260 = arith.muli %parallel_loop3A_207, %parallel_loop3A_259 : i32
        %parallel_loop3A_261 = arith.constant 16 : i32
        %parallel_loop3A_262 = arith.muli %parallel_loop3A_260, %parallel_loop3A_261 : i32
        %parallel_loop3A_263 = arith.constant 16 : i32
        %parallel_loop3A_264 = arith.addi %parallel_loop3A_262, %parallel_loop3A_263 : i32
        %parallel_loop3A_265 = arith.constant 1 : i32
        %parallel_loop3A_266 = arith.constant 3 : i32
        %parallel_loop3A_267 = arith.index_cast %parallel_loop3A_265 : i32 to index
        %parallel_loop3A_268 = arith.index_cast %parallel_loop3A_266 : i32 to index
        %parallel_loop3A_269 = arith.index_cast %parallel_loop3A_264 : i32 to index
        %parallel_loop3A_270 = tpu.vector_load %arg9[%parallel_loop3A_267, %parallel_loop3A_268, %parallel_loop3A_269] {strides = array<i32>} : memref<2x8x768xf32, #tpu.memory_space<vmem>>, vector<1x1x16xf32>,
        %parallel_loop3A_271 = vector.shape_cast %parallel_loop3A_270 : vector<1x1x16xf32> to vector<16xf32>
        %parallel_loop3A_272 = vector.shape_cast %parallel_loop3A_258 : vector<16xf32> to vector<1x1x16xf32>
        tpu.vector_store %arg9[%parallel_loop3A_267, %parallel_loop3A_268, %parallel_loop3A_269], %parallel_loop3A_272 {strides = array<i32>} : memref<2x8x768xf32, #tpu.memory_space<vmem>>, vector<1x1x16xf32>,
      } {sc.loop_unroll_factor = 4 : i64, sc.parallel_access}
      %parallel_loop3A_179 = arith.constant 0 : i32
      %parallel_loop3A_180 = arith.constant 24 : i32
      %parallel_loop3A_181 = arith.constant 1 : i32
      scf.for %parallel_loop3A_207 = %parallel_loop3A_179 to %parallel_loop3A_180 step %parallel_loop3A_181  : i32 {
        %parallel_loop3A_208 = arith.constant 16 : i32
        %parallel_loop3A_209 = arith.muli %parallel_loop3A_207, %parallel_loop3A_208 : i32
        %parallel_loop3A_210 = vector.extract_strided_slice %get3A_166 {offsets = [12], sizes = [1], strides = [1]} : vector<16xi32> to vector<1xi32>
        %parallel_loop3A_211 = vector.extract %parallel_loop3A_210[0] : i32 from vector<1xi32>
        %parallel_loop3A_212 = arith.index_cast %parallel_loop3A_211 : i32 to index
        %parallel_loop3A_213 = arith.index_cast %parallel_loop3A_209 : i32 to index
        %parallel_loop3A_214 = tpu.vector_load %arg7[%parallel_loop3A_212, %parallel_loop3A_213] {strides = array<i32>} : memref<140x384xi32, #tpu.memory_space<vmem>>, vector<1x16xi32>,
        %parallel_loop3A_215 = vector.shape_cast %parallel_loop3A_214 : vector<1x16xi32> to vector<16xi32>
        %parallel_loop3A_216 = arith.constant 16 : i32
        %parallel_loop3A_217 = vector.broadcast %parallel_loop3A_216 : i32 to vector<16xi32>
        %parallel_loop3A_218 = arith.shli %parallel_loop3A_215, %parallel_loop3A_217 : vector<16xi32>
        %parallel_loop3A_219 = tpu.bitcast %parallel_loop3A_218 : vector<16xi32> -> vector<16xf32>
        %parallel_loop3A_220 = tpu.bitcast %parallel_loop3A_215 : vector<16xi32> -> vector<16xf32>
        %parallel_loop3A_221 = vector.extract_strided_slice %add3A_161 {offsets = [12], sizes = [1], strides = [1]} : vector<16xi32> to vector<1xi32>
        %parallel_loop3A_222 = vector.extract %parallel_loop3A_221[0] : i32 from vector<1xi32>
        %parallel_loop3A_223 = arith.index_cast %parallel_loop3A_222 : i32 to index
        %parallel_loop3A_224 = arith.index_cast %parallel_loop3A_209 : i32 to index
        %parallel_loop3A_225 = tpu.vector_load %arg7[%parallel_loop3A_223, %parallel_loop3A_224] {strides = array<i32>} : memref<140x384xi32, #tpu.memory_space<vmem>>, vector<1x16xi32>,
        %parallel_loop3A_226 = vector.shape_cast %parallel_loop3A_225 : vector<1x16xi32> to vector<16xi32>
        %parallel_loop3A_227 = arith.constant 16 : i32
        %parallel_loop3A_228 = vector.broadcast %parallel_loop3A_227 : i32 to vector<16xi32>
        %parallel_loop3A_229 = arith.shli %parallel_loop3A_226, %parallel_loop3A_228 : vector<16xi32>
        %parallel_loop3A_230 = tpu.bitcast %parallel_loop3A_229 : vector<16xi32> -> vector<16xf32>
        %parallel_loop3A_231 = tpu.bitcast %parallel_loop3A_226 : vector<16xi32> -> vector<16xf32>
        %parallel_loop3A_232 = vector.extract_strided_slice %add3A_153 {offsets = [12], sizes = [1], strides = [1]} : vector<16xi32> to vector<1xi32>
        %parallel_loop3A_233 = vector.extract %parallel_loop3A_232[0] : i32 from vector<1xi32>
        %parallel_loop3A_234 = arith.index_cast %parallel_loop3A_233 : i32 to index
        %parallel_loop3A_235 = arith.index_cast %parallel_loop3A_209 : i32 to index
        %parallel_loop3A_236 = tpu.vector_load %arg7[%parallel_loop3A_234, %parallel_loop3A_235] {strides = array<i32>} : memref<140x384xi32, #tpu.memory_space<vmem>>, vector<1x16xi32>,
        %parallel_loop3A_237 = vector.shape_cast %parallel_loop3A_236 : vector<1x16xi32> to vector<16xi32>
        %parallel_loop3A_238 = arith.constant 16 : i32
        %parallel_loop3A_239 = vector.broadcast %parallel_loop3A_238 : i32 to vector<16xi32>
        %parallel_loop3A_240 = arith.shli %parallel_loop3A_237, %parallel_loop3A_239 : vector<16xi32>
        %parallel_loop3A_241 = tpu.bitcast %parallel_loop3A_240 : vector<16xi32> -> vector<16xf32>
        %parallel_loop3A_242 = tpu.bitcast %parallel_loop3A_237 : vector<16xi32> -> vector<16xf32>
        %parallel_loop3A_243 = arith.addf %parallel_loop3A_219, %parallel_loop3A_230 : vector<16xf32>
        %parallel_loop3A_244 = arith.addf %parallel_loop3A_243, %parallel_loop3A_241 : vector<16xf32>
        %parallel_loop3A_245 = arith.constant 2 : i32
        %parallel_loop3A_246 = arith.muli %parallel_loop3A_207, %parallel_loop3A_245 : i32
        %parallel_loop3A_247 = arith.constant 16 : i32
        %parallel_loop3A_248 = arith.muli %parallel_loop3A_246, %parallel_loop3A_247 : i32
        %parallel_loop3A_249 = arith.constant 1 : i32
        %parallel_loop3A_250 = arith.constant 4 : i32
        %parallel_loop3A_251 = arith.index_cast %parallel_loop3A_249 : i32 to index
        %parallel_loop3A_252 = arith.index_cast %parallel_loop3A_250 : i32 to index
        %parallel_loop3A_253 = arith.index_cast %parallel_loop3A_248 : i32 to index
        %parallel_loop3A_254 = tpu.vector_load %arg9[%parallel_loop3A_251, %parallel_loop3A_252, %parallel_loop3A_253] {strides = array<i32>} : memref<2x8x768xf32, #tpu.memory_space<vmem>>, vector<1x1x16xf32>,
        %parallel_loop3A_255 = vector.shape_cast %parallel_loop3A_254 : vector<1x1x16xf32> to vector<16xf32>
        %parallel_loop3A_256 = vector.shape_cast %parallel_loop3A_244 : vector<16xf32> to vector<1x1x16xf32>
        tpu.vector_store %arg9[%parallel_loop3A_251, %parallel_loop3A_252, %parallel_loop3A_253], %parallel_loop3A_256 {strides = array<i32>} : memref<2x8x768xf32, #tpu.memory_space<vmem>>, vector<1x1x16xf32>,
        %parallel_loop3A_257 = arith.addf %parallel_loop3A_220, %parallel_loop3A_231 : vector<16xf32>
        %parallel_loop3A_258 = arith.addf %parallel_loop3A_257, %parallel_loop3A_242 : vector<16xf32>
        %parallel_loop3A_259 = arith.constant 2 : i32
        %parallel_loop3A_260 = arith.muli %parallel_loop3A_207, %parallel_loop3A_259 : i32
        %parallel_loop3A_261 = arith.constant 16 : i32
        %parallel_loop3A_262 = arith.muli %parallel_loop3A_260, %parallel_loop3A_261 : i32
        %parallel_loop3A_263 = arith.constant 16 : i32
        %parallel_loop3A_264 = arith.addi %parallel_loop3A_262, %parallel_loop3A_263 : i32
        %parallel_loop3A_265 = arith.constant 1 : i32
        %parallel_loop3A_266 = arith.constant 4 : i32
        %parallel_loop3A_267 = arith.index_cast %parallel_loop3A_265 : i32 to index
        %parallel_loop3A_268 = arith.index_cast %parallel_loop3A_266 : i32 to index
        %parallel_loop3A_269 = arith.index_cast %parallel_loop3A_264 : i32 to index
        %parallel_loop3A_270 = tpu.vector_load %arg9[%parallel_loop3A_267, %parallel_loop3A_268, %parallel_loop3A_269] {strides = array<i32>} : memref<2x8x768xf32, #tpu.memory_space<vmem>>, vector<1x1x16xf32>,
        %parallel_loop3A_271 = vector.shape_cast %parallel_loop3A_270 : vector<1x1x16xf32> to vector<16xf32>
        %parallel_loop3A_272 = vector.shape_cast %parallel_loop3A_258 : vector<16xf32> to vector<1x1x16xf32>
        tpu.vector_store %arg9[%parallel_loop3A_267, %parallel_loop3A_268, %parallel_loop3A_269], %parallel_loop3A_272 {strides = array<i32>} : memref<2x8x768xf32, #tpu.memory_space<vmem>>, vector<1x1x16xf32>,
      } {sc.loop_unroll_factor = 4 : i64, sc.parallel_access}
      %parallel_loop3A_182 = arith.constant 0 : i32
      %parallel_loop3A_183 = arith.constant 24 : i32
      %parallel_loop3A_184 = arith.constant 1 : i32
      scf.for %parallel_loop3A_207 = %parallel_loop3A_182 to %parallel_loop3A_183 step %parallel_loop3A_184  : i32 {
        %parallel_loop3A_208 = arith.constant 16 : i32
        %parallel_loop3A_209 = arith.muli %parallel_loop3A_207, %parallel_loop3A_208 : i32
        %parallel_loop3A_210 = vector.extract_strided_slice %get3A_166 {offsets = [13], sizes = [1], strides = [1]} : vector<16xi32> to vector<1xi32>
        %parallel_loop3A_211 = vector.extract %parallel_loop3A_210[0] : i32 from vector<1xi32>
        %parallel_loop3A_212 = arith.index_cast %parallel_loop3A_211 : i32 to index
        %parallel_loop3A_213 = arith.index_cast %parallel_loop3A_209 : i32 to index
        %parallel_loop3A_214 = tpu.vector_load %arg7[%parallel_loop3A_212, %parallel_loop3A_213] {strides = array<i32>} : memref<140x384xi32, #tpu.memory_space<vmem>>, vector<1x16xi32>,
        %parallel_loop3A_215 = vector.shape_cast %parallel_loop3A_214 : vector<1x16xi32> to vector<16xi32>
        %parallel_loop3A_216 = arith.constant 16 : i32
        %parallel_loop3A_217 = vector.broadcast %parallel_loop3A_216 : i32 to vector<16xi32>
        %parallel_loop3A_218 = arith.shli %parallel_loop3A_215, %parallel_loop3A_217 : vector<16xi32>
        %parallel_loop3A_219 = tpu.bitcast %parallel_loop3A_218 : vector<16xi32> -> vector<16xf32>
        %parallel_loop3A_220 = tpu.bitcast %parallel_loop3A_215 : vector<16xi32> -> vector<16xf32>
        %parallel_loop3A_221 = vector.extract_strided_slice %add3A_161 {offsets = [13], sizes = [1], strides = [1]} : vector<16xi32> to vector<1xi32>
        %parallel_loop3A_222 = vector.extract %parallel_loop3A_221[0] : i32 from vector<1xi32>
        %parallel_loop3A_223 = arith.index_cast %parallel_loop3A_222 : i32 to index
        %parallel_loop3A_224 = arith.index_cast %parallel_loop3A_209 : i32 to index
        %parallel_loop3A_225 = tpu.vector_load %arg7[%parallel_loop3A_223, %parallel_loop3A_224] {strides = array<i32>} : memref<140x384xi32, #tpu.memory_space<vmem>>, vector<1x16xi32>,
        %parallel_loop3A_226 = vector.shape_cast %parallel_loop3A_225 : vector<1x16xi32> to vector<16xi32>
        %parallel_loop3A_227 = arith.constant 16 : i32
        %parallel_loop3A_228 = vector.broadcast %parallel_loop3A_227 : i32 to vector<16xi32>
        %parallel_loop3A_229 = arith.shli %parallel_loop3A_226, %parallel_loop3A_228 : vector<16xi32>
        %parallel_loop3A_230 = tpu.bitcast %parallel_loop3A_229 : vector<16xi32> -> vector<16xf32>
        %parallel_loop3A_231 = tpu.bitcast %parallel_loop3A_226 : vector<16xi32> -> vector<16xf32>
        %parallel_loop3A_232 = vector.extract_strided_slice %add3A_153 {offsets = [13], sizes = [1], strides = [1]} : vector<16xi32> to vector<1xi32>
        %parallel_loop3A_233 = vector.extract %parallel_loop3A_232[0] : i32 from vector<1xi32>
        %parallel_loop3A_234 = arith.index_cast %parallel_loop3A_233 : i32 to index
        %parallel_loop3A_235 = arith.index_cast %parallel_loop3A_209 : i32 to index
        %parallel_loop3A_236 = tpu.vector_load %arg7[%parallel_loop3A_234, %parallel_loop3A_235] {strides = array<i32>} : memref<140x384xi32, #tpu.memory_space<vmem>>, vector<1x16xi32>,
        %parallel_loop3A_237 = vector.shape_cast %parallel_loop3A_236 : vector<1x16xi32> to vector<16xi32>
        %parallel_loop3A_238 = arith.constant 16 : i32
        %parallel_loop3A_239 = vector.broadcast %parallel_loop3A_238 : i32 to vector<16xi32>
        %parallel_loop3A_240 = arith.shli %parallel_loop3A_237, %parallel_loop3A_239 : vector<16xi32>
        %parallel_loop3A_241 = tpu.bitcast %parallel_loop3A_240 : vector<16xi32> -> vector<16xf32>
        %parallel_loop3A_242 = tpu.bitcast %parallel_loop3A_237 : vector<16xi32> -> vector<16xf32>
        %parallel_loop3A_243 = arith.addf %parallel_loop3A_219, %parallel_loop3A_230 : vector<16xf32>
        %parallel_loop3A_244 = arith.addf %parallel_loop3A_243, %parallel_loop3A_241 : vector<16xf32>
        %parallel_loop3A_245 = arith.constant 2 : i32
        %parallel_loop3A_246 = arith.muli %parallel_loop3A_207, %parallel_loop3A_245 : i32
        %parallel_loop3A_247 = arith.constant 16 : i32
        %parallel_loop3A_248 = arith.muli %parallel_loop3A_246, %parallel_loop3A_247 : i32
        %parallel_loop3A_249 = arith.constant 1 : i32
        %parallel_loop3A_250 = arith.constant 5 : i32
        %parallel_loop3A_251 = arith.index_cast %parallel_loop3A_249 : i32 to index
        %parallel_loop3A_252 = arith.index_cast %parallel_loop3A_250 : i32 to index
        %parallel_loop3A_253 = arith.index_cast %parallel_loop3A_248 : i32 to index
        %parallel_loop3A_254 = tpu.vector_load %arg9[%parallel_loop3A_251, %parallel_loop3A_252, %parallel_loop3A_253] {strides = array<i32>} : memref<2x8x768xf32, #tpu.memory_space<vmem>>, vector<1x1x16xf32>,
        %parallel_loop3A_255 = vector.shape_cast %parallel_loop3A_254 : vector<1x1x16xf32> to vector<16xf32>
        %parallel_loop3A_256 = vector.shape_cast %parallel_loop3A_244 : vector<16xf32> to vector<1x1x16xf32>
        tpu.vector_store %arg9[%parallel_loop3A_251, %parallel_loop3A_252, %parallel_loop3A_253], %parallel_loop3A_256 {strides = array<i32>} : memref<2x8x768xf32, #tpu.memory_space<vmem>>, vector<1x1x16xf32>,
        %parallel_loop3A_257 = arith.addf %parallel_loop3A_220, %parallel_loop3A_231 : vector<16xf32>
        %parallel_loop3A_258 = arith.addf %parallel_loop3A_257, %parallel_loop3A_242 : vector<16xf32>
        %parallel_loop3A_259 = arith.constant 2 : i32
        %parallel_loop3A_260 = arith.muli %parallel_loop3A_207, %parallel_loop3A_259 : i32
        %parallel_loop3A_261 = arith.constant 16 : i32
        %parallel_loop3A_262 = arith.muli %parallel_loop3A_260, %parallel_loop3A_261 : i32
        %parallel_loop3A_263 = arith.constant 16 : i32
        %parallel_loop3A_264 = arith.addi %parallel_loop3A_262, %parallel_loop3A_263 : i32
        %parallel_loop3A_265 = arith.constant 1 : i32
        %parallel_loop3A_266 = arith.constant 5 : i32
        %parallel_loop3A_267 = arith.index_cast %parallel_loop3A_265 : i32 to index
        %parallel_loop3A_268 = arith.index_cast %parallel_loop3A_266 : i32 to index
        %parallel_loop3A_269 = arith.index_cast %parallel_loop3A_264 : i32 to index
        %parallel_loop3A_270 = tpu.vector_load %arg9[%parallel_loop3A_267, %parallel_loop3A_268, %parallel_loop3A_269] {strides = array<i32>} : memref<2x8x768xf32, #tpu.memory_space<vmem>>, vector<1x1x16xf32>,
        %parallel_loop3A_271 = vector.shape_cast %parallel_loop3A_270 : vector<1x1x16xf32> to vector<16xf32>
        %parallel_loop3A_272 = vector.shape_cast %parallel_loop3A_258 : vector<16xf32> to vector<1x1x16xf32>
        tpu.vector_store %arg9[%parallel_loop3A_267, %parallel_loop3A_268, %parallel_loop3A_269], %parallel_loop3A_272 {strides = array<i32>} : memref<2x8x768xf32, #tpu.memory_space<vmem>>, vector<1x1x16xf32>,
      } {sc.loop_unroll_factor = 4 : i64, sc.parallel_access}
      %parallel_loop3A_185 = arith.constant 0 : i32
      %parallel_loop3A_186 = arith.constant 24 : i32
      %parallel_loop3A_187 = arith.constant 1 : i32
      scf.for %parallel_loop3A_207 = %parallel_loop3A_185 to %parallel_loop3A_186 step %parallel_loop3A_187  : i32 {
        %parallel_loop3A_208 = arith.constant 16 : i32
        %parallel_loop3A_209 = arith.muli %parallel_loop3A_207, %parallel_loop3A_208 : i32
        %parallel_loop3A_210 = vector.extract_strided_slice %get3A_166 {offsets = [14], sizes = [1], strides = [1]} : vector<16xi32> to vector<1xi32>
        %parallel_loop3A_211 = vector.extract %parallel_loop3A_210[0] : i32 from vector<1xi32>
        %parallel_loop3A_212 = arith.index_cast %parallel_loop3A_211 : i32 to index
        %parallel_loop3A_213 = arith.index_cast %parallel_loop3A_209 : i32 to index
        %parallel_loop3A_214 = tpu.vector_load %arg7[%parallel_loop3A_212, %parallel_loop3A_213] {strides = array<i32>} : memref<140x384xi32, #tpu.memory_space<vmem>>, vector<1x16xi32>,
        %parallel_loop3A_215 = vector.shape_cast %parallel_loop3A_214 : vector<1x16xi32> to vector<16xi32>
        %parallel_loop3A_216 = arith.constant 16 : i32
        %parallel_loop3A_217 = vector.broadcast %parallel_loop3A_216 : i32 to vector<16xi32>
        %parallel_loop3A_218 = arith.shli %parallel_loop3A_215, %parallel_loop3A_217 : vector<16xi32>
        %parallel_loop3A_219 = tpu.bitcast %parallel_loop3A_218 : vector<16xi32> -> vector<16xf32>
        %parallel_loop3A_220 = tpu.bitcast %parallel_loop3A_215 : vector<16xi32> -> vector<16xf32>
        %parallel_loop3A_221 = vector.extract_strided_slice %add3A_161 {offsets = [14], sizes = [1], strides = [1]} : vector<16xi32> to vector<1xi32>
        %parallel_loop3A_222 = vector.extract %parallel_loop3A_221[0] : i32 from vector<1xi32>
        %parallel_loop3A_223 = arith.index_cast %parallel_loop3A_222 : i32 to index
        %parallel_loop3A_224 = arith.index_cast %parallel_loop3A_209 : i32 to index
        %parallel_loop3A_225 = tpu.vector_load %arg7[%parallel_loop3A_223, %parallel_loop3A_224] {strides = array<i32>} : memref<140x384xi32, #tpu.memory_space<vmem>>, vector<1x16xi32>,
        %parallel_loop3A_226 = vector.shape_cast %parallel_loop3A_225 : vector<1x16xi32> to vector<16xi32>
        %parallel_loop3A_227 = arith.constant 16 : i32
        %parallel_loop3A_228 = vector.broadcast %parallel_loop3A_227 : i32 to vector<16xi32>
        %parallel_loop3A_229 = arith.shli %parallel_loop3A_226, %parallel_loop3A_228 : vector<16xi32>
        %parallel_loop3A_230 = tpu.bitcast %parallel_loop3A_229 : vector<16xi32> -> vector<16xf32>
        %parallel_loop3A_231 = tpu.bitcast %parallel_loop3A_226 : vector<16xi32> -> vector<16xf32>
        %parallel_loop3A_232 = vector.extract_strided_slice %add3A_153 {offsets = [14], sizes = [1], strides = [1]} : vector<16xi32> to vector<1xi32>
        %parallel_loop3A_233 = vector.extract %parallel_loop3A_232[0] : i32 from vector<1xi32>
        %parallel_loop3A_234 = arith.index_cast %parallel_loop3A_233 : i32 to index
        %parallel_loop3A_235 = arith.index_cast %parallel_loop3A_209 : i32 to index
        %parallel_loop3A_236 = tpu.vector_load %arg7[%parallel_loop3A_234, %parallel_loop3A_235] {strides = array<i32>} : memref<140x384xi32, #tpu.memory_space<vmem>>, vector<1x16xi32>,
        %parallel_loop3A_237 = vector.shape_cast %parallel_loop3A_236 : vector<1x16xi32> to vector<16xi32>
        %parallel_loop3A_238 = arith.constant 16 : i32
        %parallel_loop3A_239 = vector.broadcast %parallel_loop3A_238 : i32 to vector<16xi32>
        %parallel_loop3A_240 = arith.shli %parallel_loop3A_237, %parallel_loop3A_239 : vector<16xi32>
        %parallel_loop3A_241 = tpu.bitcast %parallel_loop3A_240 : vector<16xi32> -> vector<16xf32>
        %parallel_loop3A_242 = tpu.bitcast %parallel_loop3A_237 : vector<16xi32> -> vector<16xf32>
        %parallel_loop3A_243 = arith.addf %parallel_loop3A_219, %parallel_loop3A_230 : vector<16xf32>
        %parallel_loop3A_244 = arith.addf %parallel_loop3A_243, %parallel_loop3A_241 : vector<16xf32>
        %parallel_loop3A_245 = arith.constant 2 : i32
        %parallel_loop3A_246 = arith.muli %parallel_loop3A_207, %parallel_loop3A_245 : i32
        %parallel_loop3A_247 = arith.constant 16 : i32
        %parallel_loop3A_248 = arith.muli %parallel_loop3A_246, %parallel_loop3A_247 : i32
        %parallel_loop3A_249 = arith.constant 1 : i32
        %parallel_loop3A_250 = arith.constant 6 : i32
        %parallel_loop3A_251 = arith.index_cast %parallel_loop3A_249 : i32 to index
        %parallel_loop3A_252 = arith.index_cast %parallel_loop3A_250 : i32 to index
        %parallel_loop3A_253 = arith.index_cast %parallel_loop3A_248 : i32 to index
        %parallel_loop3A_254 = tpu.vector_load %arg9[%parallel_loop3A_251, %parallel_loop3A_252, %parallel_loop3A_253] {strides = array<i32>} : memref<2x8x768xf32, #tpu.memory_space<vmem>>, vector<1x1x16xf32>,
        %parallel_loop3A_255 = vector.shape_cast %parallel_loop3A_254 : vector<1x1x16xf32> to vector<16xf32>
        %parallel_loop3A_256 = vector.shape_cast %parallel_loop3A_244 : vector<16xf32> to vector<1x1x16xf32>
        tpu.vector_store %arg9[%parallel_loop3A_251, %parallel_loop3A_252, %parallel_loop3A_253], %parallel_loop3A_256 {strides = array<i32>} : memref<2x8x768xf32, #tpu.memory_space<vmem>>, vector<1x1x16xf32>,
        %parallel_loop3A_257 = arith.addf %parallel_loop3A_220, %parallel_loop3A_231 : vector<16xf32>
        %parallel_loop3A_258 = arith.addf %parallel_loop3A_257, %parallel_loop3A_242 : vector<16xf32>
        %parallel_loop3A_259 = arith.constant 2 : i32
        %parallel_loop3A_260 = arith.muli %parallel_loop3A_207, %parallel_loop3A_259 : i32
        %parallel_loop3A_261 = arith.constant 16 : i32
        %parallel_loop3A_262 = arith.muli %parallel_loop3A_260, %parallel_loop3A_261 : i32
        %parallel_loop3A_263 = arith.constant 16 : i32
        %parallel_loop3A_264 = arith.addi %parallel_loop3A_262, %parallel_loop3A_263 : i32
        %parallel_loop3A_265 = arith.constant 1 : i32
        %parallel_loop3A_266 = arith.constant 6 : i32
        %parallel_loop3A_267 = arith.index_cast %parallel_loop3A_265 : i32 to index
        %parallel_loop3A_268 = arith.index_cast %parallel_loop3A_266 : i32 to index
        %parallel_loop3A_269 = arith.index_cast %parallel_loop3A_264 : i32 to index
        %parallel_loop3A_270 = tpu.vector_load %arg9[%parallel_loop3A_267, %parallel_loop3A_268, %parallel_loop3A_269] {strides = array<i32>} : memref<2x8x768xf32, #tpu.memory_space<vmem>>, vector<1x1x16xf32>,
        %parallel_loop3A_271 = vector.shape_cast %parallel_loop3A_270 : vector<1x1x16xf32> to vector<16xf32>
        %parallel_loop3A_272 = vector.shape_cast %parallel_loop3A_258 : vector<16xf32> to vector<1x1x16xf32>
        tpu.vector_store %arg9[%parallel_loop3A_267, %parallel_loop3A_268, %parallel_loop3A_269], %parallel_loop3A_272 {strides = array<i32>} : memref<2x8x768xf32, #tpu.memory_space<vmem>>, vector<1x1x16xf32>,
      } {sc.loop_unroll_factor = 4 : i64, sc.parallel_access}
      %parallel_loop3A_188 = arith.constant 0 : i32
      %parallel_loop3A_189 = arith.constant 24 : i32
      %parallel_loop3A_190 = arith.constant 1 : i32
      scf.for %parallel_loop3A_207 = %parallel_loop3A_188 to %parallel_loop3A_189 step %parallel_loop3A_190  : i32 {
        %parallel_loop3A_208 = arith.constant 16 : i32
        %parallel_loop3A_209 = arith.muli %parallel_loop3A_207, %parallel_loop3A_208 : i32
        %parallel_loop3A_210 = vector.extract_strided_slice %get3A_166 {offsets = [15], sizes = [1], strides = [1]} : vector<16xi32> to vector<1xi32>
        %parallel_loop3A_211 = vector.extract %parallel_loop3A_210[0] : i32 from vector<1xi32>
        %parallel_loop3A_212 = arith.index_cast %parallel_loop3A_211 : i32 to index
        %parallel_loop3A_213 = arith.index_cast %parallel_loop3A_209 : i32 to index
        %parallel_loop3A_214 = tpu.vector_load %arg7[%parallel_loop3A_212, %parallel_loop3A_213] {strides = array<i32>} : memref<140x384xi32, #tpu.memory_space<vmem>>, vector<1x16xi32>,
        %parallel_loop3A_215 = vector.shape_cast %parallel_loop3A_214 : vector<1x16xi32> to vector<16xi32>
        %parallel_loop3A_216 = arith.constant 16 : i32
        %parallel_loop3A_217 = vector.broadcast %parallel_loop3A_216 : i32 to vector<16xi32>
        %parallel_loop3A_218 = arith.shli %parallel_loop3A_215, %parallel_loop3A_217 : vector<16xi32>
        %parallel_loop3A_219 = tpu.bitcast %parallel_loop3A_218 : vector<16xi32> -> vector<16xf32>
        %parallel_loop3A_220 = tpu.bitcast %parallel_loop3A_215 : vector<16xi32> -> vector<16xf32>
        %parallel_loop3A_221 = vector.extract_strided_slice %add3A_161 {offsets = [15], sizes = [1], strides = [1]} : vector<16xi32> to vector<1xi32>
        %parallel_loop3A_222 = vector.extract %parallel_loop3A_221[0] : i32 from vector<1xi32>
        %parallel_loop3A_223 = arith.index_cast %parallel_loop3A_222 : i32 to index
        %parallel_loop3A_224 = arith.index_cast %parallel_loop3A_209 : i32 to index
        %parallel_loop3A_225 = tpu.vector_load %arg7[%parallel_loop3A_223, %parallel_loop3A_224] {strides = array<i32>} : memref<140x384xi32, #tpu.memory_space<vmem>>, vector<1x16xi32>,
        %parallel_loop3A_226 = vector.shape_cast %parallel_loop3A_225 : vector<1x16xi32> to vector<16xi32>
        %parallel_loop3A_227 = arith.constant 16 : i32
        %parallel_loop3A_228 = vector.broadcast %parallel_loop3A_227 : i32 to vector<16xi32>
        %parallel_loop3A_229 = arith.shli %parallel_loop3A_226, %parallel_loop3A_228 : vector<16xi32>
        %parallel_loop3A_230 = tpu.bitcast %parallel_loop3A_229 : vector<16xi32> -> vector<16xf32>
        %parallel_loop3A_231 = tpu.bitcast %parallel_loop3A_226 : vector<16xi32> -> vector<16xf32>
        %parallel_loop3A_232 = vector.extract_strided_slice %add3A_153 {offsets = [15], sizes = [1], strides = [1]} : vector<16xi32> to vector<1xi32>
        %parallel_loop3A_233 = vector.extract %parallel_loop3A_232[0] : i32 from vector<1xi32>
        %parallel_loop3A_234 = arith.index_cast %parallel_loop3A_233 : i32 to index
        %parallel_loop3A_235 = arith.index_cast %parallel_loop3A_209 : i32 to index
        %parallel_loop3A_236 = tpu.vector_load %arg7[%parallel_loop3A_234, %parallel_loop3A_235] {strides = array<i32>} : memref<140x384xi32, #tpu.memory_space<vmem>>, vector<1x16xi32>,
        %parallel_loop3A_237 = vector.shape_cast %parallel_loop3A_236 : vector<1x16xi32> to vector<16xi32>
        %parallel_loop3A_238 = arith.constant 16 : i32
        %parallel_loop3A_239 = vector.broadcast %parallel_loop3A_238 : i32 to vector<16xi32>
        %parallel_loop3A_240 = arith.shli %parallel_loop3A_237, %parallel_loop3A_239 : vector<16xi32>
        %parallel_loop3A_241 = tpu.bitcast %parallel_loop3A_240 : vector<16xi32> -> vector<16xf32>
        %parallel_loop3A_242 = tpu.bitcast %parallel_loop3A_237 : vector<16xi32> -> vector<16xf32>
        %parallel_loop3A_243 = arith.addf %parallel_loop3A_219, %parallel_loop3A_230 : vector<16xf32>
        %parallel_loop3A_244 = arith.addf %parallel_loop3A_243, %parallel_loop3A_241 : vector<16xf32>
        %parallel_loop3A_245 = arith.constant 2 : i32
        %parallel_loop3A_246 = arith.muli %parallel_loop3A_207, %parallel_loop3A_245 : i32
        %parallel_loop3A_247 = arith.constant 16 : i32
        %parallel_loop3A_248 = arith.muli %parallel_loop3A_246, %parallel_loop3A_247 : i32
        %parallel_loop3A_249 = arith.constant 1 : i32
        %parallel_loop3A_250 = arith.constant 7 : i32
        %parallel_loop3A_251 = arith.index_cast %parallel_loop3A_249 : i32 to index
        %parallel_loop3A_252 = arith.index_cast %parallel_loop3A_250 : i32 to index
        %parallel_loop3A_253 = arith.index_cast %parallel_loop3A_248 : i32 to index
        %parallel_loop3A_254 = tpu.vector_load %arg9[%parallel_loop3A_251, %parallel_loop3A_252, %parallel_loop3A_253] {strides = array<i32>} : memref<2x8x768xf32, #tpu.memory_space<vmem>>, vector<1x1x16xf32>,
        %parallel_loop3A_255 = vector.shape_cast %parallel_loop3A_254 : vector<1x1x16xf32> to vector<16xf32>
        %parallel_loop3A_256 = vector.shape_cast %parallel_loop3A_244 : vector<16xf32> to vector<1x1x16xf32>
        tpu.vector_store %arg9[%parallel_loop3A_251, %parallel_loop3A_252, %parallel_loop3A_253], %parallel_loop3A_256 {strides = array<i32>} : memref<2x8x768xf32, #tpu.memory_space<vmem>>, vector<1x1x16xf32>,
        %parallel_loop3A_257 = arith.addf %parallel_loop3A_220, %parallel_loop3A_231 : vector<16xf32>
        %parallel_loop3A_258 = arith.addf %parallel_loop3A_257, %parallel_loop3A_242 : vector<16xf32>
        %parallel_loop3A_259 = arith.constant 2 : i32
        %parallel_loop3A_260 = arith.muli %parallel_loop3A_207, %parallel_loop3A_259 : i32
        %parallel_loop3A_261 = arith.constant 16 : i32
        %parallel_loop3A_262 = arith.muli %parallel_loop3A_260, %parallel_loop3A_261 : i32
        %parallel_loop3A_263 = arith.constant 16 : i32
        %parallel_loop3A_264 = arith.addi %parallel_loop3A_262, %parallel_loop3A_263 : i32
        %parallel_loop3A_265 = arith.constant 1 : i32
        %parallel_loop3A_266 = arith.constant 7 : i32
        %parallel_loop3A_267 = arith.index_cast %parallel_loop3A_265 : i32 to index
        %parallel_loop3A_268 = arith.index_cast %parallel_loop3A_266 : i32 to index
        %parallel_loop3A_269 = arith.index_cast %parallel_loop3A_264 : i32 to index
        %parallel_loop3A_270 = tpu.vector_load %arg9[%parallel_loop3A_267, %parallel_loop3A_268, %parallel_loop3A_269] {strides = array<i32>} : memref<2x8x768xf32, #tpu.memory_space<vmem>>, vector<1x1x16xf32>,
        %parallel_loop3A_271 = vector.shape_cast %parallel_loop3A_270 : vector<1x1x16xf32> to vector<16xf32>
        %parallel_loop3A_272 = vector.shape_cast %parallel_loop3A_258 : vector<16xf32> to vector<1x1x16xf32>
        tpu.vector_store %arg9[%parallel_loop3A_267, %parallel_loop3A_268, %parallel_loop3A_269], %parallel_loop3A_272 {strides = array<i32>} : memref<2x8x768xf32, #tpu.memory_space<vmem>>, vector<1x1x16xf32>,
      } {sc.loop_unroll_factor = 4 : i64, sc.parallel_access}
      %mul3A_191 = arith.constant 8 : i32
      %mul3A_192 = arith.muli %add3A_127, %mul3A_191 : i32
      %add3A_193 = arith.addi %mul3A_2, %mul3A_192 : i32
      %dma_start3A_194 = arith.constant 1 : i32
      %dma_start3A_195 = arith.constant 0 : i32
      %dma_start3A_196 = arith.constant 0 : i32
      %dma_start3A_197 = tpu.memref_slice %arg9[%dma_start3A_194, %dma_start3A_195, %dma_start3A_196] : memref<2x8x768xf32, #tpu.memory_space<vmem>> -> memref<1x8x768xf32, #tpu.memory_space<vmem>>
      %dma_start3A_198 = tpu.memref_squeeze %dma_start3A_197 : memref<1x8x768xf32, #tpu.memory_space<vmem>> -> memref<8x768xf32, #tpu.memory_space<vmem>>
      %dma_start3A_199 = arith.constant 0 : i32
      %dma_start3A_200 = tpu.memref_slice %arg5[%add3A_193, %dma_start3A_199] : memref<32768x768xf32, #tpu.memory_space<hbm>> -> memref<8x768xf32, #tpu.memory_space<hbm>>
      %dma_start3A_201 = arith.constant 0 : i32
      %dma_start3A_202 = tpu.memref_slice %arg5[%add3A_193, %dma_start3A_201] : memref<32768x768xf32, #tpu.memory_space<hbm>> -> memref<8x768xf32, #tpu.memory_space<hbm>>
      %dma_start3A_203 = arith.constant 0 : i32
      %dma_start3A_204 = arith.constant 0 : i32
      %dma_start3A_205 = tpu.memref_slice %arg9[%dma_start3A_194, %dma_start3A_203, %dma_start3A_204] : memref<2x8x768xf32, #tpu.memory_space<vmem>> -> memref<1x8x768xf32, #tpu.memory_space<vmem>>
      %dma_start3A_206 = tpu.memref_squeeze %dma_start3A_205 : memref<1x8x768xf32, #tpu.memory_space<vmem>> -> memref<8x768xf32, #tpu.memory_space<vmem>>
      tpu.enqueue_dma source(%dma_start3A_206 : memref<8x768xf32, #tpu.memory_space<vmem>>) target(%dma_start3A_202 : memref<8x768xf32, #tpu.memory_space<hbm>>) target_semaphore(%arg11 : memref<!tpu.dma_semaphore, #tpu.memory_space<semaphore_mem>>)
    }
    %scan3A_20 = arith.constant 64 : i32
    %dma_wait3A = arith.constant 0 : i32
    %dma_wait3A_21 = arith.constant 0 : i32
    %dma_wait3A_22 = arith.constant 0 : i32
    %dma_wait3A_23 = tpu.memref_slice %arg9[%dma_wait3A, %dma_wait3A_21, %dma_wait3A_22] : memref<2x8x768xf32, #tpu.memory_space<vmem>> -> memref<1x8x768xf32, #tpu.memory_space<vmem>>
    %dma_wait3A_24 = tpu.memref_squeeze %dma_wait3A_23 : memref<1x8x768xf32, #tpu.memory_space<vmem>> -> memref<8x768xf32, #tpu.memory_space<vmem>>
    %dma_wait3A_25 = arith.constant 0 : i32
    %dma_wait3A_26 = tpu.memref_slice %arg5[%mul3A_2, %dma_wait3A_25] : memref<32768x768xf32, #tpu.memory_space<hbm>> -> memref<8x768xf32, #tpu.memory_space<hbm>>
    %dma_wait3A_27 = arith.constant 0 : i32
    %dma_wait3A_28 = tpu.memref_slice %arg5[%mul3A_2, %dma_wait3A_27] : memref<32768x768xf32, #tpu.memory_space<hbm>> -> memref<8x768xf32, #tpu.memory_space<hbm>>
    %dma_wait3A_29 = arith.constant 0 : i32
    %dma_wait3A_30 = arith.constant 0 : i32
    %dma_wait3A_31 = tpu.memref_slice %arg9[%dma_wait3A, %dma_wait3A_29, %dma_wait3A_30] : memref<2x8x768xf32, #tpu.memory_space<vmem>> -> memref<1x8x768xf32, #tpu.memory_space<vmem>>
    %dma_wait3A_32 = tpu.memref_squeeze %dma_wait3A_31 : memref<1x8x768xf32, #tpu.memory_space<vmem>> -> memref<8x768xf32, #tpu.memory_space<vmem>>
    tpu.wait_dma2 semaphore(%arg10 : memref<!tpu.dma_semaphore, #tpu.memory_space<semaphore_mem>>) src(%dma_wait3A_32 : memref<8x768xf32, #tpu.memory_space<vmem>>) dst(%dma_wait3A_28 : memref<8x768xf32, #tpu.memory_space<hbm>>)
    %dma_wait3A_33 = arith.constant 1 : i32
    %dma_wait3A_34 = arith.constant 0 : i32
    %dma_wait3A_35 = arith.constant 0 : i32
    %dma_wait3A_36 = tpu.memref_slice %arg9[%dma_wait3A_33, %dma_wait3A_34, %dma_wait3A_35] : memref<2x8x768xf32, #tpu.memory_space<vmem>> -> memref<1x8x768xf32, #tpu.memory_space<vmem>>
    %dma_wait3A_37 = tpu.memref_squeeze %dma_wait3A_36 : memref<1x8x768xf32, #tpu.memory_space<vmem>> -> memref<8x768xf32, #tpu.memory_space<vmem>>
    %dma_wait3A_38 = arith.constant 0 : i32
    %dma_wait3A_39 = tpu.memref_slice %arg5[%mul3A_2, %dma_wait3A_38] : memref<32768x768xf32, #tpu.memory_space<hbm>> -> memref<8x768xf32, #tpu.memory_space<hbm>>
    %dma_wait3A_40 = arith.constant 0 : i32
    %dma_wait3A_41 = tpu.memref_slice %arg5[%mul3A_2, %dma_wait3A_40] : memref<32768x768xf32, #tpu.memory_space<hbm>> -> memref<8x768xf32, #tpu.memory_space<hbm>>
    %dma_wait3A_42 = arith.constant 0 : i32
    %dma_wait3A_43 = arith.constant 0 : i32
    %dma_wait3A_44 = tpu.memref_slice %arg9[%dma_wait3A_33, %dma_wait3A_42, %dma_wait3A_43] : memref<2x8x768xf32, #tpu.memory_space<vmem>> -> memref<1x8x768xf32, #tpu.memory_space<vmem>>
    %dma_wait3A_45 = tpu.memref_squeeze %dma_wait3A_44 : memref<1x8x768xf32, #tpu.memory_space<vmem>> -> memref<8x768xf32, #tpu.memory_space<vmem>>
    tpu.wait_dma2 semaphore(%arg11 : memref<!tpu.dma_semaphore, #tpu.memory_space<semaphore_mem>>) src(%dma_wait3A_45 : memref<8x768xf32, #tpu.memory_space<vmem>>) dst(%dma_wait3A_41 : memref<8x768xf32, #tpu.memory_space<hbm>>)
    return
  }
}

</mosaic_0001>

<sc_bundles>
// kernel: kernel.3.cloned.1.call-start
scs
__scs_entry_jumppad:
0x0: {  	(pc) =	sbr.rel $0x88, $3  }
0x1: {  	(tag) =	ssettag $0x0;
	lr =	simm.s32 $0x1  }
0x2: {  	[smem:$0x3F9C] =	sst lr;
	_ =	strace $0xD0000000  }
0x3: {  	_ = 	snop  }
0x4: {  	_ = 	snop  }
0x5: {  	_ = 	snop  }
0x6: {  	_ = 	snop  }
0x7: {  	_ = 	snop  }
__scs_overlays_trampoline_lowered:
0x8: {  	[smem:$0x3FAB] =	sst s0  }
0x9: {  	[smem:$0x3FAC] =	sst s1  }
0xa: {  	[smem:$0x3FAD] =	sst s2  }
0xb: {  	[smem:$0x3FAE] =	sst s3  }
0xc: {  	[smem:$0x3FAF] =	sst s4  }
0xd: {  	[smem:$0x3FB0] =	sst s5  }
0xe: {  	[smem:$0x3FB1] =	sst s6  }
0xf: {  	[smem:$0x3FB2] =	sst s7  }
0x10: {  	[smem:$0x3FB3] =	sst s8  }
0x11: {  	[smem:$0x3FB4] =	sst s9;
	s0 =	simm.s32 @!p0 $0x0  }
0x12: {  	s1 =	sld [smem:$0x3F9A];
	s0 =	simm.s32 @p0 $0x1  }
0x13: {  	[smem:$0x3FB5] =	sst s0;
	s0 =	simm.s32 @!p1 $0x0  }
0x14: {  	s2 =	sld [smem:$0x3F99];
	s0 =	simm.s32 @p1 $0x1  }
0x15: {  	[smem:$0x3FB6] =	sst s0;
	s0 =	simm.s32 @!p2 $0x0  }
0x16: {  	s3 =	sld [smem:$0x3FDB];
	s0 =	simm.s32 @p2 $0x1  }
0x17: {  	s4 =	simm.s32 $0x1BF5;
	[smem:$0x3FB8] =	sst s0  }
0x18: {  	s0 =	sld [smem:$0x3F9B];
	_ =	swait.ge [sflag:s4], $0x0  }
0x19: {  	s7 =	sld [smem:$0x3F9C]  }
0x1a: {  	s8 =	sadd.s32 $0xFFFFE003, lr  }
0x1b: {  	s9 =	sadd.s32 $0xFFFFFEF7, lr;
	s5 =	simm.s32 $0xFFFFFFFF;
	p2 =	slt.u32 s8, $0xFFFFF086  }
0x1c: {  	p1 =	slt.u32 s9, $0xF7A;
	s5 =	simm.s32 @!p2 $0x0  }
0x1d: {  	s5 =	simm.s32 @p1 $0x1;
	p0 =	seq.s32 s7, s2  }
0x1e: {  	s7 =	smul.u32 @!p0 $0xF7A, s2;
	p2 =	seq.s32 @!p0 s5, $0x0  }
0x1f: {  	s9 =	smul.u32 $0xF7A, s1;
	s8 =	simm.s32 @!p0 $0x1BF5;
	p2 =	por !p2, p0  }
0x20: {  	[sflag:s8] =	ssyncset.s32 @!p0 $0xFFFFF086;
	s6 =	sadd.s32 @!p0 s3, s7;
	s7 =	simm.s32 @!p0 $0x108  }
0x21: {  	s3 =	sadd.s32 s3, s9;
	s6 =	sadd.s32 @!p0 $0x88, s6;
	s7 =	simm.s32 @p2 $0x1082  }
0x22: {  	[simem:s7], [sflag:s8] =	dma.local @!p0 [hbm:s6], $0xF7A  }
0x23: {  	s9 =	sor.u32 $0xD0000000, s2;
	s6 =	simm.s32 $0x108;
	_ =	swait.ge @!p0 [sflag:s8], $0x0  }
0x24: {  	s3 =	sadd.s32 $0x88, s3;
	s6 =	simm.s32 @!p1 $0x1082;
	[sflag:s4] =	ssyncset.s32 $0xFFFFF086  }
0x25: {  	[simem:s6], [sflag:s4] =	dma.local [hbm:s3], $0xF7A  }
0x26: {  	[smem:$0x3F9C] =	sst s1;
	(tag) =	ssettag s2;
	_ =	strace s9  }
0x27: {  	s1 =	sld [smem:$0x3FAC]  }
0x28: {  	s2 =	sld [smem:$0x3FAD]  }
0x29: {  	s4 =	sld [smem:$0x3FAF]  }
0x2a: {  	p0 =	seq.s32 s5, $0x0;
	s5 =	sld [smem:$0x3FB0]  }
0x2b: {  	s6 =	sld [smem:$0x3FB1]  }
0x2c: {  	s7 =	sld [smem:$0x3FB2]  }
0x2d: {  	s3 =	simm.s32 $0x108;
	s8 =	sld [smem:$0x3FB3]  }
0x2e: {  	s3 =	simm.s32 @!p0 $0x1082;
	s9 =	sld [smem:$0x3FB4]  }
0x2f: {  	lr =	sadd.s32 s0, s3;
	s0 =	sld [smem:$0x3FAB]  }
0x30: {  	s3 =	sld [smem:$0x3FAE]  }
0x31: {  	[smem:$0x3FB7] =	sst s10  }
0x32: {  	s10 =	sld [smem:$0x3FB5];
	_ =	sdelay $0x3  }
0x33: {  	p0 =	seq.s32 s10, $0x1;
	s10 =	sld [smem:$0x3FB7];
	_ =	sdelay $0x3  }
0x34: {  	[smem:$0x3FB7] =	sst s10  }
0x35: {  	s10 =	sld [smem:$0x3FB6];
	_ =	sdelay $0x3  }
0x36: {  	p1 =	seq.s32 s10, $0x1;
	s10 =	sld [smem:$0x3FB7];
	_ =	sdelay $0x3  }
0x37: {  	[smem:$0x3FB7] =	sst s10  }
0x38: {  	s10 =	sld [smem:$0x3FB8]  }
0x39: {  	_ = 	snop;
	(pc) =	sbr.ind lr, $3  }
0x3a: {  	_ = 	snop  }
0x3b: {  	_ = 	snop  }
0x3c: {  	p2 =	seq.s32 s10, $0x1;
	s10 =	sld [smem:$0x3FB7]  }
0x3d: {  	_ =	shalt  }
0x3e: {  	_ =	shalt  }
0x3f: {  	_ =	shalt  }
0x40: {  	_ =	shalt  }
0x41: {  	_ =	shalt  }
0x42: {  	_ =	shalt  }
0x43: {  	_ =	shalt  }
0x44: {  	_ =	shalt  }
0x45: {  	_ =	shalt  }
0x46: {  	_ =	shalt  }
0x47: {  	_ =	shalt  }
0x48: {  	_ =	shalt  }
0x49: {  	_ =	shalt  }
0x4a: {  	_ =	shalt  }
0x4b: {  	_ =	shalt  }
0x4c: {  	_ =	shalt  }
0x4d: {  	_ =	shalt  }
0x4e: {  	_ =	shalt  }
0x4f: {  	_ =	shalt  }
0x50: {  	_ =	shalt  }
0x51: {  	_ =	shalt  }
0x52: {  	_ =	shalt  }
0x53: {  	_ =	shalt  }
0x54: {  	_ =	shalt  }
0x55: {  	_ =	shalt  }
0x56: {  	_ =	shalt  }
0x57: {  	_ =	shalt  }
0x58: {  	_ =	shalt  }
0x59: {  	_ =	shalt  }
0x5a: {  	_ =	shalt  }
0x5b: {  	_ =	shalt  }
0x5c: {  	_ =	shalt  }
0x5d: {  	_ =	shalt  }
0x5e: {  	_ =	shalt  }
0x5f: {  	_ =	shalt  }
0x60: {  	_ =	shalt  }
0x61: {  	_ =	shalt  }
0x62: {  	_ =	shalt  }
0x63: {  	_ =	shalt  }
0x64: {  	_ =	shalt  }
0x65: {  	_ =	shalt  }
0x66: {  	_ =	shalt  }
0x67: {  	_ =	shalt  }
0x68: {  	_ =	shalt  }
0x69: {  	_ =	shalt  }
0x6a: {  	_ =	shalt  }
0x6b: {  	_ =	shalt  }
0x6c: {  	_ =	shalt  }
0x6d: {  	_ =	shalt  }
0x6e: {  	_ =	shalt  }
0x6f: {  	_ =	shalt  }
0x70: {  	_ =	shalt  }
0x71: {  	_ =	shalt  }
0x72: {  	_ =	shalt  }
0x73: {  	_ =	shalt  }
0x74: {  	_ =	shalt  }
0x75: {  	_ =	shalt  }
0x76: {  	_ =	shalt  }
0x77: {  	_ =	shalt  }
0x78: {  	_ =	shalt  }
0x79: {  	_ =	shalt  }
0x7a: {  	_ =	shalt  }
0x7b: {  	_ =	shalt  }
0x7c: {  	_ =	shalt  }
0x7d: {  	_ =	shalt  }
0x7e: {  	_ =	shalt  }
0x7f: {  	_ =	shalt  }
0x80: {  	_ =	shalt  }
0x81: {  	_ =	shalt  }
0x82: {  	_ =	shalt  }
0x83: {  	_ =	shalt  }
0x84: {  	_ =	shalt  }
0x85: {  	_ =	shalt  }
0x86: {  	_ =	shalt  }
0x87: {  	_ =	shalt  }
.Lfunc_end0:
.L_simem_size_0:
called_computation_lowered:
.L_overlay_start_0:
0x88: {  	s2 =	sld [smem:$0x3FD9]  }
0x89: {  	s3 =	sld [smem:$0x3FFE];
	_ =	sdelay $0x1  }
0x8a: {  	s1 =	srdreg.scid  }
0x8b: {  	s0 =	sand.u32 $0x1, s1  }
0x8c: {  	s17 =	sshll.u32 s0, $0xA;
	s2 =	sadd.s32 s3, s2  }
0x8d: {  	s2 =	sadd.s32 s2, s17  }
0x8e: {  	[smem:$0x3FC3] =	sst s2  }
0x8f: {  	_ = 	snop  }
0x90: {  	s2 =	sld [smem:$0x3FC9]  }
0x91: {  	s18 =	sld [smem:$0x3FD0];
	(tm) =	ssettm $0x1  }
0x92: {  	s4 =	sld [smem:$0x3FFB];
	_ =	sdelay $0x3  }
0x93: {  	_ =	strace s4  }
0x94: {  	s4 =	sld [smem:$0x3FFC];
	_ =	sdelay $0x3  }
0x95: {  	_ =	strace s4  }
0x96: {  	s4 =	sld [smem:$0x3FFD];
	_ =	sdelay $0x3  }
0x97: {  	_ =	strace s4  }
0x98: {  	_ =	strace $0x8FFFFFFF  }
0x99: {  	s19 =	sld [smem:$0x3FDB];
	_ =	sdelay $0x1  }
0x9a: {  	s5 =	simm.s32 $_scs_section_size  }
0x9b: {  	s6 =	simm.s32 $_size__tile_overlayer_lowered;
	s7 =	simm.s32 $_tile_overlayer_lowered  }
0x9c: {  	s22 =	simm.s32 $0x1BFF;
	s21 =	sshll.u32 s7, $0x1;
	s4 =	sadd.s32 s5, s19  }
0x9d: {  	s8 =	simm.s32 $0x0;
	s20 =	sshll.u32 s6, $0x1;
	s6 =	sadd.s32 s21, s4  }
0x9e: {  	[timem:s8], [sflag:s22] =	dma.local [hbm:s6], s20  }
0x9f: {  	_ =	swait.ge [sflag:s22], s20  }
0xa0: {  	s5 =	ssub.s32 $0x0, s20;
	[sflag:s22] =	ssyncset.done $0x0  }
0xa1: {  	[sflag:s22] =	ssyncadd.s32 s5;
	_ =	sdelay $0x1  }
0xa2: {  	s23 =	simm.s32 $0x1B8B  }
0xa3: {  	_ =	swait.ge [sflag:s23], $0x1  }
0xa4: {  	[sflag:s23] =	ssyncset.done $0x0  }
0xa5: {  	s25 =	simm.s32 $0x1B8E;
	s24 =	sld [smem:$0x3FFE];
	[sflag:s23] =	ssyncadd.s32 $0xFFFFFFFF  }
0xa6: {  	s26 =	simm.s32 $execute0_lowered;
	[smem:$0x3FD2] =	sst s25  }
0xa7: {  	s6 =	sshll.u32 s26, $0x1;
	_ =	strace $0x80000046;
	[dreg:$0x1] =	wrdreg $0xFFFFFFFF  }
0xa8: {  	s28 =	simm.s32 $_size_execute0_lowered;
	s4 =	sadd.s32 s4, s6;
	[dreg:$0x0] =	wrdreg $0x0  }
0xa9: {  	s6 =	sshll.u32 s28, $0x1;
	[dreg:$0x2] =	wrdreg s4  }
0xaa: {  	[dreg:$0x3] =	wrdreg s6  }
0xab: {  	[dreg:$0x4] =	wrdreg $0xC0  }
0xac: {  	_ =	task [dreg:s8], $0x5FFFF  }
0xad: {  	[dreg:$0x1] =	wrdreg $0xFFFFFFFF  }
0xae: {  	[dreg:$0x0] =	wrdreg $0x60  }
0xaf: {  	[dreg:$0x2] =	wrdreg s2  }
0xb0: {  	[dreg:$0x3] =	wrdreg s24  }
0xb1: {  	[dreg:$0x4] =	wrdreg s18  }
0xb2: {  	[dreg:$0x5] =	wrdreg $0x9  }
0xb3: {  	_ =	task.clear_ibuf [dreg:s8], $0x6FFFF;
	_ =	strace $0x90000046  }
0xb4: {  	s29 =	simm.s32 $0x9;
	_ =	strace $0x80000048  }
0xb5: {  	_ =	swait.ge [sflag:s29], $0x1  }
0xb6: {  	[sflag:s29] =	ssyncadd.s32 $0xFFFFFFFF  }
0xb7: {  	_ =	strace $0x90000048  }
0xb8: {  	_ =	sfence  }
0xb9: {  	s30 =	sld [smem:$0x0];
	_ =	sdelay $0x2  }
0xba: {  	s31 =	sshll.u32 s1, $0xD;
	s1 =	sshrl.u32 s1, $0x2  }
0xbb: {  	s3 =	sand.u32 $0x4000, s31;
	s1 =	sadd.s32 s1, s30  }
0xbc: {  	s0 =	sor.u32 s3, s0;
	s1 =	sshll.u32 s1, $0x11  }
0xbd: {  	s0 =	sor.u32 s1, s0  }
0xbe: {  	s0 =	sadd.s32 $0x8F2B, s0  }
0xbf: {  	[sflag:s0] =	ssyncadd.remote.s32 $0x1  }
0xc0: {  	_ =	sfence.sel $0xFFFF  }
0xc1: {  	[dreg:$0x0] =	wrdreg $0xFFFFFFFF;
	(pc) =	sbr.abs _section_cstart, $3  }
0xc2: {  	[dreg:$0x1] =	wrdreg $0xFFFFFFFF  }
0xc3: {  	_ =	task.clear_ibuf [dreg:s8], $0x2FFFF;
	_ =	strace $0x9FFFFFFF  }
0xc4: {  	(tm) =	ssettm $0x7FFFFFFF  }
0xc5: {  	_ =	shalt  }
tec
execute0_lowered:
.L_overlay_start_1:
0x0: {  	(tag) =	ssettag $0x1  }
0x1: {  	s0 =	rddreg [dreg:$0x0]  }
0x2: {  	s3 =	rddreg [dreg:$0x1]  }
0x3: {  	s24 =	rddreg [dreg:$0x2];
	s1 =	srdreg.scid  }
0x4: {  	s2 =	stileid.u32;
	s4 =	simm.s32 $0x0;
	s1 =	sand.u32 $0x1, s1  }
0x5: {  	s2 =	sshll.u32 s2, $0xB;
	s5 =	sshll.u32 s1, $0xA;
	s1 =	ssub.s32 $0x2, s1  }
0x6: {  	[smem:$0x7FF] =	sst s4;
	s3 =	sadd.s32 $0xC00, s3;
	s20 =	sshrl.u32 s1, $0x1  }
0x7: {  	_ =	strace $0x80000047;
	s5 =	sor.u32 s5, s2;
	s1 =	ssub.s32 s1, s20  }
0x8: {  	[dreg:$0x4] =	wrdreg s3;
	s6 =	sshrl.u32 s5, $0x1;
	s1 =	smax.u32 s1, $0x1  }
0x9: {  	s0 =	sadd.s32 s0, s6;
	[dreg:$0x9] =	wrdreg s1  }
0xa: {  	s21 =	sadd.s32 $0x10, s0;
	[dreg:$0x5] =	wrdreg s0  }
0xb: {  	s22 =	sadd.s32 $0x20, s0;
	[dreg:$0x6] =	wrdreg s21  }
0xc: {  	s23 =	sadd.s32 $0x30, s0;
	[dreg:$0x7] =	wrdreg s22  }
0xd: {  	s25 =	sadd.s32 $0x40, s0;
	[dreg:$0x8] =	wrdreg s23  }
0xe: {  	s26 =	sadd.s32 $0x80, s0;
	[dreg:$0xa] =	wrdreg s25  }
0xf: {  	s28 =	sadd.s32 $0xC0, s0;
	[dreg:$0xb] =	wrdreg s26  }
0x10: {  	s29 =	sadd.s32 $0x100, s0;
	[dreg:$0xc] =	wrdreg s28  }
0x11: {  	s30 =	sadd.s32 $0x140, s0;
	[dreg:$0xd] =	wrdreg s29  }
0x12: {  	s31 =	sadd.s32 $0x180, s0;
	[dreg:$0xe] =	wrdreg s30  }
0x13: {  	s0 =	sadd.s32 $0x1C0, s0;
	[dreg:$0xf] =	wrdreg s31  }
0x14: {  	s12 =	sadd.s32 $0x300, s24;
	s2 =	simm.s32 $0x0;
	[dreg:$0x10] =	wrdreg s0  }
.LBB2_1:
0x15: {  	[dreg:$0x11] =	wrdreg s2  }
0x16: {  	s1 =	rddreg [dreg:$0x1];
	s15 =	simm.s32 $0x1000;
	s3 =	simm.s32 $0x3  }
0x17: {  	[tilespmem:s15], [sflag:$0x3] =	stream.linear.gather [hbm4b:s1+s4], $0x5400, $0x38;
	[tilespmem:$0x13C00] =	vst v63  }
0x18: {  	_ =	swait.ge [sflag:s3], $0x5400  }
0x19: {  	[sflag:s3] =	ssyncset.done $0x0  }
0x1a: {  	s17 =	simm.s32 $0xE800;
	s16 =	rddreg [dreg:$0x4];
	[sflag:s3] =	ssyncadd.s32 $0xFFFFAC00  }
0x1b: {  	[tilespmem:s17], [sflag:$0x3] =	stream.linear.gather [hbm4b:s16+s4], $0x2400, $0x38;
	[tilespmem:$0x13C00] =	vst v63  }
0x1c: {  	_ =	swait.ge [sflag:s3], $0x2400  }
0x1d: {  	[sflag:s3] =	ssyncset.done $0x0  }
0x1e: {  	s18 =	rddreg [dreg:$0x5];
	[sflag:s3] =	ssyncadd.s32 $0xFFFFDC00  }
0x1f: {  	[tilespmem:s4], [sflag:$0x3] =	stream.linear.gather [hbm4b:s18+s4], $0x80, $0x38;
	[tilespmem:$0x13C00] =	vst v63  }
0x20: {  	s20 =	simm.s32 $0x200;
	s19 =	rddreg [dreg:$0xa]  }
0x21: {  	[tilespmem:s20], [sflag:$0x3] =	stream.linear.gather [hbm4b:s19+s4], $0x80, $0x38;
	[tilespmem:$0x13C00] =	vst v63  }
0x22: {  	s22 =	simm.s32 $0x400;
	s21 =	rddreg [dreg:$0xb]  }
0x23: {  	[tilespmem:s22], [sflag:$0x3] =	stream.linear.gather [hbm4b:s21+s4], $0x80, $0x38;
	[tilespmem:$0x13C00] =	vst v63  }
0x24: {  	s0 =	smov.u32 s24;
	s24 =	simm.s32 $0x600;
	s23 =	rddreg [dreg:$0xc]  }
0x25: {  	[tilespmem:s24], [sflag:$0x3] =	stream.linear.gather [hbm4b:s23+s4], $0x80, $0x38;
	[tilespmem:$0x13C00] =	vst v63  }
0x26: {  	s26 =	simm.s32 $0x800;
	s25 =	rddreg [dreg:$0xd]  }
0x27: {  	[tilespmem:s26], [sflag:$0x3] =	stream.linear.gather [hbm4b:s25+s4], $0x80, $0x38;
	[tilespmem:$0x13C00] =	vst v63  }
0x28: {  	s29 =	simm.s32 $0xA00;
	s28 =	rddreg [dreg:$0xe]  }
0x29: {  	[tilespmem:s29], [sflag:$0x3] =	stream.linear.gather [hbm4b:s28+s4], $0x80, $0x38;
	[tilespmem:$0x13C00] =	vst v63  }
0x2a: {  	s31 =	simm.s32 $0xC00;
	s30 =	rddreg [dreg:$0xf]  }
0x2b: {  	[tilespmem:s31], [sflag:$0x3] =	stream.linear.gather [hbm4b:s30+s4], $0x80, $0x38;
	[tilespmem:$0x13C00] =	vst v63  }
0x2c: {  	s6 =	simm.s32 $0xE00;
	s2 =	rddreg [dreg:$0x10]  }
0x2d: {  	[tilespmem:s6], [sflag:$0x3] =	stream.linear.gather [hbm4b:s2+s4], $0x80, $0x38;
	[tilespmem:$0x13C00] =	vst v63  }
0x2e: {  	_ =	swait.ge [sflag:s3], $0x400  }
0x2f: {  	[sflag:s3] =	ssyncset.done $0x0  }
0x30: {  	s8 =	simm.s32 $0x80;
	s7 =	rddreg [dreg:$0x6];
	[sflag:s3] =	ssyncadd.s32 $0xFFFFFC00  }
0x31: {  	[tilespmem:s8], [sflag:$0x3] =	stream.linear.gather [hbm4b:s7+s4], $0x80, $0x38;
	[tilespmem:$0x13C00] =	vst v63  }
0x32: {  	s6 =	simm.s32 $0x280;
	s9 =	sadd.s32 $0x40, s7  }
0x33: {  	[tilespmem:s6], [sflag:$0x3] =	stream.linear.gather [hbm4b:s9+s4], $0x80, $0x38;
	[tilespmem:$0x13C00] =	vst v63  }
0x34: {  	s11 =	simm.s32 $0x480;
	s10 =	sadd.s32 $0x80, s7  }
0x35: {  	[tilespmem:s11], [sflag:$0x3] =	stream.linear.gather [hbm4b:s10+s4], $0x80, $0x38;
	[tilespmem:$0x13C00] =	vst v63  }
0x36: {  	s14 =	simm.s32 $0x680;
	s13 =	sadd.s32 $0xC0, s7  }
0x37: {  	[tilespmem:s14], [sflag:$0x3] =	stream.linear.gather [hbm4b:s13+s4], $0x80, $0x38;
	[tilespmem:$0x13C00] =	vst v63  }
0x38: {  	s16 =	simm.s32 $0x880;
	s15 =	sadd.s32 $0x100, s7  }
0x39: {  	[tilespmem:s16], [sflag:$0x3] =	stream.linear.gather [hbm4b:s15+s4], $0x80, $0x38;
	[tilespmem:$0x13C00] =	vst v63  }
0x3a: {  	s18 =	simm.s32 $0xA80;
	s17 =	sadd.s32 $0x140, s7  }
0x3b: {  	[tilespmem:s18], [sflag:$0x3] =	stream.linear.gather [hbm4b:s17+s4], $0x80, $0x38;
	[tilespmem:$0x13C00] =	vst v63  }
0x3c: {  	s20 =	simm.s32 $0xC80;
	s19 =	sadd.s32 $0x180, s7  }
0x3d: {  	[tilespmem:s20], [sflag:$0x3] =	stream.linear.gather [hbm4b:s19+s4], $0x80, $0x38;
	[tilespmem:$0x13C00] =	vst v63  }
0x3e: {  	s22 =	simm.s32 $0xE80;
	s21 =	sadd.s32 $0x1C0, s7  }
0x3f: {  	[tilespmem:s22], [sflag:$0x3] =	stream.linear.gather [hbm4b:s21+s4], $0x80, $0x38;
	[tilespmem:$0x13C00] =	vst v63  }
0x40: {  	_ =	swait.ge [sflag:s3], $0x400  }
0x41: {  	[sflag:s3] =	ssyncset.done $0x0  }
0x42: {  	s24 =	simm.s32 $0x100;
	s23 =	rddreg [dreg:$0x7];
	[sflag:s3] =	ssyncadd.s32 $0xFFFFFC00  }
0x43: {  	[tilespmem:s24], [sflag:$0x3] =	stream.linear.gather [hbm4b:s23+s4], $0x80, $0x38;
	[tilespmem:$0x13C00] =	vst v63  }
0x44: {  	s26 =	simm.s32 $0x300;
	s25 =	sadd.s32 $0x40, s23  }
0x45: {  	[tilespmem:s26], [sflag:$0x3] =	stream.linear.gather [hbm4b:s25+s4], $0x80, $0x38;
	[tilespmem:$0x13C00] =	vst v63  }
0x46: {  	s29 =	simm.s32 $0x500;
	s28 =	sadd.s32 $0x80, s23  }
0x47: {  	[tilespmem:s29], [sflag:$0x3] =	stream.linear.gather [hbm4b:s28+s4], $0x80, $0x38;
	[tilespmem:$0x13C00] =	vst v63  }
0x48: {  	s31 =	simm.s32 $0x700;
	s30 =	sadd.s32 $0xC0, s23  }
0x49: {  	[tilespmem:s31], [sflag:$0x3] =	stream.linear.gather [hbm4b:s30+s4], $0x80, $0x38;
	[tilespmem:$0x13C00] =	vst v63  }
0x4a: {  	s7 =	simm.s32 $0x900;
	s6 =	sadd.s32 $0x100, s23  }
0x4b: {  	[tilespmem:s7], [sflag:$0x3] =	stream.linear.gather [hbm4b:s6+s4], $0x80, $0x38;
	[tilespmem:$0x13C00] =	vst v63  }
0x4c: {  	s9 =	simm.s32 $0xB00;
	s8 =	sadd.s32 $0x140, s23  }
0x4d: {  	[tilespmem:s9], [sflag:$0x3] =	stream.linear.gather [hbm4b:s8+s4], $0x80, $0x38;
	[tilespmem:$0x13C00] =	vst v63  }
0x4e: {  	s11 =	simm.s32 $0xD00;
	s10 =	sadd.s32 $0x180, s23  }
0x4f: {  	[tilespmem:s11], [sflag:$0x3] =	stream.linear.gather [hbm4b:s10+s4], $0x80, $0x38;
	[tilespmem:$0x13C00] =	vst v63  }
0x50: {  	s14 =	simm.s32 $0xF00;
	s13 =	sadd.s32 $0x1C0, s23  }
0x51: {  	[tilespmem:s14], [sflag:$0x3] =	stream.linear.gather [hbm4b:s13+s4], $0x80, $0x38;
	[tilespmem:$0x13C00] =	vst v63  }
0x52: {  	_ =	swait.ge [sflag:s3], $0x400  }
0x53: {  	[sflag:s3] =	ssyncset.done $0x0  }
0x54: {  	s16 =	simm.s32 $0x180;
	s15 =	rddreg [dreg:$0x8];
	[sflag:s3] =	ssyncadd.s32 $0xFFFFFC00  }
0x55: {  	[tilespmem:s16], [sflag:$0x3] =	stream.linear.gather [hbm4b:s15+s4], $0x80, $0x38;
	[tilespmem:$0x13C00] =	vst v63  }
0x56: {  	s18 =	simm.s32 $0x380;
	s17 =	sadd.s32 $0x40, s15  }
0x57: {  	[tilespmem:s18], [sflag:$0x3] =	stream.linear.gather [hbm4b:s17+s4], $0x80, $0x38;
	[tilespmem:$0x13C00] =	vst v63  }
0x58: {  	s20 =	simm.s32 $0x580;
	s19 =	sadd.s32 $0x80, s15  }
0x59: {  	[tilespmem:s20], [sflag:$0x3] =	stream.linear.gather [hbm4b:s19+s4], $0x80, $0x38;
	[tilespmem:$0x13C00] =	vst v63  }
0x5a: {  	s22 =	simm.s32 $0x780;
	s21 =	sadd.s32 $0xC0, s15  }
0x5b: {  	[tilespmem:s22], [sflag:$0x3] =	stream.linear.gather [hbm4b:s21+s4], $0x80, $0x38;
	[tilespmem:$0x13C00] =	vst v63  }
0x5c: {  	s24 =	simm.s32 $0x980;
	s23 =	sadd.s32 $0x100, s15  }
0x5d: {  	[tilespmem:s24], [sflag:$0x3] =	stream.linear.gather [hbm4b:s23+s4], $0x80, $0x38;
	[tilespmem:$0x13C00] =	vst v63  }
0x5e: {  	s26 =	simm.s32 $0xB80;
	s25 =	sadd.s32 $0x140, s15  }
0x5f: {  	[tilespmem:s26], [sflag:$0x3] =	stream.linear.gather [hbm4b:s25+s4], $0x80, $0x38;
	[tilespmem:$0x13C00] =	vst v63  }
0x60: {  	s29 =	simm.s32 $0xD80;
	s28 =	sadd.s32 $0x180, s15  }
0x61: {  	[tilespmem:s29], [sflag:$0x3] =	stream.linear.gather [hbm4b:s28+s4], $0x80, $0x38;
	[tilespmem:$0x13C00] =	vst v63  }
0x62: {  	s31 =	simm.s32 $0xF80;
	s30 =	sadd.s32 $0x1C0, s15  }
0x63: {  	[tilespmem:s31], [sflag:$0x3] =	stream.linear.gather [hbm4b:s30+s4], $0x80, $0x38;
	[tilespmem:$0x13C00] =	vst v63  }
0x64: {  	_ =	swait.ge [sflag:s3], $0x400  }
0x65: {  	[sflag:s3] =	ssyncset.done $0x0  }
0x66: {  	s19 =	simm.s32 $0x0;
	[sflag:s3] =	ssyncadd.s32 $0xFFFFFC00  }
.LBB2_2:
0x67: {  	s2 =	smul.u32 $0xC, s19;
	s6 =	sshll.u32 s19, $0x7  }
0x68: {  	s23 =	simm.s32 $0x0;
	s31 =	sand.u32 $0x3FFFFF80, s6  }
0x69: {  	s25 =	simm.s32 $0x0;
	s17 =	sadd.s32 $0x38, s2;
	s21 =	sadd.s32 $0xE800, s31  }
.LBB2_3:
0x6a: {  	s2 =	sadd.s32 $0x7, s25  }
0x6b: {  	s29 =	sand.u32 $0xC00, s23;
	s22 =	sand.u32 $0x40, s23;
	s6 =	sshrl.u32 s2, $0x3  }
0x6c: {  	s15 =	sadd.s32 s25, s17;
	s2 =	sshll.u32 s2, $0x7;
	s6 =	smul.u32 $0x3000, s6  }
0x6d: {  	s8 =	sadd.s32 s29, s21;
	s18 =	sor.u32 $0x30, s22;
	s24 =	sor.u32 $0x10, s22  }
0x6e: {  	s2 =	sand.u32 $0x380, s2;
	s16 =	sadd.s32 s18, s8;
	s6 =	sshra.s32 s6, $0x2  }
0x6f: {  	s26 =	sor.u32 $0x20, s22;
	s20 =	sadd.s32 s22, s8;
	v0 =	vld [tilespmem:s16+$0x0];
	s2 =	sor.u32 s2, s6  }
0x70: {  	s30 =	sshrl.u32 s15, $0x3;
	s13 =	sadd.s32 s24, s8;
	v2 =	vld [tilespmem:s20+$0x0];
	s2 =	sadd.s32 $0xE800, s2  }
0x71: {  	s31 =	smul.u32 $0x3000, s30;
	v4 =	vld [tilespmem:s13+$0x0];
	s6 =	sadd.s32 s26, s8;
	s11 =	sadd.s32 s29, s2  }
0x72: {  	s20 =	simm.s32 $0x200;
	v7 =	vld [tilespmem:s6+$0x0];
	s6 =	simm.s32 $0x40;
	s9 =	sadd.s32 s18, s11  }
0x73: {  	s20 =	sand.u32 $0xC00, s20;
	s28 =	sand.u32 $0x40, s6;
	s14 =	sadd.s32 s24, s11;
	v1 =	vld [tilespmem:s9+$0x0]  }
0x74: {  	s1 =	sadd.s32 s20, s2;
	s10 =	sadd.s32 s22, s11;
	s30 =	sor.u32 $0x30, s28;
	v5 =	vld [tilespmem:s14+$0x0]  }
0x75: {  	v3 =	vld [tilespmem:s10+$0x0];
	s3 =	sadd.s32 s30, s1  }
0x76: {  	s11 =	sadd.s32 s26, s11;
	v13 =	vld [tilespmem:s3+$0x0]  }
0x77: {  	s7 =	sadd.s32 s20, s21;
	v6 =	vshll.u32 v0, $0x10;
	v0 =	vand.u32 $0xFFFF0000, v0;
	v9 =	vshll.u32 v2, $0x10;
	v10 =	vld [tilespmem:s11+$0x0]  }
0x78: {  	v2 =	vand.u32 $0xFFFF0000, v2;
	s13 =	sadd.s32 s30, s7;
	v8 =	vshll.u32 v1, $0x10;
	v1 =	vand.u32 $0xFFFF0000, v1  }
0x79: {  	v12 =	vld [tilespmem:s13+$0x0];
	v11 =	vshll.u32 v5, $0x10;
	v6 =	vadd.f32 v8, v6;
	v0 =	vadd.f32 v1, v0  }
0x7a: {  	v1 =	vshll.u32 v3, $0x10;
	v3 =	vand.u32 $0xFFFF0000, v3;
	v8 =	vshll.u32 v4, $0x10  }
0x7b: {  	v4 =	vand.u32 $0xFFFF0000, v4;
	v63 =	vand.u32 $0xFFFF0000, v13;
	v1 =	vadd.f32 v1, v9  }
0x7c: {  	s11 =	sshll.u32 s15, $0x7;
	v9 =	vshll.u32 v10, $0x10;
	v10 =	vand.u32 $0xFFFF0000, v10;
	v3 =	vadd.f32 v3, v2  }
0x7d: {  	s16 =	sshra.s32 s31, $0x2;
	s11 =	sand.u32 $0x380, s11;
	v8 =	vadd.f32 v11, v8;
	v6 =	vshrl.u32 v6, $0x10;
	v0 =	vand.u32 $0xFFFF0000, v0  }
0x7e: {  	s15 =	sadd.s32 s28, s7;
	s11 =	sor.u32 s11, s16;
	v11 =	vand.u32 $0xFFFF0000, v12;
	v6 =	vor.u32 v0, v6;
	v0 =	vand.u32 $0xFFFF0000, v5  }
0x7f: {  	s8 =	sadd.s32 s28, s1;
	s16 =	sadd.s32 $0x1000, s11;
	s11 =	sor.u32 $0x10, s28;
	v2 =	vld [tilespmem:s15+$0x0];
	v5 =	vshll.u32 v7, $0x10;
	v7 =	vand.u32 $0xFFFF0000, v7;
	v1 =	vshrl.u32 v1, $0x10  }
0x80: {  	s9 =	sadd.s32 s29, s16;
	s10 =	sadd.s32 s11, s7;
	v8 =	vshrl.u32 v8, $0x10;
	v0 =	vadd.f32 v0, v4;
	v5 =	vadd.f32 v9, v5;
	v4 =	vld [tilespmem:s8+$0x0]  }
0x81: {  	s14 =	sadd.s32 s18, s9;
	s18 =	sor.u32 $0x20, s28;
	v9 =	vand.u32 $0xFFFF0000, v3;
	v7 =	vadd.f32 v10, v7;
	s8 =	sadd.s32 s11, s1;
	v3 =	vld [tilespmem:s10+$0x0];
	v10 =	vshll.u32 v12, $0x10  }
0x82: {  	s29 =	sadd.s32 s22, s9;
	s7 =	sadd.s32 s18, s7;
	[tilespmem:s14+$0x0] =	vst v6;
	v9 =	vor.u32 v9, v1;
	v1 =	vand.u32 $0xFFFF0000, v0;
	v0 =	vshrl.u32 v5, $0x10;
	v5 =	vld [tilespmem:s8+$0x0]  }
0x83: {  	s31 =	sadd.s32 s24, s9;
	s1 =	sadd.s32 s18, s1;
	v6 =	vld [tilespmem:s7+$0x0];
	[tilespmem:s29+$0x0] =	vst v9;
	v9 =	vshll.u32 v13, $0x10;
	v8 =	vor.u32 v1, v8;
	v1 =	vand.u32 $0xFFFF0000, v7  }
0x84: {  	s24 =	simm.s32 $0x4;
	s22 =	sadd.s32 s26, s9;
	s26 =	simm.s32 $0x400;
	v7 =	vld [tilespmem:s1+$0x0];
	v9 =	vadd.f32 v9, v10;
	v10 =	vadd.f32 v63, v11;
	[tilespmem:s31+$0x0] =	vst v8;
	v8 =	vshll.u32 v2, $0x10  }
.LBB2_4:
0x85: {  	s29 =	sand.u32 $0xC00, s26;
	v11 =	vshll.u32 v4, $0x10;
	v2 =	vand.u32 $0xFFFF0000, v2;
	v4 =	vand.u32 $0xFFFF0000, v4;
	s6 =	sadd.s32 $0x40, s6;
	s8 =	sadd.s32 s20, s16  }
0x86: {  	s24 =	sadd.s32 $0x4, s24;
	s1 =	sand.u32 $0x40, s6;
	s7 =	sadd.s32 s29, s21;
	v12 =	vshll.u32 v3, $0x10;
	v9 =	vshrl.u32 v9, $0x10;
	v10 =	vand.u32 $0xFFFF0000, v10  }
0x87: {  	v3 =	vand.u32 $0xFFFF0000, v3;
	s13 =	sadd.s32 s30, s8;
	s15 =	sadd.s32 s29, s2;
	v13 =	vshll.u32 v5, $0x10;
	v9 =	vor.u32 v10, v9;
	s30 =	sor.u32 $0x30, s1  }
0x88: {  	p0 =	slt.u32 s24, $0x14;
	s31 =	sadd.s32 s11, s8;
	v5 =	vand.u32 $0xFFFF0000, v5;
	s20 =	sadd.s32 s30, s7;
	v10 =	vshll.u32 v6, $0x10;
	v6 =	vand.u32 $0xFFFF0000, v6;
	[tilespmem:s13+$0x0] =	vst v9  }
0x89: {  	v8 =	vadd.f32 v11, v8;
	s9 =	sor.u32 $0x20, s1;
	s13 =	sor.u32 $0x10, s1;
	v9 =	vld [tilespmem:s20+$0x0];
	s20 =	sadd.s32 s30, s15;
	v11 =	vshll.u32 v7, $0x10;
	v7 =	vand.u32 $0xFFFF0000, v7  }
0x8a: {  	v0 =	vor.u32 v1, v0;
	v15 =	vadd.f32 v4, v2;
	s10 =	sadd.s32 s1, s7;
	s14 =	sadd.s32 s1, s15;
	v12 =	vadd.f32 v13, v12;
	s3 =	sadd.s32 s13, s7;
	v14 =	vld [tilespmem:s20+$0x0]  }
0x8b: {  	v1 =	vshrl.u32 v8, $0x10;
	v5 =	vadd.f32 v5, v3;
	s7 =	sadd.s32 s9, s7;
	v8 =	vadd.f32 v11, v10;
	v2 =	vld [tilespmem:s10+$0x0];
	s10 =	sadd.s32 s13, s15;
	s15 =	sadd.s32 s9, s15;
	[tilespmem:s22+$0x0] =	vst v0  }
.Ltmp0:
0x8c: {  	v10 =	vshrl.u32 v12, $0x10;
	v6 =	vadd.f32 v7, v6;
	v0 =	vand.u32 $0xFFFF0000, v15;
	s22 =	sadd.s32 s18, s8;
	v4 =	vld [tilespmem:s14+$0x0];
	s14 =	sadd.s32 s28, s8;
	(pc) =	sbr.rel @p0 .LBB2_4-.Ltmp0, $4  }
0x8d: {  	s11 =	smov.u32 s13;
	v7 =	vand.u32 $0xFFFF0000, v5;
	s20 =	smov.u32 s29;
	v1 =	vor.u32 v0, v1;
	v0 =	vshrl.u32 v8, $0x10;
	s28 =	smov.u32 s1;
	v3 =	vld [tilespmem:s3+$0x0]  }
0x8e: {  	v7 =	vor.u32 v7, v10;
	s18 =	smov.u32 s9;
	v5 =	vld [tilespmem:s10+$0x0];
	v11 =	vshll.u32 v9, $0x10;
	[tilespmem:s14+$0x0] =	vst v1;
	v1 =	vand.u32 $0xFFFF0000, v6  }
0x8f: {  	v12 =	vand.u32 $0xFFFF0000, v9;
	v6 =	vld [tilespmem:s7+$0x0];
	v10 =	vshll.u32 v14, $0x10;
	v13 =	vand.u32 $0xFFFF0000, v14;
	[tilespmem:s31+$0x0] =	vst v7  }
0x90: {  	s26 =	sadd.s32 $0x200, s26;
	v8 =	vshll.u32 v2, $0x10;
	v7 =	vld [tilespmem:s15+$0x0];
	v9 =	vadd.f32 v10, v11;
	v10 =	vadd.f32 v13, v12  }
0x91: {  	v11 =	vshll.u32 v4, $0x10;
	v2 =	vand.u32 $0xFFFF0000, v2  }
0x92: {  	v49 =	vand.u32 $0xFFFF0000, v4;
	v0 =	vor.u32 v1, v0;
	v12 =	vshll.u32 v3, $0x10  }
0x93: {  	v9 =	vshrl.u32 v9, $0x10;
	v10 =	vand.u32 $0xFFFF0000, v10;
	v50 =	vand.u32 $0xFFFF0000, v3  }
0x94: {  	v8 =	vadd.f32 v11, v8;
	v2 =	vadd.f32 v49, v2;
	v13 =	vshll.u32 v5, $0x10  }
0x95: {  	v9 =	vor.u32 v10, v9;
	v51 =	vand.u32 $0xFFFF0000, v5;
	v52 =	vshll.u32 v6, $0x10  }
0x96: {  	s25 =	sadd.s32 $0x1, s25;
	v53 =	vand.u32 $0xFFFF0000, v6;
	v56 =	vadd.f32 v13, v12;
	v57 =	vshrl.u32 v8, $0x10  }
0x97: {  	s1 =	sadd.s32 s20, s16;
	p0 =	sne.s32 s25, $0xC;
	v3 =	vadd.f32 v51, v50;
	v54 =	vshll.u32 v7, $0x10;
	v55 =	vand.u32 $0xFFFF0000, v7  }
.Ltmp1:
0x98: {  	s2 =	sadd.s32 s30, s1;
	[tilespmem:s22+$0x0] =	vst v0;
	v2 =	vand.u32 $0xFFFF0000, v2;
	v58 =	vadd.f32 v54, v52;
	v6 =	vadd.f32 v55, v53;
	(pc) =	sbr.rel @p0 .LBB2_3-.Ltmp1, $4  }
0x99: {  	s31 =	sadd.s32 s28, s1;
	[tilespmem:s2+$0x0] =	vst v9;
	v1 =	vor.u32 v2, v57;
	v59 =	vshrl.u32 v56, $0x10;
	v60 =	vand.u32 $0xFFFF0000, v3  }
0x9a: {  	s3 =	sadd.s32 s11, s1;
	[tilespmem:s31+$0x0] =	vst v1;
	v0 =	vor.u32 v60, v59;
	v61 =	vshrl.u32 v58, $0x10;
	v62 =	vand.u32 $0xFFFF0000, v6  }
0x9b: {  	s1 =	sadd.s32 s18, s1;
	[tilespmem:s3+$0x0] =	vst v0;
	v63 =	vor.u32 v62, v61  }
0x9c: {  	[tilespmem:s1+$0x0] =	vst v63  }
0x9d: {  	s19 =	sadd.s32 $0x1, s19  }
0x9e: {  	p0 =	sne.s32 s19, $0x7  }
.Ltmp2:
0x9f: {  	_ = 	snop;
	(pc) =	sbr.rel @p0 .LBB2_2-.Ltmp2, $2  }
0xa0: {  	_ =	sdelay $0x2  }
0xa1: {  	s17 =	simm.s32 $0x0  }
0xa2: {  	s19 =	simm.s32 $0x0  }
0xa3: {  	s24 =	smov.u32 s0;
	s0 =	simm.s32 $0x10C00;
	s26 =	simm.s32 $0x12400  }
.LBB2_8:
0xa4: {  	p0 =	seq.s32 s19, $0x0  }
0xa5: {  	s1 =	simm.s32 @!p0 $0x1  }
0xa6: {  	s23 =	sshll.u32 s19, $0x4;
	s2 =	sshll.u32 s19, $0x6;
	_ =	swait.ge @!p0 [sflag:s1], $0x1800  }
0xa7: {  	s3 =	sand.u32 $0x70, s23;
	s2 =	sand.u32 $0xE00, s2;
	[sflag:s1] =	ssyncset.done @!p0 $0x0  }
0xa8: {  	s21 =	sor.u32 s3, s2;
	[sflag:s1] =	ssyncadd.s32 @!p0 $0xFFFFE800  }
0xa9: {  	v1 =	vld [tilespmem:s21+$0x100]  }
0xaa: {  	v2 =	vld [tilespmem:s21+$0x0]  }
0xab: {  	v0 =	vld [tilespmem:s21+$0x180]  }
0xac: {  	v3 =	vld [tilespmem:s21+$0x80];
	_ =	sdelay $0x2  }
0xad: {  	v1 =	vmul.u32 $0xC, v1  }
0xae: {  	(v2sf) =	vpush v0, $0x0  }
0xaf: {  	v2 =	vadd.s32 v1, v2;
	v1 =	vadd.s32 $0x17, v3  }
0xb0: {  	(v2sf) =	vpush v1, $0x0  }
0xb1: {  	v2 =	vadd.s32 $0x37, v2  }
0xb2: {  	(v2sf) =	vpush v2, $0x0;
	_ =	sdelay $0xa  }
0xb3: {  	s29 =	spop (v2sf)  }
0xb4: {  	s8 =	sshrl.u32 s29, $0x3  }
0xb5: {  	s1 =	sshll.u32 s29, $0x7;
	s3 =	smul.u32 $0x3000, s8;
	s31 =	spop (v2sf)  }
0xb6: {  	s13 =	sand.u32 $0xC00, s17;
	s1 =	sand.u32 $0x380, s1;
	s6 =	sshrl.u32 s31, $0x3  }
0xb7: {  	s7 =	spop (v2sf);
	s3 =	sshra.s32 s3, $0x2;
	s2 =	sshll.u32 s31, $0x7  }
0xb8: {  	s6 =	smul.u32 $0x3000, s6;
	s8 =	sshrl.u32 s7, $0x3;
	s1 =	sor.u32 s1, s3  }
0xb9: {  	s2 =	sand.u32 $0x380, s2;
	s9 =	sshll.u32 s7, $0x7;
	s8 =	smul.u32 $0x3000, s8  }
0xba: {  	s3 =	sand.u32 $0x380, s9;
	s28 =	sadd.s32 $0x1000, s1;
	s1 =	sand.u32 $0x40, s17  }
0xbb: {  	s6 =	sshra.s32 s6, $0x2;
	s14 =	sadd.s32 s13, s28;
	s15 =	sor.u32 $0x30, s1  }
0xbc: {  	s20 =	sor.u32 $0x10, s1;
	s2 =	sor.u32 s2, s6;
	s9 =	sadd.s32 s15, s14  }
0xbd: {  	s10 =	sshra.s32 s8, $0x2;
	s29 =	sadd.s32 s20, s14;
	s30 =	sadd.s32 $0x1000, s2;
	v3 =	vld [tilespmem:s9+$0x0]  }
0xbe: {  	s11 =	sor.u32 s3, s10;
	s10 =	sadd.s32 s1, s14;
	v8 =	vld [tilespmem:s29+$0x0];
	s16 =	sadd.s32 s13, s30  }
0xbf: {  	s2 =	sadd.s32 $0x1000, s11;
	v5 =	vld [tilespmem:s10+$0x0];
	s18 =	sadd.s32 s15, s16  }
0xc0: {  	s3 =	sadd.s32 s13, s2;
	s22 =	sadd.s32 s1, s16;
	v4 =	vld [tilespmem:s18+$0x0]  }
0xc1: {  	s31 =	sor.u32 $0x20, s1;
	s7 =	sadd.s32 s15, s3;
	v7 =	vld [tilespmem:s22+$0x0]  }
0xc2: {  	s6 =	sadd.s32 s31, s14;
	v6 =	vld [tilespmem:s7+$0x0]  }
0xc3: {  	v10 =	vld [tilespmem:s6+$0x0];
	s11 =	sadd.s32 s20, s16  }
0xc4: {  	s8 =	sadd.s32 s31, s16;
	v9 =	vld [tilespmem:s11+$0x0]  }
0xc5: {  	s13 =	simm.s32 $0x200;
	s1 =	sadd.s32 s1, s3;
	s11 =	simm.s32 $0x40;
	v11 =	vshll.u32 v3, $0x10;
	v12 =	vshll.u32 v4, $0x10;
	v3 =	vadd.f32 v4, v3;
	v4 =	vld [tilespmem:s8+$0x0]  }
0xc6: {  	s14 =	sadd.s32 s20, s3;
	s15 =	sand.u32 $0xC00, s13;
	s9 =	sand.u32 $0x40, s11;
	v13 =	vshll.u32 v5, $0x10;
	v15 =	vshll.u32 v7, $0x10;
	v11 =	vadd.f32 v12, v11;
	v12 =	vld [tilespmem:s1+$0x0]  }
0xc7: {  	s16 =	sadd.s32 s31, s3;
	s3 =	sadd.s32 s15, s28;
	s18 =	sor.u32 $0x30, s9;
	v5 =	vadd.f32 v7, v5;
	v14 =	vshll.u32 v6, $0x10;
	v3 =	vadd.f32 v6, v3;
	v6 =	vld [tilespmem:s14+$0x0]  }
0xc8: {  	s20 =	sadd.s32 s15, s30;
	s22 =	sadd.s32 s18, s3;
	v13 =	vadd.f32 v15, v13;
	v7 =	vadd.f32 v14, v11;
	v11 =	vld [tilespmem:s16+$0x0]  }
0xc9: {  	s11 =	sadd.s32 s15, s2;
	s29 =	sadd.s32 s18, s20;
	v16 =	vld [tilespmem:s22+$0x0];
	v15 =	vshll.u32 v9, $0x10;
	v9 =	vadd.f32 v9, v8;
	v14 =	vshll.u32 v8, $0x10  }
0xca: {  	s25 =	simm.s32 $0x10C40;
	s13 =	sadd.s32 s18, s11;
	v8 =	vshll.u32 v10, $0x10;
	v14 =	vadd.f32 v15, v14;
	v15 =	vld [tilespmem:s29+$0x0];
	v17 =	vshll.u32 v4, $0x10  }
0xcb: {  	s31 =	sadd.s32 s9, s3;
	v63 =	vld [tilespmem:s13+$0x0];
	[tilespmem:s25+$0x30] =	vst v3;
	v10 =	vadd.f32 v4, v10;
	v5 =	vadd.f32 v12, v5;
	v12 =	vshll.u32 v12, $0x10  }
0xcc: {  	s15 =	sadd.s32 s9, s20;
	s14 =	sor.u32 $0x10, s9;
	v3 =	vld [tilespmem:s31+$0x0];
	[tilespmem:s25+$0x20] =	vst v7;
	v7 =	vadd.f32 v17, v8;
	v12 =	vadd.f32 v12, v13;
	v13 =	vshll.u32 v6, $0x10  }
0xcd: {  	s16 =	sadd.s32 s14, s3;
	v8 =	vld [tilespmem:s15+$0x0];
	[tilespmem:s25+$0xFFFFFFD0] =	vst v5;
	v5 =	vadd.f32 v13, v14;
	v13 =	vshll.u32 v11, $0x10;
	v14 =	vadd.f32 v6, v9  }
0xce: {  	s18 =	sor.u32 $0x20, s9;
	s13 =	sadd.s32 s14, s20;
	v4 =	vld [tilespmem:s16+$0x0];
	v9 =	vadd.f32 v11, v10;
	[tilespmem:s25+$0xFFFFFFC0] =	vst v12;
	v7 =	vadd.f32 v13, v7  }
0xcf: {  	s6 =	simm.s32 $0x4;
	s29 =	sadd.s32 s18, s3;
	v6 =	vld [tilespmem:s13+$0x0];
	v11 =	vadd.f32 v15, v16;
	v12 =	vshll.u32 v16, $0x10;
	v13 =	vshll.u32 v15, $0x10;
	[tilespmem:s25+$0xFFFFFFE0] =	vst v5  }
0xd0: {  	s22 =	sadd.s32 s9, s11;
	s31 =	sadd.s32 s18, s20;
	s20 =	sadd.s32 s14, s11;
	v5 =	vld [tilespmem:s29+$0x0];
	v12 =	vadd.f32 v13, v12;
	[tilespmem:s25+$0xFFFFFFF0] =	vst v14  }
0xd1: {  	s18 =	sadd.s32 s18, s11;
	s11 =	simm.s32 $0x80;
	s16 =	simm.s32 $0x400;
	v10 =	vshll.u32 v3, $0x10;
	v13 =	vshll.u32 v63, $0x10;
	[tilespmem:s25+$0x0] =	vst v7;
	v7 =	vld [tilespmem:s31+$0x0];
	v11 =	vadd.f32 v63, v11  }
.LBB2_9:
0xd2: {  	s1 =	sand.u32 $0x40, s11;
	s3 =	sand.u32 $0xC00, s16;
	v14 =	vshll.u32 v8, $0x10;
	v15 =	vld [tilespmem:s22+$0x0];
	v8 =	vadd.f32 v8, v3;
	v3 =	vadd.f32 v13, v12;
	[tilespmem:s25+$0x10] =	vst v9;
	s25 =	sadd.s32 $0x400, s25  }
0xd3: {  	s6 =	sadd.s32 $0x4, s6;
	s7 =	sadd.s32 s3, s28;
	s8 =	sor.u32 $0x30, s1;
	v9 =	vadd.f32 v14, v10;
	v10 =	vshll.u32 v4, $0x10;
	v12 =	vld [tilespmem:s20+$0x0];
	[tilespmem:s25+$0x30] =	vst v11  }
0xd4: {  	s9 =	sadd.s32 s3, s30;
	p1 =	slt.u32 s6, $0x14;
	s10 =	sadd.s32 s8, s7;
	v11 =	vshll.u32 v6, $0x10;
	v4 =	vadd.f32 v6, v4;
	v6 =	vld [tilespmem:s18+$0x0];
	[tilespmem:s25+$0x20] =	vst v3  }
0xd5: {  	s13 =	sor.u32 $0x10, s1;
	s14 =	sor.u32 $0x20, s1;
	v13 =	vld [tilespmem:s10+$0x0];
	s10 =	sadd.s32 s8, s9;
	v10 =	vadd.f32 v11, v10;
	v11 =	vshll.u32 v5, $0x10  }
0xd6: {  	s3 =	sadd.s32 s3, s2;
	s15 =	sadd.s32 s1, s7;
	s18 =	sadd.s32 s1, s9;
	v14 =	vld [tilespmem:s10+$0x0];
	v16 =	vshll.u32 v7, $0x10;
	v5 =	vadd.f32 v7, v5  }
0xd7: {  	s8 =	sadd.s32 s8, s3;
	s10 =	sadd.s32 s13, s7;
	v3 =	vld [tilespmem:s15+$0x0];
	s15 =	sadd.s32 s13, s9;
	v7 =	vshll.u32 v15, $0x10;
	v15 =	vadd.f32 v15, v8;
	v11 =	vadd.f32 v16, v11  }
0xd8: {  	s22 =	sadd.s32 s1, s3;
	s1 =	sadd.s32 s14, s7;
	s7 =	sadd.s32 s14, s9;
	v16 =	vld [tilespmem:s8+$0x0];
	v7 =	vadd.f32 v7, v9;
	v9 =	vshll.u32 v12, $0x10;
	v17 =	vadd.f32 v12, v4  }
.Ltmp3:
0xd9: {  	s20 =	sadd.s32 s13, s3;
	v8 =	vld [tilespmem:s18+$0x0];
	s18 =	sadd.s32 s14, s3;
	[tilespmem:s25+$0xFFFFFFD0] =	vst v15;
	v10 =	vadd.f32 v9, v10;
	v12 =	vshll.u32 v6, $0x10;
	v9 =	vadd.f32 v6, v5;
	(pc) =	sbr.rel @p1 .LBB2_9-.Ltmp3, $4  }
0xda: {  	v4 =	vld [tilespmem:s10+$0x0];
	[tilespmem:s25+$0xFFFFFFC0] =	vst v7;
	v7 =	vadd.f32 v12, v11  }
0xdb: {  	v11 =	vshll.u32 v13, $0x10;
	v6 =	vld [tilespmem:s15+$0x0];
	v12 =	vshll.u32 v14, $0x10;
	v14 =	vadd.f32 v14, v13;
	[tilespmem:s25+$0xFFFFFFE0] =	vst v10  }
0xdc: {  	v10 =	vshll.u32 v3, $0x10;
	v5 =	vld [tilespmem:s1+$0x0];
	v12 =	vadd.f32 v12, v11;
	[tilespmem:s25+$0x0] =	vst v7  }
0xdd: {  	s11 =	sadd.s32 $0x40, s11;
	s16 =	sadd.s32 $0x200, s16;
	v7 =	vld [tilespmem:s7+$0x0];
	v13 =	vshll.u32 v16, $0x10;
	v11 =	vadd.f32 v16, v14;
	[tilespmem:s25+$0xFFFFFFF0] =	vst v17  }
0xde: {  	(v2sf) =	vpush v0, $0x1  }
0xdf: {  	(v2sf) =	vpush v1, $0x1;
	_ =	sdelay $0x1  }
0xe0: {  	(v2sf) =	vpush v2, $0x1  }
0xe1: {  	v14 =	vld [tilespmem:s22+$0x0]  }
0xe2: {  	v15 =	vld [tilespmem:s20+$0x0]  }
0xe3: {  	v16 =	vshll.u32 v8, $0x10  }
0xe4: {  	v3 =	vadd.f32 v8, v3;
	v8 =	vld [tilespmem:s18+$0x0];
	v12 =	vadd.f32 v13, v12;
	v13 =	vshll.u32 v4, $0x10  }
0xe5: {  	[tilespmem:s25+$0x10] =	vst v9;
	s1 =	sadd.s32 $0x400, s25;
	v9 =	vadd.f32 v16, v10;
	v17 =	vshll.u32 v6, $0x10;
	v4 =	vadd.f32 v6, v4  }
0xe6: {  	[tilespmem:s1+$0x30] =	vst v11;
	v10 =	vadd.f32 v17, v13;
	v13 =	vshll.u32 v5, $0x10;
	v3 =	vadd.f32 v14, v3  }
0xe7: {  	[tilespmem:s1+$0x20] =	vst v12;
	v11 =	vshll.u32 v7, $0x10;
	v14 =	vshll.u32 v14, $0x10;
	v4 =	vadd.f32 v15, v4  }
0xe8: {  	v11 =	vadd.f32 v11, v13;
	v12 =	vshll.u32 v15, $0x10;
	v9 =	vadd.f32 v14, v9;
	[tilespmem:s1+$0xFFFFFFD0] =	vst v3  }
0xe9: {  	v5 =	vadd.f32 v7, v5;
	v6 =	vshll.u32 v8, $0x10;
	v3 =	vadd.f32 v12, v10;
	[tilespmem:s1+$0xFFFFFFF0] =	vst v4  }
0xea: {  	s11 =	simm.s32 $0x0;
	v6 =	vadd.f32 v6, v11;
	[tilespmem:s1+$0xFFFFFFC0] =	vst v9  }
0xeb: {  	s13 =	sand.u32 $0x40, s11;
	[tilespmem:s1+$0xFFFFFFE0] =	vst v3;
	v3 =	vadd.f32 v8, v5  }
0xec: {  	s14 =	sand.u32 $0xC00, s11;
	s15 =	sor.u32 $0x30, s13;
	[tilespmem:s1+$0x0] =	vst v6;
	s31 =	spop (v2sf)  }
0xed: {  	[tilespmem:s1+$0x10] =	vst v3;
	s2 =	sshrl.u32 s31, $0x3;
	s3 =	spop (v2sf);
	s1 =	sshll.u32 s31, $0x7  }
0xee: {  	s2 =	smul.u32 $0x3000, s2;
	s1 =	sand.u32 $0x380, s1;
	s6 =	sshrl.u32 s3, $0x3  }
0xef: {  	s7 =	spop (v2sf);
	s3 =	sshll.u32 s3, $0x7;
	s6 =	smul.u32 $0x3000, s6  }
0xf0: {  	s8 =	sshrl.u32 s7, $0x3;
	s7 =	sshll.u32 s7, $0x7;
	s2 =	sshra.s32 s2, $0x2  }
0xf1: {  	s8 =	smul.u32 $0x3000, s8;
	s9 =	sand.u32 $0x380, s7;
	s1 =	sor.u32 s1, s2  }
0xf2: {  	s2 =	sand.u32 $0x380, s3;
	s6 =	sshra.s32 s6, $0x2;
	s28 =	sadd.s32 $0x1000, s1  }
0xf3: {  	s2 =	sor.u32 s2, s6;
	s3 =	sshra.s32 s8, $0x2;
	s6 =	sadd.s32 s14, s28  }
0xf4: {  	s20 =	sor.u32 $0x10, s13;
	s10 =	sor.u32 s9, s3;
	s9 =	sadd.s32 s15, s6  }
0xf5: {  	s30 =	sadd.s32 $0x1000, s2;
	s2 =	sadd.s32 $0x1000, s10;
	s10 =	sadd.s32 s13, s6;
	v3 =	vld [tilespmem:s9+$0x0]  }
0xf6: {  	s16 =	sadd.s32 s14, s30;
	s29 =	sadd.s32 s20, s6;
	v5 =	vld [tilespmem:s10+$0x0]  }
0xf7: {  	s18 =	sadd.s32 s15, s16;
	v8 =	vld [tilespmem:s29+$0x0]  }
0xf8: {  	s3 =	sadd.s32 s14, s2;
	s22 =	sadd.s32 s13, s16;
	v4 =	vld [tilespmem:s18+$0x0]  }
0xf9: {  	s31 =	sor.u32 $0x20, s13;
	s7 =	sadd.s32 s15, s3;
	v7 =	vld [tilespmem:s22+$0x0]  }
0xfa: {  	s6 =	sadd.s32 s31, s6;
	v6 =	vld [tilespmem:s7+$0x0]  }
0xfb: {  	s11 =	sadd.s32 s20, s16;
	v10 =	vld [tilespmem:s6+$0x0]  }
0xfc: {  	s8 =	sadd.s32 s31, s16;
	v9 =	vld [tilespmem:s11+$0x0]  }
0xfd: {  	s1 =	sadd.s32 s13, s3;
	s11 =	simm.s32 $0x40;
	s13 =	simm.s32 $0x200;
	v11 =	vshll.u32 v3, $0x10;
	v12 =	vshll.u32 v4, $0x10;
	v3 =	vadd.f32 v4, v3;
	v4 =	vld [tilespmem:s8+$0x0]  }
0xfe: {  	s14 =	sadd.s32 s20, s3;
	s9 =	sand.u32 $0x40, s11;
	s15 =	sand.u32 $0xC00, s13;
	v13 =	vshll.u32 v5, $0x10;
	v15 =	vshll.u32 v7, $0x10;
	v11 =	vadd.f32 v12, v11;
	v12 =	vld [tilespmem:s1+$0x0]  }
0xff: {  	s16 =	sadd.s32 s31, s3;
	s3 =	sadd.s32 s15, s28;
	s18 =	sor.u32 $0x30, s9;
	v5 =	vadd.f32 v7, v5;
	v14 =	vshll.u32 v6, $0x10;
	v3 =	vadd.f32 v6, v3;
	v6 =	vld [tilespmem:s14+$0x0]  }
0x100: {  	s20 =	sadd.s32 s15, s30;
	s22 =	sadd.s32 s18, s3;
	v13 =	vadd.f32 v15, v13;
	v7 =	vadd.f32 v14, v11;
	v11 =	vld [tilespmem:s16+$0x0]  }
0x101: {  	s11 =	sadd.s32 s15, s2;
	s29 =	sadd.s32 s18, s20;
	v61 =	vld [tilespmem:s22+$0x0];
	v15 =	vshll.u32 v9, $0x10;
	v9 =	vadd.f32 v9, v8;
	v14 =	vshll.u32 v8, $0x10  }
0x102: {  	s25 =	simm.s32 $0x10CF0;
	s13 =	sadd.s32 s18, s11;
	v8 =	vshll.u32 v10, $0x10;
	v14 =	vadd.f32 v15, v14;
	v15 =	vld [tilespmem:s29+$0x0];
	v62 =	vshll.u32 v4, $0x10  }
0x103: {  	s31 =	sadd.s32 s9, s3;
	v63 =	vld [tilespmem:s13+$0x0];
	[tilespmem:s25+$0x0] =	vst v3;
	v10 =	vadd.f32 v4, v10;
	v5 =	vadd.f32 v12, v5;
	v12 =	vshll.u32 v12, $0x10  }
0x104: {  	s15 =	sadd.s32 s9, s20;
	s14 =	sor.u32 $0x10, s9;
	v3 =	vld [tilespmem:s31+$0x0];
	[tilespmem:s25+$0xFFFFFFF0] =	vst v7;
	v7 =	vadd.f32 v62, v8;
	v12 =	vadd.f32 v12, v13;
	v13 =	vshll.u32 v6, $0x10  }
0x105: {  	s16 =	sadd.s32 s14, s3;
	v8 =	vld [tilespmem:s15+$0x0];
	[tilespmem:s25+$0xFFFFFFA0] =	vst v5;
	v5 =	vadd.f32 v13, v14;
	v13 =	vshll.u32 v11, $0x10;
	v14 =	vadd.f32 v6, v9  }
0x106: {  	s18 =	sor.u32 $0x20, s9;
	s13 =	sadd.s32 s14, s20;
	v4 =	vld [tilespmem:s16+$0x0];
	v9 =	vadd.f32 v11, v10;
	[tilespmem:s25+$0xFFFFFF90] =	vst v12;
	v7 =	vadd.f32 v13, v7  }
0x107: {  	s6 =	simm.s32 $0x4;
	s29 =	sadd.s32 s18, s3;
	v6 =	vld [tilespmem:s13+$0x0];
	v11 =	vadd.f32 v15, v61;
	v12 =	vshll.u32 v61, $0x10;
	v13 =	vshll.u32 v15, $0x10;
	[tilespmem:s25+$0xFFFFFFB0] =	vst v5  }
0x108: {  	s22 =	sadd.s32 s9, s11;
	s31 =	sadd.s32 s18, s20;
	s20 =	sadd.s32 s14, s11;
	v5 =	vld [tilespmem:s29+$0x0];
	v12 =	vadd.f32 v13, v12;
	[tilespmem:s25+$0xFFFFFFC0] =	vst v14  }
0x109: {  	s18 =	sadd.s32 s18, s11;
	s11 =	simm.s32 $0x80;
	s16 =	simm.s32 $0x400;
	v10 =	vshll.u32 v3, $0x10;
	v13 =	vshll.u32 v63, $0x10;
	[tilespmem:s25+$0xFFFFFFD0] =	vst v7;
	v7 =	vld [tilespmem:s31+$0x0];
	v11 =	vadd.f32 v63, v11  }
.LBB2_11:
0x10a: {  	s1 =	sand.u32 $0x40, s11;
	s3 =	sand.u32 $0xC00, s16;
	v14 =	vshll.u32 v8, $0x10;
	v15 =	vld [tilespmem:s22+$0x0];
	v8 =	vadd.f32 v8, v3;
	v3 =	vadd.f32 v13, v12;
	[tilespmem:s25+$0xFFFFFFE0] =	vst v9;
	s25 =	sadd.s32 $0x400, s25  }
0x10b: {  	s6 =	sadd.s32 $0x4, s6;
	s7 =	sadd.s32 s3, s28;
	s8 =	sor.u32 $0x30, s1;
	v9 =	vadd.f32 v14, v10;
	v10 =	vshll.u32 v4, $0x10;
	v12 =	vld [tilespmem:s20+$0x0];
	[tilespmem:s25+$0x0] =	vst v11  }
0x10c: {  	s9 =	sadd.s32 s3, s30;
	p1 =	slt.u32 s6, $0x14;
	s10 =	sadd.s32 s8, s7;
	v11 =	vshll.u32 v6, $0x10;
	v4 =	vadd.f32 v6, v4;
	v6 =	vld [tilespmem:s18+$0x0];
	[tilespmem:s25+$0xFFFFFFF0] =	vst v3  }
0x10d: {  	s13 =	sor.u32 $0x10, s1;
	s14 =	sor.u32 $0x20, s1;
	v13 =	vld [tilespmem:s10+$0x0];
	s10 =	sadd.s32 s8, s9;
	v10 =	vadd.f32 v11, v10;
	v11 =	vshll.u32 v5, $0x10  }
0x10e: {  	s3 =	sadd.s32 s3, s2;
	s15 =	sadd.s32 s1, s7;
	s18 =	sadd.s32 s1, s9;
	v14 =	vld [tilespmem:s10+$0x0];
	v16 =	vshll.u32 v7, $0x10;
	v5 =	vadd.f32 v7, v5  }
0x10f: {  	s8 =	sadd.s32 s8, s3;
	s10 =	sadd.s32 s13, s7;
	v3 =	vld [tilespmem:s15+$0x0];
	s15 =	sadd.s32 s13, s9;
	v7 =	vshll.u32 v15, $0x10;
	v15 =	vadd.f32 v15, v8;
	v11 =	vadd.f32 v16, v11  }
0x110: {  	s22 =	sadd.s32 s1, s3;
	s1 =	sadd.s32 s14, s7;
	s7 =	sadd.s32 s14, s9;
	v16 =	vld [tilespmem:s8+$0x0];
	v7 =	vadd.f32 v7, v9;
	v9 =	vshll.u32 v12, $0x10;
	v17 =	vadd.f32 v12, v4  }
.Ltmp4:
0x111: {  	s20 =	sadd.s32 s13, s3;
	v8 =	vld [tilespmem:s18+$0x0];
	s18 =	sadd.s32 s14, s3;
	[tilespmem:s25+$0xFFFFFFA0] =	vst v15;
	v10 =	vadd.f32 v9, v10;
	v12 =	vshll.u32 v6, $0x10;
	v9 =	vadd.f32 v6, v5;
	(pc) =	sbr.rel @p1 .LBB2_11-.Ltmp4, $4  }
0x112: {  	v4 =	vld [tilespmem:s10+$0x0];
	[tilespmem:s25+$0xFFFFFF90] =	vst v7;
	v7 =	vadd.f32 v12, v11  }
0x113: {  	v11 =	vshll.u32 v13, $0x10;
	v6 =	vld [tilespmem:s15+$0x0];
	v12 =	vshll.u32 v14, $0x10;
	v14 =	vadd.f32 v14, v13;
	[tilespmem:s25+$0xFFFFFFB0] =	vst v10  }
0x114: {  	v10 =	vshll.u32 v3, $0x10;
	v5 =	vld [tilespmem:s1+$0x0];
	v12 =	vadd.f32 v12, v11;
	[tilespmem:s25+$0xFFFFFFD0] =	vst v7  }
0x115: {  	s11 =	sadd.s32 $0x40, s11;
	s16 =	sadd.s32 $0x200, s16;
	v7 =	vld [tilespmem:s7+$0x0];
	v13 =	vshll.u32 v16, $0x10;
	v11 =	vadd.f32 v16, v14;
	[tilespmem:s25+$0xFFFFFFC0] =	vst v17  }
0x116: {  	(v2sf) =	vpush v0, $0x2  }
0x117: {  	(v2sf) =	vpush v1, $0x2;
	_ =	sdelay $0x1  }
0x118: {  	(v2sf) =	vpush v2, $0x2  }
0x119: {  	v14 =	vld [tilespmem:s22+$0x0]  }
0x11a: {  	v15 =	vld [tilespmem:s20+$0x0]  }
0x11b: {  	v16 =	vshll.u32 v8, $0x10  }
0x11c: {  	v3 =	vadd.f32 v8, v3;
	v8 =	vld [tilespmem:s18+$0x0];
	v12 =	vadd.f32 v13, v12;
	v13 =	vshll.u32 v4, $0x10  }
0x11d: {  	[tilespmem:s25+$0xFFFFFFE0] =	vst v9;
	s1 =	sadd.s32 $0x400, s25;
	v9 =	vadd.f32 v16, v10;
	v17 =	vshll.u32 v6, $0x10;
	v4 =	vadd.f32 v6, v4  }
0x11e: {  	[tilespmem:s1+$0x0] =	vst v11;
	v10 =	vadd.f32 v17, v13;
	v13 =	vshll.u32 v5, $0x10;
	v3 =	vadd.f32 v14, v3  }
0x11f: {  	[tilespmem:s1+$0xFFFFFFF0] =	vst v12;
	v11 =	vshll.u32 v7, $0x10;
	v14 =	vshll.u32 v14, $0x10;
	v4 =	vadd.f32 v15, v4  }
0x120: {  	v11 =	vadd.f32 v11, v13;
	v12 =	vshll.u32 v15, $0x10;
	v9 =	vadd.f32 v14, v9;
	[tilespmem:s1+$0xFFFFFFA0] =	vst v3  }
0x121: {  	v5 =	vadd.f32 v7, v5;
	v6 =	vshll.u32 v8, $0x10;
	v3 =	vadd.f32 v12, v10;
	[tilespmem:s1+$0xFFFFFFC0] =	vst v4  }
0x122: {  	s11 =	simm.s32 $0x0;
	v6 =	vadd.f32 v6, v11;
	[tilespmem:s1+$0xFFFFFF90] =	vst v9  }
0x123: {  	s13 =	sand.u32 $0x40, s11;
	[tilespmem:s1+$0xFFFFFFB0] =	vst v3;
	v3 =	vadd.f32 v8, v5  }
0x124: {  	s14 =	sand.u32 $0xC00, s11;
	s15 =	sor.u32 $0x30, s13;
	[tilespmem:s1+$0xFFFFFFD0] =	vst v6;
	s31 =	spop (v2sf)  }
0x125: {  	[tilespmem:s1+$0xFFFFFFE0] =	vst v3;
	s2 =	sshrl.u32 s31, $0x3;
	s3 =	spop (v2sf);
	s1 =	sshll.u32 s31, $0x7  }
0x126: {  	s2 =	smul.u32 $0x3000, s2;
	s1 =	sand.u32 $0x380, s1;
	s6 =	sshrl.u32 s3, $0x3  }
0x127: {  	s7 =	spop (v2sf);
	s3 =	sshll.u32 s3, $0x7;
	s6 =	smul.u32 $0x3000, s6  }
0x128: {  	s8 =	sshrl.u32 s7, $0x3;
	s7 =	sshll.u32 s7, $0x7;
	s2 =	sshra.s32 s2, $0x2  }
0x129: {  	s8 =	smul.u32 $0x3000, s8;
	s9 =	sand.u32 $0x380, s7;
	s1 =	sor.u32 s1, s2  }
0x12a: {  	s2 =	sand.u32 $0x380, s3;
	s6 =	sshra.s32 s6, $0x2;
	s28 =	sadd.s32 $0x1000, s1  }
0x12b: {  	s2 =	sor.u32 s2, s6;
	s3 =	sshra.s32 s8, $0x2;
	s6 =	sadd.s32 s14, s28  }
0x12c: {  	s20 =	sor.u32 $0x10, s13;
	s10 =	sor.u32 s9, s3;
	s9 =	sadd.s32 s15, s6  }
0x12d: {  	s30 =	sadd.s32 $0x1000, s2;
	s2 =	sadd.s32 $0x1000, s10;
	s10 =	sadd.s32 s13, s6;
	v3 =	vld [tilespmem:s9+$0x0]  }
0x12e: {  	s16 =	sadd.s32 s14, s30;
	s29 =	sadd.s32 s20, s6;
	v5 =	vld [tilespmem:s10+$0x0]  }
0x12f: {  	s18 =	sadd.s32 s15, s16;
	v8 =	vld [tilespmem:s29+$0x0]  }
0x130: {  	s3 =	sadd.s32 s14, s2;
	s22 =	sadd.s32 s13, s16;
	v4 =	vld [tilespmem:s18+$0x0]  }
0x131: {  	s31 =	sor.u32 $0x20, s13;
	s7 =	sadd.s32 s15, s3;
	v7 =	vld [tilespmem:s22+$0x0]  }
0x132: {  	s6 =	sadd.s32 s31, s6;
	v6 =	vld [tilespmem:s7+$0x0]  }
0x133: {  	s11 =	sadd.s32 s20, s16;
	v10 =	vld [tilespmem:s6+$0x0]  }
0x134: {  	s8 =	sadd.s32 s31, s16;
	v9 =	vld [tilespmem:s11+$0x0]  }
0x135: {  	s1 =	sadd.s32 s13, s3;
	s11 =	simm.s32 $0x40;
	s13 =	simm.s32 $0x200;
	v11 =	vshll.u32 v3, $0x10;
	v12 =	vshll.u32 v4, $0x10;
	v3 =	vadd.f32 v4, v3;
	v4 =	vld [tilespmem:s8+$0x0]  }
0x136: {  	s14 =	sadd.s32 s20, s3;
	s9 =	sand.u32 $0x40, s11;
	s15 =	sand.u32 $0xC00, s13;
	v13 =	vshll.u32 v5, $0x10;
	v15 =	vshll.u32 v7, $0x10;
	v11 =	vadd.f32 v12, v11;
	v12 =	vld [tilespmem:s1+$0x0]  }
0x137: {  	s16 =	sadd.s32 s31, s3;
	s3 =	sadd.s32 s15, s28;
	s18 =	sor.u32 $0x30, s9;
	v5 =	vadd.f32 v7, v5;
	v14 =	vshll.u32 v6, $0x10;
	v3 =	vadd.f32 v6, v3;
	v6 =	vld [tilespmem:s14+$0x0]  }
0x138: {  	s20 =	sadd.s32 s15, s30;
	s22 =	sadd.s32 s18, s3;
	v13 =	vadd.f32 v15, v13;
	v7 =	vadd.f32 v14, v11;
	v11 =	vld [tilespmem:s16+$0x0]  }
0x139: {  	s11 =	sadd.s32 s15, s2;
	s29 =	sadd.s32 s18, s20;
	v61 =	vld [tilespmem:s22+$0x0];
	v15 =	vshll.u32 v9, $0x10;
	v9 =	vadd.f32 v9, v8;
	v14 =	vshll.u32 v8, $0x10  }
0x13a: {  	s25 =	simm.s32 $0x10D70;
	s13 =	sadd.s32 s18, s11;
	v8 =	vshll.u32 v10, $0x10;
	v14 =	vadd.f32 v15, v14;
	v15 =	vld [tilespmem:s29+$0x0];
	v62 =	vshll.u32 v4, $0x10  }
0x13b: {  	s31 =	sadd.s32 s9, s3;
	v63 =	vld [tilespmem:s13+$0x0];
	[tilespmem:s25+$0x0] =	vst v3;
	v10 =	vadd.f32 v4, v10;
	v5 =	vadd.f32 v12, v5;
	v12 =	vshll.u32 v12, $0x10  }
0x13c: {  	s15 =	sadd.s32 s9, s20;
	s14 =	sor.u32 $0x10, s9;
	v3 =	vld [tilespmem:s31+$0x0];
	[tilespmem:s25+$0xFFFFFFF0] =	vst v7;
	v7 =	vadd.f32 v62, v8;
	v12 =	vadd.f32 v12, v13;
	v13 =	vshll.u32 v6, $0x10  }
0x13d: {  	s16 =	sadd.s32 s14, s3;
	v8 =	vld [tilespmem:s15+$0x0];
	[tilespmem:s25+$0xFFFFFFA0] =	vst v5;
	v5 =	vadd.f32 v13, v14;
	v13 =	vshll.u32 v11, $0x10;
	v14 =	vadd.f32 v6, v9  }
0x13e: {  	s18 =	sor.u32 $0x20, s9;
	s13 =	sadd.s32 s14, s20;
	v4 =	vld [tilespmem:s16+$0x0];
	v9 =	vadd.f32 v11, v10;
	[tilespmem:s25+$0xFFFFFF90] =	vst v12;
	v7 =	vadd.f32 v13, v7  }
0x13f: {  	s6 =	simm.s32 $0x4;
	s29 =	sadd.s32 s18, s3;
	v6 =	vld [tilespmem:s13+$0x0];
	v11 =	vadd.f32 v15, v61;
	v12 =	vshll.u32 v61, $0x10;
	v13 =	vshll.u32 v15, $0x10;
	[tilespmem:s25+$0xFFFFFFB0] =	vst v5  }
0x140: {  	s22 =	sadd.s32 s9, s11;
	s31 =	sadd.s32 s18, s20;
	s20 =	sadd.s32 s14, s11;
	v5 =	vld [tilespmem:s29+$0x0];
	v12 =	vadd.f32 v13, v12;
	[tilespmem:s25+$0xFFFFFFC0] =	vst v14  }
0x141: {  	s18 =	sadd.s32 s18, s11;
	s11 =	simm.s32 $0x80;
	s16 =	simm.s32 $0x400;
	v10 =	vshll.u32 v3, $0x10;
	v13 =	vshll.u32 v63, $0x10;
	[tilespmem:s25+$0xFFFFFFD0] =	vst v7;
	v7 =	vld [tilespmem:s31+$0x0];
	v11 =	vadd.f32 v63, v11  }
.LBB2_13:
0x142: {  	s1 =	sand.u32 $0x40, s11;
	s3 =	sand.u32 $0xC00, s16;
	v14 =	vshll.u32 v8, $0x10;
	v15 =	vld [tilespmem:s22+$0x0];
	v8 =	vadd.f32 v8, v3;
	v3 =	vadd.f32 v13, v12;
	[tilespmem:s25+$0xFFFFFFE0] =	vst v9;
	s25 =	sadd.s32 $0x400, s25  }
0x143: {  	s6 =	sadd.s32 $0x4, s6;
	s7 =	sadd.s32 s3, s28;
	s8 =	sor.u32 $0x30, s1;
	v9 =	vadd.f32 v14, v10;
	v10 =	vshll.u32 v4, $0x10;
	v12 =	vld [tilespmem:s20+$0x0];
	[tilespmem:s25+$0x0] =	vst v11  }
0x144: {  	s9 =	sadd.s32 s3, s30;
	p1 =	slt.u32 s6, $0x14;
	s10 =	sadd.s32 s8, s7;
	v11 =	vshll.u32 v6, $0x10;
	v4 =	vadd.f32 v6, v4;
	v6 =	vld [tilespmem:s18+$0x0];
	[tilespmem:s25+$0xFFFFFFF0] =	vst v3  }
0x145: {  	s13 =	sor.u32 $0x10, s1;
	s14 =	sor.u32 $0x20, s1;
	v13 =	vld [tilespmem:s10+$0x0];
	s10 =	sadd.s32 s8, s9;
	v10 =	vadd.f32 v11, v10;
	v11 =	vshll.u32 v5, $0x10  }
0x146: {  	s3 =	sadd.s32 s3, s2;
	s15 =	sadd.s32 s1, s7;
	s18 =	sadd.s32 s1, s9;
	v14 =	vld [tilespmem:s10+$0x0];
	v16 =	vshll.u32 v7, $0x10;
	v5 =	vadd.f32 v7, v5  }
0x147: {  	s8 =	sadd.s32 s8, s3;
	s10 =	sadd.s32 s13, s7;
	v3 =	vld [tilespmem:s15+$0x0];
	s15 =	sadd.s32 s13, s9;
	v7 =	vshll.u32 v15, $0x10;
	v15 =	vadd.f32 v15, v8;
	v11 =	vadd.f32 v16, v11  }
0x148: {  	s22 =	sadd.s32 s1, s3;
	s1 =	sadd.s32 s14, s7;
	s7 =	sadd.s32 s14, s9;
	v16 =	vld [tilespmem:s8+$0x0];
	v7 =	vadd.f32 v7, v9;
	v9 =	vshll.u32 v12, $0x10;
	v17 =	vadd.f32 v12, v4  }
.Ltmp5:
0x149: {  	s20 =	sadd.s32 s13, s3;
	v8 =	vld [tilespmem:s18+$0x0];
	s18 =	sadd.s32 s14, s3;
	[tilespmem:s25+$0xFFFFFFA0] =	vst v15;
	v10 =	vadd.f32 v9, v10;
	v12 =	vshll.u32 v6, $0x10;
	v9 =	vadd.f32 v6, v5;
	(pc) =	sbr.rel @p1 .LBB2_13-.Ltmp5, $4  }
0x14a: {  	v4 =	vld [tilespmem:s10+$0x0];
	[tilespmem:s25+$0xFFFFFF90] =	vst v7;
	v7 =	vadd.f32 v12, v11  }
0x14b: {  	v11 =	vshll.u32 v13, $0x10;
	v6 =	vld [tilespmem:s15+$0x0];
	v12 =	vshll.u32 v14, $0x10;
	v14 =	vadd.f32 v14, v13;
	[tilespmem:s25+$0xFFFFFFB0] =	vst v10  }
0x14c: {  	v10 =	vshll.u32 v3, $0x10;
	v5 =	vld [tilespmem:s1+$0x0];
	v12 =	vadd.f32 v12, v11;
	[tilespmem:s25+$0xFFFFFFD0] =	vst v7  }
0x14d: {  	s11 =	sadd.s32 $0x40, s11;
	s16 =	sadd.s32 $0x200, s16;
	v7 =	vld [tilespmem:s7+$0x0];
	v13 =	vshll.u32 v16, $0x10;
	v11 =	vadd.f32 v16, v14;
	[tilespmem:s25+$0xFFFFFFC0] =	vst v17  }
0x14e: {  	(v2sf) =	vpush v0, $0x3  }
0x14f: {  	(v2sf) =	vpush v1, $0x3;
	_ =	sdelay $0x1  }
0x150: {  	(v2sf) =	vpush v2, $0x3  }
0x151: {  	v14 =	vld [tilespmem:s22+$0x0]  }
0x152: {  	v15 =	vld [tilespmem:s20+$0x0]  }
0x153: {  	v16 =	vshll.u32 v8, $0x10  }
0x154: {  	v3 =	vadd.f32 v8, v3;
	v8 =	vld [tilespmem:s18+$0x0];
	v12 =	vadd.f32 v13, v12;
	v13 =	vshll.u32 v4, $0x10  }
0x155: {  	[tilespmem:s25+$0xFFFFFFE0] =	vst v9;
	s1 =	sadd.s32 $0x400, s25;
	v9 =	vadd.f32 v16, v10;
	v17 =	vshll.u32 v6, $0x10;
	v4 =	vadd.f32 v6, v4  }
0x156: {  	[tilespmem:s1+$0x0] =	vst v11;
	v10 =	vadd.f32 v17, v13;
	v13 =	vshll.u32 v5, $0x10;
	v3 =	vadd.f32 v14, v3  }
0x157: {  	[tilespmem:s1+$0xFFFFFFF0] =	vst v12;
	v11 =	vshll.u32 v7, $0x10;
	v14 =	vshll.u32 v14, $0x10;
	v4 =	vadd.f32 v15, v4  }
0x158: {  	v11 =	vadd.f32 v11, v13;
	v12 =	vshll.u32 v15, $0x10;
	v9 =	vadd.f32 v14, v9;
	[tilespmem:s1+$0xFFFFFFA0] =	vst v3  }
0x159: {  	v5 =	vadd.f32 v7, v5;
	v6 =	vshll.u32 v8, $0x10;
	v3 =	vadd.f32 v12, v10;
	[tilespmem:s1+$0xFFFFFFC0] =	vst v4  }
0x15a: {  	s11 =	simm.s32 $0x0;
	v6 =	vadd.f32 v6, v11;
	[tilespmem:s1+$0xFFFFFF90] =	vst v9  }
0x15b: {  	s13 =	sand.u32 $0x40, s11;
	[tilespmem:s1+$0xFFFFFFB0] =	vst v3;
	v3 =	vadd.f32 v8, v5  }
0x15c: {  	s14 =	sand.u32 $0xC00, s11;
	s15 =	sor.u32 $0x30, s13;
	[tilespmem:s1+$0xFFFFFFD0] =	vst v6;
	s31 =	spop (v2sf)  }
0x15d: {  	[tilespmem:s1+$0xFFFFFFE0] =	vst v3;
	s2 =	sshrl.u32 s31, $0x3;
	s3 =	spop (v2sf);
	s1 =	sshll.u32 s31, $0x7  }
0x15e: {  	s2 =	smul.u32 $0x3000, s2;
	s1 =	sand.u32 $0x380, s1;
	s6 =	sshrl.u32 s3, $0x3  }
0x15f: {  	s7 =	spop (v2sf);
	s3 =	sshll.u32 s3, $0x7;
	s6 =	smul.u32 $0x3000, s6  }
0x160: {  	s8 =	sshrl.u32 s7, $0x3;
	s7 =	sshll.u32 s7, $0x7;
	s2 =	sshra.s32 s2, $0x2  }
0x161: {  	s8 =	smul.u32 $0x3000, s8;
	s9 =	sand.u32 $0x380, s7;
	s1 =	sor.u32 s1, s2  }
0x162: {  	s2 =	sand.u32 $0x380, s3;
	s6 =	sshra.s32 s6, $0x2;
	s28 =	sadd.s32 $0x1000, s1  }
0x163: {  	s2 =	sor.u32 s2, s6;
	s3 =	sshra.s32 s8, $0x2;
	s6 =	sadd.s32 s14, s28  }
0x164: {  	s20 =	sor.u32 $0x10, s13;
	s10 =	sor.u32 s9, s3;
	s9 =	sadd.s32 s15, s6  }
0x165: {  	s30 =	sadd.s32 $0x1000, s2;
	s2 =	sadd.s32 $0x1000, s10;
	s10 =	sadd.s32 s13, s6;
	v3 =	vld [tilespmem:s9+$0x0]  }
0x166: {  	s16 =	sadd.s32 s14, s30;
	s29 =	sadd.s32 s20, s6;
	v5 =	vld [tilespmem:s10+$0x0]  }
0x167: {  	s18 =	sadd.s32 s15, s16;
	v8 =	vld [tilespmem:s29+$0x0]  }
0x168: {  	s3 =	sadd.s32 s14, s2;
	s22 =	sadd.s32 s13, s16;
	v4 =	vld [tilespmem:s18+$0x0]  }
0x169: {  	s31 =	sor.u32 $0x20, s13;
	s7 =	sadd.s32 s15, s3;
	v7 =	vld [tilespmem:s22+$0x0]  }
0x16a: {  	s6 =	sadd.s32 s31, s6;
	v6 =	vld [tilespmem:s7+$0x0]  }
0x16b: {  	s11 =	sadd.s32 s20, s16;
	v10 =	vld [tilespmem:s6+$0x0]  }
0x16c: {  	s8 =	sadd.s32 s31, s16;
	v9 =	vld [tilespmem:s11+$0x0]  }
0x16d: {  	s1 =	sadd.s32 s13, s3;
	s11 =	simm.s32 $0x40;
	s13 =	simm.s32 $0x200;
	v11 =	vshll.u32 v3, $0x10;
	v12 =	vshll.u32 v4, $0x10;
	v3 =	vadd.f32 v4, v3;
	v4 =	vld [tilespmem:s8+$0x0]  }
0x16e: {  	s14 =	sadd.s32 s20, s3;
	s9 =	sand.u32 $0x40, s11;
	s15 =	sand.u32 $0xC00, s13;
	v13 =	vshll.u32 v5, $0x10;
	v15 =	vshll.u32 v7, $0x10;
	v11 =	vadd.f32 v12, v11;
	v12 =	vld [tilespmem:s1+$0x0]  }
0x16f: {  	s16 =	sadd.s32 s31, s3;
	s3 =	sadd.s32 s15, s28;
	s18 =	sor.u32 $0x30, s9;
	v5 =	vadd.f32 v7, v5;
	v14 =	vshll.u32 v6, $0x10;
	v3 =	vadd.f32 v6, v3;
	v6 =	vld [tilespmem:s14+$0x0]  }
0x170: {  	s20 =	sadd.s32 s15, s30;
	s22 =	sadd.s32 s18, s3;
	v13 =	vadd.f32 v15, v13;
	v7 =	vadd.f32 v14, v11;
	v11 =	vld [tilespmem:s16+$0x0]  }
0x171: {  	s11 =	sadd.s32 s15, s2;
	s29 =	sadd.s32 s18, s20;
	v61 =	vld [tilespmem:s22+$0x0];
	v15 =	vshll.u32 v9, $0x10;
	v9 =	vadd.f32 v9, v8;
	v14 =	vshll.u32 v8, $0x10  }
0x172: {  	s25 =	simm.s32 $0x10DF0;
	s13 =	sadd.s32 s18, s11;
	v8 =	vshll.u32 v10, $0x10;
	v14 =	vadd.f32 v15, v14;
	v15 =	vld [tilespmem:s29+$0x0];
	v62 =	vshll.u32 v4, $0x10  }
0x173: {  	s31 =	sadd.s32 s9, s3;
	v63 =	vld [tilespmem:s13+$0x0];
	[tilespmem:s25+$0x0] =	vst v3;
	v10 =	vadd.f32 v4, v10;
	v5 =	vadd.f32 v12, v5;
	v12 =	vshll.u32 v12, $0x10  }
0x174: {  	s15 =	sadd.s32 s9, s20;
	s14 =	sor.u32 $0x10, s9;
	v3 =	vld [tilespmem:s31+$0x0];
	[tilespmem:s25+$0xFFFFFFF0] =	vst v7;
	v7 =	vadd.f32 v62, v8;
	v12 =	vadd.f32 v12, v13;
	v13 =	vshll.u32 v6, $0x10  }
0x175: {  	s16 =	sadd.s32 s14, s3;
	v8 =	vld [tilespmem:s15+$0x0];
	[tilespmem:s25+$0xFFFFFFA0] =	vst v5;
	v5 =	vadd.f32 v13, v14;
	v13 =	vshll.u32 v11, $0x10;
	v14 =	vadd.f32 v6, v9  }
0x176: {  	s18 =	sor.u32 $0x20, s9;
	s13 =	sadd.s32 s14, s20;
	v4 =	vld [tilespmem:s16+$0x0];
	v9 =	vadd.f32 v11, v10;
	[tilespmem:s25+$0xFFFFFF90] =	vst v12;
	v7 =	vadd.f32 v13, v7  }
0x177: {  	s6 =	simm.s32 $0x4;
	s29 =	sadd.s32 s18, s3;
	v6 =	vld [tilespmem:s13+$0x0];
	v11 =	vadd.f32 v15, v61;
	v12 =	vshll.u32 v61, $0x10;
	v13 =	vshll.u32 v15, $0x10;
	[tilespmem:s25+$0xFFFFFFB0] =	vst v5  }
0x178: {  	s22 =	sadd.s32 s9, s11;
	s31 =	sadd.s32 s18, s20;
	s20 =	sadd.s32 s14, s11;
	v5 =	vld [tilespmem:s29+$0x0];
	v12 =	vadd.f32 v13, v12;
	[tilespmem:s25+$0xFFFFFFC0] =	vst v14  }
0x179: {  	s18 =	sadd.s32 s18, s11;
	s11 =	simm.s32 $0x80;
	s16 =	simm.s32 $0x400;
	v10 =	vshll.u32 v3, $0x10;
	v13 =	vshll.u32 v63, $0x10;
	[tilespmem:s25+$0xFFFFFFD0] =	vst v7;
	v7 =	vld [tilespmem:s31+$0x0];
	v11 =	vadd.f32 v63, v11  }
.LBB2_15:
0x17a: {  	s1 =	sand.u32 $0x40, s11;
	s3 =	sand.u32 $0xC00, s16;
	v14 =	vshll.u32 v8, $0x10;
	v15 =	vld [tilespmem:s22+$0x0];
	v8 =	vadd.f32 v8, v3;
	v3 =	vadd.f32 v13, v12;
	[tilespmem:s25+$0xFFFFFFE0] =	vst v9;
	s25 =	sadd.s32 $0x400, s25  }
0x17b: {  	s6 =	sadd.s32 $0x4, s6;
	s7 =	sadd.s32 s3, s28;
	s8 =	sor.u32 $0x30, s1;
	v9 =	vadd.f32 v14, v10;
	v10 =	vshll.u32 v4, $0x10;
	v12 =	vld [tilespmem:s20+$0x0];
	[tilespmem:s25+$0x0] =	vst v11  }
0x17c: {  	s9 =	sadd.s32 s3, s30;
	p1 =	slt.u32 s6, $0x14;
	s10 =	sadd.s32 s8, s7;
	v11 =	vshll.u32 v6, $0x10;
	v4 =	vadd.f32 v6, v4;
	v6 =	vld [tilespmem:s18+$0x0];
	[tilespmem:s25+$0xFFFFFFF0] =	vst v3  }
0x17d: {  	s13 =	sor.u32 $0x10, s1;
	s14 =	sor.u32 $0x20, s1;
	v13 =	vld [tilespmem:s10+$0x0];
	s10 =	sadd.s32 s8, s9;
	v10 =	vadd.f32 v11, v10;
	v11 =	vshll.u32 v5, $0x10  }
0x17e: {  	s3 =	sadd.s32 s3, s2;
	s15 =	sadd.s32 s1, s7;
	s18 =	sadd.s32 s1, s9;
	v14 =	vld [tilespmem:s10+$0x0];
	v16 =	vshll.u32 v7, $0x10;
	v5 =	vadd.f32 v7, v5  }
0x17f: {  	s8 =	sadd.s32 s8, s3;
	s10 =	sadd.s32 s13, s7;
	v3 =	vld [tilespmem:s15+$0x0];
	s15 =	sadd.s32 s13, s9;
	v7 =	vshll.u32 v15, $0x10;
	v15 =	vadd.f32 v15, v8;
	v11 =	vadd.f32 v16, v11  }
0x180: {  	s22 =	sadd.s32 s1, s3;
	s1 =	sadd.s32 s14, s7;
	s7 =	sadd.s32 s14, s9;
	v16 =	vld [tilespmem:s8+$0x0];
	v7 =	vadd.f32 v7, v9;
	v9 =	vshll.u32 v12, $0x10;
	v17 =	vadd.f32 v12, v4  }
.Ltmp6:
0x181: {  	s20 =	sadd.s32 s13, s3;
	v8 =	vld [tilespmem:s18+$0x0];
	s18 =	sadd.s32 s14, s3;
	[tilespmem:s25+$0xFFFFFFA0] =	vst v15;
	v10 =	vadd.f32 v9, v10;
	v12 =	vshll.u32 v6, $0x10;
	v9 =	vadd.f32 v6, v5;
	(pc) =	sbr.rel @p1 .LBB2_15-.Ltmp6, $4  }
0x182: {  	v4 =	vld [tilespmem:s10+$0x0];
	[tilespmem:s25+$0xFFFFFF90] =	vst v7;
	v7 =	vadd.f32 v12, v11  }
0x183: {  	v11 =	vshll.u32 v13, $0x10;
	v6 =	vld [tilespmem:s15+$0x0];
	v12 =	vshll.u32 v14, $0x10;
	v14 =	vadd.f32 v14, v13;
	[tilespmem:s25+$0xFFFFFFB0] =	vst v10  }
0x184: {  	v10 =	vshll.u32 v3, $0x10;
	v5 =	vld [tilespmem:s1+$0x0];
	v12 =	vadd.f32 v12, v11;
	[tilespmem:s25+$0xFFFFFFD0] =	vst v7  }
0x185: {  	s11 =	sadd.s32 $0x40, s11;
	s16 =	sadd.s32 $0x200, s16;
	v7 =	vld [tilespmem:s7+$0x0];
	v13 =	vshll.u32 v16, $0x10;
	v11 =	vadd.f32 v16, v14;
	[tilespmem:s25+$0xFFFFFFC0] =	vst v17  }
0x186: {  	(v2sf) =	vpush v0, $0x4  }
0x187: {  	(v2sf) =	vpush v1, $0x4;
	_ =	sdelay $0x1  }
0x188: {  	(v2sf) =	vpush v2, $0x4  }
0x189: {  	v14 =	vld [tilespmem:s22+$0x0]  }
0x18a: {  	v15 =	vld [tilespmem:s20+$0x0]  }
0x18b: {  	v16 =	vshll.u32 v8, $0x10  }
0x18c: {  	v3 =	vadd.f32 v8, v3;
	v8 =	vld [tilespmem:s18+$0x0];
	v12 =	vadd.f32 v13, v12;
	v13 =	vshll.u32 v4, $0x10  }
0x18d: {  	[tilespmem:s25+$0xFFFFFFE0] =	vst v9;
	s1 =	sadd.s32 $0x400, s25;
	v9 =	vadd.f32 v16, v10;
	v17 =	vshll.u32 v6, $0x10;
	v4 =	vadd.f32 v6, v4  }
0x18e: {  	[tilespmem:s1+$0x0] =	vst v11;
	v10 =	vadd.f32 v17, v13;
	v13 =	vshll.u32 v5, $0x10;
	v3 =	vadd.f32 v14, v3  }
0x18f: {  	[tilespmem:s1+$0xFFFFFFF0] =	vst v12;
	v11 =	vshll.u32 v7, $0x10;
	v14 =	vshll.u32 v14, $0x10;
	v4 =	vadd.f32 v15, v4  }
0x190: {  	v11 =	vadd.f32 v11, v13;
	v12 =	vshll.u32 v15, $0x10;
	v9 =	vadd.f32 v14, v9;
	[tilespmem:s1+$0xFFFFFFA0] =	vst v3  }
0x191: {  	v5 =	vadd.f32 v7, v5;
	v6 =	vshll.u32 v8, $0x10;
	v3 =	vadd.f32 v12, v10;
	[tilespmem:s1+$0xFFFFFFC0] =	vst v4  }
0x192: {  	s11 =	simm.s32 $0x0;
	v6 =	vadd.f32 v6, v11;
	[tilespmem:s1+$0xFFFFFF90] =	vst v9  }
0x193: {  	s13 =	sand.u32 $0x40, s11;
	[tilespmem:s1+$0xFFFFFFB0] =	vst v3;
	v3 =	vadd.f32 v8, v5  }
0x194: {  	s14 =	sand.u32 $0xC00, s11;
	s15 =	sor.u32 $0x30, s13;
	[tilespmem:s1+$0xFFFFFFD0] =	vst v6;
	s31 =	spop (v2sf)  }
0x195: {  	[tilespmem:s1+$0xFFFFFFE0] =	vst v3;
	s2 =	sshrl.u32 s31, $0x3;
	s3 =	spop (v2sf);
	s1 =	sshll.u32 s31, $0x7  }
0x196: {  	s2 =	smul.u32 $0x3000, s2;
	s1 =	sand.u32 $0x380, s1;
	s6 =	sshrl.u32 s3, $0x3  }
0x197: {  	s7 =	spop (v2sf);
	s3 =	sshll.u32 s3, $0x7;
	s6 =	smul.u32 $0x3000, s6  }
0x198: {  	s8 =	sshrl.u32 s7, $0x3;
	s7 =	sshll.u32 s7, $0x7;
	s2 =	sshra.s32 s2, $0x2  }
0x199: {  	s8 =	smul.u32 $0x3000, s8;
	s9 =	sand.u32 $0x380, s7;
	s1 =	sor.u32 s1, s2  }
0x19a: {  	s2 =	sand.u32 $0x380, s3;
	s6 =	sshra.s32 s6, $0x2;
	s28 =	sadd.s32 $0x1000, s1  }
0x19b: {  	s2 =	sor.u32 s2, s6;
	s3 =	sshra.s32 s8, $0x2;
	s6 =	sadd.s32 s14, s28  }
0x19c: {  	s20 =	sor.u32 $0x10, s13;
	s10 =	sor.u32 s9, s3;
	s9 =	sadd.s32 s15, s6  }
0x19d: {  	s30 =	sadd.s32 $0x1000, s2;
	s2 =	sadd.s32 $0x1000, s10;
	s10 =	sadd.s32 s13, s6;
	v3 =	vld [tilespmem:s9+$0x0]  }
0x19e: {  	s16 =	sadd.s32 s14, s30;
	s29 =	sadd.s32 s20, s6;
	v5 =	vld [tilespmem:s10+$0x0]  }
0x19f: {  	s18 =	sadd.s32 s15, s16;
	v8 =	vld [tilespmem:s29+$0x0]  }
0x1a0: {  	s3 =	sadd.s32 s14, s2;
	s22 =	sadd.s32 s13, s16;
	v4 =	vld [tilespmem:s18+$0x0]  }
0x1a1: {  	s31 =	sor.u32 $0x20, s13;
	s7 =	sadd.s32 s15, s3;
	v7 =	vld [tilespmem:s22+$0x0]  }
0x1a2: {  	s6 =	sadd.s32 s31, s6;
	v6 =	vld [tilespmem:s7+$0x0]  }
0x1a3: {  	s11 =	sadd.s32 s20, s16;
	v10 =	vld [tilespmem:s6+$0x0]  }
0x1a4: {  	s8 =	sadd.s32 s31, s16;
	v9 =	vld [tilespmem:s11+$0x0]  }
0x1a5: {  	s1 =	sadd.s32 s13, s3;
	s11 =	simm.s32 $0x40;
	s13 =	simm.s32 $0x200;
	v11 =	vshll.u32 v3, $0x10;
	v12 =	vshll.u32 v4, $0x10;
	v3 =	vadd.f32 v4, v3;
	v4 =	vld [tilespmem:s8+$0x0]  }
0x1a6: {  	s14 =	sadd.s32 s20, s3;
	s9 =	sand.u32 $0x40, s11;
	s15 =	sand.u32 $0xC00, s13;
	v13 =	vshll.u32 v5, $0x10;
	v15 =	vshll.u32 v7, $0x10;
	v11 =	vadd.f32 v12, v11;
	v12 =	vld [tilespmem:s1+$0x0]  }
0x1a7: {  	s16 =	sadd.s32 s31, s3;
	s3 =	sadd.s32 s15, s28;
	s18 =	sor.u32 $0x30, s9;
	v5 =	vadd.f32 v7, v5;
	v14 =	vshll.u32 v6, $0x10;
	v3 =	vadd.f32 v6, v3;
	v6 =	vld [tilespmem:s14+$0x0]  }
0x1a8: {  	s20 =	sadd.s32 s15, s30;
	s22 =	sadd.s32 s18, s3;
	v13 =	vadd.f32 v15, v13;
	v7 =	vadd.f32 v14, v11;
	v11 =	vld [tilespmem:s16+$0x0]  }
0x1a9: {  	s11 =	sadd.s32 s15, s2;
	s29 =	sadd.s32 s18, s20;
	v61 =	vld [tilespmem:s22+$0x0];
	v15 =	vshll.u32 v9, $0x10;
	v9 =	vadd.f32 v9, v8;
	v14 =	vshll.u32 v8, $0x10  }
0x1aa: {  	s25 =	simm.s32 $0x10E70;
	s13 =	sadd.s32 s18, s11;
	v8 =	vshll.u32 v10, $0x10;
	v14 =	vadd.f32 v15, v14;
	v15 =	vld [tilespmem:s29+$0x0];
	v62 =	vshll.u32 v4, $0x10  }
0x1ab: {  	s31 =	sadd.s32 s9, s3;
	v63 =	vld [tilespmem:s13+$0x0];
	[tilespmem:s25+$0x0] =	vst v3;
	v10 =	vadd.f32 v4, v10;
	v5 =	vadd.f32 v12, v5;
	v12 =	vshll.u32 v12, $0x10  }
0x1ac: {  	s15 =	sadd.s32 s9, s20;
	s14 =	sor.u32 $0x10, s9;
	v3 =	vld [tilespmem:s31+$0x0];
	[tilespmem:s25+$0xFFFFFFF0] =	vst v7;
	v7 =	vadd.f32 v62, v8;
	v12 =	vadd.f32 v12, v13;
	v13 =	vshll.u32 v6, $0x10  }
0x1ad: {  	s16 =	sadd.s32 s14, s3;
	v8 =	vld [tilespmem:s15+$0x0];
	[tilespmem:s25+$0xFFFFFFA0] =	vst v5;
	v5 =	vadd.f32 v13, v14;
	v13 =	vshll.u32 v11, $0x10;
	v14 =	vadd.f32 v6, v9  }
0x1ae: {  	s18 =	sor.u32 $0x20, s9;
	s13 =	sadd.s32 s14, s20;
	v4 =	vld [tilespmem:s16+$0x0];
	v9 =	vadd.f32 v11, v10;
	[tilespmem:s25+$0xFFFFFF90] =	vst v12;
	v7 =	vadd.f32 v13, v7  }
0x1af: {  	s6 =	simm.s32 $0x4;
	s29 =	sadd.s32 s18, s3;
	v6 =	vld [tilespmem:s13+$0x0];
	v11 =	vadd.f32 v15, v61;
	v12 =	vshll.u32 v61, $0x10;
	v13 =	vshll.u32 v15, $0x10;
	[tilespmem:s25+$0xFFFFFFB0] =	vst v5  }
0x1b0: {  	s22 =	sadd.s32 s9, s11;
	s31 =	sadd.s32 s18, s20;
	s20 =	sadd.s32 s14, s11;
	v5 =	vld [tilespmem:s29+$0x0];
	v12 =	vadd.f32 v13, v12;
	[tilespmem:s25+$0xFFFFFFC0] =	vst v14  }
0x1b1: {  	s18 =	sadd.s32 s18, s11;
	s11 =	simm.s32 $0x80;
	s16 =	simm.s32 $0x400;
	v10 =	vshll.u32 v3, $0x10;
	v13 =	vshll.u32 v63, $0x10;
	[tilespmem:s25+$0xFFFFFFD0] =	vst v7;
	v7 =	vld [tilespmem:s31+$0x0];
	v11 =	vadd.f32 v63, v11  }
.LBB2_17:
0x1b2: {  	s1 =	sand.u32 $0x40, s11;
	s3 =	sand.u32 $0xC00, s16;
	v14 =	vshll.u32 v8, $0x10;
	v15 =	vld [tilespmem:s22+$0x0];
	v8 =	vadd.f32 v8, v3;
	v3 =	vadd.f32 v13, v12;
	[tilespmem:s25+$0xFFFFFFE0] =	vst v9;
	s25 =	sadd.s32 $0x400, s25  }
0x1b3: {  	s6 =	sadd.s32 $0x4, s6;
	s7 =	sadd.s32 s3, s28;
	s8 =	sor.u32 $0x30, s1;
	v9 =	vadd.f32 v14, v10;
	v10 =	vshll.u32 v4, $0x10;
	v12 =	vld [tilespmem:s20+$0x0];
	[tilespmem:s25+$0x0] =	vst v11  }
0x1b4: {  	s9 =	sadd.s32 s3, s30;
	p1 =	slt.u32 s6, $0x14;
	s10 =	sadd.s32 s8, s7;
	v11 =	vshll.u32 v6, $0x10;
	v4 =	vadd.f32 v6, v4;
	v6 =	vld [tilespmem:s18+$0x0];
	[tilespmem:s25+$0xFFFFFFF0] =	vst v3  }
0x1b5: {  	s13 =	sor.u32 $0x10, s1;
	s14 =	sor.u32 $0x20, s1;
	v13 =	vld [tilespmem:s10+$0x0];
	s10 =	sadd.s32 s8, s9;
	v10 =	vadd.f32 v11, v10;
	v11 =	vshll.u32 v5, $0x10  }
0x1b6: {  	s3 =	sadd.s32 s3, s2;
	s15 =	sadd.s32 s1, s7;
	s18 =	sadd.s32 s1, s9;
	v14 =	vld [tilespmem:s10+$0x0];
	v16 =	vshll.u32 v7, $0x10;
	v5 =	vadd.f32 v7, v5  }
0x1b7: {  	s8 =	sadd.s32 s8, s3;
	s10 =	sadd.s32 s13, s7;
	v3 =	vld [tilespmem:s15+$0x0];
	s15 =	sadd.s32 s13, s9;
	v7 =	vshll.u32 v15, $0x10;
	v15 =	vadd.f32 v15, v8;
	v11 =	vadd.f32 v16, v11  }
0x1b8: {  	s22 =	sadd.s32 s1, s3;
	s1 =	sadd.s32 s14, s7;
	s7 =	sadd.s32 s14, s9;
	v16 =	vld [tilespmem:s8+$0x0];
	v7 =	vadd.f32 v7, v9;
	v9 =	vshll.u32 v12, $0x10;
	v17 =	vadd.f32 v12, v4  }
.Ltmp7:
0x1b9: {  	s20 =	sadd.s32 s13, s3;
	v8 =	vld [tilespmem:s18+$0x0];
	s18 =	sadd.s32 s14, s3;
	[tilespmem:s25+$0xFFFFFFA0] =	vst v15;
	v10 =	vadd.f32 v9, v10;
	v12 =	vshll.u32 v6, $0x10;
	v9 =	vadd.f32 v6, v5;
	(pc) =	sbr.rel @p1 .LBB2_17-.Ltmp7, $4  }
0x1ba: {  	v4 =	vld [tilespmem:s10+$0x0];
	[tilespmem:s25+$0xFFFFFF90] =	vst v7;
	v7 =	vadd.f32 v12, v11  }
0x1bb: {  	v11 =	vshll.u32 v13, $0x10;
	v6 =	vld [tilespmem:s15+$0x0];
	v12 =	vshll.u32 v14, $0x10;
	v14 =	vadd.f32 v14, v13;
	[tilespmem:s25+$0xFFFFFFB0] =	vst v10  }
0x1bc: {  	v10 =	vshll.u32 v3, $0x10;
	v5 =	vld [tilespmem:s1+$0x0];
	v12 =	vadd.f32 v12, v11;
	[tilespmem:s25+$0xFFFFFFD0] =	vst v7  }
0x1bd: {  	s11 =	sadd.s32 $0x40, s11;
	s16 =	sadd.s32 $0x200, s16;
	v7 =	vld [tilespmem:s7+$0x0];
	v13 =	vshll.u32 v16, $0x10;
	v11 =	vadd.f32 v16, v14;
	[tilespmem:s25+$0xFFFFFFC0] =	vst v17  }
0x1be: {  	(v2sf) =	vpush v0, $0x5  }
0x1bf: {  	(v2sf) =	vpush v1, $0x5;
	_ =	sdelay $0x1  }
0x1c0: {  	(v2sf) =	vpush v2, $0x5  }
0x1c1: {  	v14 =	vld [tilespmem:s22+$0x0]  }
0x1c2: {  	v15 =	vld [tilespmem:s20+$0x0]  }
0x1c3: {  	v16 =	vshll.u32 v8, $0x10  }
0x1c4: {  	v3 =	vadd.f32 v8, v3;
	v8 =	vld [tilespmem:s18+$0x0];
	v12 =	vadd.f32 v13, v12;
	v13 =	vshll.u32 v4, $0x10  }
0x1c5: {  	[tilespmem:s25+$0xFFFFFFE0] =	vst v9;
	s1 =	sadd.s32 $0x400, s25;
	v9 =	vadd.f32 v16, v10;
	v17 =	vshll.u32 v6, $0x10;
	v4 =	vadd.f32 v6, v4  }
0x1c6: {  	[tilespmem:s1+$0x0] =	vst v11;
	v10 =	vadd.f32 v17, v13;
	v13 =	vshll.u32 v5, $0x10;
	v3 =	vadd.f32 v14, v3  }
0x1c7: {  	[tilespmem:s1+$0xFFFFFFF0] =	vst v12;
	v11 =	vshll.u32 v7, $0x10;
	v14 =	vshll.u32 v14, $0x10;
	v4 =	vadd.f32 v15, v4  }
0x1c8: {  	v11 =	vadd.f32 v11, v13;
	v12 =	vshll.u32 v15, $0x10;
	v9 =	vadd.f32 v14, v9;
	[tilespmem:s1+$0xFFFFFFA0] =	vst v3  }
0x1c9: {  	v5 =	vadd.f32 v7, v5;
	v6 =	vshll.u32 v8, $0x10;
	v3 =	vadd.f32 v12, v10;
	[tilespmem:s1+$0xFFFFFFC0] =	vst v4  }
0x1ca: {  	s11 =	simm.s32 $0x0;
	v6 =	vadd.f32 v6, v11;
	[tilespmem:s1+$0xFFFFFF90] =	vst v9  }
0x1cb: {  	s13 =	sand.u32 $0x40, s11;
	[tilespmem:s1+$0xFFFFFFB0] =	vst v3;
	v3 =	vadd.f32 v8, v5  }
0x1cc: {  	s14 =	sand.u32 $0xC00, s11;
	s15 =	sor.u32 $0x30, s13;
	[tilespmem:s1+$0xFFFFFFD0] =	vst v6;
	s31 =	spop (v2sf)  }
0x1cd: {  	[tilespmem:s1+$0xFFFFFFE0] =	vst v3;
	s2 =	sshrl.u32 s31, $0x3;
	s3 =	spop (v2sf);
	s1 =	sshll.u32 s31, $0x7  }
0x1ce: {  	s2 =	smul.u32 $0x3000, s2;
	s1 =	sand.u32 $0x380, s1;
	s6 =	sshrl.u32 s3, $0x3  }
0x1cf: {  	s7 =	spop (v2sf);
	s3 =	sshll.u32 s3, $0x7;
	s6 =	smul.u32 $0x3000, s6  }
0x1d0: {  	s8 =	sshrl.u32 s7, $0x3;
	s7 =	sshll.u32 s7, $0x7;
	s2 =	sshra.s32 s2, $0x2  }
0x1d1: {  	s8 =	smul.u32 $0x3000, s8;
	s9 =	sand.u32 $0x380, s7;
	s1 =	sor.u32 s1, s2  }
0x1d2: {  	s2 =	sand.u32 $0x380, s3;
	s6 =	sshra.s32 s6, $0x2;
	s28 =	sadd.s32 $0x1000, s1  }
0x1d3: {  	s2 =	sor.u32 s2, s6;
	s3 =	sshra.s32 s8, $0x2;
	s6 =	sadd.s32 s14, s28  }
0x1d4: {  	s20 =	sor.u32 $0x10, s13;
	s10 =	sor.u32 s9, s3;
	s9 =	sadd.s32 s15, s6  }
0x1d5: {  	s30 =	sadd.s32 $0x1000, s2;
	s2 =	sadd.s32 $0x1000, s10;
	s10 =	sadd.s32 s13, s6;
	v3 =	vld [tilespmem:s9+$0x0]  }
0x1d6: {  	s16 =	sadd.s32 s14, s30;
	s29 =	sadd.s32 s20, s6;
	v5 =	vld [tilespmem:s10+$0x0]  }
0x1d7: {  	s18 =	sadd.s32 s15, s16;
	v8 =	vld [tilespmem:s29+$0x0]  }
0x1d8: {  	s3 =	sadd.s32 s14, s2;
	s22 =	sadd.s32 s13, s16;
	v4 =	vld [tilespmem:s18+$0x0]  }
0x1d9: {  	s31 =	sor.u32 $0x20, s13;
	s7 =	sadd.s32 s15, s3;
	v7 =	vld [tilespmem:s22+$0x0]  }
0x1da: {  	s6 =	sadd.s32 s31, s6;
	v6 =	vld [tilespmem:s7+$0x0]  }
0x1db: {  	s11 =	sadd.s32 s20, s16;
	v10 =	vld [tilespmem:s6+$0x0]  }
0x1dc: {  	s8 =	sadd.s32 s31, s16;
	v9 =	vld [tilespmem:s11+$0x0]  }
0x1dd: {  	s1 =	sadd.s32 s13, s3;
	s11 =	simm.s32 $0x40;
	s13 =	simm.s32 $0x200;
	v11 =	vshll.u32 v3, $0x10;
	v12 =	vshll.u32 v4, $0x10;
	v3 =	vadd.f32 v4, v3;
	v4 =	vld [tilespmem:s8+$0x0]  }
0x1de: {  	s14 =	sadd.s32 s20, s3;
	s9 =	sand.u32 $0x40, s11;
	s15 =	sand.u32 $0xC00, s13;
	v13 =	vshll.u32 v5, $0x10;
	v15 =	vshll.u32 v7, $0x10;
	v11 =	vadd.f32 v12, v11;
	v12 =	vld [tilespmem:s1+$0x0]  }
0x1df: {  	s16 =	sadd.s32 s31, s3;
	s3 =	sadd.s32 s15, s28;
	s18 =	sor.u32 $0x30, s9;
	v5 =	vadd.f32 v7, v5;
	v14 =	vshll.u32 v6, $0x10;
	v3 =	vadd.f32 v6, v3;
	v6 =	vld [tilespmem:s14+$0x0]  }
0x1e0: {  	s20 =	sadd.s32 s15, s30;
	s22 =	sadd.s32 s18, s3;
	v13 =	vadd.f32 v15, v13;
	v7 =	vadd.f32 v14, v11;
	v11 =	vld [tilespmem:s16+$0x0]  }
0x1e1: {  	s11 =	sadd.s32 s15, s2;
	s29 =	sadd.s32 s18, s20;
	v61 =	vld [tilespmem:s22+$0x0];
	v15 =	vshll.u32 v9, $0x10;
	v9 =	vadd.f32 v9, v8;
	v14 =	vshll.u32 v8, $0x10  }
0x1e2: {  	s25 =	simm.s32 $0x10EF0;
	s13 =	sadd.s32 s18, s11;
	v8 =	vshll.u32 v10, $0x10;
	v14 =	vadd.f32 v15, v14;
	v15 =	vld [tilespmem:s29+$0x0];
	v62 =	vshll.u32 v4, $0x10  }
0x1e3: {  	s31 =	sadd.s32 s9, s3;
	v63 =	vld [tilespmem:s13+$0x0];
	[tilespmem:s25+$0x0] =	vst v3;
	v10 =	vadd.f32 v4, v10;
	v5 =	vadd.f32 v12, v5;
	v12 =	vshll.u32 v12, $0x10  }
0x1e4: {  	s15 =	sadd.s32 s9, s20;
	s14 =	sor.u32 $0x10, s9;
	v3 =	vld [tilespmem:s31+$0x0];
	[tilespmem:s25+$0xFFFFFFF0] =	vst v7;
	v7 =	vadd.f32 v62, v8;
	v12 =	vadd.f32 v12, v13;
	v13 =	vshll.u32 v6, $0x10  }
0x1e5: {  	s16 =	sadd.s32 s14, s3;
	v8 =	vld [tilespmem:s15+$0x0];
	[tilespmem:s25+$0xFFFFFFA0] =	vst v5;
	v5 =	vadd.f32 v13, v14;
	v13 =	vshll.u32 v11, $0x10;
	v14 =	vadd.f32 v6, v9  }
0x1e6: {  	s18 =	sor.u32 $0x20, s9;
	s13 =	sadd.s32 s14, s20;
	v4 =	vld [tilespmem:s16+$0x0];
	v9 =	vadd.f32 v11, v10;
	[tilespmem:s25+$0xFFFFFF90] =	vst v12;
	v7 =	vadd.f32 v13, v7  }
0x1e7: {  	s6 =	simm.s32 $0x4;
	s29 =	sadd.s32 s18, s3;
	v6 =	vld [tilespmem:s13+$0x0];
	v11 =	vadd.f32 v15, v61;
	v12 =	vshll.u32 v61, $0x10;
	v13 =	vshll.u32 v15, $0x10;
	[tilespmem:s25+$0xFFFFFFB0] =	vst v5  }
0x1e8: {  	s22 =	sadd.s32 s9, s11;
	s31 =	sadd.s32 s18, s20;
	s20 =	sadd.s32 s14, s11;
	v5 =	vld [tilespmem:s29+$0x0];
	v12 =	vadd.f32 v13, v12;
	[tilespmem:s25+$0xFFFFFFC0] =	vst v14  }
0x1e9: {  	s18 =	sadd.s32 s18, s11;
	s11 =	simm.s32 $0x80;
	s16 =	simm.s32 $0x400;
	v10 =	vshll.u32 v3, $0x10;
	v13 =	vshll.u32 v63, $0x10;
	[tilespmem:s25+$0xFFFFFFD0] =	vst v7;
	v7 =	vld [tilespmem:s31+$0x0];
	v11 =	vadd.f32 v63, v11  }
.LBB2_19:
0x1ea: {  	s1 =	sand.u32 $0x40, s11;
	s3 =	sand.u32 $0xC00, s16;
	v14 =	vshll.u32 v8, $0x10;
	v15 =	vld [tilespmem:s22+$0x0];
	v8 =	vadd.f32 v8, v3;
	v3 =	vadd.f32 v13, v12;
	[tilespmem:s25+$0xFFFFFFE0] =	vst v9;
	s25 =	sadd.s32 $0x400, s25  }
0x1eb: {  	s6 =	sadd.s32 $0x4, s6;
	s7 =	sadd.s32 s3, s28;
	s8 =	sor.u32 $0x30, s1;
	v9 =	vadd.f32 v14, v10;
	v10 =	vshll.u32 v4, $0x10;
	v12 =	vld [tilespmem:s20+$0x0];
	[tilespmem:s25+$0x0] =	vst v11  }
0x1ec: {  	s9 =	sadd.s32 s3, s30;
	p1 =	slt.u32 s6, $0x14;
	s10 =	sadd.s32 s8, s7;
	v11 =	vshll.u32 v6, $0x10;
	v4 =	vadd.f32 v6, v4;
	v6 =	vld [tilespmem:s18+$0x0];
	[tilespmem:s25+$0xFFFFFFF0] =	vst v3  }
0x1ed: {  	s13 =	sor.u32 $0x10, s1;
	s14 =	sor.u32 $0x20, s1;
	v13 =	vld [tilespmem:s10+$0x0];
	s10 =	sadd.s32 s8, s9;
	v10 =	vadd.f32 v11, v10;
	v11 =	vshll.u32 v5, $0x10  }
0x1ee: {  	s3 =	sadd.s32 s3, s2;
	s15 =	sadd.s32 s1, s7;
	s18 =	sadd.s32 s1, s9;
	v14 =	vld [tilespmem:s10+$0x0];
	v16 =	vshll.u32 v7, $0x10;
	v5 =	vadd.f32 v7, v5  }
0x1ef: {  	s8 =	sadd.s32 s8, s3;
	s10 =	sadd.s32 s13, s7;
	v3 =	vld [tilespmem:s15+$0x0];
	s15 =	sadd.s32 s13, s9;
	v7 =	vshll.u32 v15, $0x10;
	v15 =	vadd.f32 v15, v8;
	v11 =	vadd.f32 v16, v11  }
0x1f0: {  	s22 =	sadd.s32 s1, s3;
	s1 =	sadd.s32 s14, s7;
	s7 =	sadd.s32 s14, s9;
	v16 =	vld [tilespmem:s8+$0x0];
	v7 =	vadd.f32 v7, v9;
	v9 =	vshll.u32 v12, $0x10;
	v17 =	vadd.f32 v12, v4  }
.Ltmp8:
0x1f1: {  	s20 =	sadd.s32 s13, s3;
	v8 =	vld [tilespmem:s18+$0x0];
	s18 =	sadd.s32 s14, s3;
	[tilespmem:s25+$0xFFFFFFA0] =	vst v15;
	v10 =	vadd.f32 v9, v10;
	v12 =	vshll.u32 v6, $0x10;
	v9 =	vadd.f32 v6, v5;
	(pc) =	sbr.rel @p1 .LBB2_19-.Ltmp8, $4  }
0x1f2: {  	v4 =	vld [tilespmem:s10+$0x0];
	[tilespmem:s25+$0xFFFFFF90] =	vst v7;
	v7 =	vadd.f32 v12, v11  }
0x1f3: {  	v11 =	vshll.u32 v13, $0x10;
	v6 =	vld [tilespmem:s15+$0x0];
	v12 =	vshll.u32 v14, $0x10;
	v14 =	vadd.f32 v14, v13;
	[tilespmem:s25+$0xFFFFFFB0] =	vst v10  }
0x1f4: {  	v10 =	vshll.u32 v3, $0x10;
	v5 =	vld [tilespmem:s1+$0x0];
	v12 =	vadd.f32 v12, v11;
	[tilespmem:s25+$0xFFFFFFD0] =	vst v7  }
0x1f5: {  	s11 =	sadd.s32 $0x40, s11;
	s16 =	sadd.s32 $0x200, s16;
	v7 =	vld [tilespmem:s7+$0x0];
	v13 =	vshll.u32 v16, $0x10;
	v11 =	vadd.f32 v16, v14;
	[tilespmem:s25+$0xFFFFFFC0] =	vst v17  }
0x1f6: {  	(v2sf) =	vpush v0, $0x6  }
0x1f7: {  	(v2sf) =	vpush v1, $0x6;
	_ =	sdelay $0x1  }
0x1f8: {  	(v2sf) =	vpush v2, $0x6  }
0x1f9: {  	v14 =	vld [tilespmem:s22+$0x0]  }
0x1fa: {  	v15 =	vld [tilespmem:s20+$0x0]  }
0x1fb: {  	v16 =	vshll.u32 v8, $0x10  }
0x1fc: {  	v3 =	vadd.f32 v8, v3;
	v8 =	vld [tilespmem:s18+$0x0];
	v12 =	vadd.f32 v13, v12;
	v13 =	vshll.u32 v4, $0x10  }
0x1fd: {  	[tilespmem:s25+$0xFFFFFFE0] =	vst v9;
	s1 =	sadd.s32 $0x400, s25;
	v9 =	vadd.f32 v16, v10;
	v17 =	vshll.u32 v6, $0x10;
	v4 =	vadd.f32 v6, v4  }
0x1fe: {  	[tilespmem:s1+$0x0] =	vst v11;
	v10 =	vadd.f32 v17, v13;
	v13 =	vshll.u32 v5, $0x10;
	v3 =	vadd.f32 v14, v3  }
0x1ff: {  	[tilespmem:s1+$0xFFFFFFF0] =	vst v12;
	v11 =	vshll.u32 v7, $0x10;
	v14 =	vshll.u32 v14, $0x10;
	v4 =	vadd.f32 v15, v4  }
0x200: {  	v11 =	vadd.f32 v11, v13;
	v12 =	vshll.u32 v15, $0x10;
	v9 =	vadd.f32 v14, v9;
	[tilespmem:s1+$0xFFFFFFA0] =	vst v3  }
0x201: {  	v5 =	vadd.f32 v7, v5;
	v6 =	vshll.u32 v8, $0x10;
	v3 =	vadd.f32 v12, v10;
	[tilespmem:s1+$0xFFFFFFC0] =	vst v4  }
0x202: {  	s11 =	simm.s32 $0x0;
	v6 =	vadd.f32 v6, v11;
	[tilespmem:s1+$0xFFFFFF90] =	vst v9  }
0x203: {  	s13 =	sand.u32 $0x40, s11;
	[tilespmem:s1+$0xFFFFFFB0] =	vst v3;
	v3 =	vadd.f32 v8, v5  }
0x204: {  	s14 =	sand.u32 $0xC00, s11;
	s15 =	sor.u32 $0x30, s13;
	[tilespmem:s1+$0xFFFFFFD0] =	vst v6;
	s31 =	spop (v2sf)  }
0x205: {  	[tilespmem:s1+$0xFFFFFFE0] =	vst v3;
	s2 =	sshrl.u32 s31, $0x3;
	s3 =	spop (v2sf);
	s1 =	sshll.u32 s31, $0x7  }
0x206: {  	s2 =	smul.u32 $0x3000, s2;
	s1 =	sand.u32 $0x380, s1;
	s6 =	sshrl.u32 s3, $0x3  }
0x207: {  	s7 =	spop (v2sf);
	s3 =	sshll.u32 s3, $0x7;
	s6 =	smul.u32 $0x3000, s6  }
0x208: {  	s8 =	sshrl.u32 s7, $0x3;
	s7 =	sshll.u32 s7, $0x7;
	s2 =	sshra.s32 s2, $0x2  }
0x209: {  	s8 =	smul.u32 $0x3000, s8;
	s9 =	sand.u32 $0x380, s7;
	s1 =	sor.u32 s1, s2  }
0x20a: {  	s2 =	sand.u32 $0x380, s3;
	s6 =	sshra.s32 s6, $0x2;
	s28 =	sadd.s32 $0x1000, s1  }
0x20b: {  	s2 =	sor.u32 s2, s6;
	s3 =	sshra.s32 s8, $0x2;
	s6 =	sadd.s32 s14, s28  }
0x20c: {  	s20 =	sor.u32 $0x10, s13;
	s10 =	sor.u32 s9, s3;
	s9 =	sadd.s32 s15, s6  }
0x20d: {  	s30 =	sadd.s32 $0x1000, s2;
	s2 =	sadd.s32 $0x1000, s10;
	s10 =	sadd.s32 s13, s6;
	v3 =	vld [tilespmem:s9+$0x0]  }
0x20e: {  	s16 =	sadd.s32 s14, s30;
	s29 =	sadd.s32 s20, s6;
	v5 =	vld [tilespmem:s10+$0x0]  }
0x20f: {  	s18 =	sadd.s32 s15, s16;
	v8 =	vld [tilespmem:s29+$0x0]  }
0x210: {  	s3 =	sadd.s32 s14, s2;
	s22 =	sadd.s32 s13, s16;
	v4 =	vld [tilespmem:s18+$0x0]  }
0x211: {  	s31 =	sor.u32 $0x20, s13;
	s7 =	sadd.s32 s15, s3;
	v7 =	vld [tilespmem:s22+$0x0]  }
0x212: {  	s6 =	sadd.s32 s31, s6;
	v6 =	vld [tilespmem:s7+$0x0]  }
0x213: {  	s11 =	sadd.s32 s20, s16;
	v10 =	vld [tilespmem:s6+$0x0]  }
0x214: {  	s8 =	sadd.s32 s31, s16;
	v9 =	vld [tilespmem:s11+$0x0]  }
0x215: {  	s1 =	sadd.s32 s13, s3;
	s11 =	simm.s32 $0x40;
	s13 =	simm.s32 $0x200;
	v11 =	vshll.u32 v3, $0x10;
	v12 =	vshll.u32 v4, $0x10;
	v3 =	vadd.f32 v4, v3;
	v4 =	vld [tilespmem:s8+$0x0]  }
0x216: {  	s14 =	sadd.s32 s20, s3;
	s9 =	sand.u32 $0x40, s11;
	s15 =	sand.u32 $0xC00, s13;
	v13 =	vshll.u32 v5, $0x10;
	v15 =	vshll.u32 v7, $0x10;
	v11 =	vadd.f32 v12, v11;
	v12 =	vld [tilespmem:s1+$0x0]  }
0x217: {  	s16 =	sadd.s32 s31, s3;
	s3 =	sadd.s32 s15, s28;
	s18 =	sor.u32 $0x30, s9;
	v5 =	vadd.f32 v7, v5;
	v14 =	vshll.u32 v6, $0x10;
	v3 =	vadd.f32 v6, v3;
	v6 =	vld [tilespmem:s14+$0x0]  }
0x218: {  	s20 =	sadd.s32 s15, s30;
	s22 =	sadd.s32 s18, s3;
	v13 =	vadd.f32 v15, v13;
	v7 =	vadd.f32 v14, v11;
	v11 =	vld [tilespmem:s16+$0x0]  }
0x219: {  	s11 =	sadd.s32 s15, s2;
	s29 =	sadd.s32 s18, s20;
	v61 =	vld [tilespmem:s22+$0x0];
	v15 =	vshll.u32 v9, $0x10;
	v9 =	vadd.f32 v9, v8;
	v14 =	vshll.u32 v8, $0x10  }
0x21a: {  	s25 =	simm.s32 $0x10F70;
	s13 =	sadd.s32 s18, s11;
	v8 =	vshll.u32 v10, $0x10;
	v14 =	vadd.f32 v15, v14;
	v15 =	vld [tilespmem:s29+$0x0];
	v62 =	vshll.u32 v4, $0x10  }
0x21b: {  	s31 =	sadd.s32 s9, s3;
	v63 =	vld [tilespmem:s13+$0x0];
	[tilespmem:s25+$0x0] =	vst v3;
	v10 =	vadd.f32 v4, v10;
	v5 =	vadd.f32 v12, v5;
	v12 =	vshll.u32 v12, $0x10  }
0x21c: {  	s15 =	sadd.s32 s9, s20;
	s14 =	sor.u32 $0x10, s9;
	v3 =	vld [tilespmem:s31+$0x0];
	[tilespmem:s25+$0xFFFFFFF0] =	vst v7;
	v7 =	vadd.f32 v62, v8;
	v12 =	vadd.f32 v12, v13;
	v13 =	vshll.u32 v6, $0x10  }
0x21d: {  	s16 =	sadd.s32 s14, s3;
	v8 =	vld [tilespmem:s15+$0x0];
	[tilespmem:s25+$0xFFFFFFA0] =	vst v5;
	v5 =	vadd.f32 v13, v14;
	v13 =	vshll.u32 v11, $0x10;
	v14 =	vadd.f32 v6, v9  }
0x21e: {  	s18 =	sor.u32 $0x20, s9;
	s13 =	sadd.s32 s14, s20;
	v4 =	vld [tilespmem:s16+$0x0];
	v9 =	vadd.f32 v11, v10;
	[tilespmem:s25+$0xFFFFFF90] =	vst v12;
	v7 =	vadd.f32 v13, v7  }
0x21f: {  	s6 =	simm.s32 $0x4;
	s29 =	sadd.s32 s18, s3;
	v6 =	vld [tilespmem:s13+$0x0];
	v11 =	vadd.f32 v15, v61;
	v12 =	vshll.u32 v61, $0x10;
	v13 =	vshll.u32 v15, $0x10;
	[tilespmem:s25+$0xFFFFFFB0] =	vst v5  }
0x220: {  	s22 =	sadd.s32 s9, s11;
	s31 =	sadd.s32 s18, s20;
	s20 =	sadd.s32 s14, s11;
	v5 =	vld [tilespmem:s29+$0x0];
	v12 =	vadd.f32 v13, v12;
	[tilespmem:s25+$0xFFFFFFC0] =	vst v14  }
0x221: {  	s18 =	sadd.s32 s18, s11;
	s11 =	simm.s32 $0x80;
	s16 =	simm.s32 $0x400;
	v10 =	vshll.u32 v3, $0x10;
	v13 =	vshll.u32 v63, $0x10;
	[tilespmem:s25+$0xFFFFFFD0] =	vst v7;
	v7 =	vld [tilespmem:s31+$0x0];
	v11 =	vadd.f32 v63, v11  }
.LBB2_21:
0x222: {  	s1 =	sand.u32 $0x40, s11;
	s3 =	sand.u32 $0xC00, s16;
	v14 =	vshll.u32 v8, $0x10;
	v15 =	vld [tilespmem:s22+$0x0];
	v8 =	vadd.f32 v8, v3;
	v3 =	vadd.f32 v13, v12;
	[tilespmem:s25+$0xFFFFFFE0] =	vst v9;
	s25 =	sadd.s32 $0x400, s25  }
0x223: {  	s6 =	sadd.s32 $0x4, s6;
	s7 =	sadd.s32 s3, s28;
	s8 =	sor.u32 $0x30, s1;
	v9 =	vadd.f32 v14, v10;
	v10 =	vshll.u32 v4, $0x10;
	v12 =	vld [tilespmem:s20+$0x0];
	[tilespmem:s25+$0x0] =	vst v11  }
0x224: {  	s9 =	sadd.s32 s3, s30;
	p1 =	slt.u32 s6, $0x14;
	s10 =	sadd.s32 s8, s7;
	v11 =	vshll.u32 v6, $0x10;
	v4 =	vadd.f32 v6, v4;
	v6 =	vld [tilespmem:s18+$0x0];
	[tilespmem:s25+$0xFFFFFFF0] =	vst v3  }
0x225: {  	s13 =	sor.u32 $0x10, s1;
	s14 =	sor.u32 $0x20, s1;
	v13 =	vld [tilespmem:s10+$0x0];
	s10 =	sadd.s32 s8, s9;
	v10 =	vadd.f32 v11, v10;
	v11 =	vshll.u32 v5, $0x10  }
0x226: {  	s3 =	sadd.s32 s3, s2;
	s15 =	sadd.s32 s1, s7;
	s18 =	sadd.s32 s1, s9;
	v14 =	vld [tilespmem:s10+$0x0];
	v16 =	vshll.u32 v7, $0x10;
	v5 =	vadd.f32 v7, v5  }
0x227: {  	s8 =	sadd.s32 s8, s3;
	s10 =	sadd.s32 s13, s7;
	v3 =	vld [tilespmem:s15+$0x0];
	s15 =	sadd.s32 s13, s9;
	v7 =	vshll.u32 v15, $0x10;
	v15 =	vadd.f32 v15, v8;
	v11 =	vadd.f32 v16, v11  }
0x228: {  	s22 =	sadd.s32 s1, s3;
	s1 =	sadd.s32 s14, s7;
	s7 =	sadd.s32 s14, s9;
	v16 =	vld [tilespmem:s8+$0x0];
	v7 =	vadd.f32 v7, v9;
	v9 =	vshll.u32 v12, $0x10;
	v17 =	vadd.f32 v12, v4  }
.Ltmp9:
0x229: {  	s20 =	sadd.s32 s13, s3;
	v8 =	vld [tilespmem:s18+$0x0];
	s18 =	sadd.s32 s14, s3;
	[tilespmem:s25+$0xFFFFFFA0] =	vst v15;
	v10 =	vadd.f32 v9, v10;
	v12 =	vshll.u32 v6, $0x10;
	v9 =	vadd.f32 v6, v5;
	(pc) =	sbr.rel @p1 .LBB2_21-.Ltmp9, $4  }
0x22a: {  	v4 =	vld [tilespmem:s10+$0x0];
	[tilespmem:s25+$0xFFFFFF90] =	vst v7;
	v7 =	vadd.f32 v12, v11  }
0x22b: {  	v11 =	vshll.u32 v13, $0x10;
	v6 =	vld [tilespmem:s15+$0x0];
	v12 =	vshll.u32 v14, $0x10;
	v14 =	vadd.f32 v14, v13;
	[tilespmem:s25+$0xFFFFFFB0] =	vst v10  }
0x22c: {  	v10 =	vshll.u32 v3, $0x10;
	v5 =	vld [tilespmem:s1+$0x0];
	v12 =	vadd.f32 v12, v11;
	[tilespmem:s25+$0xFFFFFFD0] =	vst v7  }
0x22d: {  	s11 =	sadd.s32 $0x40, s11;
	s16 =	sadd.s32 $0x200, s16;
	v7 =	vld [tilespmem:s7+$0x0];
	v13 =	vshll.u32 v16, $0x10;
	v11 =	vadd.f32 v16, v14;
	[tilespmem:s25+$0xFFFFFFC0] =	vst v17  }
0x22e: {  	(v2sf) =	vpush v0, $0x7  }
0x22f: {  	(v2sf) =	vpush v1, $0x7;
	_ =	sdelay $0x1  }
0x230: {  	(v2sf) =	vpush v2, $0x7  }
0x231: {  	v14 =	vld [tilespmem:s22+$0x0]  }
0x232: {  	v15 =	vld [tilespmem:s20+$0x0]  }
0x233: {  	v16 =	vshll.u32 v8, $0x10  }
0x234: {  	v3 =	vadd.f32 v8, v3;
	v8 =	vld [tilespmem:s18+$0x0];
	v12 =	vadd.f32 v13, v12;
	v55 =	vshll.u32 v4, $0x10  }
0x235: {  	[tilespmem:s25+$0xFFFFFFE0] =	vst v9;
	s1 =	sadd.s32 $0x400, s25;
	v9 =	vadd.f32 v16, v10;
	v17 =	vshll.u32 v6, $0x10;
	v4 =	vadd.f32 v6, v4  }
0x236: {  	[tilespmem:s1+$0x0] =	vst v11;
	v10 =	vadd.f32 v17, v55;
	v56 =	vshll.u32 v5, $0x10;
	v3 =	vadd.f32 v14, v3  }
0x237: {  	[tilespmem:s1+$0xFFFFFFF0] =	vst v12;
	v11 =	vshll.u32 v7, $0x10;
	v14 =	vshll.u32 v14, $0x10;
	v4 =	vadd.f32 v15, v4  }
0x238: {  	v11 =	vadd.f32 v11, v56;
	v57 =	vshll.u32 v15, $0x10;
	v9 =	vadd.f32 v14, v9;
	[tilespmem:s1+$0xFFFFFFA0] =	vst v3  }
0x239: {  	v5 =	vadd.f32 v7, v5;
	v6 =	vshll.u32 v8, $0x10;
	v3 =	vadd.f32 v57, v10;
	[tilespmem:s1+$0xFFFFFFC0] =	vst v4  }
0x23a: {  	s11 =	simm.s32 $0x0;
	v6 =	vadd.f32 v6, v11;
	[tilespmem:s1+$0xFFFFFF90] =	vst v9  }
0x23b: {  	s13 =	sand.u32 $0x40, s11;
	s14 =	sand.u32 $0xC00, s11;
	[tilespmem:s1+$0xFFFFFFB0] =	vst v3;
	v3 =	vadd.f32 v8, v5  }
0x23c: {  	s15 =	sor.u32 $0x30, s13;
	s20 =	sor.u32 $0x10, s13;
	[tilespmem:s1+$0xFFFFFFD0] =	vst v6;
	s31 =	spop (v2sf)  }
0x23d: {  	[tilespmem:s1+$0xFFFFFFE0] =	vst v3;
	s2 =	sshrl.u32 s31, $0x3;
	s3 =	spop (v2sf);
	s1 =	sshll.u32 s31, $0x7  }
0x23e: {  	s2 =	smul.u32 $0x3000, s2;
	s1 =	sand.u32 $0x380, s1;
	s6 =	sshrl.u32 s3, $0x3  }
0x23f: {  	s7 =	spop (v2sf);
	s3 =	sshll.u32 s3, $0x7;
	s6 =	smul.u32 $0x3000, s6  }
0x240: {  	s8 =	sshrl.u32 s7, $0x3;
	s7 =	sshll.u32 s7, $0x7;
	s2 =	sshra.s32 s2, $0x2  }
0x241: {  	s8 =	smul.u32 $0x3000, s8;
	s9 =	sand.u32 $0x380, s7;
	s1 =	sor.u32 s1, s2  }
0x242: {  	s2 =	sand.u32 $0x380, s3;
	s6 =	sshra.s32 s6, $0x2;
	s28 =	sadd.s32 $0x1000, s1  }
0x243: {  	s2 =	sor.u32 s2, s6;
	s3 =	sshra.s32 s8, $0x2;
	s6 =	sadd.s32 s14, s28  }
0x244: {  	s31 =	sor.u32 $0x20, s13;
	s10 =	sor.u32 s9, s3;
	s9 =	sadd.s32 s15, s6  }
0x245: {  	s30 =	sadd.s32 $0x1000, s2;
	s2 =	sadd.s32 $0x1000, s10;
	s10 =	sadd.s32 s13, s6;
	v0 =	vld [tilespmem:s9+$0x0]  }
0x246: {  	s16 =	sadd.s32 s14, s30;
	s29 =	sadd.s32 s20, s6;
	s6 =	sadd.s32 s31, s6;
	v2 =	vld [tilespmem:s10+$0x0]  }
0x247: {  	s18 =	sadd.s32 s15, s16;
	s3 =	sadd.s32 s14, s2;
	s22 =	sadd.s32 s13, s16;
	v5 =	vld [tilespmem:s29+$0x0]  }
0x248: {  	s11 =	sadd.s32 s20, s16;
	s8 =	sadd.s32 s31, s16;
	v1 =	vld [tilespmem:s18+$0x0];
	s7 =	sadd.s32 s15, s3  }
0x249: {  	v6 =	vld [tilespmem:s11+$0x0];
	s1 =	sadd.s32 s13, s3;
	s11 =	simm.s32 $0x40;
	s13 =	simm.s32 $0x200  }
0x24a: {  	v4 =	vld [tilespmem:s22+$0x0];
	s14 =	sadd.s32 s20, s3;
	s9 =	sand.u32 $0x40, s11;
	s15 =	sand.u32 $0xC00, s13  }
0x24b: {  	s16 =	sadd.s32 s31, s3;
	v3 =	vld [tilespmem:s7+$0x0];
	s3 =	sadd.s32 s15, s28;
	s18 =	sor.u32 $0x30, s9  }
0x24c: {  	v7 =	vld [tilespmem:s6+$0x0];
	s22 =	sadd.s32 s18, s3  }
0x24d: {  	v60 =	vld [tilespmem:s22+$0x0]  }
0x24e: {  	v8 =	vshll.u32 v0, $0x10;
	v9 =	vshll.u32 v1, $0x10;
	v0 =	vadd.f32 v1, v0;
	v1 =	vld [tilespmem:s8+$0x0]  }
0x24f: {  	s20 =	sadd.s32 s15, s30;
	v10 =	vshll.u32 v2, $0x10;
	v8 =	vadd.f32 v9, v8;
	v9 =	vld [tilespmem:s1+$0x0]  }
0x250: {  	s29 =	sadd.s32 s18, s20;
	v58 =	vshll.u32 v4, $0x10;
	v11 =	vshll.u32 v3, $0x10;
	v0 =	vadd.f32 v3, v0;
	v3 =	vld [tilespmem:s14+$0x0]  }
0x251: {  	v61 =	vld [tilespmem:s29+$0x0];
	v2 =	vadd.f32 v4, v2;
	v59 =	vshll.u32 v6, $0x10;
	v6 =	vadd.f32 v6, v5  }
0x252: {  	s11 =	sadd.s32 s15, s2;
	v10 =	vadd.f32 v58, v10;
	v4 =	vadd.f32 v11, v8;
	v8 =	vld [tilespmem:s16+$0x0];
	v11 =	vshll.u32 v5, $0x10  }
0x253: {  	s25 =	simm.s32 $0x10FF0;
	s13 =	sadd.s32 s18, s11;
	v5 =	vshll.u32 v7, $0x10;
	v11 =	vadd.f32 v59, v11;
	v62 =	vshll.u32 v1, $0x10  }
0x254: {  	s31 =	sadd.s32 s9, s3;
	v63 =	vld [tilespmem:s13+$0x0];
	[tilespmem:s25+$0x0] =	vst v0;
	v7 =	vadd.f32 v1, v7;
	v2 =	vadd.f32 v9, v2;
	v9 =	vshll.u32 v9, $0x10  }
0x255: {  	s15 =	sadd.s32 s9, s20;
	s14 =	sor.u32 $0x10, s9;
	v0 =	vld [tilespmem:s31+$0x0];
	[tilespmem:s25+$0xFFFFFFF0] =	vst v4;
	v4 =	vadd.f32 v62, v5;
	v9 =	vadd.f32 v9, v10;
	v10 =	vshll.u32 v3, $0x10  }
0x256: {  	s16 =	sadd.s32 s14, s3;
	v5 =	vld [tilespmem:s15+$0x0];
	[tilespmem:s25+$0xFFFFFFA0] =	vst v2;
	v2 =	vadd.f32 v10, v11;
	v11 =	vadd.f32 v3, v6  }
0x257: {  	s18 =	sor.u32 $0x20, s9;
	s13 =	sadd.s32 s14, s20;
	v1 =	vld [tilespmem:s16+$0x0];
	v10 =	vshll.u32 v8, $0x10;
	v6 =	vadd.f32 v8, v7;
	v8 =	vadd.f32 v61, v60;
	[tilespmem:s25+$0xFFFFFF90] =	vst v9  }
0x258: {  	s6 =	simm.s32 $0x4;
	s29 =	sadd.s32 s18, s3;
	v3 =	vld [tilespmem:s13+$0x0];
	v4 =	vadd.f32 v10, v4;
	v9 =	vshll.u32 v60, $0x10;
	v10 =	vshll.u32 v61, $0x10;
	[tilespmem:s25+$0xFFFFFFB0] =	vst v2  }
0x259: {  	s22 =	sadd.s32 s9, s11;
	s31 =	sadd.s32 s18, s20;
	s20 =	sadd.s32 s14, s11;
	v2 =	vld [tilespmem:s29+$0x0];
	v9 =	vadd.f32 v10, v9;
	[tilespmem:s25+$0xFFFFFFC0] =	vst v11  }
0x25a: {  	s18 =	sadd.s32 s18, s11;
	s11 =	simm.s32 $0x80;
	s16 =	simm.s32 $0x400;
	v7 =	vshll.u32 v0, $0x10;
	v10 =	vshll.u32 v63, $0x10;
	v8 =	vadd.f32 v63, v8;
	[tilespmem:s25+$0xFFFFFFD0] =	vst v4;
	v4 =	vld [tilespmem:s31+$0x0]  }
.LBB2_23:
0x25b: {  	s1 =	sand.u32 $0x40, s11;
	s3 =	sand.u32 $0xC00, s16;
	v11 =	vshll.u32 v5, $0x10;
	v12 =	vld [tilespmem:s22+$0x0];
	v5 =	vadd.f32 v5, v0;
	v0 =	vadd.f32 v10, v9;
	[tilespmem:s25+$0xFFFFFFE0] =	vst v6;
	s25 =	sadd.s32 $0x400, s25  }
0x25c: {  	s6 =	sadd.s32 $0x4, s6;
	s7 =	sadd.s32 s3, s28;
	s8 =	sor.u32 $0x30, s1;
	v6 =	vadd.f32 v11, v7;
	v7 =	vshll.u32 v1, $0x10;
	v9 =	vld [tilespmem:s20+$0x0];
	[tilespmem:s25+$0x0] =	vst v8  }
0x25d: {  	s9 =	sadd.s32 s3, s30;
	p1 =	slt.u32 s6, $0x14;
	s10 =	sadd.s32 s8, s7;
	v8 =	vshll.u32 v3, $0x10;
	v1 =	vadd.f32 v3, v1;
	v3 =	vld [tilespmem:s18+$0x0];
	[tilespmem:s25+$0xFFFFFFF0] =	vst v0  }
0x25e: {  	s13 =	sor.u32 $0x10, s1;
	s14 =	sor.u32 $0x20, s1;
	v10 =	vld [tilespmem:s10+$0x0];
	s10 =	sadd.s32 s8, s9;
	v7 =	vadd.f32 v8, v7;
	v8 =	vshll.u32 v2, $0x10  }
0x25f: {  	s3 =	sadd.s32 s3, s2;
	s15 =	sadd.s32 s1, s7;
	s18 =	sadd.s32 s1, s9;
	v11 =	vld [tilespmem:s10+$0x0];
	v13 =	vshll.u32 v4, $0x10;
	v2 =	vadd.f32 v4, v2  }
0x260: {  	s8 =	sadd.s32 s8, s3;
	s10 =	sadd.s32 s13, s7;
	v0 =	vld [tilespmem:s15+$0x0];
	s15 =	sadd.s32 s13, s9;
	v4 =	vshll.u32 v12, $0x10;
	v12 =	vadd.f32 v12, v5;
	v8 =	vadd.f32 v13, v8  }
0x261: {  	s22 =	sadd.s32 s1, s3;
	s1 =	sadd.s32 s14, s7;
	s7 =	sadd.s32 s14, s9;
	v13 =	vld [tilespmem:s8+$0x0];
	v4 =	vadd.f32 v4, v6;
	v6 =	vshll.u32 v9, $0x10;
	v14 =	vadd.f32 v9, v1  }
.Ltmp10:
0x262: {  	s20 =	sadd.s32 s13, s3;
	v5 =	vld [tilespmem:s18+$0x0];
	s18 =	sadd.s32 s14, s3;
	[tilespmem:s25+$0xFFFFFFA0] =	vst v12;
	v7 =	vadd.f32 v6, v7;
	v9 =	vshll.u32 v3, $0x10;
	v6 =	vadd.f32 v3, v2;
	(pc) =	sbr.rel @p1 .LBB2_23-.Ltmp10, $4  }
0x263: {  	v1 =	vld [tilespmem:s10+$0x0];
	[tilespmem:s25+$0xFFFFFF90] =	vst v4;
	v4 =	vadd.f32 v9, v8  }
0x264: {  	v8 =	vshll.u32 v10, $0x10;
	v3 =	vld [tilespmem:s15+$0x0];
	v9 =	vshll.u32 v11, $0x10;
	v11 =	vadd.f32 v11, v10;
	[tilespmem:s25+$0xFFFFFFB0] =	vst v7  }
0x265: {  	v7 =	vshll.u32 v0, $0x10;
	v2 =	vld [tilespmem:s1+$0x0];
	v9 =	vadd.f32 v9, v8;
	[tilespmem:s25+$0xFFFFFFD0] =	vst v4  }
0x266: {  	s11 =	sadd.s32 $0x40, s11;
	s16 =	sadd.s32 $0x200, s16;
	v4 =	vld [tilespmem:s7+$0x0];
	v10 =	vshll.u32 v13, $0x10;
	v8 =	vadd.f32 v13, v11;
	[tilespmem:s25+$0xFFFFFFC0] =	vst v14  }
0x267: {  	v11 =	vld [tilespmem:s22+$0x0]  }
0x268: {  	v12 =	vld [tilespmem:s20+$0x0]  }
0x269: {  	v13 =	vshll.u32 v5, $0x10  }
0x26a: {  	v0 =	vadd.f32 v5, v0;
	v5 =	vld [tilespmem:s18+$0x0];
	v9 =	vadd.f32 v10, v9;
	v10 =	vshll.u32 v1, $0x10  }
0x26b: {  	[tilespmem:s25+$0xFFFFFFE0] =	vst v6;
	s1 =	sadd.s32 $0x400, s25;
	v6 =	vadd.f32 v13, v7;
	v14 =	vshll.u32 v3, $0x10;
	v1 =	vadd.f32 v3, v1  }
0x26c: {  	[tilespmem:s1+$0x0] =	vst v8;
	v7 =	vadd.f32 v14, v10;
	v10 =	vshll.u32 v2, $0x10;
	v0 =	vadd.f32 v11, v0  }
0x26d: {  	[tilespmem:s1+$0xFFFFFFF0] =	vst v9;
	v8 =	vshll.u32 v4, $0x10;
	v11 =	vshll.u32 v11, $0x10;
	v1 =	vadd.f32 v12, v1  }
0x26e: {  	v8 =	vadd.f32 v8, v10;
	v9 =	vshll.u32 v12, $0x10;
	v6 =	vadd.f32 v11, v6;
	[tilespmem:s1+$0xFFFFFFA0] =	vst v0  }
0x26f: {  	s2 =	sor.u32 s5, s23;
	v2 =	vadd.f32 v4, v2;
	v3 =	vshll.u32 v5, $0x10;
	v0 =	vadd.f32 v9, v7;
	[tilespmem:s1+$0xFFFFFFC0] =	vst v1  }
0x270: {  	s2 =	sshrl.u32 s2, $0x3;
	v3 =	vadd.f32 v3, v8;
	[tilespmem:s1+$0xFFFFFF90] =	vst v6  }
0x271: {  	s23 =	smul.u32 $0x300, s2;
	[tilespmem:s1+$0xFFFFFFB0] =	vst v0;
	v0 =	vadd.f32 v5, v2  }
0x272: {  	[tilespmem:s1+$0xFFFFFFD0] =	vst v3  }
0x273: {  	s8 =	sadd.s32 s24, s23;
	[tilespmem:s1+$0xFFFFFFE0] =	vst v0;
	s1 =	simm.s32 @!p0 $0x2  }
0x274: {  	[hbm4b:s8+s4] =	stream.linear.scatter [tilespmem:s0], [sflag:$0x1], $0x1800, $0x38;
	[tilespmem:$0x13C00] =	vst v63  }
0x275: {  	_ =	swait.ge @!p0 [sflag:s1], $0x1800  }
0x276: {  	[sflag:s1] =	ssyncset.done @!p0 $0x0  }
0x277: {  	[sflag:s1] =	ssyncadd.s32 @!p0 $0xFFFFE800  }
0x278: {  	v1 =	vld [tilespmem:s21+$0x100]  }
0x279: {  	v2 =	vld [tilespmem:s21+$0x0]  }
0x27a: {  	v0 =	vld [tilespmem:s21+$0x180]  }
0x27b: {  	v3 =	vld [tilespmem:s21+$0x80];
	_ =	sdelay $0x2  }
0x27c: {  	v1 =	vmul.u32 $0xC, v1  }
0x27d: {  	(v2sf) =	vpush v0, $0x8  }
0x27e: {  	v1 =	vadd.s32 v1, v2;
	v2 =	vadd.s32 $0x17, v3  }
0x27f: {  	v1 =	vadd.s32 $0x37, v1;
	(v2sf) =	vpush v2, $0x8  }
0x280: {  	(v2sf) =	vpush v1, $0x8;
	_ =	sdelay $0xa  }
0x281: {  	s16 =	simm.s32 $0x0  }
0x282: {  	s18 =	sand.u32 $0x40, s16;
	s9 =	spop (v2sf)  }
0x283: {  	s20 =	sand.u32 $0xC00, s16;
	s22 =	sor.u32 $0x30, s18;
	s10 =	sshrl.u32 s9, $0x3  }
0x284: {  	s1 =	sshll.u32 s9, $0x7;
	s2 =	smul.u32 $0x3000, s10;
	s3 =	spop (v2sf)  }
0x285: {  	s1 =	sand.u32 $0x380, s1;
	s6 =	sshrl.u32 s3, $0x3;
	s7 =	spop (v2sf)  }
0x286: {  	s2 =	sshra.s32 s2, $0x2;
	s11 =	sshll.u32 s3, $0x7;
	s6 =	smul.u32 $0x3000, s6  }
0x287: {  	s8 =	sshrl.u32 s7, $0x3;
	s1 =	sor.u32 s1, s2;
	s2 =	sand.u32 $0x380, s11  }
0x288: {  	s7 =	sshll.u32 s7, $0x7;
	s25 =	sadd.s32 $0x1000, s1;
	s6 =	sshra.s32 s6, $0x2  }
0x289: {  	s13 =	smul.u32 $0x3000, s8;
	s2 =	sor.u32 s2, s6;
	s6 =	sadd.s32 s20, s25  }
0x28a: {  	s31 =	sor.u32 $0x10, s18;
	s14 =	sand.u32 $0x380, s7;
	s9 =	sadd.s32 s22, s6  }
0x28b: {  	s3 =	sshra.s32 s13, $0x2;
	s28 =	sadd.s32 $0x1000, s2;
	s10 =	sadd.s32 s18, s6;
	v3 =	vld [tilespmem:s9+$0x0]  }
0x28c: {  	s15 =	sor.u32 s14, s3;
	s13 =	sadd.s32 s31, s6;
	s29 =	sadd.s32 s20, s28;
	v5 =	vld [tilespmem:s10+$0x0]  }
0x28d: {  	s2 =	sadd.s32 $0x1000, s15;
	v8 =	vld [tilespmem:s13+$0x0];
	s30 =	sadd.s32 s22, s29  }
0x28e: {  	s3 =	sadd.s32 s20, s2;
	s11 =	sadd.s32 s18, s29;
	v4 =	vld [tilespmem:s30+$0x0]  }
0x28f: {  	s14 =	sor.u32 $0x20, s18;
	s7 =	sadd.s32 s22, s3;
	v7 =	vld [tilespmem:s11+$0x0]  }
0x290: {  	s6 =	sadd.s32 s14, s6;
	v6 =	vld [tilespmem:s7+$0x0]  }
0x291: {  	v10 =	vld [tilespmem:s6+$0x0];
	s11 =	sadd.s32 s31, s29  }
0x292: {  	s15 =	sadd.s32 s14, s29;
	v9 =	vld [tilespmem:s11+$0x0]  }
0x293: {  	s16 =	simm.s32 $0x40;
	s1 =	sadd.s32 s18, s3;
	s18 =	simm.s32 $0x200;
	v11 =	vshll.u32 v3, $0x10;
	v12 =	vshll.u32 v4, $0x10;
	v3 =	vadd.f32 v4, v3;
	v4 =	vld [tilespmem:s15+$0x0]  }
0x294: {  	s9 =	sand.u32 $0x40, s16;
	s20 =	sadd.s32 s31, s3;
	s22 =	sand.u32 $0xC00, s18;
	v13 =	vshll.u32 v5, $0x10;
	v15 =	vshll.u32 v7, $0x10;
	v11 =	vadd.f32 v12, v11;
	v12 =	vld [tilespmem:s1+$0x0]  }
0x295: {  	s29 =	sadd.s32 s14, s3;
	s30 =	sor.u32 $0x30, s9;
	s3 =	sadd.s32 s22, s25;
	v5 =	vadd.f32 v7, v5;
	v14 =	vshll.u32 v6, $0x10;
	v3 =	vadd.f32 v6, v3;
	v6 =	vld [tilespmem:s20+$0x0]  }
0x296: {  	s31 =	sadd.s32 s22, s28;
	s11 =	sadd.s32 s30, s3;
	v13 =	vadd.f32 v15, v13;
	v7 =	vadd.f32 v14, v11;
	v11 =	vld [tilespmem:s29+$0x0]  }
0x297: {  	s13 =	sadd.s32 s30, s31;
	v16 =	vld [tilespmem:s11+$0x0];
	s15 =	sadd.s32 s22, s2;
	v15 =	vshll.u32 v9, $0x10;
	v9 =	vadd.f32 v9, v8;
	v14 =	vshll.u32 v8, $0x10  }
0x298: {  	s21 =	simm.s32 $0x12470;
	s16 =	sadd.s32 s30, s15;
	v8 =	vshll.u32 v10, $0x10;
	v14 =	vadd.f32 v15, v14;
	v15 =	vld [tilespmem:s13+$0x0];
	v17 =	vshll.u32 v4, $0x10  }
0x299: {  	s14 =	sadd.s32 s9, s3;
	v63 =	vld [tilespmem:s16+$0x0];
	[tilespmem:s21+$0x0] =	vst v3;
	v10 =	vadd.f32 v4, v10;
	v5 =	vadd.f32 v12, v5;
	v12 =	vshll.u32 v12, $0x10  }
0x29a: {  	s18 =	sor.u32 $0x10, s9;
	s20 =	sadd.s32 s9, s31;
	v3 =	vld [tilespmem:s14+$0x0];
	[tilespmem:s21+$0xFFFFFFF0] =	vst v7;
	v7 =	vadd.f32 v17, v8;
	v12 =	vadd.f32 v12, v13;
	v13 =	vshll.u32 v6, $0x10  }
0x29b: {  	s22 =	sadd.s32 s18, s3;
	v8 =	vld [tilespmem:s20+$0x0];
	[tilespmem:s21+$0xFFFFFFA0] =	vst v5;
	v5 =	vadd.f32 v13, v14;
	v13 =	vshll.u32 v11, $0x10;
	v14 =	vadd.f32 v6, v9  }
0x29c: {  	s29 =	sor.u32 $0x20, s9;
	s13 =	sadd.s32 s18, s31;
	v4 =	vld [tilespmem:s22+$0x0];
	v9 =	vadd.f32 v11, v10;
	[tilespmem:s21+$0xFFFFFF90] =	vst v12;
	v7 =	vadd.f32 v13, v7  }
0x29d: {  	s6 =	simm.s32 $0x4;
	s30 =	sadd.s32 s29, s3;
	v6 =	vld [tilespmem:s13+$0x0];
	v11 =	vadd.f32 v15, v16;
	v12 =	vshll.u32 v16, $0x10;
	v13 =	vshll.u32 v15, $0x10;
	[tilespmem:s21+$0xFFFFFFB0] =	vst v5  }
0x29e: {  	s11 =	simm.s32 $0x80;
	s16 =	simm.s32 $0x400;
	s31 =	sadd.s32 s29, s31;
	v5 =	vld [tilespmem:s30+$0x0];
	v12 =	vadd.f32 v13, v12;
	[tilespmem:s21+$0xFFFFFFC0] =	vst v14  }
0x29f: {  	s22 =	sadd.s32 s9, s15;
	s20 =	sadd.s32 s18, s15;
	s18 =	sadd.s32 s29, s15;
	v10 =	vshll.u32 v3, $0x10;
	v13 =	vshll.u32 v63, $0x10;
	[tilespmem:s21+$0xFFFFFFD0] =	vst v7;
	v7 =	vld [tilespmem:s31+$0x0];
	v11 =	vadd.f32 v63, v11  }
.LBB2_25:
0x2a0: {  	s1 =	sand.u32 $0x40, s11;
	s3 =	sand.u32 $0xC00, s16;
	v14 =	vshll.u32 v8, $0x10;
	v15 =	vld [tilespmem:s22+$0x0];
	v8 =	vadd.f32 v8, v3;
	v3 =	vadd.f32 v13, v12;
	[tilespmem:s21+$0xFFFFFFE0] =	vst v9;
	s21 =	sadd.s32 $0x400, s21  }
0x2a1: {  	s6 =	sadd.s32 $0x4, s6;
	s7 =	sadd.s32 s3, s25;
	s8 =	sor.u32 $0x30, s1;
	v9 =	vadd.f32 v14, v10;
	v10 =	vshll.u32 v4, $0x10;
	v12 =	vld [tilespmem:s20+$0x0];
	[tilespmem:s21+$0x0] =	vst v11  }
0x2a2: {  	s9 =	sadd.s32 s3, s28;
	p0 =	slt.u32 s6, $0x14;
	s10 =	sadd.s32 s8, s7;
	v11 =	vshll.u32 v6, $0x10;
	v4 =	vadd.f32 v6, v4;
	v6 =	vld [tilespmem:s18+$0x0];
	[tilespmem:s21+$0xFFFFFFF0] =	vst v3  }
0x2a3: {  	s13 =	sor.u32 $0x10, s1;
	s14 =	sor.u32 $0x20, s1;
	v13 =	vld [tilespmem:s10+$0x0];
	s10 =	sadd.s32 s8, s9;
	v10 =	vadd.f32 v11, v10;
	v11 =	vshll.u32 v5, $0x10  }
0x2a4: {  	s3 =	sadd.s32 s3, s2;
	s15 =	sadd.s32 s1, s7;
	s18 =	sadd.s32 s1, s9;
	v14 =	vld [tilespmem:s10+$0x0];
	v16 =	vshll.u32 v7, $0x10;
	v5 =	vadd.f32 v7, v5  }
0x2a5: {  	s8 =	sadd.s32 s8, s3;
	s10 =	sadd.s32 s13, s7;
	v3 =	vld [tilespmem:s15+$0x0];
	s15 =	sadd.s32 s13, s9;
	v7 =	vshll.u32 v15, $0x10;
	v15 =	vadd.f32 v15, v8;
	v11 =	vadd.f32 v16, v11  }
0x2a6: {  	s22 =	sadd.s32 s1, s3;
	s1 =	sadd.s32 s14, s7;
	s7 =	sadd.s32 s14, s9;
	v16 =	vld [tilespmem:s8+$0x0];
	v7 =	vadd.f32 v7, v9;
	v9 =	vshll.u32 v12, $0x10;
	v17 =	vadd.f32 v12, v4  }
.Ltmp11:
0x2a7: {  	s20 =	sadd.s32 s13, s3;
	v8 =	vld [tilespmem:s18+$0x0];
	s18 =	sadd.s32 s14, s3;
	[tilespmem:s21+$0xFFFFFFA0] =	vst v15;
	v10 =	vadd.f32 v9, v10;
	v12 =	vshll.u32 v6, $0x10;
	v9 =	vadd.f32 v6, v5;
	(pc) =	sbr.rel @p0 .LBB2_25-.Ltmp11, $4  }
0x2a8: {  	v4 =	vld [tilespmem:s10+$0x0];
	[tilespmem:s21+$0xFFFFFF90] =	vst v7;
	v7 =	vadd.f32 v12, v11  }
0x2a9: {  	v11 =	vshll.u32 v13, $0x10;
	v6 =	vld [tilespmem:s15+$0x0];
	v12 =	vshll.u32 v14, $0x10;
	v14 =	vadd.f32 v14, v13;
	[tilespmem:s21+$0xFFFFFFB0] =	vst v10  }
0x2aa: {  	v10 =	vshll.u32 v3, $0x10;
	v5 =	vld [tilespmem:s1+$0x0];
	v12 =	vadd.f32 v12, v11;
	[tilespmem:s21+$0xFFFFFFD0] =	vst v7  }
0x2ab: {  	s11 =	sadd.s32 $0x40, s11;
	s16 =	sadd.s32 $0x200, s16;
	v7 =	vld [tilespmem:s7+$0x0];
	v13 =	vshll.u32 v16, $0x10;
	v11 =	vadd.f32 v16, v14;
	[tilespmem:s21+$0xFFFFFFC0] =	vst v17  }
0x2ac: {  	(v2sf) =	vpush v0, $0x9;
	_ =	sdelay $0x1  }
0x2ad: {  	(v2sf) =	vpush v2, $0x9  }
0x2ae: {  	(v2sf) =	vpush v1, $0x9;
	_ =	sdelay $0x1  }
0x2af: {  	v14 =	vld [tilespmem:s22+$0x0]  }
0x2b0: {  	v15 =	vld [tilespmem:s20+$0x0]  }
0x2b1: {  	v16 =	vshll.u32 v8, $0x10  }
0x2b2: {  	v3 =	vadd.f32 v8, v3;
	v8 =	vld [tilespmem:s18+$0x0];
	v12 =	vadd.f32 v13, v12;
	v13 =	vshll.u32 v4, $0x10  }
0x2b3: {  	[tilespmem:s21+$0xFFFFFFE0] =	vst v9;
	s1 =	sadd.s32 $0x400, s21;
	v9 =	vadd.f32 v16, v10;
	v17 =	vshll.u32 v6, $0x10;
	v4 =	vadd.f32 v6, v4  }
0x2b4: {  	[tilespmem:s1+$0x0] =	vst v11;
	v10 =	vadd.f32 v17, v13;
	v13 =	vshll.u32 v5, $0x10;
	v3 =	vadd.f32 v14, v3  }
0x2b5: {  	[tilespmem:s1+$0xFFFFFFF0] =	vst v12;
	v11 =	vshll.u32 v7, $0x10;
	v14 =	vshll.u32 v14, $0x10;
	v4 =	vadd.f32 v15, v4  }
0x2b6: {  	v11 =	vadd.f32 v11, v13;
	v12 =	vshll.u32 v15, $0x10;
	v9 =	vadd.f32 v14, v9;
	[tilespmem:s1+$0xFFFFFFA0] =	vst v3  }
0x2b7: {  	v5 =	vadd.f32 v7, v5;
	v6 =	vshll.u32 v8, $0x10;
	v3 =	vadd.f32 v12, v10;
	[tilespmem:s1+$0xFFFFFFC0] =	vst v4  }
0x2b8: {  	s16 =	simm.s32 $0x0;
	v6 =	vadd.f32 v6, v11;
	[tilespmem:s1+$0xFFFFFF90] =	vst v9  }
0x2b9: {  	s18 =	sand.u32 $0x40, s16;
	[tilespmem:s1+$0xFFFFFFB0] =	vst v3;
	v3 =	vadd.f32 v8, v5;
	s10 =	spop (v2sf)  }
0x2ba: {  	s20 =	sand.u32 $0xC00, s16;
	s22 =	sor.u32 $0x30, s18;
	[tilespmem:s1+$0xFFFFFFD0] =	vst v6;
	s2 =	sshrl.u32 s10, $0x3  }
0x2bb: {  	[tilespmem:s1+$0xFFFFFFE0] =	vst v3;
	s3 =	spop (v2sf);
	s1 =	sshll.u32 s10, $0x7;
	s2 =	smul.u32 $0x3000, s2  }
0x2bc: {  	s1 =	sand.u32 $0x380, s1;
	s6 =	sshrl.u32 s3, $0x3;
	s7 =	spop (v2sf)  }
0x2bd: {  	s11 =	sshll.u32 s3, $0x7;
	s6 =	smul.u32 $0x3000, s6;
	s2 =	sshra.s32 s2, $0x2  }
0x2be: {  	s8 =	sshrl.u32 s7, $0x3;
	s7 =	sshll.u32 s7, $0x7;
	s1 =	sor.u32 s1, s2  }
0x2bf: {  	s2 =	sand.u32 $0x380, s11;
	s6 =	sshra.s32 s6, $0x2;
	s25 =	sadd.s32 $0x1000, s1  }
0x2c0: {  	s13 =	smul.u32 $0x3000, s8;
	s2 =	sor.u32 s2, s6;
	s6 =	sadd.s32 s20, s25  }
0x2c1: {  	s31 =	sor.u32 $0x10, s18;
	s14 =	sand.u32 $0x380, s7;
	s9 =	sadd.s32 s22, s6  }
0x2c2: {  	s3 =	sshra.s32 s13, $0x2;
	s28 =	sadd.s32 $0x1000, s2;
	s10 =	sadd.s32 s18, s6;
	v3 =	vld [tilespmem:s9+$0x0]  }
0x2c3: {  	s15 =	sor.u32 s14, s3;
	s29 =	sadd.s32 s20, s28;
	s13 =	sadd.s32 s31, s6;
	v5 =	vld [tilespmem:s10+$0x0]  }
0x2c4: {  	s2 =	sadd.s32 $0x1000, s15;
	s30 =	sadd.s32 s22, s29;
	v8 =	vld [tilespmem:s13+$0x0]  }
0x2c5: {  	s3 =	sadd.s32 s20, s2;
	s11 =	sadd.s32 s18, s29;
	v4 =	vld [tilespmem:s30+$0x0]  }
0x2c6: {  	s14 =	sor.u32 $0x20, s18;
	s7 =	sadd.s32 s22, s3;
	v7 =	vld [tilespmem:s11+$0x0]  }
0x2c7: {  	s6 =	sadd.s32 s14, s6;
	v6 =	vld [tilespmem:s7+$0x0]  }
0x2c8: {  	v10 =	vld [tilespmem:s6+$0x0];
	s11 =	sadd.s32 s31, s29  }
0x2c9: {  	s15 =	sadd.s32 s14, s29;
	v9 =	vld [tilespmem:s11+$0x0]  }
0x2ca: {  	s16 =	simm.s32 $0x40;
	s1 =	sadd.s32 s18, s3;
	s18 =	simm.s32 $0x200;
	v11 =	vshll.u32 v3, $0x10;
	v12 =	vshll.u32 v4, $0x10;
	v3 =	vadd.f32 v4, v3;
	v4 =	vld [tilespmem:s15+$0x0]  }
0x2cb: {  	s9 =	sand.u32 $0x40, s16;
	s20 =	sadd.s32 s31, s3;
	s22 =	sand.u32 $0xC00, s18;
	v13 =	vshll.u32 v5, $0x10;
	v15 =	vshll.u32 v7, $0x10;
	v11 =	vadd.f32 v12, v11;
	v12 =	vld [tilespmem:s1+$0x0]  }
0x2cc: {  	s29 =	sadd.s32 s14, s3;
	s30 =	sor.u32 $0x30, s9;
	s3 =	sadd.s32 s22, s25;
	v5 =	vadd.f32 v7, v5;
	v14 =	vshll.u32 v6, $0x10;
	v3 =	vadd.f32 v6, v3;
	v6 =	vld [tilespmem:s20+$0x0]  }
0x2cd: {  	s31 =	sadd.s32 s22, s28;
	s11 =	sadd.s32 s30, s3;
	v13 =	vadd.f32 v15, v13;
	v7 =	vadd.f32 v14, v11;
	v11 =	vld [tilespmem:s29+$0x0]  }
0x2ce: {  	s13 =	sadd.s32 s30, s31;
	v61 =	vld [tilespmem:s11+$0x0];
	s15 =	sadd.s32 s22, s2;
	v15 =	vshll.u32 v9, $0x10;
	v9 =	vadd.f32 v9, v8;
	v14 =	vshll.u32 v8, $0x10  }
0x2cf: {  	s21 =	simm.s32 $0x124F0;
	s16 =	sadd.s32 s30, s15;
	v8 =	vshll.u32 v10, $0x10;
	v14 =	vadd.f32 v15, v14;
	v15 =	vld [tilespmem:s13+$0x0];
	v62 =	vshll.u32 v4, $0x10  }
0x2d0: {  	s14 =	sadd.s32 s9, s3;
	v63 =	vld [tilespmem:s16+$0x0];
	[tilespmem:s21+$0x0] =	vst v3;
	v10 =	vadd.f32 v4, v10;
	v5 =	vadd.f32 v12, v5;
	v12 =	vshll.u32 v12, $0x10  }
0x2d1: {  	s18 =	sor.u32 $0x10, s9;
	s20 =	sadd.s32 s9, s31;
	v3 =	vld [tilespmem:s14+$0x0];
	[tilespmem:s21+$0xFFFFFFF0] =	vst v7;
	v7 =	vadd.f32 v62, v8;
	v12 =	vadd.f32 v12, v13;
	v13 =	vshll.u32 v6, $0x10  }
0x2d2: {  	s22 =	sadd.s32 s18, s3;
	v8 =	vld [tilespmem:s20+$0x0];
	[tilespmem:s21+$0xFFFFFFA0] =	vst v5;
	v5 =	vadd.f32 v13, v14;
	v13 =	vshll.u32 v11, $0x10;
	v14 =	vadd.f32 v6, v9  }
0x2d3: {  	s29 =	sor.u32 $0x20, s9;
	s13 =	sadd.s32 s18, s31;
	v4 =	vld [tilespmem:s22+$0x0];
	v9 =	vadd.f32 v11, v10;
	[tilespmem:s21+$0xFFFFFF90] =	vst v12;
	v7 =	vadd.f32 v13, v7  }
0x2d4: {  	s6 =	simm.s32 $0x4;
	s30 =	sadd.s32 s29, s3;
	v6 =	vld [tilespmem:s13+$0x0];
	v11 =	vadd.f32 v15, v61;
	v12 =	vshll.u32 v61, $0x10;
	v13 =	vshll.u32 v15, $0x10;
	[tilespmem:s21+$0xFFFFFFB0] =	vst v5  }
0x2d5: {  	s11 =	simm.s32 $0x80;
	s16 =	simm.s32 $0x400;
	s31 =	sadd.s32 s29, s31;
	v5 =	vld [tilespmem:s30+$0x0];
	v12 =	vadd.f32 v13, v12;
	[tilespmem:s21+$0xFFFFFFC0] =	vst v14  }
0x2d6: {  	s22 =	sadd.s32 s9, s15;
	s20 =	sadd.s32 s18, s15;
	s18 =	sadd.s32 s29, s15;
	v10 =	vshll.u32 v3, $0x10;
	v13 =	vshll.u32 v63, $0x10;
	[tilespmem:s21+$0xFFFFFFD0] =	vst v7;
	v7 =	vld [tilespmem:s31+$0x0];
	v11 =	vadd.f32 v63, v11  }
.LBB2_27:
0x2d7: {  	s1 =	sand.u32 $0x40, s11;
	s3 =	sand.u32 $0xC00, s16;
	v14 =	vshll.u32 v8, $0x10;
	v15 =	vld [tilespmem:s22+$0x0];
	v8 =	vadd.f32 v8, v3;
	v3 =	vadd.f32 v13, v12;
	[tilespmem:s21+$0xFFFFFFE0] =	vst v9;
	s21 =	sadd.s32 $0x400, s21  }
0x2d8: {  	s6 =	sadd.s32 $0x4, s6;
	s7 =	sadd.s32 s3, s25;
	s8 =	sor.u32 $0x30, s1;
	v9 =	vadd.f32 v14, v10;
	v10 =	vshll.u32 v4, $0x10;
	v12 =	vld [tilespmem:s20+$0x0];
	[tilespmem:s21+$0x0] =	vst v11  }
0x2d9: {  	s9 =	sadd.s32 s3, s28;
	p0 =	slt.u32 s6, $0x14;
	s10 =	sadd.s32 s8, s7;
	v11 =	vshll.u32 v6, $0x10;
	v4 =	vadd.f32 v6, v4;
	v6 =	vld [tilespmem:s18+$0x0];
	[tilespmem:s21+$0xFFFFFFF0] =	vst v3  }
0x2da: {  	s13 =	sor.u32 $0x10, s1;
	s14 =	sor.u32 $0x20, s1;
	v13 =	vld [tilespmem:s10+$0x0];
	s10 =	sadd.s32 s8, s9;
	v10 =	vadd.f32 v11, v10;
	v11 =	vshll.u32 v5, $0x10  }
0x2db: {  	s3 =	sadd.s32 s3, s2;
	s15 =	sadd.s32 s1, s7;
	s18 =	sadd.s32 s1, s9;
	v14 =	vld [tilespmem:s10+$0x0];
	v16 =	vshll.u32 v7, $0x10;
	v5 =	vadd.f32 v7, v5  }
0x2dc: {  	s8 =	sadd.s32 s8, s3;
	s10 =	sadd.s32 s13, s7;
	v3 =	vld [tilespmem:s15+$0x0];
	s15 =	sadd.s32 s13, s9;
	v7 =	vshll.u32 v15, $0x10;
	v15 =	vadd.f32 v15, v8;
	v11 =	vadd.f32 v16, v11  }
0x2dd: {  	s22 =	sadd.s32 s1, s3;
	s1 =	sadd.s32 s14, s7;
	s7 =	sadd.s32 s14, s9;
	v16 =	vld [tilespmem:s8+$0x0];
	v7 =	vadd.f32 v7, v9;
	v9 =	vshll.u32 v12, $0x10;
	v17 =	vadd.f32 v12, v4  }
.Ltmp12:
0x2de: {  	s20 =	sadd.s32 s13, s3;
	v8 =	vld [tilespmem:s18+$0x0];
	s18 =	sadd.s32 s14, s3;
	[tilespmem:s21+$0xFFFFFFA0] =	vst v15;
	v10 =	vadd.f32 v9, v10;
	v12 =	vshll.u32 v6, $0x10;
	v9 =	vadd.f32 v6, v5;
	(pc) =	sbr.rel @p0 .LBB2_27-.Ltmp12, $4  }
0x2df: {  	v4 =	vld [tilespmem:s10+$0x0];
	[tilespmem:s21+$0xFFFFFF90] =	vst v7;
	v7 =	vadd.f32 v12, v11  }
0x2e0: {  	v11 =	vshll.u32 v13, $0x10;
	v6 =	vld [tilespmem:s15+$0x0];
	v12 =	vshll.u32 v14, $0x10;
	v14 =	vadd.f32 v14, v13;
	[tilespmem:s21+$0xFFFFFFB0] =	vst v10  }
0x2e1: {  	v10 =	vshll.u32 v3, $0x10;
	v5 =	vld [tilespmem:s1+$0x0];
	v12 =	vadd.f32 v12, v11;
	[tilespmem:s21+$0xFFFFFFD0] =	vst v7  }
0x2e2: {  	s11 =	sadd.s32 $0x40, s11;
	s16 =	sadd.s32 $0x200, s16;
	v7 =	vld [tilespmem:s7+$0x0];
	v13 =	vshll.u32 v16, $0x10;
	v11 =	vadd.f32 v16, v14;
	[tilespmem:s21+$0xFFFFFFC0] =	vst v17  }
0x2e3: {  	(v2sf) =	vpush v0, $0xA;
	_ =	sdelay $0x1  }
0x2e4: {  	(v2sf) =	vpush v2, $0xA  }
0x2e5: {  	(v2sf) =	vpush v1, $0xA;
	_ =	sdelay $0x1  }
0x2e6: {  	v14 =	vld [tilespmem:s22+$0x0]  }
0x2e7: {  	v15 =	vld [tilespmem:s20+$0x0]  }
0x2e8: {  	v16 =	vshll.u32 v8, $0x10  }
0x2e9: {  	v3 =	vadd.f32 v8, v3;
	v8 =	vld [tilespmem:s18+$0x0];
	v12 =	vadd.f32 v13, v12;
	v13 =	vshll.u32 v4, $0x10  }
0x2ea: {  	[tilespmem:s21+$0xFFFFFFE0] =	vst v9;
	s1 =	sadd.s32 $0x400, s21;
	v9 =	vadd.f32 v16, v10;
	v17 =	vshll.u32 v6, $0x10;
	v4 =	vadd.f32 v6, v4  }
0x2eb: {  	[tilespmem:s1+$0x0] =	vst v11;
	v10 =	vadd.f32 v17, v13;
	v13 =	vshll.u32 v5, $0x10;
	v3 =	vadd.f32 v14, v3  }
0x2ec: {  	[tilespmem:s1+$0xFFFFFFF0] =	vst v12;
	v11 =	vshll.u32 v7, $0x10;
	v14 =	vshll.u32 v14, $0x10;
	v4 =	vadd.f32 v15, v4  }
0x2ed: {  	v11 =	vadd.f32 v11, v13;
	v12 =	vshll.u32 v15, $0x10;
	v9 =	vadd.f32 v14, v9;
	[tilespmem:s1+$0xFFFFFFA0] =	vst v3  }
0x2ee: {  	v5 =	vadd.f32 v7, v5;
	v6 =	vshll.u32 v8, $0x10;
	v3 =	vadd.f32 v12, v10;
	[tilespmem:s1+$0xFFFFFFC0] =	vst v4  }
0x2ef: {  	s16 =	simm.s32 $0x0;
	v6 =	vadd.f32 v6, v11;
	[tilespmem:s1+$0xFFFFFF90] =	vst v9  }
0x2f0: {  	s18 =	sand.u32 $0x40, s16;
	[tilespmem:s1+$0xFFFFFFB0] =	vst v3;
	v3 =	vadd.f32 v8, v5;
	s10 =	spop (v2sf)  }
0x2f1: {  	s20 =	sand.u32 $0xC00, s16;
	s22 =	sor.u32 $0x30, s18;
	[tilespmem:s1+$0xFFFFFFD0] =	vst v6;
	s2 =	sshrl.u32 s10, $0x3  }
0x2f2: {  	[tilespmem:s1+$0xFFFFFFE0] =	vst v3;
	s3 =	spop (v2sf);
	s1 =	sshll.u32 s10, $0x7;
	s2 =	smul.u32 $0x3000, s2  }
0x2f3: {  	s1 =	sand.u32 $0x380, s1;
	s6 =	sshrl.u32 s3, $0x3;
	s7 =	spop (v2sf)  }
0x2f4: {  	s11 =	sshll.u32 s3, $0x7;
	s6 =	smul.u32 $0x3000, s6;
	s2 =	sshra.s32 s2, $0x2  }
0x2f5: {  	s8 =	sshrl.u32 s7, $0x3;
	s7 =	sshll.u32 s7, $0x7;
	s1 =	sor.u32 s1, s2  }
0x2f6: {  	s2 =	sand.u32 $0x380, s11;
	s6 =	sshra.s32 s6, $0x2;
	s25 =	sadd.s32 $0x1000, s1  }
0x2f7: {  	s13 =	smul.u32 $0x3000, s8;
	s2 =	sor.u32 s2, s6;
	s6 =	sadd.s32 s20, s25  }
0x2f8: {  	s31 =	sor.u32 $0x10, s18;
	s14 =	sand.u32 $0x380, s7;
	s9 =	sadd.s32 s22, s6  }
0x2f9: {  	s3 =	sshra.s32 s13, $0x2;
	s28 =	sadd.s32 $0x1000, s2;
	s10 =	sadd.s32 s18, s6;
	v3 =	vld [tilespmem:s9+$0x0]  }
0x2fa: {  	s15 =	sor.u32 s14, s3;
	s29 =	sadd.s32 s20, s28;
	s13 =	sadd.s32 s31, s6;
	v5 =	vld [tilespmem:s10+$0x0]  }
0x2fb: {  	s2 =	sadd.s32 $0x1000, s15;
	s30 =	sadd.s32 s22, s29;
	v8 =	vld [tilespmem:s13+$0x0]  }
0x2fc: {  	s3 =	sadd.s32 s20, s2;
	s11 =	sadd.s32 s18, s29;
	v4 =	vld [tilespmem:s30+$0x0]  }
0x2fd: {  	s14 =	sor.u32 $0x20, s18;
	s7 =	sadd.s32 s22, s3;
	v7 =	vld [tilespmem:s11+$0x0]  }
0x2fe: {  	s6 =	sadd.s32 s14, s6;
	v6 =	vld [tilespmem:s7+$0x0]  }
0x2ff: {  	v10 =	vld [tilespmem:s6+$0x0];
	s11 =	sadd.s32 s31, s29  }
0x300: {  	s15 =	sadd.s32 s14, s29;
	v9 =	vld [tilespmem:s11+$0x0]  }
0x301: {  	s16 =	simm.s32 $0x40;
	s1 =	sadd.s32 s18, s3;
	s18 =	simm.s32 $0x200;
	v11 =	vshll.u32 v3, $0x10;
	v12 =	vshll.u32 v4, $0x10;
	v3 =	vadd.f32 v4, v3;
	v4 =	vld [tilespmem:s15+$0x0]  }
0x302: {  	s9 =	sand.u32 $0x40, s16;
	s20 =	sadd.s32 s31, s3;
	s22 =	sand.u32 $0xC00, s18;
	v13 =	vshll.u32 v5, $0x10;
	v15 =	vshll.u32 v7, $0x10;
	v11 =	vadd.f32 v12, v11;
	v12 =	vld [tilespmem:s1+$0x0]  }
0x303: {  	s29 =	sadd.s32 s14, s3;
	s30 =	sor.u32 $0x30, s9;
	s3 =	sadd.s32 s22, s25;
	v5 =	vadd.f32 v7, v5;
	v14 =	vshll.u32 v6, $0x10;
	v3 =	vadd.f32 v6, v3;
	v6 =	vld [tilespmem:s20+$0x0]  }
0x304: {  	s31 =	sadd.s32 s22, s28;
	s11 =	sadd.s32 s30, s3;
	v13 =	vadd.f32 v15, v13;
	v7 =	vadd.f32 v14, v11;
	v11 =	vld [tilespmem:s29+$0x0]  }
0x305: {  	s13 =	sadd.s32 s30, s31;
	v61 =	vld [tilespmem:s11+$0x0];
	s15 =	sadd.s32 s22, s2;
	v15 =	vshll.u32 v9, $0x10;
	v9 =	vadd.f32 v9, v8;
	v14 =	vshll.u32 v8, $0x10  }
0x306: {  	s21 =	simm.s32 $0x12570;
	s16 =	sadd.s32 s30, s15;
	v8 =	vshll.u32 v10, $0x10;
	v14 =	vadd.f32 v15, v14;
	v15 =	vld [tilespmem:s13+$0x0];
	v62 =	vshll.u32 v4, $0x10  }
0x307: {  	s14 =	sadd.s32 s9, s3;
	v63 =	vld [tilespmem:s16+$0x0];
	[tilespmem:s21+$0x0] =	vst v3;
	v10 =	vadd.f32 v4, v10;
	v5 =	vadd.f32 v12, v5;
	v12 =	vshll.u32 v12, $0x10  }
0x308: {  	s18 =	sor.u32 $0x10, s9;
	s20 =	sadd.s32 s9, s31;
	v3 =	vld [tilespmem:s14+$0x0];
	[tilespmem:s21+$0xFFFFFFF0] =	vst v7;
	v7 =	vadd.f32 v62, v8;
	v12 =	vadd.f32 v12, v13;
	v13 =	vshll.u32 v6, $0x10  }
0x309: {  	s22 =	sadd.s32 s18, s3;
	v8 =	vld [tilespmem:s20+$0x0];
	[tilespmem:s21+$0xFFFFFFA0] =	vst v5;
	v5 =	vadd.f32 v13, v14;
	v13 =	vshll.u32 v11, $0x10;
	v14 =	vadd.f32 v6, v9  }
0x30a: {  	s29 =	sor.u32 $0x20, s9;
	s13 =	sadd.s32 s18, s31;
	v4 =	vld [tilespmem:s22+$0x0];
	v9 =	vadd.f32 v11, v10;
	[tilespmem:s21+$0xFFFFFF90] =	vst v12;
	v7 =	vadd.f32 v13, v7  }
0x30b: {  	s6 =	simm.s32 $0x4;
	s30 =	sadd.s32 s29, s3;
	v6 =	vld [tilespmem:s13+$0x0];
	v11 =	vadd.f32 v15, v61;
	v12 =	vshll.u32 v61, $0x10;
	v13 =	vshll.u32 v15, $0x10;
	[tilespmem:s21+$0xFFFFFFB0] =	vst v5  }
0x30c: {  	s11 =	simm.s32 $0x80;
	s16 =	simm.s32 $0x400;
	s31 =	sadd.s32 s29, s31;
	v5 =	vld [tilespmem:s30+$0x0];
	v12 =	vadd.f32 v13, v12;
	[tilespmem:s21+$0xFFFFFFC0] =	vst v14  }
0x30d: {  	s22 =	sadd.s32 s9, s15;
	s20 =	sadd.s32 s18, s15;
	s18 =	sadd.s32 s29, s15;
	v10 =	vshll.u32 v3, $0x10;
	v13 =	vshll.u32 v63, $0x10;
	[tilespmem:s21+$0xFFFFFFD0] =	vst v7;
	v7 =	vld [tilespmem:s31+$0x0];
	v11 =	vadd.f32 v63, v11  }
.LBB2_29:
0x30e: {  	s1 =	sand.u32 $0x40, s11;
	s3 =	sand.u32 $0xC00, s16;
	v14 =	vshll.u32 v8, $0x10;
	v15 =	vld [tilespmem:s22+$0x0];
	v8 =	vadd.f32 v8, v3;
	v3 =	vadd.f32 v13, v12;
	[tilespmem:s21+$0xFFFFFFE0] =	vst v9;
	s21 =	sadd.s32 $0x400, s21  }
0x30f: {  	s6 =	sadd.s32 $0x4, s6;
	s7 =	sadd.s32 s3, s25;
	s8 =	sor.u32 $0x30, s1;
	v9 =	vadd.f32 v14, v10;
	v10 =	vshll.u32 v4, $0x10;
	v12 =	vld [tilespmem:s20+$0x0];
	[tilespmem:s21+$0x0] =	vst v11  }
0x310: {  	s9 =	sadd.s32 s3, s28;
	p0 =	slt.u32 s6, $0x14;
	s10 =	sadd.s32 s8, s7;
	v11 =	vshll.u32 v6, $0x10;
	v4 =	vadd.f32 v6, v4;
	v6 =	vld [tilespmem:s18+$0x0];
	[tilespmem:s21+$0xFFFFFFF0] =	vst v3  }
0x311: {  	s13 =	sor.u32 $0x10, s1;
	s14 =	sor.u32 $0x20, s1;
	v13 =	vld [tilespmem:s10+$0x0];
	s10 =	sadd.s32 s8, s9;
	v10 =	vadd.f32 v11, v10;
	v11 =	vshll.u32 v5, $0x10  }
0x312: {  	s3 =	sadd.s32 s3, s2;
	s15 =	sadd.s32 s1, s7;
	s18 =	sadd.s32 s1, s9;
	v14 =	vld [tilespmem:s10+$0x0];
	v16 =	vshll.u32 v7, $0x10;
	v5 =	vadd.f32 v7, v5  }
0x313: {  	s8 =	sadd.s32 s8, s3;
	s10 =	sadd.s32 s13, s7;
	v3 =	vld [tilespmem:s15+$0x0];
	s15 =	sadd.s32 s13, s9;
	v7 =	vshll.u32 v15, $0x10;
	v15 =	vadd.f32 v15, v8;
	v11 =	vadd.f32 v16, v11  }
0x314: {  	s22 =	sadd.s32 s1, s3;
	s1 =	sadd.s32 s14, s7;
	s7 =	sadd.s32 s14, s9;
	v16 =	vld [tilespmem:s8+$0x0];
	v7 =	vadd.f32 v7, v9;
	v9 =	vshll.u32 v12, $0x10;
	v17 =	vadd.f32 v12, v4  }
.Ltmp13:
0x315: {  	s20 =	sadd.s32 s13, s3;
	v8 =	vld [tilespmem:s18+$0x0];
	s18 =	sadd.s32 s14, s3;
	[tilespmem:s21+$0xFFFFFFA0] =	vst v15;
	v10 =	vadd.f32 v9, v10;
	v12 =	vshll.u32 v6, $0x10;
	v9 =	vadd.f32 v6, v5;
	(pc) =	sbr.rel @p0 .LBB2_29-.Ltmp13, $4  }
0x316: {  	v4 =	vld [tilespmem:s10+$0x0];
	[tilespmem:s21+$0xFFFFFF90] =	vst v7;
	v7 =	vadd.f32 v12, v11  }
0x317: {  	v11 =	vshll.u32 v13, $0x10;
	v6 =	vld [tilespmem:s15+$0x0];
	v12 =	vshll.u32 v14, $0x10;
	v14 =	vadd.f32 v14, v13;
	[tilespmem:s21+$0xFFFFFFB0] =	vst v10  }
0x318: {  	v10 =	vshll.u32 v3, $0x10;
	v5 =	vld [tilespmem:s1+$0x0];
	v12 =	vadd.f32 v12, v11;
	[tilespmem:s21+$0xFFFFFFD0] =	vst v7  }
0x319: {  	s11 =	sadd.s32 $0x40, s11;
	s16 =	sadd.s32 $0x200, s16;
	v7 =	vld [tilespmem:s7+$0x0];
	v13 =	vshll.u32 v16, $0x10;
	v11 =	vadd.f32 v16, v14;
	[tilespmem:s21+$0xFFFFFFC0] =	vst v17  }
0x31a: {  	(v2sf) =	vpush v0, $0xB;
	_ =	sdelay $0x1  }
0x31b: {  	(v2sf) =	vpush v2, $0xB  }
0x31c: {  	(v2sf) =	vpush v1, $0xB;
	_ =	sdelay $0x1  }
0x31d: {  	v14 =	vld [tilespmem:s22+$0x0]  }
0x31e: {  	v15 =	vld [tilespmem:s20+$0x0]  }
0x31f: {  	v16 =	vshll.u32 v8, $0x10  }
0x320: {  	v3 =	vadd.f32 v8, v3;
	v8 =	vld [tilespmem:s18+$0x0];
	v12 =	vadd.f32 v13, v12;
	v13 =	vshll.u32 v4, $0x10  }
0x321: {  	[tilespmem:s21+$0xFFFFFFE0] =	vst v9;
	s1 =	sadd.s32 $0x400, s21;
	v9 =	vadd.f32 v16, v10;
	v17 =	vshll.u32 v6, $0x10;
	v4 =	vadd.f32 v6, v4  }
0x322: {  	[tilespmem:s1+$0x0] =	vst v11;
	v10 =	vadd.f32 v17, v13;
	v13 =	vshll.u32 v5, $0x10;
	v3 =	vadd.f32 v14, v3  }
0x323: {  	[tilespmem:s1+$0xFFFFFFF0] =	vst v12;
	v11 =	vshll.u32 v7, $0x10;
	v14 =	vshll.u32 v14, $0x10;
	v4 =	vadd.f32 v15, v4  }
0x324: {  	v11 =	vadd.f32 v11, v13;
	v12 =	vshll.u32 v15, $0x10;
	v9 =	vadd.f32 v14, v9;
	[tilespmem:s1+$0xFFFFFFA0] =	vst v3  }
0x325: {  	v5 =	vadd.f32 v7, v5;
	v6 =	vshll.u32 v8, $0x10;
	v3 =	vadd.f32 v12, v10;
	[tilespmem:s1+$0xFFFFFFC0] =	vst v4  }
0x326: {  	s16 =	simm.s32 $0x0;
	v6 =	vadd.f32 v6, v11;
	[tilespmem:s1+$0xFFFFFF90] =	vst v9  }
0x327: {  	s18 =	sand.u32 $0x40, s16;
	[tilespmem:s1+$0xFFFFFFB0] =	vst v3;
	v3 =	vadd.f32 v8, v5;
	s10 =	spop (v2sf)  }
0x328: {  	s20 =	sand.u32 $0xC00, s16;
	s22 =	sor.u32 $0x30, s18;
	[tilespmem:s1+$0xFFFFFFD0] =	vst v6;
	s2 =	sshrl.u32 s10, $0x3  }
0x329: {  	[tilespmem:s1+$0xFFFFFFE0] =	vst v3;
	s3 =	spop (v2sf);
	s1 =	sshll.u32 s10, $0x7;
	s2 =	smul.u32 $0x3000, s2  }
0x32a: {  	s1 =	sand.u32 $0x380, s1;
	s6 =	sshrl.u32 s3, $0x3;
	s7 =	spop (v2sf)  }
0x32b: {  	s11 =	sshll.u32 s3, $0x7;
	s6 =	smul.u32 $0x3000, s6;
	s2 =	sshra.s32 s2, $0x2  }
0x32c: {  	s8 =	sshrl.u32 s7, $0x3;
	s7 =	sshll.u32 s7, $0x7;
	s1 =	sor.u32 s1, s2  }
0x32d: {  	s2 =	sand.u32 $0x380, s11;
	s6 =	sshra.s32 s6, $0x2;
	s25 =	sadd.s32 $0x1000, s1  }
0x32e: {  	s13 =	smul.u32 $0x3000, s8;
	s2 =	sor.u32 s2, s6;
	s6 =	sadd.s32 s20, s25  }
0x32f: {  	s31 =	sor.u32 $0x10, s18;
	s14 =	sand.u32 $0x380, s7;
	s9 =	sadd.s32 s22, s6  }
0x330: {  	s3 =	sshra.s32 s13, $0x2;
	s28 =	sadd.s32 $0x1000, s2;
	s10 =	sadd.s32 s18, s6;
	v3 =	vld [tilespmem:s9+$0x0]  }
0x331: {  	s15 =	sor.u32 s14, s3;
	s29 =	sadd.s32 s20, s28;
	s13 =	sadd.s32 s31, s6;
	v5 =	vld [tilespmem:s10+$0x0]  }
0x332: {  	s2 =	sadd.s32 $0x1000, s15;
	s30 =	sadd.s32 s22, s29;
	v8 =	vld [tilespmem:s13+$0x0]  }
0x333: {  	s3 =	sadd.s32 s20, s2;
	s11 =	sadd.s32 s18, s29;
	v4 =	vld [tilespmem:s30+$0x0]  }
0x334: {  	s14 =	sor.u32 $0x20, s18;
	s7 =	sadd.s32 s22, s3;
	v7 =	vld [tilespmem:s11+$0x0]  }
0x335: {  	s6 =	sadd.s32 s14, s6;
	v6 =	vld [tilespmem:s7+$0x0]  }
0x336: {  	v10 =	vld [tilespmem:s6+$0x0];
	s11 =	sadd.s32 s31, s29  }
0x337: {  	s15 =	sadd.s32 s14, s29;
	v9 =	vld [tilespmem:s11+$0x0]  }
0x338: {  	s16 =	simm.s32 $0x40;
	s1 =	sadd.s32 s18, s3;
	s18 =	simm.s32 $0x200;
	v11 =	vshll.u32 v3, $0x10;
	v12 =	vshll.u32 v4, $0x10;
	v3 =	vadd.f32 v4, v3;
	v4 =	vld [tilespmem:s15+$0x0]  }
0x339: {  	s9 =	sand.u32 $0x40, s16;
	s20 =	sadd.s32 s31, s3;
	s22 =	sand.u32 $0xC00, s18;
	v13 =	vshll.u32 v5, $0x10;
	v15 =	vshll.u32 v7, $0x10;
	v11 =	vadd.f32 v12, v11;
	v12 =	vld [tilespmem:s1+$0x0]  }
0x33a: {  	s29 =	sadd.s32 s14, s3;
	s30 =	sor.u32 $0x30, s9;
	s3 =	sadd.s32 s22, s25;
	v5 =	vadd.f32 v7, v5;
	v14 =	vshll.u32 v6, $0x10;
	v3 =	vadd.f32 v6, v3;
	v6 =	vld [tilespmem:s20+$0x0]  }
0x33b: {  	s31 =	sadd.s32 s22, s28;
	s11 =	sadd.s32 s30, s3;
	v13 =	vadd.f32 v15, v13;
	v7 =	vadd.f32 v14, v11;
	v11 =	vld [tilespmem:s29+$0x0]  }
0x33c: {  	s13 =	sadd.s32 s30, s31;
	v61 =	vld [tilespmem:s11+$0x0];
	s15 =	sadd.s32 s22, s2;
	v15 =	vshll.u32 v9, $0x10;
	v9 =	vadd.f32 v9, v8;
	v14 =	vshll.u32 v8, $0x10  }
0x33d: {  	s21 =	simm.s32 $0x125F0;
	s16 =	sadd.s32 s30, s15;
	v8 =	vshll.u32 v10, $0x10;
	v14 =	vadd.f32 v15, v14;
	v15 =	vld [tilespmem:s13+$0x0];
	v62 =	vshll.u32 v4, $0x10  }
0x33e: {  	s14 =	sadd.s32 s9, s3;
	v63 =	vld [tilespmem:s16+$0x0];
	[tilespmem:s21+$0x0] =	vst v3;
	v10 =	vadd.f32 v4, v10;
	v5 =	vadd.f32 v12, v5;
	v12 =	vshll.u32 v12, $0x10  }
0x33f: {  	s18 =	sor.u32 $0x10, s9;
	s20 =	sadd.s32 s9, s31;
	v3 =	vld [tilespmem:s14+$0x0];
	[tilespmem:s21+$0xFFFFFFF0] =	vst v7;
	v7 =	vadd.f32 v62, v8;
	v12 =	vadd.f32 v12, v13;
	v13 =	vshll.u32 v6, $0x10  }
0x340: {  	s22 =	sadd.s32 s18, s3;
	v8 =	vld [tilespmem:s20+$0x0];
	[tilespmem:s21+$0xFFFFFFA0] =	vst v5;
	v5 =	vadd.f32 v13, v14;
	v13 =	vshll.u32 v11, $0x10;
	v14 =	vadd.f32 v6, v9  }
0x341: {  	s29 =	sor.u32 $0x20, s9;
	s13 =	sadd.s32 s18, s31;
	v4 =	vld [tilespmem:s22+$0x0];
	v9 =	vadd.f32 v11, v10;
	[tilespmem:s21+$0xFFFFFF90] =	vst v12;
	v7 =	vadd.f32 v13, v7  }
0x342: {  	s6 =	simm.s32 $0x4;
	s30 =	sadd.s32 s29, s3;
	v6 =	vld [tilespmem:s13+$0x0];
	v11 =	vadd.f32 v15, v61;
	v12 =	vshll.u32 v61, $0x10;
	v13 =	vshll.u32 v15, $0x10;
	[tilespmem:s21+$0xFFFFFFB0] =	vst v5  }
0x343: {  	s11 =	simm.s32 $0x80;
	s16 =	simm.s32 $0x400;
	s31 =	sadd.s32 s29, s31;
	v5 =	vld [tilespmem:s30+$0x0];
	v12 =	vadd.f32 v13, v12;
	[tilespmem:s21+$0xFFFFFFC0] =	vst v14  }
0x344: {  	s22 =	sadd.s32 s9, s15;
	s20 =	sadd.s32 s18, s15;
	s18 =	sadd.s32 s29, s15;
	v10 =	vshll.u32 v3, $0x10;
	v13 =	vshll.u32 v63, $0x10;
	[tilespmem:s21+$0xFFFFFFD0] =	vst v7;
	v7 =	vld [tilespmem:s31+$0x0];
	v11 =	vadd.f32 v63, v11  }
.LBB2_31:
0x345: {  	s1 =	sand.u32 $0x40, s11;
	s3 =	sand.u32 $0xC00, s16;
	v14 =	vshll.u32 v8, $0x10;
	v15 =	vld [tilespmem:s22+$0x0];
	v8 =	vadd.f32 v8, v3;
	v3 =	vadd.f32 v13, v12;
	[tilespmem:s21+$0xFFFFFFE0] =	vst v9;
	s21 =	sadd.s32 $0x400, s21  }
0x346: {  	s6 =	sadd.s32 $0x4, s6;
	s7 =	sadd.s32 s3, s25;
	s8 =	sor.u32 $0x30, s1;
	v9 =	vadd.f32 v14, v10;
	v10 =	vshll.u32 v4, $0x10;
	v12 =	vld [tilespmem:s20+$0x0];
	[tilespmem:s21+$0x0] =	vst v11  }
0x347: {  	s9 =	sadd.s32 s3, s28;
	p0 =	slt.u32 s6, $0x14;
	s10 =	sadd.s32 s8, s7;
	v11 =	vshll.u32 v6, $0x10;
	v4 =	vadd.f32 v6, v4;
	v6 =	vld [tilespmem:s18+$0x0];
	[tilespmem:s21+$0xFFFFFFF0] =	vst v3  }
0x348: {  	s13 =	sor.u32 $0x10, s1;
	s14 =	sor.u32 $0x20, s1;
	v13 =	vld [tilespmem:s10+$0x0];
	s10 =	sadd.s32 s8, s9;
	v10 =	vadd.f32 v11, v10;
	v11 =	vshll.u32 v5, $0x10  }
0x349: {  	s3 =	sadd.s32 s3, s2;
	s15 =	sadd.s32 s1, s7;
	s18 =	sadd.s32 s1, s9;
	v14 =	vld [tilespmem:s10+$0x0];
	v16 =	vshll.u32 v7, $0x10;
	v5 =	vadd.f32 v7, v5  }
0x34a: {  	s8 =	sadd.s32 s8, s3;
	s10 =	sadd.s32 s13, s7;
	v3 =	vld [tilespmem:s15+$0x0];
	s15 =	sadd.s32 s13, s9;
	v7 =	vshll.u32 v15, $0x10;
	v15 =	vadd.f32 v15, v8;
	v11 =	vadd.f32 v16, v11  }
0x34b: {  	s22 =	sadd.s32 s1, s3;
	s1 =	sadd.s32 s14, s7;
	s7 =	sadd.s32 s14, s9;
	v16 =	vld [tilespmem:s8+$0x0];
	v7 =	vadd.f32 v7, v9;
	v9 =	vshll.u32 v12, $0x10;
	v17 =	vadd.f32 v12, v4  }
.Ltmp14:
0x34c: {  	s20 =	sadd.s32 s13, s3;
	v8 =	vld [tilespmem:s18+$0x0];
	s18 =	sadd.s32 s14, s3;
	[tilespmem:s21+$0xFFFFFFA0] =	vst v15;
	v10 =	vadd.f32 v9, v10;
	v12 =	vshll.u32 v6, $0x10;
	v9 =	vadd.f32 v6, v5;
	(pc) =	sbr.rel @p0 .LBB2_31-.Ltmp14, $4  }
0x34d: {  	v4 =	vld [tilespmem:s10+$0x0];
	[tilespmem:s21+$0xFFFFFF90] =	vst v7;
	v7 =	vadd.f32 v12, v11  }
0x34e: {  	v11 =	vshll.u32 v13, $0x10;
	v6 =	vld [tilespmem:s15+$0x0];
	v12 =	vshll.u32 v14, $0x10;
	v14 =	vadd.f32 v14, v13;
	[tilespmem:s21+$0xFFFFFFB0] =	vst v10  }
0x34f: {  	v10 =	vshll.u32 v3, $0x10;
	v5 =	vld [tilespmem:s1+$0x0];
	v12 =	vadd.f32 v12, v11;
	[tilespmem:s21+$0xFFFFFFD0] =	vst v7  }
0x350: {  	s11 =	sadd.s32 $0x40, s11;
	s16 =	sadd.s32 $0x200, s16;
	v7 =	vld [tilespmem:s7+$0x0];
	v13 =	vshll.u32 v16, $0x10;
	v11 =	vadd.f32 v16, v14;
	[tilespmem:s21+$0xFFFFFFC0] =	vst v17  }
0x351: {  	(v2sf) =	vpush v0, $0xC;
	_ =	sdelay $0x1  }
0x352: {  	(v2sf) =	vpush v2, $0xC  }
0x353: {  	(v2sf) =	vpush v1, $0xC;
	_ =	sdelay $0x1  }
0x354: {  	v14 =	vld [tilespmem:s22+$0x0]  }
0x355: {  	v15 =	vld [tilespmem:s20+$0x0]  }
0x356: {  	v16 =	vshll.u32 v8, $0x10  }
0x357: {  	v3 =	vadd.f32 v8, v3;
	v8 =	vld [tilespmem:s18+$0x0];
	v12 =	vadd.f32 v13, v12;
	v13 =	vshll.u32 v4, $0x10  }
0x358: {  	[tilespmem:s21+$0xFFFFFFE0] =	vst v9;
	s1 =	sadd.s32 $0x400, s21;
	v9 =	vadd.f32 v16, v10;
	v17 =	vshll.u32 v6, $0x10;
	v4 =	vadd.f32 v6, v4  }
0x359: {  	[tilespmem:s1+$0x0] =	vst v11;
	v10 =	vadd.f32 v17, v13;
	v13 =	vshll.u32 v5, $0x10;
	v3 =	vadd.f32 v14, v3  }
0x35a: {  	[tilespmem:s1+$0xFFFFFFF0] =	vst v12;
	v11 =	vshll.u32 v7, $0x10;
	v14 =	vshll.u32 v14, $0x10;
	v4 =	vadd.f32 v15, v4  }
0x35b: {  	v11 =	vadd.f32 v11, v13;
	v12 =	vshll.u32 v15, $0x10;
	v9 =	vadd.f32 v14, v9;
	[tilespmem:s1+$0xFFFFFFA0] =	vst v3  }
0x35c: {  	v5 =	vadd.f32 v7, v5;
	v6 =	vshll.u32 v8, $0x10;
	v3 =	vadd.f32 v12, v10;
	[tilespmem:s1+$0xFFFFFFC0] =	vst v4  }
0x35d: {  	s16 =	simm.s32 $0x0;
	v6 =	vadd.f32 v6, v11;
	[tilespmem:s1+$0xFFFFFF90] =	vst v9  }
0x35e: {  	s18 =	sand.u32 $0x40, s16;
	[tilespmem:s1+$0xFFFFFFB0] =	vst v3;
	v3 =	vadd.f32 v8, v5;
	s10 =	spop (v2sf)  }
0x35f: {  	s20 =	sand.u32 $0xC00, s16;
	s22 =	sor.u32 $0x30, s18;
	[tilespmem:s1+$0xFFFFFFD0] =	vst v6;
	s2 =	sshrl.u32 s10, $0x3  }
0x360: {  	[tilespmem:s1+$0xFFFFFFE0] =	vst v3;
	s3 =	spop (v2sf);
	s1 =	sshll.u32 s10, $0x7;
	s2 =	smul.u32 $0x3000, s2  }
0x361: {  	s1 =	sand.u32 $0x380, s1;
	s6 =	sshrl.u32 s3, $0x3;
	s7 =	spop (v2sf)  }
0x362: {  	s11 =	sshll.u32 s3, $0x7;
	s6 =	smul.u32 $0x3000, s6;
	s2 =	sshra.s32 s2, $0x2  }
0x363: {  	s8 =	sshrl.u32 s7, $0x3;
	s7 =	sshll.u32 s7, $0x7;
	s1 =	sor.u32 s1, s2  }
0x364: {  	s2 =	sand.u32 $0x380, s11;
	s6 =	sshra.s32 s6, $0x2;
	s25 =	sadd.s32 $0x1000, s1  }
0x365: {  	s13 =	smul.u32 $0x3000, s8;
	s2 =	sor.u32 s2, s6;
	s6 =	sadd.s32 s20, s25  }
0x366: {  	s31 =	sor.u32 $0x10, s18;
	s14 =	sand.u32 $0x380, s7;
	s9 =	sadd.s32 s22, s6  }
0x367: {  	s3 =	sshra.s32 s13, $0x2;
	s28 =	sadd.s32 $0x1000, s2;
	s10 =	sadd.s32 s18, s6;
	v3 =	vld [tilespmem:s9+$0x0]  }
0x368: {  	s15 =	sor.u32 s14, s3;
	s29 =	sadd.s32 s20, s28;
	s13 =	sadd.s32 s31, s6;
	v5 =	vld [tilespmem:s10+$0x0]  }
0x369: {  	s2 =	sadd.s32 $0x1000, s15;
	s30 =	sadd.s32 s22, s29;
	v8 =	vld [tilespmem:s13+$0x0]  }
0x36a: {  	s3 =	sadd.s32 s20, s2;
	s11 =	sadd.s32 s18, s29;
	v4 =	vld [tilespmem:s30+$0x0]  }
0x36b: {  	s14 =	sor.u32 $0x20, s18;
	s7 =	sadd.s32 s22, s3;
	v7 =	vld [tilespmem:s11+$0x0]  }
0x36c: {  	s6 =	sadd.s32 s14, s6;
	v6 =	vld [tilespmem:s7+$0x0]  }
0x36d: {  	v10 =	vld [tilespmem:s6+$0x0];
	s11 =	sadd.s32 s31, s29  }
0x36e: {  	s15 =	sadd.s32 s14, s29;
	v9 =	vld [tilespmem:s11+$0x0]  }
0x36f: {  	s16 =	simm.s32 $0x40;
	s1 =	sadd.s32 s18, s3;
	s18 =	simm.s32 $0x200;
	v11 =	vshll.u32 v3, $0x10;
	v12 =	vshll.u32 v4, $0x10;
	v3 =	vadd.f32 v4, v3;
	v4 =	vld [tilespmem:s15+$0x0]  }
0x370: {  	s9 =	sand.u32 $0x40, s16;
	s20 =	sadd.s32 s31, s3;
	s22 =	sand.u32 $0xC00, s18;
	v13 =	vshll.u32 v5, $0x10;
	v15 =	vshll.u32 v7, $0x10;
	v11 =	vadd.f32 v12, v11;
	v12 =	vld [tilespmem:s1+$0x0]  }
0x371: {  	s29 =	sadd.s32 s14, s3;
	s30 =	sor.u32 $0x30, s9;
	s3 =	sadd.s32 s22, s25;
	v5 =	vadd.f32 v7, v5;
	v14 =	vshll.u32 v6, $0x10;
	v3 =	vadd.f32 v6, v3;
	v6 =	vld [tilespmem:s20+$0x0]  }
0x372: {  	s31 =	sadd.s32 s22, s28;
	s11 =	sadd.s32 s30, s3;
	v13 =	vadd.f32 v15, v13;
	v7 =	vadd.f32 v14, v11;
	v11 =	vld [tilespmem:s29+$0x0]  }
0x373: {  	s13 =	sadd.s32 s30, s31;
	v61 =	vld [tilespmem:s11+$0x0];
	s15 =	sadd.s32 s22, s2;
	v15 =	vshll.u32 v9, $0x10;
	v9 =	vadd.f32 v9, v8;
	v14 =	vshll.u32 v8, $0x10  }
0x374: {  	s21 =	simm.s32 $0x12670;
	s16 =	sadd.s32 s30, s15;
	v8 =	vshll.u32 v10, $0x10;
	v14 =	vadd.f32 v15, v14;
	v15 =	vld [tilespmem:s13+$0x0];
	v62 =	vshll.u32 v4, $0x10  }
0x375: {  	s14 =	sadd.s32 s9, s3;
	v63 =	vld [tilespmem:s16+$0x0];
	[tilespmem:s21+$0x0] =	vst v3;
	v10 =	vadd.f32 v4, v10;
	v5 =	vadd.f32 v12, v5;
	v12 =	vshll.u32 v12, $0x10  }
0x376: {  	s18 =	sor.u32 $0x10, s9;
	s20 =	sadd.s32 s9, s31;
	v3 =	vld [tilespmem:s14+$0x0];
	[tilespmem:s21+$0xFFFFFFF0] =	vst v7;
	v7 =	vadd.f32 v62, v8;
	v12 =	vadd.f32 v12, v13;
	v13 =	vshll.u32 v6, $0x10  }
0x377: {  	s22 =	sadd.s32 s18, s3;
	v8 =	vld [tilespmem:s20+$0x0];
	[tilespmem:s21+$0xFFFFFFA0] =	vst v5;
	v5 =	vadd.f32 v13, v14;
	v13 =	vshll.u32 v11, $0x10;
	v14 =	vadd.f32 v6, v9  }
0x378: {  	s29 =	sor.u32 $0x20, s9;
	s13 =	sadd.s32 s18, s31;
	v4 =	vld [tilespmem:s22+$0x0];
	v9 =	vadd.f32 v11, v10;
	[tilespmem:s21+$0xFFFFFF90] =	vst v12;
	v7 =	vadd.f32 v13, v7  }
0x379: {  	s6 =	simm.s32 $0x4;
	s30 =	sadd.s32 s29, s3;
	v6 =	vld [tilespmem:s13+$0x0];
	v11 =	vadd.f32 v15, v61;
	v12 =	vshll.u32 v61, $0x10;
	v13 =	vshll.u32 v15, $0x10;
	[tilespmem:s21+$0xFFFFFFB0] =	vst v5  }
0x37a: {  	s11 =	simm.s32 $0x80;
	s16 =	simm.s32 $0x400;
	s31 =	sadd.s32 s29, s31;
	v5 =	vld [tilespmem:s30+$0x0];
	v12 =	vadd.f32 v13, v12;
	[tilespmem:s21+$0xFFFFFFC0] =	vst v14  }
0x37b: {  	s22 =	sadd.s32 s9, s15;
	s20 =	sadd.s32 s18, s15;
	s18 =	sadd.s32 s29, s15;
	v10 =	vshll.u32 v3, $0x10;
	v13 =	vshll.u32 v63, $0x10;
	[tilespmem:s21+$0xFFFFFFD0] =	vst v7;
	v7 =	vld [tilespmem:s31+$0x0];
	v11 =	vadd.f32 v63, v11  }
.LBB2_33:
0x37c: {  	s1 =	sand.u32 $0x40, s11;
	s3 =	sand.u32 $0xC00, s16;
	v14 =	vshll.u32 v8, $0x10;
	v15 =	vld [tilespmem:s22+$0x0];
	v8 =	vadd.f32 v8, v3;
	v3 =	vadd.f32 v13, v12;
	[tilespmem:s21+$0xFFFFFFE0] =	vst v9;
	s21 =	sadd.s32 $0x400, s21  }
0x37d: {  	s6 =	sadd.s32 $0x4, s6;
	s7 =	sadd.s32 s3, s25;
	s8 =	sor.u32 $0x30, s1;
	v9 =	vadd.f32 v14, v10;
	v10 =	vshll.u32 v4, $0x10;
	v12 =	vld [tilespmem:s20+$0x0];
	[tilespmem:s21+$0x0] =	vst v11  }
0x37e: {  	s9 =	sadd.s32 s3, s28;
	p0 =	slt.u32 s6, $0x14;
	s10 =	sadd.s32 s8, s7;
	v11 =	vshll.u32 v6, $0x10;
	v4 =	vadd.f32 v6, v4;
	v6 =	vld [tilespmem:s18+$0x0];
	[tilespmem:s21+$0xFFFFFFF0] =	vst v3  }
0x37f: {  	s13 =	sor.u32 $0x10, s1;
	s14 =	sor.u32 $0x20, s1;
	v13 =	vld [tilespmem:s10+$0x0];
	s10 =	sadd.s32 s8, s9;
	v10 =	vadd.f32 v11, v10;
	v11 =	vshll.u32 v5, $0x10  }
0x380: {  	s3 =	sadd.s32 s3, s2;
	s15 =	sadd.s32 s1, s7;
	s18 =	sadd.s32 s1, s9;
	v14 =	vld [tilespmem:s10+$0x0];
	v16 =	vshll.u32 v7, $0x10;
	v5 =	vadd.f32 v7, v5  }
0x381: {  	s8 =	sadd.s32 s8, s3;
	s10 =	sadd.s32 s13, s7;
	v3 =	vld [tilespmem:s15+$0x0];
	s15 =	sadd.s32 s13, s9;
	v7 =	vshll.u32 v15, $0x10;
	v15 =	vadd.f32 v15, v8;
	v11 =	vadd.f32 v16, v11  }
0x382: {  	s22 =	sadd.s32 s1, s3;
	s1 =	sadd.s32 s14, s7;
	s7 =	sadd.s32 s14, s9;
	v16 =	vld [tilespmem:s8+$0x0];
	v7 =	vadd.f32 v7, v9;
	v9 =	vshll.u32 v12, $0x10;
	v17 =	vadd.f32 v12, v4  }
.Ltmp15:
0x383: {  	s20 =	sadd.s32 s13, s3;
	v8 =	vld [tilespmem:s18+$0x0];
	s18 =	sadd.s32 s14, s3;
	[tilespmem:s21+$0xFFFFFFA0] =	vst v15;
	v10 =	vadd.f32 v9, v10;
	v12 =	vshll.u32 v6, $0x10;
	v9 =	vadd.f32 v6, v5;
	(pc) =	sbr.rel @p0 .LBB2_33-.Ltmp15, $4  }
0x384: {  	v4 =	vld [tilespmem:s10+$0x0];
	[tilespmem:s21+$0xFFFFFF90] =	vst v7;
	v7 =	vadd.f32 v12, v11  }
0x385: {  	v11 =	vshll.u32 v13, $0x10;
	v6 =	vld [tilespmem:s15+$0x0];
	v12 =	vshll.u32 v14, $0x10;
	v14 =	vadd.f32 v14, v13;
	[tilespmem:s21+$0xFFFFFFB0] =	vst v10  }
0x386: {  	v10 =	vshll.u32 v3, $0x10;
	v5 =	vld [tilespmem:s1+$0x0];
	v12 =	vadd.f32 v12, v11;
	[tilespmem:s21+$0xFFFFFFD0] =	vst v7  }
0x387: {  	s11 =	sadd.s32 $0x40, s11;
	s16 =	sadd.s32 $0x200, s16;
	v7 =	vld [tilespmem:s7+$0x0];
	v13 =	vshll.u32 v16, $0x10;
	v11 =	vadd.f32 v16, v14;
	[tilespmem:s21+$0xFFFFFFC0] =	vst v17  }
0x388: {  	(v2sf) =	vpush v0, $0xD;
	_ =	sdelay $0x1  }
0x389: {  	(v2sf) =	vpush v2, $0xD  }
0x38a: {  	(v2sf) =	vpush v1, $0xD;
	_ =	sdelay $0x1  }
0x38b: {  	v14 =	vld [tilespmem:s22+$0x0]  }
0x38c: {  	v15 =	vld [tilespmem:s20+$0x0]  }
0x38d: {  	v16 =	vshll.u32 v8, $0x10  }
0x38e: {  	v3 =	vadd.f32 v8, v3;
	v8 =	vld [tilespmem:s18+$0x0];
	v12 =	vadd.f32 v13, v12;
	v13 =	vshll.u32 v4, $0x10  }
0x38f: {  	[tilespmem:s21+$0xFFFFFFE0] =	vst v9;
	s1 =	sadd.s32 $0x400, s21;
	v9 =	vadd.f32 v16, v10;
	v17 =	vshll.u32 v6, $0x10;
	v4 =	vadd.f32 v6, v4  }
0x390: {  	[tilespmem:s1+$0x0] =	vst v11;
	v10 =	vadd.f32 v17, v13;
	v13 =	vshll.u32 v5, $0x10;
	v3 =	vadd.f32 v14, v3  }
0x391: {  	[tilespmem:s1+$0xFFFFFFF0] =	vst v12;
	v11 =	vshll.u32 v7, $0x10;
	v14 =	vshll.u32 v14, $0x10;
	v4 =	vadd.f32 v15, v4  }
0x392: {  	v11 =	vadd.f32 v11, v13;
	v12 =	vshll.u32 v15, $0x10;
	v9 =	vadd.f32 v14, v9;
	[tilespmem:s1+$0xFFFFFFA0] =	vst v3  }
0x393: {  	v5 =	vadd.f32 v7, v5;
	v6 =	vshll.u32 v8, $0x10;
	v3 =	vadd.f32 v12, v10;
	[tilespmem:s1+$0xFFFFFFC0] =	vst v4  }
0x394: {  	s16 =	simm.s32 $0x0;
	v6 =	vadd.f32 v6, v11;
	[tilespmem:s1+$0xFFFFFF90] =	vst v9  }
0x395: {  	s18 =	sand.u32 $0x40, s16;
	[tilespmem:s1+$0xFFFFFFB0] =	vst v3;
	v3 =	vadd.f32 v8, v5;
	s10 =	spop (v2sf)  }
0x396: {  	s20 =	sand.u32 $0xC00, s16;
	s22 =	sor.u32 $0x30, s18;
	[tilespmem:s1+$0xFFFFFFD0] =	vst v6;
	s2 =	sshrl.u32 s10, $0x3  }
0x397: {  	[tilespmem:s1+$0xFFFFFFE0] =	vst v3;
	s3 =	spop (v2sf);
	s1 =	sshll.u32 s10, $0x7;
	s2 =	smul.u32 $0x3000, s2  }
0x398: {  	s1 =	sand.u32 $0x380, s1;
	s6 =	sshrl.u32 s3, $0x3;
	s7 =	spop (v2sf)  }
0x399: {  	s11 =	sshll.u32 s3, $0x7;
	s6 =	smul.u32 $0x3000, s6;
	s2 =	sshra.s32 s2, $0x2  }
0x39a: {  	s8 =	sshrl.u32 s7, $0x3;
	s7 =	sshll.u32 s7, $0x7;
	s1 =	sor.u32 s1, s2  }
0x39b: {  	s2 =	sand.u32 $0x380, s11;
	s6 =	sshra.s32 s6, $0x2;
	s25 =	sadd.s32 $0x1000, s1  }
0x39c: {  	s13 =	smul.u32 $0x3000, s8;
	s2 =	sor.u32 s2, s6;
	s6 =	sadd.s32 s20, s25  }
0x39d: {  	s31 =	sor.u32 $0x10, s18;
	s14 =	sand.u32 $0x380, s7;
	s9 =	sadd.s32 s22, s6  }
0x39e: {  	s3 =	sshra.s32 s13, $0x2;
	s28 =	sadd.s32 $0x1000, s2;
	s10 =	sadd.s32 s18, s6;
	v3 =	vld [tilespmem:s9+$0x0]  }
0x39f: {  	s15 =	sor.u32 s14, s3;
	s29 =	sadd.s32 s20, s28;
	s13 =	sadd.s32 s31, s6;
	v5 =	vld [tilespmem:s10+$0x0]  }
0x3a0: {  	s2 =	sadd.s32 $0x1000, s15;
	s30 =	sadd.s32 s22, s29;
	v8 =	vld [tilespmem:s13+$0x0]  }
0x3a1: {  	s3 =	sadd.s32 s20, s2;
	s11 =	sadd.s32 s18, s29;
	v4 =	vld [tilespmem:s30+$0x0]  }
0x3a2: {  	s14 =	sor.u32 $0x20, s18;
	s7 =	sadd.s32 s22, s3;
	v7 =	vld [tilespmem:s11+$0x0]  }
0x3a3: {  	s6 =	sadd.s32 s14, s6;
	v6 =	vld [tilespmem:s7+$0x0]  }
0x3a4: {  	v10 =	vld [tilespmem:s6+$0x0];
	s11 =	sadd.s32 s31, s29  }
0x3a5: {  	s15 =	sadd.s32 s14, s29;
	v9 =	vld [tilespmem:s11+$0x0]  }
0x3a6: {  	s16 =	simm.s32 $0x40;
	s1 =	sadd.s32 s18, s3;
	s18 =	simm.s32 $0x200;
	v11 =	vshll.u32 v3, $0x10;
	v12 =	vshll.u32 v4, $0x10;
	v3 =	vadd.f32 v4, v3;
	v4 =	vld [tilespmem:s15+$0x0]  }
0x3a7: {  	s9 =	sand.u32 $0x40, s16;
	s20 =	sadd.s32 s31, s3;
	s22 =	sand.u32 $0xC00, s18;
	v13 =	vshll.u32 v5, $0x10;
	v15 =	vshll.u32 v7, $0x10;
	v11 =	vadd.f32 v12, v11;
	v12 =	vld [tilespmem:s1+$0x0]  }
0x3a8: {  	s29 =	sadd.s32 s14, s3;
	s30 =	sor.u32 $0x30, s9;
	s3 =	sadd.s32 s22, s25;
	v5 =	vadd.f32 v7, v5;
	v14 =	vshll.u32 v6, $0x10;
	v3 =	vadd.f32 v6, v3;
	v6 =	vld [tilespmem:s20+$0x0]  }
0x3a9: {  	s31 =	sadd.s32 s22, s28;
	s11 =	sadd.s32 s30, s3;
	v13 =	vadd.f32 v15, v13;
	v7 =	vadd.f32 v14, v11;
	v11 =	vld [tilespmem:s29+$0x0]  }
0x3aa: {  	s13 =	sadd.s32 s30, s31;
	v61 =	vld [tilespmem:s11+$0x0];
	s15 =	sadd.s32 s22, s2;
	v15 =	vshll.u32 v9, $0x10;
	v9 =	vadd.f32 v9, v8;
	v14 =	vshll.u32 v8, $0x10  }
0x3ab: {  	s21 =	simm.s32 $0x126F0;
	s16 =	sadd.s32 s30, s15;
	v8 =	vshll.u32 v10, $0x10;
	v14 =	vadd.f32 v15, v14;
	v15 =	vld [tilespmem:s13+$0x0];
	v62 =	vshll.u32 v4, $0x10  }
0x3ac: {  	s14 =	sadd.s32 s9, s3;
	v63 =	vld [tilespmem:s16+$0x0];
	[tilespmem:s21+$0x0] =	vst v3;
	v10 =	vadd.f32 v4, v10;
	v5 =	vadd.f32 v12, v5;
	v12 =	vshll.u32 v12, $0x10  }
0x3ad: {  	s18 =	sor.u32 $0x10, s9;
	s20 =	sadd.s32 s9, s31;
	v3 =	vld [tilespmem:s14+$0x0];
	[tilespmem:s21+$0xFFFFFFF0] =	vst v7;
	v7 =	vadd.f32 v62, v8;
	v12 =	vadd.f32 v12, v13;
	v13 =	vshll.u32 v6, $0x10  }
0x3ae: {  	s22 =	sadd.s32 s18, s3;
	v8 =	vld [tilespmem:s20+$0x0];
	[tilespmem:s21+$0xFFFFFFA0] =	vst v5;
	v5 =	vadd.f32 v13, v14;
	v13 =	vshll.u32 v11, $0x10;
	v14 =	vadd.f32 v6, v9  }
0x3af: {  	s29 =	sor.u32 $0x20, s9;
	s13 =	sadd.s32 s18, s31;
	v4 =	vld [tilespmem:s22+$0x0];
	v9 =	vadd.f32 v11, v10;
	[tilespmem:s21+$0xFFFFFF90] =	vst v12;
	v7 =	vadd.f32 v13, v7  }
0x3b0: {  	s6 =	simm.s32 $0x4;
	s30 =	sadd.s32 s29, s3;
	v6 =	vld [tilespmem:s13+$0x0];
	v11 =	vadd.f32 v15, v61;
	v12 =	vshll.u32 v61, $0x10;
	v13 =	vshll.u32 v15, $0x10;
	[tilespmem:s21+$0xFFFFFFB0] =	vst v5  }
0x3b1: {  	s11 =	simm.s32 $0x80;
	s16 =	simm.s32 $0x400;
	s31 =	sadd.s32 s29, s31;
	v5 =	vld [tilespmem:s30+$0x0];
	v12 =	vadd.f32 v13, v12;
	[tilespmem:s21+$0xFFFFFFC0] =	vst v14  }
0x3b2: {  	s22 =	sadd.s32 s9, s15;
	s20 =	sadd.s32 s18, s15;
	s18 =	sadd.s32 s29, s15;
	v10 =	vshll.u32 v3, $0x10;
	v13 =	vshll.u32 v63, $0x10;
	[tilespmem:s21+$0xFFFFFFD0] =	vst v7;
	v7 =	vld [tilespmem:s31+$0x0];
	v11 =	vadd.f32 v63, v11  }
.LBB2_35:
0x3b3: {  	s1 =	sand.u32 $0x40, s11;
	s3 =	sand.u32 $0xC00, s16;
	v14 =	vshll.u32 v8, $0x10;
	v15 =	vld [tilespmem:s22+$0x0];
	v8 =	vadd.f32 v8, v3;
	v3 =	vadd.f32 v13, v12;
	[tilespmem:s21+$0xFFFFFFE0] =	vst v9;
	s21 =	sadd.s32 $0x400, s21  }
0x3b4: {  	s6 =	sadd.s32 $0x4, s6;
	s7 =	sadd.s32 s3, s25;
	s8 =	sor.u32 $0x30, s1;
	v9 =	vadd.f32 v14, v10;
	v10 =	vshll.u32 v4, $0x10;
	v12 =	vld [tilespmem:s20+$0x0];
	[tilespmem:s21+$0x0] =	vst v11  }
0x3b5: {  	s9 =	sadd.s32 s3, s28;
	p0 =	slt.u32 s6, $0x14;
	s10 =	sadd.s32 s8, s7;
	v11 =	vshll.u32 v6, $0x10;
	v4 =	vadd.f32 v6, v4;
	v6 =	vld [tilespmem:s18+$0x0];
	[tilespmem:s21+$0xFFFFFFF0] =	vst v3  }
0x3b6: {  	s13 =	sor.u32 $0x10, s1;
	s14 =	sor.u32 $0x20, s1;
	v13 =	vld [tilespmem:s10+$0x0];
	s10 =	sadd.s32 s8, s9;
	v10 =	vadd.f32 v11, v10;
	v11 =	vshll.u32 v5, $0x10  }
0x3b7: {  	s3 =	sadd.s32 s3, s2;
	s15 =	sadd.s32 s1, s7;
	s18 =	sadd.s32 s1, s9;
	v14 =	vld [tilespmem:s10+$0x0];
	v16 =	vshll.u32 v7, $0x10;
	v5 =	vadd.f32 v7, v5  }
0x3b8: {  	s8 =	sadd.s32 s8, s3;
	s10 =	sadd.s32 s13, s7;
	v3 =	vld [tilespmem:s15+$0x0];
	s15 =	sadd.s32 s13, s9;
	v7 =	vshll.u32 v15, $0x10;
	v15 =	vadd.f32 v15, v8;
	v11 =	vadd.f32 v16, v11  }
0x3b9: {  	s22 =	sadd.s32 s1, s3;
	s1 =	sadd.s32 s14, s7;
	s7 =	sadd.s32 s14, s9;
	v16 =	vld [tilespmem:s8+$0x0];
	v7 =	vadd.f32 v7, v9;
	v9 =	vshll.u32 v12, $0x10;
	v17 =	vadd.f32 v12, v4  }
.Ltmp16:
0x3ba: {  	s20 =	sadd.s32 s13, s3;
	v8 =	vld [tilespmem:s18+$0x0];
	s18 =	sadd.s32 s14, s3;
	[tilespmem:s21+$0xFFFFFFA0] =	vst v15;
	v10 =	vadd.f32 v9, v10;
	v12 =	vshll.u32 v6, $0x10;
	v9 =	vadd.f32 v6, v5;
	(pc) =	sbr.rel @p0 .LBB2_35-.Ltmp16, $4  }
0x3bb: {  	v4 =	vld [tilespmem:s10+$0x0];
	[tilespmem:s21+$0xFFFFFF90] =	vst v7;
	v7 =	vadd.f32 v12, v11  }
0x3bc: {  	v11 =	vshll.u32 v13, $0x10;
	v6 =	vld [tilespmem:s15+$0x0];
	v12 =	vshll.u32 v14, $0x10;
	v14 =	vadd.f32 v14, v13;
	[tilespmem:s21+$0xFFFFFFB0] =	vst v10  }
0x3bd: {  	v10 =	vshll.u32 v3, $0x10;
	v5 =	vld [tilespmem:s1+$0x0];
	v12 =	vadd.f32 v12, v11;
	[tilespmem:s21+$0xFFFFFFD0] =	vst v7  }
0x3be: {  	s11 =	sadd.s32 $0x40, s11;
	s16 =	sadd.s32 $0x200, s16;
	v7 =	vld [tilespmem:s7+$0x0];
	v13 =	vshll.u32 v16, $0x10;
	v11 =	vadd.f32 v16, v14;
	[tilespmem:s21+$0xFFFFFFC0] =	vst v17  }
0x3bf: {  	(v2sf) =	vpush v0, $0xE;
	_ =	sdelay $0x1  }
0x3c0: {  	(v2sf) =	vpush v2, $0xE  }
0x3c1: {  	(v2sf) =	vpush v1, $0xE;
	_ =	sdelay $0x1  }
0x3c2: {  	v14 =	vld [tilespmem:s22+$0x0]  }
0x3c3: {  	v15 =	vld [tilespmem:s20+$0x0]  }
0x3c4: {  	v16 =	vshll.u32 v8, $0x10  }
0x3c5: {  	v3 =	vadd.f32 v8, v3;
	v8 =	vld [tilespmem:s18+$0x0];
	v12 =	vadd.f32 v13, v12;
	v13 =	vshll.u32 v4, $0x10  }
0x3c6: {  	[tilespmem:s21+$0xFFFFFFE0] =	vst v9;
	s1 =	sadd.s32 $0x400, s21;
	v9 =	vadd.f32 v16, v10;
	v17 =	vshll.u32 v6, $0x10;
	v4 =	vadd.f32 v6, v4  }
0x3c7: {  	[tilespmem:s1+$0x0] =	vst v11;
	v10 =	vadd.f32 v17, v13;
	v13 =	vshll.u32 v5, $0x10;
	v3 =	vadd.f32 v14, v3  }
0x3c8: {  	[tilespmem:s1+$0xFFFFFFF0] =	vst v12;
	v11 =	vshll.u32 v7, $0x10;
	v14 =	vshll.u32 v14, $0x10;
	v4 =	vadd.f32 v15, v4  }
0x3c9: {  	v11 =	vadd.f32 v11, v13;
	v12 =	vshll.u32 v15, $0x10;
	v9 =	vadd.f32 v14, v9;
	[tilespmem:s1+$0xFFFFFFA0] =	vst v3  }
0x3ca: {  	v5 =	vadd.f32 v7, v5;
	v6 =	vshll.u32 v8, $0x10;
	v3 =	vadd.f32 v12, v10;
	[tilespmem:s1+$0xFFFFFFC0] =	vst v4  }
0x3cb: {  	s16 =	simm.s32 $0x0;
	v6 =	vadd.f32 v6, v11;
	[tilespmem:s1+$0xFFFFFF90] =	vst v9  }
0x3cc: {  	s18 =	sand.u32 $0x40, s16;
	[tilespmem:s1+$0xFFFFFFB0] =	vst v3;
	v3 =	vadd.f32 v8, v5;
	s10 =	spop (v2sf)  }
0x3cd: {  	s20 =	sand.u32 $0xC00, s16;
	s22 =	sor.u32 $0x30, s18;
	[tilespmem:s1+$0xFFFFFFD0] =	vst v6;
	s2 =	sshrl.u32 s10, $0x3  }
0x3ce: {  	[tilespmem:s1+$0xFFFFFFE0] =	vst v3;
	s3 =	spop (v2sf);
	s1 =	sshll.u32 s10, $0x7;
	s2 =	smul.u32 $0x3000, s2  }
0x3cf: {  	s1 =	sand.u32 $0x380, s1;
	s6 =	sshrl.u32 s3, $0x3;
	s7 =	spop (v2sf)  }
0x3d0: {  	s11 =	sshll.u32 s3, $0x7;
	s6 =	smul.u32 $0x3000, s6;
	s2 =	sshra.s32 s2, $0x2  }
0x3d1: {  	s8 =	sshrl.u32 s7, $0x3;
	s7 =	sshll.u32 s7, $0x7;
	s1 =	sor.u32 s1, s2  }
0x3d2: {  	s2 =	sand.u32 $0x380, s11;
	s6 =	sshra.s32 s6, $0x2;
	s25 =	sadd.s32 $0x1000, s1  }
0x3d3: {  	s13 =	smul.u32 $0x3000, s8;
	s2 =	sor.u32 s2, s6;
	s6 =	sadd.s32 s20, s25  }
0x3d4: {  	s31 =	sor.u32 $0x10, s18;
	s14 =	sand.u32 $0x380, s7;
	s9 =	sadd.s32 s22, s6  }
0x3d5: {  	s3 =	sshra.s32 s13, $0x2;
	s28 =	sadd.s32 $0x1000, s2;
	s10 =	sadd.s32 s18, s6;
	v3 =	vld [tilespmem:s9+$0x0]  }
0x3d6: {  	s15 =	sor.u32 s14, s3;
	s29 =	sadd.s32 s20, s28;
	s13 =	sadd.s32 s31, s6;
	v5 =	vld [tilespmem:s10+$0x0]  }
0x3d7: {  	s2 =	sadd.s32 $0x1000, s15;
	s30 =	sadd.s32 s22, s29;
	v8 =	vld [tilespmem:s13+$0x0]  }
0x3d8: {  	s3 =	sadd.s32 s20, s2;
	s11 =	sadd.s32 s18, s29;
	v4 =	vld [tilespmem:s30+$0x0]  }
0x3d9: {  	s14 =	sor.u32 $0x20, s18;
	s7 =	sadd.s32 s22, s3;
	v7 =	vld [tilespmem:s11+$0x0]  }
0x3da: {  	s6 =	sadd.s32 s14, s6;
	v6 =	vld [tilespmem:s7+$0x0]  }
0x3db: {  	v10 =	vld [tilespmem:s6+$0x0];
	s11 =	sadd.s32 s31, s29  }
0x3dc: {  	s15 =	sadd.s32 s14, s29;
	v9 =	vld [tilespmem:s11+$0x0]  }
0x3dd: {  	s16 =	simm.s32 $0x40;
	s1 =	sadd.s32 s18, s3;
	s18 =	simm.s32 $0x200;
	v11 =	vshll.u32 v3, $0x10;
	v12 =	vshll.u32 v4, $0x10;
	v3 =	vadd.f32 v4, v3;
	v4 =	vld [tilespmem:s15+$0x0]  }
0x3de: {  	s9 =	sand.u32 $0x40, s16;
	s20 =	sadd.s32 s31, s3;
	s22 =	sand.u32 $0xC00, s18;
	v13 =	vshll.u32 v5, $0x10;
	v15 =	vshll.u32 v7, $0x10;
	v11 =	vadd.f32 v12, v11;
	v12 =	vld [tilespmem:s1+$0x0]  }
0x3df: {  	s29 =	sadd.s32 s14, s3;
	s30 =	sor.u32 $0x30, s9;
	s3 =	sadd.s32 s22, s25;
	v5 =	vadd.f32 v7, v5;
	v14 =	vshll.u32 v6, $0x10;
	v3 =	vadd.f32 v6, v3;
	v6 =	vld [tilespmem:s20+$0x0]  }
0x3e0: {  	s31 =	sadd.s32 s22, s28;
	s11 =	sadd.s32 s30, s3;
	v13 =	vadd.f32 v15, v13;
	v7 =	vadd.f32 v14, v11;
	v11 =	vld [tilespmem:s29+$0x0]  }
0x3e1: {  	s13 =	sadd.s32 s30, s31;
	v61 =	vld [tilespmem:s11+$0x0];
	s15 =	sadd.s32 s22, s2;
	v15 =	vshll.u32 v9, $0x10;
	v9 =	vadd.f32 v9, v8;
	v14 =	vshll.u32 v8, $0x10  }
0x3e2: {  	s21 =	simm.s32 $0x12770;
	s16 =	sadd.s32 s30, s15;
	v8 =	vshll.u32 v10, $0x10;
	v14 =	vadd.f32 v15, v14;
	v15 =	vld [tilespmem:s13+$0x0];
	v62 =	vshll.u32 v4, $0x10  }
0x3e3: {  	s14 =	sadd.s32 s9, s3;
	v63 =	vld [tilespmem:s16+$0x0];
	[tilespmem:s21+$0x0] =	vst v3;
	v10 =	vadd.f32 v4, v10;
	v5 =	vadd.f32 v12, v5;
	v12 =	vshll.u32 v12, $0x10  }
0x3e4: {  	s18 =	sor.u32 $0x10, s9;
	s20 =	sadd.s32 s9, s31;
	v3 =	vld [tilespmem:s14+$0x0];
	[tilespmem:s21+$0xFFFFFFF0] =	vst v7;
	v7 =	vadd.f32 v62, v8;
	v12 =	vadd.f32 v12, v13;
	v13 =	vshll.u32 v6, $0x10  }
0x3e5: {  	s22 =	sadd.s32 s18, s3;
	v8 =	vld [tilespmem:s20+$0x0];
	[tilespmem:s21+$0xFFFFFFA0] =	vst v5;
	v5 =	vadd.f32 v13, v14;
	v13 =	vshll.u32 v11, $0x10;
	v14 =	vadd.f32 v6, v9  }
0x3e6: {  	s29 =	sor.u32 $0x20, s9;
	s13 =	sadd.s32 s18, s31;
	v4 =	vld [tilespmem:s22+$0x0];
	v9 =	vadd.f32 v11, v10;
	[tilespmem:s21+$0xFFFFFF90] =	vst v12;
	v7 =	vadd.f32 v13, v7  }
0x3e7: {  	s6 =	simm.s32 $0x4;
	s30 =	sadd.s32 s29, s3;
	v6 =	vld [tilespmem:s13+$0x0];
	v11 =	vadd.f32 v15, v61;
	v12 =	vshll.u32 v61, $0x10;
	v13 =	vshll.u32 v15, $0x10;
	[tilespmem:s21+$0xFFFFFFB0] =	vst v5  }
0x3e8: {  	s11 =	simm.s32 $0x80;
	s16 =	simm.s32 $0x400;
	s31 =	sadd.s32 s29, s31;
	v5 =	vld [tilespmem:s30+$0x0];
	v12 =	vadd.f32 v13, v12;
	[tilespmem:s21+$0xFFFFFFC0] =	vst v14  }
0x3e9: {  	s22 =	sadd.s32 s9, s15;
	s20 =	sadd.s32 s18, s15;
	s18 =	sadd.s32 s29, s15;
	v10 =	vshll.u32 v3, $0x10;
	v13 =	vshll.u32 v63, $0x10;
	[tilespmem:s21+$0xFFFFFFD0] =	vst v7;
	v7 =	vld [tilespmem:s31+$0x0];
	v11 =	vadd.f32 v63, v11  }
.LBB2_37:
0x3ea: {  	s1 =	sand.u32 $0x40, s11;
	s3 =	sand.u32 $0xC00, s16;
	v14 =	vshll.u32 v8, $0x10;
	v15 =	vld [tilespmem:s22+$0x0];
	v8 =	vadd.f32 v8, v3;
	v3 =	vadd.f32 v13, v12;
	[tilespmem:s21+$0xFFFFFFE0] =	vst v9;
	s21 =	sadd.s32 $0x400, s21  }
0x3eb: {  	s6 =	sadd.s32 $0x4, s6;
	s7 =	sadd.s32 s3, s25;
	s8 =	sor.u32 $0x30, s1;
	v9 =	vadd.f32 v14, v10;
	v10 =	vshll.u32 v4, $0x10;
	v12 =	vld [tilespmem:s20+$0x0];
	[tilespmem:s21+$0x0] =	vst v11  }
0x3ec: {  	s9 =	sadd.s32 s3, s28;
	p0 =	slt.u32 s6, $0x14;
	s10 =	sadd.s32 s8, s7;
	v11 =	vshll.u32 v6, $0x10;
	v4 =	vadd.f32 v6, v4;
	v6 =	vld [tilespmem:s18+$0x0];
	[tilespmem:s21+$0xFFFFFFF0] =	vst v3  }
0x3ed: {  	s13 =	sor.u32 $0x10, s1;
	s14 =	sor.u32 $0x20, s1;
	v13 =	vld [tilespmem:s10+$0x0];
	s10 =	sadd.s32 s8, s9;
	v10 =	vadd.f32 v11, v10;
	v11 =	vshll.u32 v5, $0x10  }
0x3ee: {  	s3 =	sadd.s32 s3, s2;
	s15 =	sadd.s32 s1, s7;
	s18 =	sadd.s32 s1, s9;
	v14 =	vld [tilespmem:s10+$0x0];
	v16 =	vshll.u32 v7, $0x10;
	v5 =	vadd.f32 v7, v5  }
0x3ef: {  	s8 =	sadd.s32 s8, s3;
	s10 =	sadd.s32 s13, s7;
	v3 =	vld [tilespmem:s15+$0x0];
	s15 =	sadd.s32 s13, s9;
	v7 =	vshll.u32 v15, $0x10;
	v15 =	vadd.f32 v15, v8;
	v11 =	vadd.f32 v16, v11  }
0x3f0: {  	s22 =	sadd.s32 s1, s3;
	s1 =	sadd.s32 s14, s7;
	s7 =	sadd.s32 s14, s9;
	v16 =	vld [tilespmem:s8+$0x0];
	v7 =	vadd.f32 v7, v9;
	v9 =	vshll.u32 v12, $0x10;
	v17 =	vadd.f32 v12, v4  }
.Ltmp17:
0x3f1: {  	s20 =	sadd.s32 s13, s3;
	v8 =	vld [tilespmem:s18+$0x0];
	s18 =	sadd.s32 s14, s3;
	[tilespmem:s21+$0xFFFFFFA0] =	vst v15;
	v10 =	vadd.f32 v9, v10;
	v12 =	vshll.u32 v6, $0x10;
	v9 =	vadd.f32 v6, v5;
	(pc) =	sbr.rel @p0 .LBB2_37-.Ltmp17, $4  }
0x3f2: {  	v4 =	vld [tilespmem:s10+$0x0];
	[tilespmem:s21+$0xFFFFFF90] =	vst v7;
	v7 =	vadd.f32 v12, v11  }
0x3f3: {  	v11 =	vshll.u32 v13, $0x10;
	v6 =	vld [tilespmem:s15+$0x0];
	v12 =	vshll.u32 v14, $0x10;
	v14 =	vadd.f32 v14, v13;
	[tilespmem:s21+$0xFFFFFFB0] =	vst v10  }
0x3f4: {  	v10 =	vshll.u32 v3, $0x10;
	v5 =	vld [tilespmem:s1+$0x0];
	v12 =	vadd.f32 v12, v11;
	[tilespmem:s21+$0xFFFFFFD0] =	vst v7  }
0x3f5: {  	s11 =	sadd.s32 $0x40, s11;
	s16 =	sadd.s32 $0x200, s16;
	v7 =	vld [tilespmem:s7+$0x0];
	v13 =	vshll.u32 v16, $0x10;
	v11 =	vadd.f32 v16, v14;
	[tilespmem:s21+$0xFFFFFFC0] =	vst v17  }
0x3f6: {  	(v2sf) =	vpush v0, $0xF;
	_ =	sdelay $0x1  }
0x3f7: {  	(v2sf) =	vpush v2, $0xF  }
0x3f8: {  	(v2sf) =	vpush v1, $0xF  }
0x3f9: {  	v14 =	vld [tilespmem:s22+$0x0]  }
0x3fa: {  	v15 =	vld [tilespmem:s20+$0x0]  }
0x3fb: {  	v16 =	vshll.u32 v8, $0x10  }
0x3fc: {  	v3 =	vadd.f32 v8, v3;
	v8 =	vld [tilespmem:s18+$0x0];
	v12 =	vadd.f32 v13, v12;
	v55 =	vshll.u32 v4, $0x10  }
0x3fd: {  	[tilespmem:s21+$0xFFFFFFE0] =	vst v9;
	s1 =	sadd.s32 $0x400, s21;
	v9 =	vadd.f32 v16, v10;
	v17 =	vshll.u32 v6, $0x10;
	v4 =	vadd.f32 v6, v4  }
0x3fe: {  	[tilespmem:s1+$0x0] =	vst v11;
	v10 =	vadd.f32 v17, v55;
	v56 =	vshll.u32 v5, $0x10;
	v3 =	vadd.f32 v14, v3  }
0x3ff: {  	[tilespmem:s1+$0xFFFFFFF0] =	vst v12;
	v11 =	vshll.u32 v7, $0x10;
	v14 =	vshll.u32 v14, $0x10;
	v4 =	vadd.f32 v15, v4  }
0x400: {  	v11 =	vadd.f32 v11, v56;
	v57 =	vshll.u32 v15, $0x10;
	v9 =	vadd.f32 v14, v9;
	[tilespmem:s1+$0xFFFFFFA0] =	vst v3  }
0x401: {  	v5 =	vadd.f32 v7, v5;
	v6 =	vshll.u32 v8, $0x10;
	v3 =	vadd.f32 v57, v10;
	[tilespmem:s1+$0xFFFFFFC0] =	vst v4  }
0x402: {  	s16 =	simm.s32 $0x0;
	v6 =	vadd.f32 v6, v11;
	[tilespmem:s1+$0xFFFFFF90] =	vst v9  }
0x403: {  	s18 =	sand.u32 $0x40, s16;
	s20 =	sand.u32 $0xC00, s16;
	[tilespmem:s1+$0xFFFFFFB0] =	vst v3;
	v3 =	vadd.f32 v8, v5  }
0x404: {  	s16 =	simm.s32 $0x40;
	s22 =	sor.u32 $0x30, s18;
	[tilespmem:s1+$0xFFFFFFD0] =	vst v6;
	s10 =	spop (v2sf)  }
0x405: {  	s31 =	sor.u32 $0x10, s18;
	[tilespmem:s1+$0xFFFFFFE0] =	vst v3;
	s2 =	sshrl.u32 s10, $0x3;
	s1 =	sshll.u32 s10, $0x7  }
0x406: {  	s3 =	spop (v2sf);
	s2 =	smul.u32 $0x3000, s2;
	s1 =	sand.u32 $0x380, s1  }
0x407: {  	s6 =	sshrl.u32 s3, $0x3;
	s7 =	spop (v2sf);
	s11 =	sshll.u32 s3, $0x7  }
0x408: {  	s6 =	smul.u32 $0x3000, s6;
	s8 =	sshrl.u32 s7, $0x3;
	s2 =	sshra.s32 s2, $0x2  }
0x409: {  	s7 =	sshll.u32 s7, $0x7;
	s13 =	smul.u32 $0x3000, s8;
	s1 =	sor.u32 s1, s2  }
0x40a: {  	s2 =	sand.u32 $0x380, s11;
	s6 =	sshra.s32 s6, $0x2;
	s25 =	sadd.s32 $0x1000, s1  }
0x40b: {  	s14 =	sand.u32 $0x380, s7;
	s2 =	sor.u32 s2, s6;
	s6 =	sadd.s32 s20, s25  }
0x40c: {  	s3 =	sshra.s32 s13, $0x2;
	s28 =	sadd.s32 $0x1000, s2;
	s9 =	sadd.s32 s22, s6  }
0x40d: {  	s15 =	sor.u32 s14, s3;
	s14 =	sor.u32 $0x20, s18;
	s10 =	sadd.s32 s18, s6;
	v0 =	vld [tilespmem:s9+$0x0]  }
0x40e: {  	s2 =	sadd.s32 $0x1000, s15;
	s29 =	sadd.s32 s20, s28;
	s13 =	sadd.s32 s31, s6;
	v2 =	vld [tilespmem:s10+$0x0]  }
0x40f: {  	s6 =	sadd.s32 s14, s6;
	s30 =	sadd.s32 s22, s29;
	s3 =	sadd.s32 s20, s2;
	v5 =	vld [tilespmem:s13+$0x0]  }
0x410: {  	s11 =	sadd.s32 s18, s29;
	s15 =	sadd.s32 s14, s29;
	v7 =	vld [tilespmem:s6+$0x0];
	s9 =	sand.u32 $0x40, s16  }
0x411: {  	v1 =	vld [tilespmem:s30+$0x0];
	s7 =	sadd.s32 s22, s3;
	s1 =	sadd.s32 s18, s3;
	s18 =	simm.s32 $0x200  }
0x412: {  	v4 =	vld [tilespmem:s11+$0x0];
	s11 =	sadd.s32 s31, s29;
	s20 =	sadd.s32 s31, s3;
	s22 =	sand.u32 $0xC00, s18  }
0x413: {  	s29 =	sadd.s32 s14, s3;
	s30 =	sor.u32 $0x30, s9;
	v3 =	vld [tilespmem:s7+$0x0];
	s3 =	sadd.s32 s22, s25  }
0x414: {  	v6 =	vld [tilespmem:s11+$0x0];
	s11 =	sadd.s32 s30, s3  }
0x415: {  	v60 =	vld [tilespmem:s11+$0x0]  }
0x416: {  	v8 =	vshll.u32 v0, $0x10;
	v9 =	vshll.u32 v1, $0x10;
	v0 =	vadd.f32 v1, v0;
	v1 =	vld [tilespmem:s15+$0x0]  }
0x417: {  	s31 =	sadd.s32 s22, s28;
	v10 =	vshll.u32 v2, $0x10;
	v8 =	vadd.f32 v9, v8;
	v9 =	vld [tilespmem:s1+$0x0]  }
0x418: {  	s13 =	sadd.s32 s30, s31;
	v58 =	vshll.u32 v4, $0x10;
	v11 =	vshll.u32 v3, $0x10;
	v0 =	vadd.f32 v3, v0;
	v3 =	vld [tilespmem:s20+$0x0]  }
0x419: {  	v61 =	vld [tilespmem:s13+$0x0];
	v2 =	vadd.f32 v4, v2;
	v10 =	vadd.f32 v58, v10;
	v59 =	vshll.u32 v6, $0x10  }
0x41a: {  	s15 =	sadd.s32 s22, s2;
	v6 =	vadd.f32 v6, v5;
	v4 =	vadd.f32 v11, v8;
	v8 =	vld [tilespmem:s29+$0x0];
	v11 =	vshll.u32 v5, $0x10  }
0x41b: {  	s21 =	simm.s32 $0x127F0;
	s16 =	sadd.s32 s30, s15;
	v5 =	vshll.u32 v7, $0x10;
	v11 =	vadd.f32 v59, v11;
	v62 =	vshll.u32 v1, $0x10  }
0x41c: {  	s14 =	sadd.s32 s9, s3;
	v63 =	vld [tilespmem:s16+$0x0];
	[tilespmem:s21+$0x0] =	vst v0;
	v7 =	vadd.f32 v1, v7;
	v2 =	vadd.f32 v9, v2;
	v9 =	vshll.u32 v9, $0x10  }
0x41d: {  	s18 =	sor.u32 $0x10, s9;
	s20 =	sadd.s32 s9, s31;
	v0 =	vld [tilespmem:s14+$0x0];
	[tilespmem:s21+$0xFFFFFFF0] =	vst v4;
	v4 =	vadd.f32 v62, v5;
	v9 =	vadd.f32 v9, v10;
	v10 =	vshll.u32 v3, $0x10  }
0x41e: {  	s22 =	sadd.s32 s18, s3;
	v5 =	vld [tilespmem:s20+$0x0];
	[tilespmem:s21+$0xFFFFFFA0] =	vst v2;
	v2 =	vadd.f32 v10, v11;
	v11 =	vadd.f32 v3, v6  }
0x41f: {  	s13 =	sadd.s32 s18, s31;
	s29 =	sor.u32 $0x20, s9;
	v1 =	vld [tilespmem:s22+$0x0];
	v10 =	vshll.u32 v8, $0x10;
	v6 =	vadd.f32 v8, v7;
	v8 =	vadd.f32 v61, v60;
	[tilespmem:s21+$0xFFFFFF90] =	vst v9  }
0x420: {  	s6 =	simm.s32 $0x4;
	s30 =	sadd.s32 s29, s3;
	v3 =	vld [tilespmem:s13+$0x0];
	v4 =	vadd.f32 v10, v4;
	v9 =	vshll.u32 v60, $0x10;
	v10 =	vshll.u32 v61, $0x10;
	[tilespmem:s21+$0xFFFFFFB0] =	vst v2  }
0x421: {  	s11 =	simm.s32 $0x80;
	s16 =	simm.s32 $0x400;
	s31 =	sadd.s32 s29, s31;
	v2 =	vld [tilespmem:s30+$0x0];
	v9 =	vadd.f32 v10, v9;
	[tilespmem:s21+$0xFFFFFFC0] =	vst v11  }
0x422: {  	s22 =	sadd.s32 s9, s15;
	s20 =	sadd.s32 s18, s15;
	s18 =	sadd.s32 s29, s15;
	v7 =	vshll.u32 v0, $0x10;
	v10 =	vshll.u32 v63, $0x10;
	v8 =	vadd.f32 v63, v8;
	[tilespmem:s21+$0xFFFFFFD0] =	vst v4;
	v4 =	vld [tilespmem:s31+$0x0]  }
.LBB2_39:
0x423: {  	s1 =	sand.u32 $0x40, s11;
	s3 =	sand.u32 $0xC00, s16;
	v11 =	vshll.u32 v5, $0x10;
	v12 =	vld [tilespmem:s22+$0x0];
	v5 =	vadd.f32 v5, v0;
	v0 =	vadd.f32 v10, v9;
	[tilespmem:s21+$0xFFFFFFE0] =	vst v6;
	s21 =	sadd.s32 $0x400, s21  }
0x424: {  	s6 =	sadd.s32 $0x4, s6;
	s7 =	sadd.s32 s3, s25;
	s8 =	sor.u32 $0x30, s1;
	v6 =	vadd.f32 v11, v7;
	v7 =	vshll.u32 v1, $0x10;
	v9 =	vld [tilespmem:s20+$0x0];
	[tilespmem:s21+$0x0] =	vst v8  }
0x425: {  	s9 =	sadd.s32 s3, s28;
	p0 =	slt.u32 s6, $0x14;
	s10 =	sadd.s32 s8, s7;
	v8 =	vshll.u32 v3, $0x10;
	v1 =	vadd.f32 v3, v1;
	v3 =	vld [tilespmem:s18+$0x0];
	[tilespmem:s21+$0xFFFFFFF0] =	vst v0  }
0x426: {  	s13 =	sor.u32 $0x10, s1;
	s14 =	sor.u32 $0x20, s1;
	v10 =	vld [tilespmem:s10+$0x0];
	s10 =	sadd.s32 s8, s9;
	v7 =	vadd.f32 v8, v7;
	v8 =	vshll.u32 v2, $0x10  }
0x427: {  	s3 =	sadd.s32 s3, s2;
	s15 =	sadd.s32 s1, s7;
	s18 =	sadd.s32 s1, s9;
	v11 =	vld [tilespmem:s10+$0x0];
	v13 =	vshll.u32 v4, $0x10;
	v2 =	vadd.f32 v4, v2  }
0x428: {  	s8 =	sadd.s32 s8, s3;
	s10 =	sadd.s32 s13, s7;
	v0 =	vld [tilespmem:s15+$0x0];
	s15 =	sadd.s32 s13, s9;
	v4 =	vshll.u32 v12, $0x10;
	v12 =	vadd.f32 v12, v5;
	v8 =	vadd.f32 v13, v8  }
0x429: {  	s22 =	sadd.s32 s1, s3;
	s1 =	sadd.s32 s14, s7;
	s7 =	sadd.s32 s14, s9;
	v13 =	vld [tilespmem:s8+$0x0];
	v4 =	vadd.f32 v4, v6;
	v6 =	vshll.u32 v9, $0x10;
	v14 =	vadd.f32 v9, v1  }
.Ltmp18:
0x42a: {  	s20 =	sadd.s32 s13, s3;
	v5 =	vld [tilespmem:s18+$0x0];
	s18 =	sadd.s32 s14, s3;
	[tilespmem:s21+$0xFFFFFFA0] =	vst v12;
	v7 =	vadd.f32 v6, v7;
	v9 =	vshll.u32 v3, $0x10;
	v6 =	vadd.f32 v3, v2;
	(pc) =	sbr.rel @p0 .LBB2_39-.Ltmp18, $4  }
0x42b: {  	v1 =	vld [tilespmem:s10+$0x0];
	[tilespmem:s21+$0xFFFFFF90] =	vst v4;
	v4 =	vadd.f32 v9, v8  }
0x42c: {  	v8 =	vshll.u32 v10, $0x10;
	v3 =	vld [tilespmem:s15+$0x0];
	v9 =	vshll.u32 v11, $0x10;
	v11 =	vadd.f32 v11, v10;
	[tilespmem:s21+$0xFFFFFFB0] =	vst v7  }
0x42d: {  	v7 =	vshll.u32 v0, $0x10;
	v2 =	vld [tilespmem:s1+$0x0];
	v9 =	vadd.f32 v9, v8;
	[tilespmem:s21+$0xFFFFFFD0] =	vst v4  }
0x42e: {  	s11 =	sadd.s32 $0x40, s11;
	s16 =	sadd.s32 $0x200, s16;
	v4 =	vld [tilespmem:s7+$0x0];
	v10 =	vshll.u32 v13, $0x10;
	v8 =	vadd.f32 v13, v11;
	[tilespmem:s21+$0xFFFFFFC0] =	vst v14  }
0x42f: {  	v11 =	vld [tilespmem:s22+$0x0]  }
0x430: {  	v12 =	vld [tilespmem:s20+$0x0]  }
0x431: {  	v13 =	vshll.u32 v5, $0x10  }
0x432: {  	v0 =	vadd.f32 v5, v0;
	v9 =	vadd.f32 v10, v9;
	v53 =	vshll.u32 v1, $0x10  }
0x433: {  	v52 =	vld [tilespmem:s18+$0x0];
	[tilespmem:s21+$0xFFFFFFE0] =	vst v6;
	s1 =	sadd.s32 $0x400, s21;
	v54 =	vadd.f32 v13, v7;
	v14 =	vshll.u32 v3, $0x10;
	v59 =	vadd.f32 v3, v1  }
0x434: {  	[tilespmem:s1+$0x0] =	vst v8;
	v55 =	vadd.f32 v14, v53;
	v56 =	vshll.u32 v2, $0x10;
	v0 =	vadd.f32 v11, v0  }
0x435: {  	[tilespmem:s1+$0xFFFFFFF0] =	vst v9;
	v57 =	vshll.u32 v4, $0x10;
	v11 =	vshll.u32 v11, $0x10;
	v1 =	vadd.f32 v12, v59  }
0x436: {  	s19 =	sadd.s32 $0x1, s19;
	v62 =	vadd.f32 v4, v2;
	v58 =	vshll.u32 v12, $0x10;
	v6 =	vadd.f32 v11, v54;
	[tilespmem:s1+$0xFFFFFFA0] =	vst v0  }
0x437: {  	p0 =	sne.s32 s19, $0x40;
	v8 =	vadd.f32 v57, v56;
	v60 =	vadd.f32 v58, v55;
	[tilespmem:s1+$0xFFFFFFC0] =	vst v1  }
.Ltmp19:
0x438: {  	v61 =	vshll.u32 v52, $0x10;
	v63 =	vadd.f32 v52, v62;
	[tilespmem:s1+$0xFFFFFF90] =	vst v6;
	(pc) =	sbr.rel @p0 .LBB2_8-.Ltmp19, $4  }
0x439: {  	v3 =	vadd.f32 v61, v8;
	[tilespmem:s1+$0xFFFFFFB0] =	vst v60  }
0x43a: {  	[tilespmem:s1+$0xFFFFFFE0] =	vst v63  }
0x43b: {  	s31 =	sadd.s32 s12, s23;
	[tilespmem:s1+$0xFFFFFFD0] =	vst v3  }
0x43c: {  	[hbm4b:s31+s4] =	stream.linear.scatter [tilespmem:s26], [sflag:$0x2], $0x1800, $0x38;
	[tilespmem:$0x13C00] =	vst v63  }
0x43d: {  	s0 =	simm.s32 $0x1  }
0x43e: {  	_ =	swait.ge [sflag:s0], $0x1800  }
0x43f: {  	[sflag:s0] =	ssyncset.done $0x0  }
0x440: {  	s1 =	simm.s32 $0x2;
	[sflag:s0] =	ssyncadd.s32 $0xFFFFE800  }
0x441: {  	_ =	swait.ge [sflag:s1], $0x1800  }
0x442: {  	s2 =	rddreg [dreg:$0x11]  }
0x443: {  	s31 =	rddreg [dreg:$0x9];
	s2 =	sadd.s32 $0x1, s2  }
0x444: {  	p0 =	sne.s32 s2, s31  }
.Ltmp20:
0x445: {  	_ = 	snop;
	(pc) =	sbr.rel @p0 .LBB2_1-.Ltmp20, $3  }
0x446: {  	_ =	sdelay $0x1  }
0x447: {  	[sflag:s1] =	ssyncset.done $0x0  }
0x448: {  	[sflag:s1] =	ssyncadd.s32 $0xFFFFE800  }
0x449: {  	_ =	sfence.sel $0x180000  }
0x44a: {  	[bflag:$0x0] =	sbarrier.arrive $0xFFFF  }
0x44b: {  	_ =	strace $0x90000047  }
0x44c: {  	s0 =	stileid.u32;
	[bflag:$0x2] =	sbarrier.arrive $0xFFFF  }
0x44d: {  	p0 =	sne.s32 s0, $0x0;
	s0 =	rddreg [dreg:$0x3]  }
0x44e: {  	s0 =	sadd.s32 @!p0 $0x100000, s0  }
0x44f: {  	[sflag:s0] =	ssyncadd.tile.s32 @!p0 $0x1;
	_ =	shalt  }
.Lfunc_end2:
_tile_overlayer_lowered:
.L_overlay_start_2:
0x450: {  	(tag) =	ssettag $0x2  }
0x451: {  	s0 =	rddreg [dreg:$0x0];
	s2 =	stileid.u32  }
0x452: {  	s1 =	rddreg [dreg:$0x1];
	p0 =	sne.s32 s2, $0x0  }
0x453: {  	s3 =	rddreg [dreg:$0x2];
	[bflag:$0x3] =	sbarrier.arrive $0xFFFF;
	s2 =	simm.s32 @!p0 $0x1C03  }
0x454: {  	[timem:s3], [sflag:s2] =	dma.local @!p0 [hbm:s0], s1  }
0x455: {  	s0 =	simm.s32 @!p0 $0x3  }
0x456: {  	_ =	swait.ge @!p0 [sflag:s0], s1  }
0x457: {  	s1 =	ssub.s32 @!p0 $0x0, s1;
	[sflag:s0] =	ssyncset.done @!p0 $0x0  }
0x458: {  	[sflag:s0] =	ssyncadd.s32 @!p0 s1  }
0x459: {  	[bflag:$0x3] =	sbarrier.arrive $0xFFFF  }
0x45a: {  	_ =	shalt  }

</sc_bundles>
